<compile_context>
chip_gen: v7x
topology: tpu7x:2x2x1
jax: 0.10.2.dev20260603
libtpu: 0.0.44.dev20260713+nightly
codegen_flags: <defaults>
</compile_context>

<pallas_src>
import jax
import jax.numpy as jnp
from jax import lax
from jax.experimental import pallas as pl
from jax.experimental.pallas import tpu as pltpu
from jax.experimental.pallas import tpu_sc as plsc

N = 10000
E = 320000
NC, NS = 2, 16
CHUNK = 128
NCHT = 2500
NCH = 157
ACC_ROWS = 10240
ZROWS = ACC_ROWS // NS

_mesh = plsc.VectorSubcoreMesh(
    core_axis_name="c", subcore_axis_name="s", num_cores=NC, num_subcores=NS
)


def _make_sc_aggregate(D: int, B: int, LA: int):
  H = D // 2

  def body(support, edges, out, acc, isrc, idst, rows, gsem, ssem, isem):
    c = lax.axis_index("c")
    s = lax.axis_index("s")
    start = s * NCHT // NS
    nch = (s + 1) * NCHT // NS - start

    ist = pltpu.async_copy(edges.at[0].at[pl.ds(start, NCH)], isrc, isem)
    idt = pltpu.async_copy(edges.at[1].at[pl.ds(start, NCH)], idst, isem)

    tab = support.at[c]

    def g_start(m, b):
      return pltpu.async_copy(tab.at[isrc.at[m]], rows.at[b], gsem.at[b])

    def g_wait(m, b):
      pltpu.make_async_copy(tab.at[isrc.at[m]], rows.at[b], gsem.at[b]).wait()

    def s_start(m, b):
      return pltpu.async_copy(
          rows.at[b], acc.at[idst.at[m]], ssem.at[b], add=True)

    def s_wait(m, b):
      pltpu.make_async_copy(
          rows.at[b], acc.at[idst.at[m]], ssem.at[b]).wait()

    SL = B - LA
    NB = 156 // B
    ist.wait()
    idt.wait()
    for m in range(LA):
      g_start(m, m % B)

    zbuf = rows.at[B - 1]

    def zrow(i, _):
      for k in range(H // 16):
        zbuf[i, pl.ds(k * 16, 16)] = jnp.zeros((16,), jnp.float32)
      return 0

    lax.fori_loop(0, CHUNK, zrow, 0)
    zb = s * ZROWS
    off = 0
    while off < ZROWS:
      sz = min(CHUNK, ZROWS - off)
      pltpu.sync_copy(zbuf.at[pl.ds(0, sz)], acc.at[pl.ds(zb + off, sz)])
      off += sz
    plsc.subcore_barrier()


    for m in range(B):
      b = (m + LA) % B
      if m >= SL:
        s_wait(m - SL, b)
      g_start(m + LA, b)
      g_wait(m, m % B)
      s_start(m, m % B)

    def group(h, _):
      j = B * h
      for k in range(B):
        m = j + k
        b = (m + LA) % B
        s_wait(m - SL, b)
        g_start(m + LA, b)
        g_wait(m, m % B)
        s_start(m, m % B)
      return 0

    lax.fori_loop(1, NB - 1, group, 0)

    for k in range(B):
      m = 156 - B + k
      b = (m + LA) % B
      s_wait(m - SL, b)
      if m + LA < 156:
        g_start(m + LA, b)
      elif m + LA == 156:
        @pl.when(nch == NCH)
        def _():
          g_start(156, b)
      g_wait(m, m % B)
      s_start(m, m % B)
    for m in range(156 - SL, 156):
      s_wait(m, m % B)

    @pl.when(nch == NCH)
    def _():
      g_wait(156, 156 % B)
      s_start(156, 156 % B).wait()

    plsc.subcore_barrier()

    ob = s * ZROWS
    last = N - (NS - 1) * ZROWS

    @pl.when(s < NS - 1)
    def _():
      pltpu.sync_copy(acc.at[pl.ds(ob, ZROWS)],
                      out.at[pl.ds(ob, ZROWS), pl.ds(c * H, H)])

    @pl.when(s == NS - 1)
    def _():
      pltpu.sync_copy(acc.at[pl.ds(ob, last)],
                      out.at[pl.ds(ob, last), pl.ds(c * H, H)])

  return pl.kernel(
      body,
      out_type=jax.ShapeDtypeStruct((N, D), jnp.float32),
      mesh=_mesh,
      scratch_types=[
          pltpu.VMEM_SHARED((ACC_ROWS, H), jnp.float32),
          pltpu.VMEM((NCH, CHUNK), jnp.int32),
          pltpu.VMEM((NCH, CHUNK), jnp.int32),
          pltpu.VMEM((B, CHUNK, H), jnp.float32),
          pltpu.SemaphoreType.DMA((B,)),
          pltpu.SemaphoreType.DMA((B,)),
          pltpu.SemaphoreType.DMA,
      ],
      compiler_params=pltpu.CompilerParams(use_tc_tiling_on_sc=False),
  )


_sc_agg_128 = _make_sc_aggregate(128, B=6, LA=4)
_sc_agg_64 = _make_sc_aggregate(64, B=6, LA=4)


def _mm_bias_split_kernel(x_ref, w_ref, b_ref, o_ref):
  h = o_ref.shape[-1]
  d = (
      jnp.dot(x_ref[...], w_ref[...], preferred_element_type=jnp.float32)
      + b_ref[...]
  )
  o_ref[0] = d[:, :h]
  o_ref[1] = d[:, h:]


_BN = 2000


def _tc_mm_bias_split(x, w, b):
  din, dout = w.shape
  h = dout // 2
  return pl.pallas_call(
      _mm_bias_split_kernel,
      grid=(N // _BN,),
      in_specs=[
          pl.BlockSpec((_BN, din), lambda i: (i, 0)),
          pl.BlockSpec((din, dout), lambda i: (0, 0)),
          pl.BlockSpec((1, dout), lambda i: (0, 0)),
      ],
      out_specs=pl.BlockSpec((2, _BN, h), lambda i: (0, i, 0)),
      out_shape=jax.ShapeDtypeStruct((2, N, h), jnp.float32),
  )(x, w, b.reshape(1, dout))


@jax.jit
def kernel(fea, adj, W1, b1, W2, b2):
  edges = adj.astype(jnp.int32).reshape(2, NCHT, CHUNK)

  s1 = _tc_mm_bias_split(fea, W1, b1)
  x1 = _sc_agg_128(s1, edges)
  s2 = _tc_mm_bias_split(x1, W2, b2)
  return _sc_agg_64(s2, edges)

# --- scband reference (transcript-rebuilt; emitter-appended) ---
"""Pipeline reference for scband-gcnmodel-16011638079631 (READ-ONLY COPY).

The authoritative reference and input builder live on the scoring server;
editing this copy changes nothing except your own understanding.
"""

import jax, jax.numpy as jnp
import numpy as np

N_NODES = 10000
N_EDGES = 320000
D_IN = 128
D_HID = 128
D_OUT = 64


def setup_inputs(seed: int = 0) -> dict:
    key = jax.random.key(seed)
    k1, k2, k3, k4, k5, k6 = jax.random.split(key, 6)
    fea = jax.random.normal(k1, (N_NODES, D_IN), dtype=jnp.float32)
    adj = jax.random.randint(k2, (2, N_EDGES), 0, N_NODES, dtype=jnp.int64)
    # Learned parameters for the two HGraphConvolutionBS layers (ingc: nfeat->nhid, outgc: nhid->nclass)
    std1 = 1.0 / np.sqrt(D_IN)
    std2 = 1.0 / np.sqrt(D_HID)
    W1 = jax.random.uniform(k3, (D_IN, D_HID), minval=-std1, maxval=std1, dtype=jnp.float32)
    b1 = jax.random.uniform(k4, (D_HID,), minval=-std1, maxval=std1, dtype=jnp.float32)
    W2 = jax.random.uniform(k5, (D_HID, D_OUT), minval=-std2, maxval=std2, dtype=jnp.float32)
    b2 = jax.random.uniform(k6, (D_OUT,), minval=-std2, maxval=std2, dtype=jnp.float32)
    return {"fea": fea, "adj": adj, "W1": W1, "b1": b1, "W2": W2, "b2": b2}


def _gcn_layer(x, W, b, src, dst):
    # HGraphConvolutionBS: support = x @ W + b ; out = spmm(adj, support)
    support = jnp.dot(x, W) + b
    msgs = jnp.take(support, src, axis=0)            # gather along edges (src)
    out = jax.ops.segment_sum(msgs, dst, num_segments=N_NODES)  # scatter-add to dst
    return out


def reference(fea, adj, W1, b1, W2, b2):
    # GCNModel with nhidlayer=0: ingc -> dropout(eval: identity) -> outgc
    # activation is identity (default lambda x: x), withbn=False, withloop=False
    src = adj[0]
    dst = adj[1]
    x = _gcn_layer(fea, W1, b1, src, dst)
    # F.dropout with training=False is identity in eval
    x = _gcn_layer(x, W2, b2, src, dst)
    return x

if __name__ == "__main__":
    import jax
    _d = setup_inputs()
    print(jax.jit(kernel)(*tuple(_d.values())))

</pallas_src>

<mosaic_0001>
#map = affine_map<(d0, d1) -> (0, 0, 0)>
#map1 = affine_map<(d0, d1) -> (0, 0)>
module attributes {stable_mosaic.version = 14 : i64} {
  func.func @body(%arg0: i32, %arg1: i32, %arg2: memref<2x10000x32xf32, #tpu.memory_space<hbm>>, %arg3: memref<2x2500x128xi32, #tpu.memory_space<hbm>>, %arg4: memref<10000x64xf32, #tpu.memory_space<hbm>>, %arg5: memref<10240x32xf32, #tpu.memory_space<vmem_shared>>, %arg6: memref<157x128xi32, #tpu.memory_space<vmem>>, %arg7: memref<157x128xi32, #tpu.memory_space<vmem>>, %arg8: memref<6x128x32xf32, #tpu.memory_space<vmem>>, %arg9: memref<6x!tpu.dma_semaphore, #tpu.memory_space<semaphore_mem>>, %arg10: memref<6x!tpu.dma_semaphore, #tpu.memory_space<semaphore_mem>>, %arg11: memref<!tpu.dma_semaphore, #tpu.memory_space<semaphore_mem>>) attributes {dimension_semantics = [#tpu.dimension_semantics<core_parallel>, #tpu.dimension_semantics<subcore_parallel>], iteration_bounds = array<i64: 2, 16>, scalar_prefetch = 0 : i64, scratch_operands = 7 : i64, tpu.core_type = #tpu.core_type<sc_vector_subcore>, window_params = [{transform_indices = #map}, {transform_indices = #map}, {transform_indices = #map1}]} {
    %mul3A = arith.constant 2500 : i32
    %mul3A_0 = arith.muli %arg1, %mul3A : i32
    %jit3A = arith.constant 16 : i32
    %div3A = arith.divsi %mul3A_0, %jit3A : i32
    %sign3A = arith.constant 0 : i32
    %sign3A_1 = arith.cmpi sgt, %mul3A_0, %sign3A : i32
    %sign3A_2 = arith.extui %sign3A_1 : i1 to i32
    %sign3A_3 = arith.constant 0 : i32
    %sign3A_4 = arith.cmpi slt, %mul3A_0, %sign3A_3 : i32
    %sign3A_5 = arith.extui %sign3A_4 : i1 to i32
    %sign3A_6 = arith.subi %sign3A_2, %sign3A_5 : i32
    %sign3A_7 = arith.constant 0 : i32
    %sign3A_8 = arith.cmpi sgt, %jit3A, %sign3A_7 : i32
    %sign3A_9 = arith.extui %sign3A_8 : i1 to i32
    %sign3A_10 = arith.constant 0 : i32
    %sign3A_11 = arith.cmpi slt, %jit3A, %sign3A_10 : i32
    %sign3A_12 = arith.extui %sign3A_11 : i1 to i32
    %sign3A_13 = arith.subi %sign3A_9, %sign3A_12 : i32
    %ne3A = arith.cmpi ne, %sign3A_6, %sign3A_13 : i32
    %rem3A = arith.remsi %mul3A_0, %jit3A : i32
    %ne3A_14 = arith.constant 0 : i32
    %ne3A_15 = arith.cmpi ne, %rem3A, %ne3A_14 : i32
    %and3A = arith.andi %ne3A, %ne3A_15 : i1
    %sub3A = arith.constant 1 : i32
    %sub3A_16 = arith.subi %div3A, %sub3A : i32
    %select_n3A = arith.select %and3A, %sub3A_16, %div3A : i32
    %add3A = arith.constant 1 : i32
    %add3A_17 = arith.addi %arg1, %add3A : i32
    %mul3A_18 = arith.constant 2500 : i32
    %mul3A_19 = arith.muli %add3A_17, %mul3A_18 : i32
    %jit3A_20 = arith.constant 16 : i32
    %div3A_21 = arith.divsi %mul3A_19, %jit3A_20 : i32
    %sign3A_22 = arith.constant 0 : i32
    %sign3A_23 = arith.cmpi sgt, %mul3A_19, %sign3A_22 : i32
    %sign3A_24 = arith.extui %sign3A_23 : i1 to i32
    %sign3A_25 = arith.constant 0 : i32
    %sign3A_26 = arith.cmpi slt, %mul3A_19, %sign3A_25 : i32
    %sign3A_27 = arith.extui %sign3A_26 : i1 to i32
    %sign3A_28 = arith.subi %sign3A_24, %sign3A_27 : i32
    %sign3A_29 = arith.constant 0 : i32
    %sign3A_30 = arith.cmpi sgt, %jit3A_20, %sign3A_29 : i32
    %sign3A_31 = arith.extui %sign3A_30 : i1 to i32
    %sign3A_32 = arith.constant 0 : i32
    %sign3A_33 = arith.cmpi slt, %jit3A_20, %sign3A_32 : i32
    %sign3A_34 = arith.extui %sign3A_33 : i1 to i32
    %sign3A_35 = arith.subi %sign3A_31, %sign3A_34 : i32
    %ne3A_36 = arith.cmpi ne, %sign3A_28, %sign3A_35 : i32
    %rem3A_37 = arith.remsi %mul3A_19, %jit3A_20 : i32
    %ne3A_38 = arith.constant 0 : i32
    %ne3A_39 = arith.cmpi ne, %rem3A_37, %ne3A_38 : i32
    %and3A_40 = arith.andi %ne3A_36, %ne3A_39 : i1
    %sub3A_41 = arith.constant 1 : i32
    %sub3A_42 = arith.subi %div3A_21, %sub3A_41 : i32
    %select_n3A_43 = arith.select %and3A_40, %sub3A_42, %div3A_21 : i32
    %sub3A_44 = arith.subi %select_n3A_43, %select_n3A : i32
    %dma_start3A = arith.constant 0 : i32
    %dma_start3A_45 = arith.constant 0 : i32
    %dma_start3A_46 = arith.constant 0 : i32
    %dma_start3A_47 = tpu.memref_slice %arg3[%dma_start3A, %dma_start3A_45, %dma_start3A_46] : memref<2x2500x128xi32, #tpu.memory_space<hbm>> -> memref<1x2500x128xi32, #tpu.memory_space<hbm>>
    %dma_start3A_48 = tpu.memref_squeeze %dma_start3A_47 : memref<1x2500x128xi32, #tpu.memory_space<hbm>> -> memref<2500x128xi32, #tpu.memory_space<hbm>>
    %dma_start3A_49 = arith.constant 0 : i32
    %dma_start3A_50 = tpu.memref_slice %dma_start3A_48[%select_n3A, %dma_start3A_49] : memref<2500x128xi32, #tpu.memory_space<hbm>> -> memref<157x128xi32, #tpu.memory_space<hbm>>
    %dma_start3A_51 = arith.constant 0 : i32
    %dma_start3A_52 = arith.constant 0 : i32
    %dma_start3A_53 = tpu.memref_slice %arg3[%dma_start3A, %dma_start3A_51, %dma_start3A_52] : memref<2x2500x128xi32, #tpu.memory_space<hbm>> -> memref<1x2500x128xi32, #tpu.memory_space<hbm>>
    %dma_start3A_54 = tpu.memref_squeeze %dma_start3A_53 : memref<1x2500x128xi32, #tpu.memory_space<hbm>> -> memref<2500x128xi32, #tpu.memory_space<hbm>>
    %dma_start3A_55 = arith.constant 0 : i32
    %dma_start3A_56 = tpu.memref_slice %dma_start3A_54[%select_n3A, %dma_start3A_55] : memref<2500x128xi32, #tpu.memory_space<hbm>> -> memref<157x128xi32, #tpu.memory_space<hbm>>
    tpu.enqueue_dma source(%dma_start3A_56 : memref<157x128xi32, #tpu.memory_space<hbm>>) target(%arg6 : memref<157x128xi32, #tpu.memory_space<vmem>>) target_semaphore(%arg11 : memref<!tpu.dma_semaphore, #tpu.memory_space<semaphore_mem>>)
    %dma_start3A_57 = arith.constant 1 : i32
    %dma_start3A_58 = arith.constant 0 : i32
    %dma_start3A_59 = arith.constant 0 : i32
    %dma_start3A_60 = tpu.memref_slice %arg3[%dma_start3A_57, %dma_start3A_58, %dma_start3A_59] : memref<2x2500x128xi32, #tpu.memory_space<hbm>> -> memref<1x2500x128xi32, #tpu.memory_space<hbm>>
    %dma_start3A_61 = tpu.memref_squeeze %dma_start3A_60 : memref<1x2500x128xi32, #tpu.memory_space<hbm>> -> memref<2500x128xi32, #tpu.memory_space<hbm>>
    %dma_start3A_62 = arith.constant 0 : i32
    %dma_start3A_63 = tpu.memref_slice %dma_start3A_61[%select_n3A, %dma_start3A_62] : memref<2500x128xi32, #tpu.memory_space<hbm>> -> memref<157x128xi32, #tpu.memory_space<hbm>>
    %dma_start3A_64 = arith.constant 0 : i32
    %dma_start3A_65 = arith.constant 0 : i32
    %dma_start3A_66 = tpu.memref_slice %arg3[%dma_start3A_57, %dma_start3A_64, %dma_start3A_65] : memref<2x2500x128xi32, #tpu.memory_space<hbm>> -> memref<1x2500x128xi32, #tpu.memory_space<hbm>>
    %dma_start3A_67 = tpu.memref_squeeze %dma_start3A_66 : memref<1x2500x128xi32, #tpu.memory_space<hbm>> -> memref<2500x128xi32, #tpu.memory_space<hbm>>
    %dma_start3A_68 = arith.constant 0 : i32
    %dma_start3A_69 = tpu.memref_slice %dma_start3A_67[%select_n3A, %dma_start3A_68] : memref<2500x128xi32, #tpu.memory_space<hbm>> -> memref<157x128xi32, #tpu.memory_space<hbm>>
    tpu.enqueue_dma source(%dma_start3A_69 : memref<157x128xi32, #tpu.memory_space<hbm>>) target(%arg7 : memref<157x128xi32, #tpu.memory_space<vmem>>) target_semaphore(%arg11 : memref<!tpu.dma_semaphore, #tpu.memory_space<semaphore_mem>>)
    %dma_wait3A = arith.constant 0 : i32
    %dma_wait3A_70 = arith.constant 0 : i32
    %dma_wait3A_71 = arith.constant 0 : i32
    %dma_wait3A_72 = tpu.memref_slice %arg3[%dma_wait3A, %dma_wait3A_70, %dma_wait3A_71] : memref<2x2500x128xi32, #tpu.memory_space<hbm>> -> memref<1x2500x128xi32, #tpu.memory_space<hbm>>
    %dma_wait3A_73 = tpu.memref_squeeze %dma_wait3A_72 : memref<1x2500x128xi32, #tpu.memory_space<hbm>> -> memref<2500x128xi32, #tpu.memory_space<hbm>>
    %dma_wait3A_74 = arith.constant 0 : i32
    %dma_wait3A_75 = tpu.memref_slice %dma_wait3A_73[%select_n3A, %dma_wait3A_74] : memref<2500x128xi32, #tpu.memory_space<hbm>> -> memref<157x128xi32, #tpu.memory_space<hbm>>
    %dma_wait3A_76 = arith.constant 0 : i32
    %dma_wait3A_77 = arith.constant 0 : i32
    %dma_wait3A_78 = tpu.memref_slice %arg3[%dma_wait3A, %dma_wait3A_76, %dma_wait3A_77] : memref<2x2500x128xi32, #tpu.memory_space<hbm>> -> memref<1x2500x128xi32, #tpu.memory_space<hbm>>
    %dma_wait3A_79 = tpu.memref_squeeze %dma_wait3A_78 : memref<1x2500x128xi32, #tpu.memory_space<hbm>> -> memref<2500x128xi32, #tpu.memory_space<hbm>>
    %dma_wait3A_80 = arith.constant 0 : i32
    %dma_wait3A_81 = tpu.memref_slice %dma_wait3A_79[%select_n3A, %dma_wait3A_80] : memref<2500x128xi32, #tpu.memory_space<hbm>> -> memref<157x128xi32, #tpu.memory_space<hbm>>
    tpu.wait_dma2 semaphore(%arg11 : memref<!tpu.dma_semaphore, #tpu.memory_space<semaphore_mem>>) src(%dma_wait3A_81 : memref<157x128xi32, #tpu.memory_space<hbm>>) dst(%arg6 : memref<157x128xi32, #tpu.memory_space<vmem>>)
    %dma_wait3A_82 = arith.constant 1 : i32
    %dma_wait3A_83 = arith.constant 0 : i32
    %dma_wait3A_84 = arith.constant 0 : i32
    %dma_wait3A_85 = tpu.memref_slice %arg3[%dma_wait3A_82, %dma_wait3A_83, %dma_wait3A_84] : memref<2x2500x128xi32, #tpu.memory_space<hbm>> -> memref<1x2500x128xi32, #tpu.memory_space<hbm>>
    %dma_wait3A_86 = tpu.memref_squeeze %dma_wait3A_85 : memref<1x2500x128xi32, #tpu.memory_space<hbm>> -> memref<2500x128xi32, #tpu.memory_space<hbm>>
    %dma_wait3A_87 = arith.constant 0 : i32
    %dma_wait3A_88 = tpu.memref_slice %dma_wait3A_86[%select_n3A, %dma_wait3A_87] : memref<2500x128xi32, #tpu.memory_space<hbm>> -> memref<157x128xi32, #tpu.memory_space<hbm>>
    %dma_wait3A_89 = arith.constant 0 : i32
    %dma_wait3A_90 = arith.constant 0 : i32
    %dma_wait3A_91 = tpu.memref_slice %arg3[%dma_wait3A_82, %dma_wait3A_89, %dma_wait3A_90] : memref<2x2500x128xi32, #tpu.memory_space<hbm>> -> memref<1x2500x128xi32, #tpu.memory_space<hbm>>
    %dma_wait3A_92 = tpu.memref_squeeze %dma_wait3A_91 : memref<1x2500x128xi32, #tpu.memory_space<hbm>> -> memref<2500x128xi32, #tpu.memory_space<hbm>>
    %dma_wait3A_93 = arith.constant 0 : i32
    %dma_wait3A_94 = tpu.memref_slice %dma_wait3A_92[%select_n3A, %dma_wait3A_93] : memref<2500x128xi32, #tpu.memory_space<hbm>> -> memref<157x128xi32, #tpu.memory_space<hbm>>
    tpu.wait_dma2 semaphore(%arg11 : memref<!tpu.dma_semaphore, #tpu.memory_space<semaphore_mem>>) src(%dma_wait3A_94 : memref<157x128xi32, #tpu.memory_space<hbm>>) dst(%arg7 : memref<157x128xi32, #tpu.memory_space<vmem>>)
    %dma_start3A_95 = arith.constant 0 : i32
    %dma_start3A_96 = arith.constant 0 : i32
    %dma_start3A_97 = arith.constant 0 : i32
    %dma_start3A_98 = arith.constant 0 : i32
    %dma_start3A_99 = arith.constant 0 : i32
    %dma_start3A_100 = tpu.memref_slice %arg8[%dma_start3A_96, %dma_start3A_98, %dma_start3A_99] : memref<6x128x32xf32, #tpu.memory_space<vmem>> -> memref<1x128x32xf32, #tpu.memory_space<vmem>>
    %dma_start3A_101 = tpu.memref_squeeze %dma_start3A_100 : memref<1x128x32xf32, #tpu.memory_space<vmem>> -> memref<128x32xf32, #tpu.memory_space<vmem>>
    %dma_start3A_102 = arith.constant 0 : i32
    %dma_start3A_103 = tpu.memref_slice %arg6[%dma_start3A_95, %dma_start3A_102] : memref<157x128xi32, #tpu.memory_space<vmem>> -> memref<1x128xi32, #tpu.memory_space<vmem>>
    %dma_start3A_104 = tpu.memref_squeeze %dma_start3A_103 : memref<1x128xi32, #tpu.memory_space<vmem>> -> memref<128xi32, #tpu.memory_space<vmem>>
    %dma_start3A_105 = arith.constant 0 : i32
    %dma_start3A_106 = arith.constant 0 : i32
    %dma_start3A_107 = tpu.memref_slice %arg2[%arg0, %dma_start3A_105, %dma_start3A_106] : memref<2x10000x32xf32, #tpu.memory_space<hbm>> -> memref<1x10000x32xf32, #tpu.memory_space<hbm>>
    %dma_start3A_108 = tpu.memref_squeeze %dma_start3A_107 : memref<1x10000x32xf32, #tpu.memory_space<hbm>> -> memref<10000x32xf32, #tpu.memory_space<hbm>>
    %dma_start3A_109 = arith.constant 0 : i32
    %dma_start3A_110 = arith.constant 0 : i32
    %dma_start3A_111 = tpu.memref_slice %dma_start3A_108[%dma_start3A_109, %dma_start3A_110] : memref<10000x32xf32, #tpu.memory_space<hbm>> -> memref<10000x32xf32, #tpu.memory_space<hbm>>
    %dma_start3A_112 = tpu.memref_slice %arg9[%dma_start3A_97] : memref<6x!tpu.dma_semaphore, #tpu.memory_space<semaphore_mem>> -> memref<1x!tpu.dma_semaphore, #tpu.memory_space<semaphore_mem>>
    %dma_start3A_113 = tpu.memref_squeeze %dma_start3A_112 : memref<1x!tpu.dma_semaphore, #tpu.memory_space<semaphore_mem>> -> memref<!tpu.dma_semaphore, #tpu.memory_space<semaphore_mem>>
    tpu.enqueue_indirect_dma source(%dma_start3A_111 : memref<10000x32xf32, #tpu.memory_space<hbm>>) target(%dma_start3A_101 : memref<128x32xf32, #tpu.memory_space<vmem>>) offsets(%dma_start3A_104 : memref<128xi32, #tpu.memory_space<vmem>>) semaphore(%dma_start3A_113 : memref<!tpu.dma_semaphore, #tpu.memory_space<semaphore_mem>>)
    %dma_start3A_114 = arith.constant 1 : i32
    %dma_start3A_115 = arith.constant 1 : i32
    %dma_start3A_116 = arith.constant 1 : i32
    %dma_start3A_117 = arith.constant 0 : i32
    %dma_start3A_118 = arith.constant 0 : i32
    %dma_start3A_119 = tpu.memref_slice %arg8[%dma_start3A_115, %dma_start3A_117, %dma_start3A_118] : memref<6x128x32xf32, #tpu.memory_space<vmem>> -> memref<1x128x32xf32, #tpu.memory_space<vmem>>
    %dma_start3A_120 = tpu.memref_squeeze %dma_start3A_119 : memref<1x128x32xf32, #tpu.memory_space<vmem>> -> memref<128x32xf32, #tpu.memory_space<vmem>>
    %dma_start3A_121 = arith.constant 0 : i32
    %dma_start3A_122 = tpu.memref_slice %arg6[%dma_start3A_114, %dma_start3A_121] : memref<157x128xi32, #tpu.memory_space<vmem>> -> memref<1x128xi32, #tpu.memory_space<vmem>>
    %dma_start3A_123 = tpu.memref_squeeze %dma_start3A_122 : memref<1x128xi32, #tpu.memory_space<vmem>> -> memref<128xi32, #tpu.memory_space<vmem>>
    %dma_start3A_124 = arith.constant 0 : i32
    %dma_start3A_125 = arith.constant 0 : i32
    %dma_start3A_126 = tpu.memref_slice %arg2[%arg0, %dma_start3A_124, %dma_start3A_125] : memref<2x10000x32xf32, #tpu.memory_space<hbm>> -> memref<1x10000x32xf32, #tpu.memory_space<hbm>>
    %dma_start3A_127 = tpu.memref_squeeze %dma_start3A_126 : memref<1x10000x32xf32, #tpu.memory_space<hbm>> -> memref<10000x32xf32, #tpu.memory_space<hbm>>
    %dma_start3A_128 = arith.constant 0 : i32
    %dma_start3A_129 = arith.constant 0 : i32
    %dma_start3A_130 = tpu.memref_slice %dma_start3A_127[%dma_start3A_128, %dma_start3A_129] : memref<10000x32xf32, #tpu.memory_space<hbm>> -> memref<10000x32xf32, #tpu.memory_space<hbm>>
    %dma_start3A_131 = tpu.memref_slice %arg9[%dma_start3A_116] : memref<6x!tpu.dma_semaphore, #tpu.memory_space<semaphore_mem>> -> memref<1x!tpu.dma_semaphore, #tpu.memory_space<semaphore_mem>>
    %dma_start3A_132 = tpu.memref_squeeze %dma_start3A_131 : memref<1x!tpu.dma_semaphore, #tpu.memory_space<semaphore_mem>> -> memref<!tpu.dma_semaphore, #tpu.memory_space<semaphore_mem>>
    tpu.enqueue_indirect_dma source(%dma_start3A_130 : memref<10000x32xf32, #tpu.memory_space<hbm>>) target(%dma_start3A_120 : memref<128x32xf32, #tpu.memory_space<vmem>>) offsets(%dma_start3A_123 : memref<128xi32, #tpu.memory_space<vmem>>) semaphore(%dma_start3A_132 : memref<!tpu.dma_semaphore, #tpu.memory_space<semaphore_mem>>)
    %dma_start3A_133 = arith.constant 2 : i32
    %dma_start3A_134 = arith.constant 2 : i32
    %dma_start3A_135 = arith.constant 2 : i32
    %dma_start3A_136 = arith.constant 0 : i32
    %dma_start3A_137 = arith.constant 0 : i32
    %dma_start3A_138 = tpu.memref_slice %arg8[%dma_start3A_134, %dma_start3A_136, %dma_start3A_137] : memref<6x128x32xf32, #tpu.memory_space<vmem>> -> memref<1x128x32xf32, #tpu.memory_space<vmem>>
    %dma_start3A_139 = tpu.memref_squeeze %dma_start3A_138 : memref<1x128x32xf32, #tpu.memory_space<vmem>> -> memref<128x32xf32, #tpu.memory_space<vmem>>
    %dma_start3A_140 = arith.constant 0 : i32
    %dma_start3A_141 = tpu.memref_slice %arg6[%dma_start3A_133, %dma_start3A_140] : memref<157x128xi32, #tpu.memory_space<vmem>> -> memref<1x128xi32, #tpu.memory_space<vmem>>
    %dma_start3A_142 = tpu.memref_squeeze %dma_start3A_141 : memref<1x128xi32, #tpu.memory_space<vmem>> -> memref<128xi32, #tpu.memory_space<vmem>>
    %dma_start3A_143 = arith.constant 0 : i32
    %dma_start3A_144 = arith.constant 0 : i32
    %dma_start3A_145 = tpu.memref_slice %arg2[%arg0, %dma_start3A_143, %dma_start3A_144] : memref<2x10000x32xf32, #tpu.memory_space<hbm>> -> memref<1x10000x32xf32, #tpu.memory_space<hbm>>
    %dma_start3A_146 = tpu.memref_squeeze %dma_start3A_145 : memref<1x10000x32xf32, #tpu.memory_space<hbm>> -> memref<10000x32xf32, #tpu.memory_space<hbm>>
    %dma_start3A_147 = arith.constant 0 : i32
    %dma_start3A_148 = arith.constant 0 : i32
    %dma_start3A_149 = tpu.memref_slice %dma_start3A_146[%dma_start3A_147, %dma_start3A_148] : memref<10000x32xf32, #tpu.memory_space<hbm>> -> memref<10000x32xf32, #tpu.memory_space<hbm>>
    %dma_start3A_150 = tpu.memref_slice %arg9[%dma_start3A_135] : memref<6x!tpu.dma_semaphore, #tpu.memory_space<semaphore_mem>> -> memref<1x!tpu.dma_semaphore, #tpu.memory_space<semaphore_mem>>
    %dma_start3A_151 = tpu.memref_squeeze %dma_start3A_150 : memref<1x!tpu.dma_semaphore, #tpu.memory_space<semaphore_mem>> -> memref<!tpu.dma_semaphore, #tpu.memory_space<semaphore_mem>>
    tpu.enqueue_indirect_dma source(%dma_start3A_149 : memref<10000x32xf32, #tpu.memory_space<hbm>>) target(%dma_start3A_139 : memref<128x32xf32, #tpu.memory_space<vmem>>) offsets(%dma_start3A_142 : memref<128xi32, #tpu.memory_space<vmem>>) semaphore(%dma_start3A_151 : memref<!tpu.dma_semaphore, #tpu.memory_space<semaphore_mem>>)
    %dma_start3A_152 = arith.constant 3 : i32
    %dma_start3A_153 = arith.constant 3 : i32
    %dma_start3A_154 = arith.constant 3 : i32
    %dma_start3A_155 = arith.constant 0 : i32
    %dma_start3A_156 = arith.constant 0 : i32
    %dma_start3A_157 = tpu.memref_slice %arg8[%dma_start3A_153, %dma_start3A_155, %dma_start3A_156] : memref<6x128x32xf32, #tpu.memory_space<vmem>> -> memref<1x128x32xf32, #tpu.memory_space<vmem>>
    %dma_start3A_158 = tpu.memref_squeeze %dma_start3A_157 : memref<1x128x32xf32, #tpu.memory_space<vmem>> -> memref<128x32xf32, #tpu.memory_space<vmem>>
    %dma_start3A_159 = arith.constant 0 : i32
    %dma_start3A_160 = tpu.memref_slice %arg6[%dma_start3A_152, %dma_start3A_159] : memref<157x128xi32, #tpu.memory_space<vmem>> -> memref<1x128xi32, #tpu.memory_space<vmem>>
    %dma_start3A_161 = tpu.memref_squeeze %dma_start3A_160 : memref<1x128xi32, #tpu.memory_space<vmem>> -> memref<128xi32, #tpu.memory_space<vmem>>
    %dma_start3A_162 = arith.constant 0 : i32
    %dma_start3A_163 = arith.constant 0 : i32
    %dma_start3A_164 = tpu.memref_slice %arg2[%arg0, %dma_start3A_162, %dma_start3A_163] : memref<2x10000x32xf32, #tpu.memory_space<hbm>> -> memref<1x10000x32xf32, #tpu.memory_space<hbm>>
    %dma_start3A_165 = tpu.memref_squeeze %dma_start3A_164 : memref<1x10000x32xf32, #tpu.memory_space<hbm>> -> memref<10000x32xf32, #tpu.memory_space<hbm>>
    %dma_start3A_166 = arith.constant 0 : i32
    %dma_start3A_167 = arith.constant 0 : i32
    %dma_start3A_168 = tpu.memref_slice %dma_start3A_165[%dma_start3A_166, %dma_start3A_167] : memref<10000x32xf32, #tpu.memory_space<hbm>> -> memref<10000x32xf32, #tpu.memory_space<hbm>>
    %dma_start3A_169 = tpu.memref_slice %arg9[%dma_start3A_154] : memref<6x!tpu.dma_semaphore, #tpu.memory_space<semaphore_mem>> -> memref<1x!tpu.dma_semaphore, #tpu.memory_space<semaphore_mem>>
    %dma_start3A_170 = tpu.memref_squeeze %dma_start3A_169 : memref<1x!tpu.dma_semaphore, #tpu.memory_space<semaphore_mem>> -> memref<!tpu.dma_semaphore, #tpu.memory_space<semaphore_mem>>
    tpu.enqueue_indirect_dma source(%dma_start3A_168 : memref<10000x32xf32, #tpu.memory_space<hbm>>) target(%dma_start3A_158 : memref<128x32xf32, #tpu.memory_space<vmem>>) offsets(%dma_start3A_161 : memref<128xi32, #tpu.memory_space<vmem>>) semaphore(%dma_start3A_170 : memref<!tpu.dma_semaphore, #tpu.memory_space<semaphore_mem>>)
    %scan3A = arith.constant 5 : i32
    %scan3A_171 = arith.constant 0 : i32
    %scan3A_172 = arith.constant 0 : i32
    %scan3A_173 = arith.constant 128 : i32
    %scan3A_174 = arith.addi %scan3A_172, %scan3A_173 : i32
    %scan3A_175 = arith.constant 1 : i32
    %scan3A_176 = scf.for %scan3A_960 = %scan3A_172 to %scan3A_174 step %scan3A_175 iter_args(%scan3A_961 = %scan3A_171) -> (i32)  : i32 {
      %broadcast_in_dim3A = arith.constant 0.000000e+00 : f32
      %broadcast_in_dim3A_962 = vector.broadcast %broadcast_in_dim3A : f32 to vector<16xf32>
      %swap3A = arith.constant 0 : i32
      %swap3A_963 = arith.constant 0 : i32
      %swap3A_964 = tpu.memref_slice %arg8[%scan3A, %swap3A, %swap3A_963] : memref<6x128x32xf32, #tpu.memory_space<vmem>> -> memref<1x128x32xf32, #tpu.memory_space<vmem>>
      %swap3A_965 = tpu.memref_squeeze %swap3A_964 : memref<1x128x32xf32, #tpu.memory_space<vmem>> -> memref<128x32xf32, #tpu.memory_space<vmem>>
      %swap3A_966 = arith.index_cast %scan3A_960 : i32 to index
      %swap3A_967 = arith.constant 0 : index
      %swap3A_968 = tpu.vector_load %swap3A_965[%swap3A_966, %swap3A_967] {strides = array<i32>} : memref<128x32xf32, #tpu.memory_space<vmem>>, vector<1x16xf32>,
      %swap3A_969 = vector.shape_cast %swap3A_968 : vector<1x16xf32> to vector<16xf32>
      %swap3A_970 = vector.shape_cast %broadcast_in_dim3A_962 : vector<16xf32> to vector<1x16xf32>
      tpu.vector_store %swap3A_965[%swap3A_966, %swap3A_967], %swap3A_970 {strides = array<i32>} : memref<128x32xf32, #tpu.memory_space<vmem>>, vector<1x16xf32>,
      %broadcast_in_dim3A_971 = arith.constant 0.000000e+00 : f32
      %broadcast_in_dim3A_972 = vector.broadcast %broadcast_in_dim3A_971 : f32 to vector<16xf32>
      %swap3A_973 = arith.constant 0 : i32
      %swap3A_974 = arith.constant 0 : i32
      %swap3A_975 = tpu.memref_slice %arg8[%scan3A, %swap3A_973, %swap3A_974] : memref<6x128x32xf32, #tpu.memory_space<vmem>> -> memref<1x128x32xf32, #tpu.memory_space<vmem>>
      %swap3A_976 = tpu.memref_squeeze %swap3A_975 : memref<1x128x32xf32, #tpu.memory_space<vmem>> -> memref<128x32xf32, #tpu.memory_space<vmem>>
      %swap3A_977 = arith.index_cast %scan3A_960 : i32 to index
      %swap3A_978 = arith.constant 16 : index
      %swap3A_979 = tpu.vector_load %swap3A_976[%swap3A_977, %swap3A_978] {strides = array<i32>} : memref<128x32xf32, #tpu.memory_space<vmem>>, vector<1x16xf32>,
      %swap3A_980 = vector.shape_cast %swap3A_979 : vector<1x16xf32> to vector<16xf32>
      %swap3A_981 = vector.shape_cast %broadcast_in_dim3A_972 : vector<16xf32> to vector<1x16xf32>
      tpu.vector_store %swap3A_976[%swap3A_977, %swap3A_978], %swap3A_981 {strides = array<i32>} : memref<128x32xf32, #tpu.memory_space<vmem>>, vector<1x16xf32>,
      %scan3A_982 = arith.constant 0 : i32
      scf.yield %scan3A_982 : i32
    }
    %scan3A_177 = arith.constant 128 : i32
    %mul3A_178 = arith.constant 640 : i32
    %mul3A_179 = arith.muli %arg1, %mul3A_178 : i32
    %add3A_180 = arith.constant 0 : i32
    %add3A_181 = arith.addi %mul3A_179, %add3A_180 : i32
    %run_scoped3A = arith.constant 5 : i32
    "tpu.region"() ({
      %run_scoped3A_960 = tpu.sem_alloc : memref<!tpu.dma_semaphore, #tpu.memory_space<semaphore_mem>>
      %dma_start3A_961 = arith.constant 0 : i32
      %dma_start3A_962 = arith.constant 0 : i32
      %dma_start3A_963 = tpu.memref_slice %arg8[%run_scoped3A, %dma_start3A_961, %dma_start3A_962] : memref<6x128x32xf32, #tpu.memory_space<vmem>> -> memref<1x128x32xf32, #tpu.memory_space<vmem>>
      %dma_start3A_964 = tpu.memref_squeeze %dma_start3A_963 : memref<1x128x32xf32, #tpu.memory_space<vmem>> -> memref<128x32xf32, #tpu.memory_space<vmem>>
      %dma_start3A_965 = arith.constant 0 : i32
      %dma_start3A_966 = arith.constant 0 : i32
      %dma_start3A_967 = tpu.memref_slice %dma_start3A_964[%dma_start3A_965, %dma_start3A_966] : memref<128x32xf32, #tpu.memory_space<vmem>> -> memref<128x32xf32, #tpu.memory_space<vmem>>
      %dma_start3A_968 = arith.constant 0 : i32
      %dma_start3A_969 = tpu.memref_slice %arg5[%add3A_181, %dma_start3A_968] : memref<10240x32xf32, #tpu.memory_space<vmem_shared>> -> memref<128x32xf32, #tpu.memory_space<vmem_shared>>
      %dma_start3A_970 = arith.constant 0 : i32
      %dma_start3A_971 = tpu.memref_slice %arg5[%add3A_181, %dma_start3A_970] : memref<10240x32xf32, #tpu.memory_space<vmem_shared>> -> memref<128x32xf32, #tpu.memory_space<vmem_shared>>
      %dma_start3A_972 = arith.constant 0 : i32
      %dma_start3A_973 = arith.constant 0 : i32
      %dma_start3A_974 = tpu.memref_slice %arg8[%run_scoped3A, %dma_start3A_972, %dma_start3A_973] : memref<6x128x32xf32, #tpu.memory_space<vmem>> -> memref<1x128x32xf32, #tpu.memory_space<vmem>>
      %dma_start3A_975 = tpu.memref_squeeze %dma_start3A_974 : memref<1x128x32xf32, #tpu.memory_space<vmem>> -> memref<128x32xf32, #tpu.memory_space<vmem>>
      %dma_start3A_976 = arith.constant 0 : i32
      %dma_start3A_977 = arith.constant 0 : i32
      %dma_start3A_978 = tpu.memref_slice %dma_start3A_975[%dma_start3A_976, %dma_start3A_977] : memref<128x32xf32, #tpu.memory_space<vmem>> -> memref<128x32xf32, #tpu.memory_space<vmem>>
      tpu.enqueue_dma source(%dma_start3A_978 : memref<128x32xf32, #tpu.memory_space<vmem>>) target(%dma_start3A_971 : memref<128x32xf32, #tpu.memory_space<vmem_shared>>) target_semaphore(%run_scoped3A_960 : memref<!tpu.dma_semaphore, #tpu.memory_space<semaphore_mem>>)
      %dma_wait3A_979 = arith.constant 0 : i32
      %dma_wait3A_980 = arith.constant 0 : i32
      %dma_wait3A_981 = tpu.memref_slice %arg8[%run_scoped3A, %dma_wait3A_979, %dma_wait3A_980] : memref<6x128x32xf32, #tpu.memory_space<vmem>> -> memref<1x128x32xf32, #tpu.memory_space<vmem>>
      %dma_wait3A_982 = tpu.memref_squeeze %dma_wait3A_981 : memref<1x128x32xf32, #tpu.memory_space<vmem>> -> memref<128x32xf32, #tpu.memory_space<vmem>>
      %dma_wait3A_983 = arith.constant 0 : i32
      %dma_wait3A_984 = arith.constant 0 : i32
      %dma_wait3A_985 = tpu.memref_slice %dma_wait3A_982[%dma_wait3A_983, %dma_wait3A_984] : memref<128x32xf32, #tpu.memory_space<vmem>> -> memref<128x32xf32, #tpu.memory_space<vmem>>
      %dma_wait3A_986 = arith.constant 0 : i32
      %dma_wait3A_987 = tpu.memref_slice %arg5[%add3A_181, %dma_wait3A_986] : memref<10240x32xf32, #tpu.memory_space<vmem_shared>> -> memref<128x32xf32, #tpu.memory_space<vmem_shared>>
      %dma_wait3A_988 = arith.constant 0 : i32
      %dma_wait3A_989 = tpu.memref_slice %arg5[%add3A_181, %dma_wait3A_988] : memref<10240x32xf32, #tpu.memory_space<vmem_shared>> -> memref<128x32xf32, #tpu.memory_space<vmem_shared>>
      %dma_wait3A_990 = arith.constant 0 : i32
      %dma_wait3A_991 = arith.constant 0 : i32
      %dma_wait3A_992 = tpu.memref_slice %arg8[%run_scoped3A, %dma_wait3A_990, %dma_wait3A_991] : memref<6x128x32xf32, #tpu.memory_space<vmem>> -> memref<1x128x32xf32, #tpu.memory_space<vmem>>
      %dma_wait3A_993 = tpu.memref_squeeze %dma_wait3A_992 : memref<1x128x32xf32, #tpu.memory_space<vmem>> -> memref<128x32xf32, #tpu.memory_space<vmem>>
      %dma_wait3A_994 = arith.constant 0 : i32
      %dma_wait3A_995 = arith.constant 0 : i32
      %dma_wait3A_996 = tpu.memref_slice %dma_wait3A_993[%dma_wait3A_994, %dma_wait3A_995] : memref<128x32xf32, #tpu.memory_space<vmem>> -> memref<128x32xf32, #tpu.memory_space<vmem>>
      tpu.wait_dma2 semaphore(%run_scoped3A_960 : memref<!tpu.dma_semaphore, #tpu.memory_space<semaphore_mem>>) src(%dma_wait3A_996 : memref<128x32xf32, #tpu.memory_space<vmem>>) dst(%dma_wait3A_989 : memref<128x32xf32, #tpu.memory_space<vmem_shared>>)
      tpu.yield
    }) : () -> ()
    %add3A_182 = arith.constant 128 : i32
    %add3A_183 = arith.addi %mul3A_179, %add3A_182 : i32
    %run_scoped3A_184 = arith.constant 5 : i32
    "tpu.region"() ({
      %run_scoped3A_960 = tpu.sem_alloc : memref<!tpu.dma_semaphore, #tpu.memory_space<semaphore_mem>>
      %dma_start3A_961 = arith.constant 0 : i32
      %dma_start3A_962 = arith.constant 0 : i32
      %dma_start3A_963 = tpu.memref_slice %arg8[%run_scoped3A_184, %dma_start3A_961, %dma_start3A_962] : memref<6x128x32xf32, #tpu.memory_space<vmem>> -> memref<1x128x32xf32, #tpu.memory_space<vmem>>
      %dma_start3A_964 = tpu.memref_squeeze %dma_start3A_963 : memref<1x128x32xf32, #tpu.memory_space<vmem>> -> memref<128x32xf32, #tpu.memory_space<vmem>>
      %dma_start3A_965 = arith.constant 0 : i32
      %dma_start3A_966 = arith.constant 0 : i32
      %dma_start3A_967 = tpu.memref_slice %dma_start3A_964[%dma_start3A_965, %dma_start3A_966] : memref<128x32xf32, #tpu.memory_space<vmem>> -> memref<128x32xf32, #tpu.memory_space<vmem>>
      %dma_start3A_968 = arith.constant 0 : i32
      %dma_start3A_969 = tpu.memref_slice %arg5[%add3A_183, %dma_start3A_968] : memref<10240x32xf32, #tpu.memory_space<vmem_shared>> -> memref<128x32xf32, #tpu.memory_space<vmem_shared>>
      %dma_start3A_970 = arith.constant 0 : i32
      %dma_start3A_971 = tpu.memref_slice %arg5[%add3A_183, %dma_start3A_970] : memref<10240x32xf32, #tpu.memory_space<vmem_shared>> -> memref<128x32xf32, #tpu.memory_space<vmem_shared>>
      %dma_start3A_972 = arith.constant 0 : i32
      %dma_start3A_973 = arith.constant 0 : i32
      %dma_start3A_974 = tpu.memref_slice %arg8[%run_scoped3A_184, %dma_start3A_972, %dma_start3A_973] : memref<6x128x32xf32, #tpu.memory_space<vmem>> -> memref<1x128x32xf32, #tpu.memory_space<vmem>>
      %dma_start3A_975 = tpu.memref_squeeze %dma_start3A_974 : memref<1x128x32xf32, #tpu.memory_space<vmem>> -> memref<128x32xf32, #tpu.memory_space<vmem>>
      %dma_start3A_976 = arith.constant 0 : i32
      %dma_start3A_977 = arith.constant 0 : i32
      %dma_start3A_978 = tpu.memref_slice %dma_start3A_975[%dma_start3A_976, %dma_start3A_977] : memref<128x32xf32, #tpu.memory_space<vmem>> -> memref<128x32xf32, #tpu.memory_space<vmem>>
      tpu.enqueue_dma source(%dma_start3A_978 : memref<128x32xf32, #tpu.memory_space<vmem>>) target(%dma_start3A_971 : memref<128x32xf32, #tpu.memory_space<vmem_shared>>) target_semaphore(%run_scoped3A_960 : memref<!tpu.dma_semaphore, #tpu.memory_space<semaphore_mem>>)
      %dma_wait3A_979 = arith.constant 0 : i32
      %dma_wait3A_980 = arith.constant 0 : i32
      %dma_wait3A_981 = tpu.memref_slice %arg8[%run_scoped3A_184, %dma_wait3A_979, %dma_wait3A_980] : memref<6x128x32xf32, #tpu.memory_space<vmem>> -> memref<1x128x32xf32, #tpu.memory_space<vmem>>
      %dma_wait3A_982 = tpu.memref_squeeze %dma_wait3A_981 : memref<1x128x32xf32, #tpu.memory_space<vmem>> -> memref<128x32xf32, #tpu.memory_space<vmem>>
      %dma_wait3A_983 = arith.constant 0 : i32
      %dma_wait3A_984 = arith.constant 0 : i32
      %dma_wait3A_985 = tpu.memref_slice %dma_wait3A_982[%dma_wait3A_983, %dma_wait3A_984] : memref<128x32xf32, #tpu.memory_space<vmem>> -> memref<128x32xf32, #tpu.memory_space<vmem>>
      %dma_wait3A_986 = arith.constant 0 : i32
      %dma_wait3A_987 = tpu.memref_slice %arg5[%add3A_183, %dma_wait3A_986] : memref<10240x32xf32, #tpu.memory_space<vmem_shared>> -> memref<128x32xf32, #tpu.memory_space<vmem_shared>>
      %dma_wait3A_988 = arith.constant 0 : i32
      %dma_wait3A_989 = tpu.memref_slice %arg5[%add3A_183, %dma_wait3A_988] : memref<10240x32xf32, #tpu.memory_space<vmem_shared>> -> memref<128x32xf32, #tpu.memory_space<vmem_shared>>
      %dma_wait3A_990 = arith.constant 0 : i32
      %dma_wait3A_991 = arith.constant 0 : i32
      %dma_wait3A_992 = tpu.memref_slice %arg8[%run_scoped3A_184, %dma_wait3A_990, %dma_wait3A_991] : memref<6x128x32xf32, #tpu.memory_space<vmem>> -> memref<1x128x32xf32, #tpu.memory_space<vmem>>
      %dma_wait3A_993 = tpu.memref_squeeze %dma_wait3A_992 : memref<1x128x32xf32, #tpu.memory_space<vmem>> -> memref<128x32xf32, #tpu.memory_space<vmem>>
      %dma_wait3A_994 = arith.constant 0 : i32
      %dma_wait3A_995 = arith.constant 0 : i32
      %dma_wait3A_996 = tpu.memref_slice %dma_wait3A_993[%dma_wait3A_994, %dma_wait3A_995] : memref<128x32xf32, #tpu.memory_space<vmem>> -> memref<128x32xf32, #tpu.memory_space<vmem>>
      tpu.wait_dma2 semaphore(%run_scoped3A_960 : memref<!tpu.dma_semaphore, #tpu.memory_space<semaphore_mem>>) src(%dma_wait3A_996 : memref<128x32xf32, #tpu.memory_space<vmem>>) dst(%dma_wait3A_989 : memref<128x32xf32, #tpu.memory_space<vmem_shared>>)
      tpu.yield
    }) : () -> ()
    %add3A_185 = arith.constant 256 : i32
    %add3A_186 = arith.addi %mul3A_179, %add3A_185 : i32
    %run_scoped3A_187 = arith.constant 5 : i32
    "tpu.region"() ({
      %run_scoped3A_960 = tpu.sem_alloc : memref<!tpu.dma_semaphore, #tpu.memory_space<semaphore_mem>>
      %dma_start3A_961 = arith.constant 0 : i32
      %dma_start3A_962 = arith.constant 0 : i32
      %dma_start3A_963 = tpu.memref_slice %arg8[%run_scoped3A_187, %dma_start3A_961, %dma_start3A_962] : memref<6x128x32xf32, #tpu.memory_space<vmem>> -> memref<1x128x32xf32, #tpu.memory_space<vmem>>
      %dma_start3A_964 = tpu.memref_squeeze %dma_start3A_963 : memref<1x128x32xf32, #tpu.memory_space<vmem>> -> memref<128x32xf32, #tpu.memory_space<vmem>>
      %dma_start3A_965 = arith.constant 0 : i32
      %dma_start3A_966 = arith.constant 0 : i32
      %dma_start3A_967 = tpu.memref_slice %dma_start3A_964[%dma_start3A_965, %dma_start3A_966] : memref<128x32xf32, #tpu.memory_space<vmem>> -> memref<128x32xf32, #tpu.memory_space<vmem>>
      %dma_start3A_968 = arith.constant 0 : i32
      %dma_start3A_969 = tpu.memref_slice %arg5[%add3A_186, %dma_start3A_968] : memref<10240x32xf32, #tpu.memory_space<vmem_shared>> -> memref<128x32xf32, #tpu.memory_space<vmem_shared>>
      %dma_start3A_970 = arith.constant 0 : i32
      %dma_start3A_971 = tpu.memref_slice %arg5[%add3A_186, %dma_start3A_970] : memref<10240x32xf32, #tpu.memory_space<vmem_shared>> -> memref<128x32xf32, #tpu.memory_space<vmem_shared>>
      %dma_start3A_972 = arith.constant 0 : i32
      %dma_start3A_973 = arith.constant 0 : i32
      %dma_start3A_974 = tpu.memref_slice %arg8[%run_scoped3A_187, %dma_start3A_972, %dma_start3A_973] : memref<6x128x32xf32, #tpu.memory_space<vmem>> -> memref<1x128x32xf32, #tpu.memory_space<vmem>>
      %dma_start3A_975 = tpu.memref_squeeze %dma_start3A_974 : memref<1x128x32xf32, #tpu.memory_space<vmem>> -> memref<128x32xf32, #tpu.memory_space<vmem>>
      %dma_start3A_976 = arith.constant 0 : i32
      %dma_start3A_977 = arith.constant 0 : i32
      %dma_start3A_978 = tpu.memref_slice %dma_start3A_975[%dma_start3A_976, %dma_start3A_977] : memref<128x32xf32, #tpu.memory_space<vmem>> -> memref<128x32xf32, #tpu.memory_space<vmem>>
      tpu.enqueue_dma source(%dma_start3A_978 : memref<128x32xf32, #tpu.memory_space<vmem>>) target(%dma_start3A_971 : memref<128x32xf32, #tpu.memory_space<vmem_shared>>) target_semaphore(%run_scoped3A_960 : memref<!tpu.dma_semaphore, #tpu.memory_space<semaphore_mem>>)
      %dma_wait3A_979 = arith.constant 0 : i32
      %dma_wait3A_980 = arith.constant 0 : i32
      %dma_wait3A_981 = tpu.memref_slice %arg8[%run_scoped3A_187, %dma_wait3A_979, %dma_wait3A_980] : memref<6x128x32xf32, #tpu.memory_space<vmem>> -> memref<1x128x32xf32, #tpu.memory_space<vmem>>
      %dma_wait3A_982 = tpu.memref_squeeze %dma_wait3A_981 : memref<1x128x32xf32, #tpu.memory_space<vmem>> -> memref<128x32xf32, #tpu.memory_space<vmem>>
      %dma_wait3A_983 = arith.constant 0 : i32
      %dma_wait3A_984 = arith.constant 0 : i32
      %dma_wait3A_985 = tpu.memref_slice %dma_wait3A_982[%dma_wait3A_983, %dma_wait3A_984] : memref<128x32xf32, #tpu.memory_space<vmem>> -> memref<128x32xf32, #tpu.memory_space<vmem>>
      %dma_wait3A_986 = arith.constant 0 : i32
      %dma_wait3A_987 = tpu.memref_slice %arg5[%add3A_186, %dma_wait3A_986] : memref<10240x32xf32, #tpu.memory_space<vmem_shared>> -> memref<128x32xf32, #tpu.memory_space<vmem_shared>>
      %dma_wait3A_988 = arith.constant 0 : i32
      %dma_wait3A_989 = tpu.memref_slice %arg5[%add3A_186, %dma_wait3A_988] : memref<10240x32xf32, #tpu.memory_space<vmem_shared>> -> memref<128x32xf32, #tpu.memory_space<vmem_shared>>
      %dma_wait3A_990 = arith.constant 0 : i32
      %dma_wait3A_991 = arith.constant 0 : i32
      %dma_wait3A_992 = tpu.memref_slice %arg8[%run_scoped3A_187, %dma_wait3A_990, %dma_wait3A_991] : memref<6x128x32xf32, #tpu.memory_space<vmem>> -> memref<1x128x32xf32, #tpu.memory_space<vmem>>
      %dma_wait3A_993 = tpu.memref_squeeze %dma_wait3A_992 : memref<1x128x32xf32, #tpu.memory_space<vmem>> -> memref<128x32xf32, #tpu.memory_space<vmem>>
      %dma_wait3A_994 = arith.constant 0 : i32
      %dma_wait3A_995 = arith.constant 0 : i32
      %dma_wait3A_996 = tpu.memref_slice %dma_wait3A_993[%dma_wait3A_994, %dma_wait3A_995] : memref<128x32xf32, #tpu.memory_space<vmem>> -> memref<128x32xf32, #tpu.memory_space<vmem>>
      tpu.wait_dma2 semaphore(%run_scoped3A_960 : memref<!tpu.dma_semaphore, #tpu.memory_space<semaphore_mem>>) src(%dma_wait3A_996 : memref<128x32xf32, #tpu.memory_space<vmem>>) dst(%dma_wait3A_989 : memref<128x32xf32, #tpu.memory_space<vmem_shared>>)
      tpu.yield
    }) : () -> ()
    %add3A_188 = arith.constant 384 : i32
    %add3A_189 = arith.addi %mul3A_179, %add3A_188 : i32
    %run_scoped3A_190 = arith.constant 5 : i32
    "tpu.region"() ({
      %run_scoped3A_960 = tpu.sem_alloc : memref<!tpu.dma_semaphore, #tpu.memory_space<semaphore_mem>>
      %dma_start3A_961 = arith.constant 0 : i32
      %dma_start3A_962 = arith.constant 0 : i32
      %dma_start3A_963 = tpu.memref_slice %arg8[%run_scoped3A_190, %dma_start3A_961, %dma_start3A_962] : memref<6x128x32xf32, #tpu.memory_space<vmem>> -> memref<1x128x32xf32, #tpu.memory_space<vmem>>
      %dma_start3A_964 = tpu.memref_squeeze %dma_start3A_963 : memref<1x128x32xf32, #tpu.memory_space<vmem>> -> memref<128x32xf32, #tpu.memory_space<vmem>>
      %dma_start3A_965 = arith.constant 0 : i32
      %dma_start3A_966 = arith.constant 0 : i32
      %dma_start3A_967 = tpu.memref_slice %dma_start3A_964[%dma_start3A_965, %dma_start3A_966] : memref<128x32xf32, #tpu.memory_space<vmem>> -> memref<128x32xf32, #tpu.memory_space<vmem>>
      %dma_start3A_968 = arith.constant 0 : i32
      %dma_start3A_969 = tpu.memref_slice %arg5[%add3A_189, %dma_start3A_968] : memref<10240x32xf32, #tpu.memory_space<vmem_shared>> -> memref<128x32xf32, #tpu.memory_space<vmem_shared>>
      %dma_start3A_970 = arith.constant 0 : i32
      %dma_start3A_971 = tpu.memref_slice %arg5[%add3A_189, %dma_start3A_970] : memref<10240x32xf32, #tpu.memory_space<vmem_shared>> -> memref<128x32xf32, #tpu.memory_space<vmem_shared>>
      %dma_start3A_972 = arith.constant 0 : i32
      %dma_start3A_973 = arith.constant 0 : i32
      %dma_start3A_974 = tpu.memref_slice %arg8[%run_scoped3A_190, %dma_start3A_972, %dma_start3A_973] : memref<6x128x32xf32, #tpu.memory_space<vmem>> -> memref<1x128x32xf32, #tpu.memory_space<vmem>>
      %dma_start3A_975 = tpu.memref_squeeze %dma_start3A_974 : memref<1x128x32xf32, #tpu.memory_space<vmem>> -> memref<128x32xf32, #tpu.memory_space<vmem>>
      %dma_start3A_976 = arith.constant 0 : i32
      %dma_start3A_977 = arith.constant 0 : i32
      %dma_start3A_978 = tpu.memref_slice %dma_start3A_975[%dma_start3A_976, %dma_start3A_977] : memref<128x32xf32, #tpu.memory_space<vmem>> -> memref<128x32xf32, #tpu.memory_space<vmem>>
      tpu.enqueue_dma source(%dma_start3A_978 : memref<128x32xf32, #tpu.memory_space<vmem>>) target(%dma_start3A_971 : memref<128x32xf32, #tpu.memory_space<vmem_shared>>) target_semaphore(%run_scoped3A_960 : memref<!tpu.dma_semaphore, #tpu.memory_space<semaphore_mem>>)
      %dma_wait3A_979 = arith.constant 0 : i32
      %dma_wait3A_980 = arith.constant 0 : i32
      %dma_wait3A_981 = tpu.memref_slice %arg8[%run_scoped3A_190, %dma_wait3A_979, %dma_wait3A_980] : memref<6x128x32xf32, #tpu.memory_space<vmem>> -> memref<1x128x32xf32, #tpu.memory_space<vmem>>
      %dma_wait3A_982 = tpu.memref_squeeze %dma_wait3A_981 : memref<1x128x32xf32, #tpu.memory_space<vmem>> -> memref<128x32xf32, #tpu.memory_space<vmem>>
      %dma_wait3A_983 = arith.constant 0 : i32
      %dma_wait3A_984 = arith.constant 0 : i32
      %dma_wait3A_985 = tpu.memref_slice %dma_wait3A_982[%dma_wait3A_983, %dma_wait3A_984] : memref<128x32xf32, #tpu.memory_space<vmem>> -> memref<128x32xf32, #tpu.memory_space<vmem>>
      %dma_wait3A_986 = arith.constant 0 : i32
      %dma_wait3A_987 = tpu.memref_slice %arg5[%add3A_189, %dma_wait3A_986] : memref<10240x32xf32, #tpu.memory_space<vmem_shared>> -> memref<128x32xf32, #tpu.memory_space<vmem_shared>>
      %dma_wait3A_988 = arith.constant 0 : i32
      %dma_wait3A_989 = tpu.memref_slice %arg5[%add3A_189, %dma_wait3A_988] : memref<10240x32xf32, #tpu.memory_space<vmem_shared>> -> memref<128x32xf32, #tpu.memory_space<vmem_shared>>
      %dma_wait3A_990 = arith.constant 0 : i32
      %dma_wait3A_991 = arith.constant 0 : i32
      %dma_wait3A_992 = tpu.memref_slice %arg8[%run_scoped3A_190, %dma_wait3A_990, %dma_wait3A_991] : memref<6x128x32xf32, #tpu.memory_space<vmem>> -> memref<1x128x32xf32, #tpu.memory_space<vmem>>
      %dma_wait3A_993 = tpu.memref_squeeze %dma_wait3A_992 : memref<1x128x32xf32, #tpu.memory_space<vmem>> -> memref<128x32xf32, #tpu.memory_space<vmem>>
      %dma_wait3A_994 = arith.constant 0 : i32
      %dma_wait3A_995 = arith.constant 0 : i32
      %dma_wait3A_996 = tpu.memref_slice %dma_wait3A_993[%dma_wait3A_994, %dma_wait3A_995] : memref<128x32xf32, #tpu.memory_space<vmem>> -> memref<128x32xf32, #tpu.memory_space<vmem>>
      tpu.wait_dma2 semaphore(%run_scoped3A_960 : memref<!tpu.dma_semaphore, #tpu.memory_space<semaphore_mem>>) src(%dma_wait3A_996 : memref<128x32xf32, #tpu.memory_space<vmem>>) dst(%dma_wait3A_989 : memref<128x32xf32, #tpu.memory_space<vmem_shared>>)
      tpu.yield
    }) : () -> ()
    %add3A_191 = arith.constant 512 : i32
    %add3A_192 = arith.addi %mul3A_179, %add3A_191 : i32
    %run_scoped3A_193 = arith.constant 5 : i32
    "tpu.region"() ({
      %run_scoped3A_960 = tpu.sem_alloc : memref<!tpu.dma_semaphore, #tpu.memory_space<semaphore_mem>>
      %dma_start3A_961 = arith.constant 0 : i32
      %dma_start3A_962 = arith.constant 0 : i32
      %dma_start3A_963 = tpu.memref_slice %arg8[%run_scoped3A_193, %dma_start3A_961, %dma_start3A_962] : memref<6x128x32xf32, #tpu.memory_space<vmem>> -> memref<1x128x32xf32, #tpu.memory_space<vmem>>
      %dma_start3A_964 = tpu.memref_squeeze %dma_start3A_963 : memref<1x128x32xf32, #tpu.memory_space<vmem>> -> memref<128x32xf32, #tpu.memory_space<vmem>>
      %dma_start3A_965 = arith.constant 0 : i32
      %dma_start3A_966 = arith.constant 0 : i32
      %dma_start3A_967 = tpu.memref_slice %dma_start3A_964[%dma_start3A_965, %dma_start3A_966] : memref<128x32xf32, #tpu.memory_space<vmem>> -> memref<128x32xf32, #tpu.memory_space<vmem>>
      %dma_start3A_968 = arith.constant 0 : i32
      %dma_start3A_969 = tpu.memref_slice %arg5[%add3A_192, %dma_start3A_968] : memref<10240x32xf32, #tpu.memory_space<vmem_shared>> -> memref<128x32xf32, #tpu.memory_space<vmem_shared>>
      %dma_start3A_970 = arith.constant 0 : i32
      %dma_start3A_971 = tpu.memref_slice %arg5[%add3A_192, %dma_start3A_970] : memref<10240x32xf32, #tpu.memory_space<vmem_shared>> -> memref<128x32xf32, #tpu.memory_space<vmem_shared>>
      %dma_start3A_972 = arith.constant 0 : i32
      %dma_start3A_973 = arith.constant 0 : i32
      %dma_start3A_974 = tpu.memref_slice %arg8[%run_scoped3A_193, %dma_start3A_972, %dma_start3A_973] : memref<6x128x32xf32, #tpu.memory_space<vmem>> -> memref<1x128x32xf32, #tpu.memory_space<vmem>>
      %dma_start3A_975 = tpu.memref_squeeze %dma_start3A_974 : memref<1x128x32xf32, #tpu.memory_space<vmem>> -> memref<128x32xf32, #tpu.memory_space<vmem>>
      %dma_start3A_976 = arith.constant 0 : i32
      %dma_start3A_977 = arith.constant 0 : i32
      %dma_start3A_978 = tpu.memref_slice %dma_start3A_975[%dma_start3A_976, %dma_start3A_977] : memref<128x32xf32, #tpu.memory_space<vmem>> -> memref<128x32xf32, #tpu.memory_space<vmem>>
      tpu.enqueue_dma source(%dma_start3A_978 : memref<128x32xf32, #tpu.memory_space<vmem>>) target(%dma_start3A_971 : memref<128x32xf32, #tpu.memory_space<vmem_shared>>) target_semaphore(%run_scoped3A_960 : memref<!tpu.dma_semaphore, #tpu.memory_space<semaphore_mem>>)
      %dma_wait3A_979 = arith.constant 0 : i32
      %dma_wait3A_980 = arith.constant 0 : i32
      %dma_wait3A_981 = tpu.memref_slice %arg8[%run_scoped3A_193, %dma_wait3A_979, %dma_wait3A_980] : memref<6x128x32xf32, #tpu.memory_space<vmem>> -> memref<1x128x32xf32, #tpu.memory_space<vmem>>
      %dma_wait3A_982 = tpu.memref_squeeze %dma_wait3A_981 : memref<1x128x32xf32, #tpu.memory_space<vmem>> -> memref<128x32xf32, #tpu.memory_space<vmem>>
      %dma_wait3A_983 = arith.constant 0 : i32
      %dma_wait3A_984 = arith.constant 0 : i32
      %dma_wait3A_985 = tpu.memref_slice %dma_wait3A_982[%dma_wait3A_983, %dma_wait3A_984] : memref<128x32xf32, #tpu.memory_space<vmem>> -> memref<128x32xf32, #tpu.memory_space<vmem>>
      %dma_wait3A_986 = arith.constant 0 : i32
      %dma_wait3A_987 = tpu.memref_slice %arg5[%add3A_192, %dma_wait3A_986] : memref<10240x32xf32, #tpu.memory_space<vmem_shared>> -> memref<128x32xf32, #tpu.memory_space<vmem_shared>>
      %dma_wait3A_988 = arith.constant 0 : i32
      %dma_wait3A_989 = tpu.memref_slice %arg5[%add3A_192, %dma_wait3A_988] : memref<10240x32xf32, #tpu.memory_space<vmem_shared>> -> memref<128x32xf32, #tpu.memory_space<vmem_shared>>
      %dma_wait3A_990 = arith.constant 0 : i32
      %dma_wait3A_991 = arith.constant 0 : i32
      %dma_wait3A_992 = tpu.memref_slice %arg8[%run_scoped3A_193, %dma_wait3A_990, %dma_wait3A_991] : memref<6x128x32xf32, #tpu.memory_space<vmem>> -> memref<1x128x32xf32, #tpu.memory_space<vmem>>
      %dma_wait3A_993 = tpu.memref_squeeze %dma_wait3A_992 : memref<1x128x32xf32, #tpu.memory_space<vmem>> -> memref<128x32xf32, #tpu.memory_space<vmem>>
      %dma_wait3A_994 = arith.constant 0 : i32
      %dma_wait3A_995 = arith.constant 0 : i32
      %dma_wait3A_996 = tpu.memref_slice %dma_wait3A_993[%dma_wait3A_994, %dma_wait3A_995] : memref<128x32xf32, #tpu.memory_space<vmem>> -> memref<128x32xf32, #tpu.memory_space<vmem>>
      tpu.wait_dma2 semaphore(%run_scoped3A_960 : memref<!tpu.dma_semaphore, #tpu.memory_space<semaphore_mem>>) src(%dma_wait3A_996 : memref<128x32xf32, #tpu.memory_space<vmem>>) dst(%dma_wait3A_989 : memref<128x32xf32, #tpu.memory_space<vmem_shared>>)
      tpu.yield
    }) : () -> ()
    %barrier3A = arith.constant 0 : index
    tpu.barrier barrier_id(%barrier3A)
    %dma_start3A_194 = arith.constant 4 : i32
    %dma_start3A_195 = arith.constant 4 : i32
    %dma_start3A_196 = arith.constant 4 : i32
    %dma_start3A_197 = arith.constant 0 : i32
    %dma_start3A_198 = arith.constant 0 : i32
    %dma_start3A_199 = tpu.memref_slice %arg8[%dma_start3A_195, %dma_start3A_197, %dma_start3A_198] : memref<6x128x32xf32, #tpu.memory_space<vmem>> -> memref<1x128x32xf32, #tpu.memory_space<vmem>>
    %dma_start3A_200 = tpu.memref_squeeze %dma_start3A_199 : memref<1x128x32xf32, #tpu.memory_space<vmem>> -> memref<128x32xf32, #tpu.memory_space<vmem>>
    %dma_start3A_201 = arith.constant 0 : i32
    %dma_start3A_202 = tpu.memref_slice %arg6[%dma_start3A_194, %dma_start3A_201] : memref<157x128xi32, #tpu.memory_space<vmem>> -> memref<1x128xi32, #tpu.memory_space<vmem>>
    %dma_start3A_203 = tpu.memref_squeeze %dma_start3A_202 : memref<1x128xi32, #tpu.memory_space<vmem>> -> memref<128xi32, #tpu.memory_space<vmem>>
    %dma_start3A_204 = arith.constant 0 : i32
    %dma_start3A_205 = arith.constant 0 : i32
    %dma_start3A_206 = tpu.memref_slice %arg2[%arg0, %dma_start3A_204, %dma_start3A_205] : memref<2x10000x32xf32, #tpu.memory_space<hbm>> -> memref<1x10000x32xf32, #tpu.memory_space<hbm>>
    %dma_start3A_207 = tpu.memref_squeeze %dma_start3A_206 : memref<1x10000x32xf32, #tpu.memory_space<hbm>> -> memref<10000x32xf32, #tpu.memory_space<hbm>>
    %dma_start3A_208 = arith.constant 0 : i32
    %dma_start3A_209 = arith.constant 0 : i32
    %dma_start3A_210 = tpu.memref_slice %dma_start3A_207[%dma_start3A_208, %dma_start3A_209] : memref<10000x32xf32, #tpu.memory_space<hbm>> -> memref<10000x32xf32, #tpu.memory_space<hbm>>
    %dma_start3A_211 = tpu.memref_slice %arg9[%dma_start3A_196] : memref<6x!tpu.dma_semaphore, #tpu.memory_space<semaphore_mem>> -> memref<1x!tpu.dma_semaphore, #tpu.memory_space<semaphore_mem>>
    %dma_start3A_212 = tpu.memref_squeeze %dma_start3A_211 : memref<1x!tpu.dma_semaphore, #tpu.memory_space<semaphore_mem>> -> memref<!tpu.dma_semaphore, #tpu.memory_space<semaphore_mem>>
    tpu.enqueue_indirect_dma source(%dma_start3A_210 : memref<10000x32xf32, #tpu.memory_space<hbm>>) target(%dma_start3A_200 : memref<128x32xf32, #tpu.memory_space<vmem>>) offsets(%dma_start3A_203 : memref<128xi32, #tpu.memory_space<vmem>>) semaphore(%dma_start3A_212 : memref<!tpu.dma_semaphore, #tpu.memory_space<semaphore_mem>>)
    %dma_wait3A_213 = arith.constant 0 : i32
    %dma_wait3A_214 = arith.constant 0 : i32
    %dma_wait3A_215 = arith.constant 0 : i32
    %dma_wait3A_216 = arith.constant 0 : i32
    %dma_wait3A_217 = arith.constant 0 : i32
    %dma_wait3A_218 = tpu.memref_slice %arg8[%dma_wait3A_214, %dma_wait3A_216, %dma_wait3A_217] : memref<6x128x32xf32, #tpu.memory_space<vmem>> -> memref<1x128x32xf32, #tpu.memory_space<vmem>>
    %dma_wait3A_219 = tpu.memref_squeeze %dma_wait3A_218 : memref<1x128x32xf32, #tpu.memory_space<vmem>> -> memref<128x32xf32, #tpu.memory_space<vmem>>
    %dma_wait3A_220 = arith.constant 0 : i32
    %dma_wait3A_221 = tpu.memref_slice %arg6[%dma_wait3A_213, %dma_wait3A_220] : memref<157x128xi32, #tpu.memory_space<vmem>> -> memref<1x128xi32, #tpu.memory_space<vmem>>
    %dma_wait3A_222 = tpu.memref_squeeze %dma_wait3A_221 : memref<1x128xi32, #tpu.memory_space<vmem>> -> memref<128xi32, #tpu.memory_space<vmem>>
    %dma_wait3A_223 = arith.constant 0 : i32
    %dma_wait3A_224 = arith.constant 0 : i32
    %dma_wait3A_225 = tpu.memref_slice %arg2[%arg0, %dma_wait3A_223, %dma_wait3A_224] : memref<2x10000x32xf32, #tpu.memory_space<hbm>> -> memref<1x10000x32xf32, #tpu.memory_space<hbm>>
    %dma_wait3A_226 = tpu.memref_squeeze %dma_wait3A_225 : memref<1x10000x32xf32, #tpu.memory_space<hbm>> -> memref<10000x32xf32, #tpu.memory_space<hbm>>
    %dma_wait3A_227 = arith.constant 0 : i32
    %dma_wait3A_228 = arith.constant 0 : i32
    %dma_wait3A_229 = tpu.memref_slice %dma_wait3A_226[%dma_wait3A_227, %dma_wait3A_228] : memref<10000x32xf32, #tpu.memory_space<hbm>> -> memref<10000x32xf32, #tpu.memory_space<hbm>>
    %dma_wait3A_230 = tpu.memref_slice %arg9[%dma_wait3A_215] : memref<6x!tpu.dma_semaphore, #tpu.memory_space<semaphore_mem>> -> memref<1x!tpu.dma_semaphore, #tpu.memory_space<semaphore_mem>>
    %dma_wait3A_231 = tpu.memref_squeeze %dma_wait3A_230 : memref<1x!tpu.dma_semaphore, #tpu.memory_space<semaphore_mem>> -> memref<!tpu.dma_semaphore, #tpu.memory_space<semaphore_mem>>
    tpu.wait_indirect_dma semaphore(%dma_wait3A_231 : memref<!tpu.dma_semaphore, #tpu.memory_space<semaphore_mem>>) src(%dma_wait3A_229 : memref<10000x32xf32, #tpu.memory_space<hbm>>) dst(%dma_wait3A_219 : memref<128x32xf32, #tpu.memory_space<vmem>>)
    %dma_start3A_232 = arith.constant 0 : i32
    %dma_start3A_233 = arith.constant 0 : i32
    %dma_start3A_234 = arith.constant 0 : i32
    %dma_start3A_235 = arith.constant 0 : i32
    %dma_start3A_236 = arith.constant 0 : i32
    %dma_start3A_237 = tpu.memref_slice %arg8[%dma_start3A_232, %dma_start3A_235, %dma_start3A_236] : memref<6x128x32xf32, #tpu.memory_space<vmem>> -> memref<1x128x32xf32, #tpu.memory_space<vmem>>
    %dma_start3A_238 = tpu.memref_squeeze %dma_start3A_237 : memref<1x128x32xf32, #tpu.memory_space<vmem>> -> memref<128x32xf32, #tpu.memory_space<vmem>>
    %dma_start3A_239 = arith.constant 0 : i32
    %dma_start3A_240 = tpu.memref_slice %arg7[%dma_start3A_233, %dma_start3A_239] : memref<157x128xi32, #tpu.memory_space<vmem>> -> memref<1x128xi32, #tpu.memory_space<vmem>>
    %dma_start3A_241 = tpu.memref_squeeze %dma_start3A_240 : memref<1x128xi32, #tpu.memory_space<vmem>> -> memref<128xi32, #tpu.memory_space<vmem>>
    %dma_start3A_242 = arith.constant 0 : i32
    %dma_start3A_243 = arith.constant 0 : i32
    %dma_start3A_244 = tpu.memref_slice %arg5[%dma_start3A_242, %dma_start3A_243] : memref<10240x32xf32, #tpu.memory_space<vmem_shared>> -> memref<10240x32xf32, #tpu.memory_space<vmem_shared>>
    %dma_start3A_245 = tpu.memref_slice %arg10[%dma_start3A_234] : memref<6x!tpu.dma_semaphore, #tpu.memory_space<semaphore_mem>> -> memref<1x!tpu.dma_semaphore, #tpu.memory_space<semaphore_mem>>
    %dma_start3A_246 = tpu.memref_squeeze %dma_start3A_245 : memref<1x!tpu.dma_semaphore, #tpu.memory_space<semaphore_mem>> -> memref<!tpu.dma_semaphore, #tpu.memory_space<semaphore_mem>>
    tpu.enqueue_indirect_dma source(%dma_start3A_238 : memref<128x32xf32, #tpu.memory_space<vmem>>) target(%dma_start3A_244 : memref<10240x32xf32, #tpu.memory_space<vmem_shared>>) offsets(%dma_start3A_241 : memref<128xi32, #tpu.memory_space<vmem>>) semaphore(%dma_start3A_246 : memref<!tpu.dma_semaphore, #tpu.memory_space<semaphore_mem>>) {add = true}
    %dma_start3A_247 = arith.constant 5 : i32
    %dma_start3A_248 = arith.constant 5 : i32
    %dma_start3A_249 = arith.constant 5 : i32
    %dma_start3A_250 = arith.constant 0 : i32
    %dma_start3A_251 = arith.constant 0 : i32
    %dma_start3A_252 = tpu.memref_slice %arg8[%dma_start3A_248, %dma_start3A_250, %dma_start3A_251] : memref<6x128x32xf32, #tpu.memory_space<vmem>> -> memref<1x128x32xf32, #tpu.memory_space<vmem>>
    %dma_start3A_253 = tpu.memref_squeeze %dma_start3A_252 : memref<1x128x32xf32, #tpu.memory_space<vmem>> -> memref<128x32xf32, #tpu.memory_space<vmem>>
    %dma_start3A_254 = arith.constant 0 : i32
    %dma_start3A_255 = tpu.memref_slice %arg6[%dma_start3A_247, %dma_start3A_254] : memref<157x128xi32, #tpu.memory_space<vmem>> -> memref<1x128xi32, #tpu.memory_space<vmem>>
    %dma_start3A_256 = tpu.memref_squeeze %dma_start3A_255 : memref<1x128xi32, #tpu.memory_space<vmem>> -> memref<128xi32, #tpu.memory_space<vmem>>
    %dma_start3A_257 = arith.constant 0 : i32
    %dma_start3A_258 = arith.constant 0 : i32
    %dma_start3A_259 = tpu.memref_slice %arg2[%arg0, %dma_start3A_257, %dma_start3A_258] : memref<2x10000x32xf32, #tpu.memory_space<hbm>> -> memref<1x10000x32xf32, #tpu.memory_space<hbm>>
    %dma_start3A_260 = tpu.memref_squeeze %dma_start3A_259 : memref<1x10000x32xf32, #tpu.memory_space<hbm>> -> memref<10000x32xf32, #tpu.memory_space<hbm>>
    %dma_start3A_261 = arith.constant 0 : i32
    %dma_start3A_262 = arith.constant 0 : i32
    %dma_start3A_263 = tpu.memref_slice %dma_start3A_260[%dma_start3A_261, %dma_start3A_262] : memref<10000x32xf32, #tpu.memory_space<hbm>> -> memref<10000x32xf32, #tpu.memory_space<hbm>>
    %dma_start3A_264 = tpu.memref_slice %arg9[%dma_start3A_249] : memref<6x!tpu.dma_semaphore, #tpu.memory_space<semaphore_mem>> -> memref<1x!tpu.dma_semaphore, #tpu.memory_space<semaphore_mem>>
    %dma_start3A_265 = tpu.memref_squeeze %dma_start3A_264 : memref<1x!tpu.dma_semaphore, #tpu.memory_space<semaphore_mem>> -> memref<!tpu.dma_semaphore, #tpu.memory_space<semaphore_mem>>
    tpu.enqueue_indirect_dma source(%dma_start3A_263 : memref<10000x32xf32, #tpu.memory_space<hbm>>) target(%dma_start3A_253 : memref<128x32xf32, #tpu.memory_space<vmem>>) offsets(%dma_start3A_256 : memref<128xi32, #tpu.memory_space<vmem>>) semaphore(%dma_start3A_265 : memref<!tpu.dma_semaphore, #tpu.memory_space<semaphore_mem>>)
    %dma_wait3A_266 = arith.constant 1 : i32
    %dma_wait3A_267 = arith.constant 1 : i32
    %dma_wait3A_268 = arith.constant 1 : i32
    %dma_wait3A_269 = arith.constant 0 : i32
    %dma_wait3A_270 = arith.constant 0 : i32
    %dma_wait3A_271 = tpu.memref_slice %arg8[%dma_wait3A_267, %dma_wait3A_269, %dma_wait3A_270] : memref<6x128x32xf32, #tpu.memory_space<vmem>> -> memref<1x128x32xf32, #tpu.memory_space<vmem>>
    %dma_wait3A_272 = tpu.memref_squeeze %dma_wait3A_271 : memref<1x128x32xf32, #tpu.memory_space<vmem>> -> memref<128x32xf32, #tpu.memory_space<vmem>>
    %dma_wait3A_273 = arith.constant 0 : i32
    %dma_wait3A_274 = tpu.memref_slice %arg6[%dma_wait3A_266, %dma_wait3A_273] : memref<157x128xi32, #tpu.memory_space<vmem>> -> memref<1x128xi32, #tpu.memory_space<vmem>>
    %dma_wait3A_275 = tpu.memref_squeeze %dma_wait3A_274 : memref<1x128xi32, #tpu.memory_space<vmem>> -> memref<128xi32, #tpu.memory_space<vmem>>
    %dma_wait3A_276 = arith.constant 0 : i32
    %dma_wait3A_277 = arith.constant 0 : i32
    %dma_wait3A_278 = tpu.memref_slice %arg2[%arg0, %dma_wait3A_276, %dma_wait3A_277] : memref<2x10000x32xf32, #tpu.memory_space<hbm>> -> memref<1x10000x32xf32, #tpu.memory_space<hbm>>
    %dma_wait3A_279 = tpu.memref_squeeze %dma_wait3A_278 : memref<1x10000x32xf32, #tpu.memory_space<hbm>> -> memref<10000x32xf32, #tpu.memory_space<hbm>>
    %dma_wait3A_280 = arith.constant 0 : i32
    %dma_wait3A_281 = arith.constant 0 : i32
    %dma_wait3A_282 = tpu.memref_slice %dma_wait3A_279[%dma_wait3A_280, %dma_wait3A_281] : memref<10000x32xf32, #tpu.memory_space<hbm>> -> memref<10000x32xf32, #tpu.memory_space<hbm>>
    %dma_wait3A_283 = tpu.memref_slice %arg9[%dma_wait3A_268] : memref<6x!tpu.dma_semaphore, #tpu.memory_space<semaphore_mem>> -> memref<1x!tpu.dma_semaphore, #tpu.memory_space<semaphore_mem>>
    %dma_wait3A_284 = tpu.memref_squeeze %dma_wait3A_283 : memref<1x!tpu.dma_semaphore, #tpu.memory_space<semaphore_mem>> -> memref<!tpu.dma_semaphore, #tpu.memory_space<semaphore_mem>>
    tpu.wait_indirect_dma semaphore(%dma_wait3A_284 : memref<!tpu.dma_semaphore, #tpu.memory_space<semaphore_mem>>) src(%dma_wait3A_282 : memref<10000x32xf32, #tpu.memory_space<hbm>>) dst(%dma_wait3A_272 : memref<128x32xf32, #tpu.memory_space<vmem>>)
    %dma_start3A_285 = arith.constant 1 : i32
    %dma_start3A_286 = arith.constant 1 : i32
    %dma_start3A_287 = arith.constant 1 : i32
    %dma_start3A_288 = arith.constant 0 : i32
    %dma_start3A_289 = arith.constant 0 : i32
    %dma_start3A_290 = tpu.memref_slice %arg8[%dma_start3A_285, %dma_start3A_288, %dma_start3A_289] : memref<6x128x32xf32, #tpu.memory_space<vmem>> -> memref<1x128x32xf32, #tpu.memory_space<vmem>>
    %dma_start3A_291 = tpu.memref_squeeze %dma_start3A_290 : memref<1x128x32xf32, #tpu.memory_space<vmem>> -> memref<128x32xf32, #tpu.memory_space<vmem>>
    %dma_start3A_292 = arith.constant 0 : i32
    %dma_start3A_293 = tpu.memref_slice %arg7[%dma_start3A_286, %dma_start3A_292] : memref<157x128xi32, #tpu.memory_space<vmem>> -> memref<1x128xi32, #tpu.memory_space<vmem>>
    %dma_start3A_294 = tpu.memref_squeeze %dma_start3A_293 : memref<1x128xi32, #tpu.memory_space<vmem>> -> memref<128xi32, #tpu.memory_space<vmem>>
    %dma_start3A_295 = arith.constant 0 : i32
    %dma_start3A_296 = arith.constant 0 : i32
    %dma_start3A_297 = tpu.memref_slice %arg5[%dma_start3A_295, %dma_start3A_296] : memref<10240x32xf32, #tpu.memory_space<vmem_shared>> -> memref<10240x32xf32, #tpu.memory_space<vmem_shared>>
    %dma_start3A_298 = tpu.memref_slice %arg10[%dma_start3A_287] : memref<6x!tpu.dma_semaphore, #tpu.memory_space<semaphore_mem>> -> memref<1x!tpu.dma_semaphore, #tpu.memory_space<semaphore_mem>>
    %dma_start3A_299 = tpu.memref_squeeze %dma_start3A_298 : memref<1x!tpu.dma_semaphore, #tpu.memory_space<semaphore_mem>> -> memref<!tpu.dma_semaphore, #tpu.memory_space<semaphore_mem>>
    tpu.enqueue_indirect_dma source(%dma_start3A_291 : memref<128x32xf32, #tpu.memory_space<vmem>>) target(%dma_start3A_297 : memref<10240x32xf32, #tpu.memory_space<vmem_shared>>) offsets(%dma_start3A_294 : memref<128xi32, #tpu.memory_space<vmem>>) semaphore(%dma_start3A_299 : memref<!tpu.dma_semaphore, #tpu.memory_space<semaphore_mem>>) {add = true}
    %dma_wait3A_300 = arith.constant 0 : i32
    %dma_wait3A_301 = arith.constant 0 : i32
    %dma_wait3A_302 = arith.constant 0 : i32
    %dma_wait3A_303 = arith.constant 0 : i32
    %dma_wait3A_304 = arith.constant 0 : i32
    %dma_wait3A_305 = tpu.memref_slice %arg8[%dma_wait3A_300, %dma_wait3A_303, %dma_wait3A_304] : memref<6x128x32xf32, #tpu.memory_space<vmem>> -> memref<1x128x32xf32, #tpu.memory_space<vmem>>
    %dma_wait3A_306 = tpu.memref_squeeze %dma_wait3A_305 : memref<1x128x32xf32, #tpu.memory_space<vmem>> -> memref<128x32xf32, #tpu.memory_space<vmem>>
    %dma_wait3A_307 = arith.constant 0 : i32
    %dma_wait3A_308 = tpu.memref_slice %arg7[%dma_wait3A_301, %dma_wait3A_307] : memref<157x128xi32, #tpu.memory_space<vmem>> -> memref<1x128xi32, #tpu.memory_space<vmem>>
    %dma_wait3A_309 = tpu.memref_squeeze %dma_wait3A_308 : memref<1x128xi32, #tpu.memory_space<vmem>> -> memref<128xi32, #tpu.memory_space<vmem>>
    %dma_wait3A_310 = arith.constant 0 : i32
    %dma_wait3A_311 = arith.constant 0 : i32
    %dma_wait3A_312 = tpu.memref_slice %arg5[%dma_wait3A_310, %dma_wait3A_311] : memref<10240x32xf32, #tpu.memory_space<vmem_shared>> -> memref<10240x32xf32, #tpu.memory_space<vmem_shared>>
    %dma_wait3A_313 = tpu.memref_slice %arg10[%dma_wait3A_302] : memref<6x!tpu.dma_semaphore, #tpu.memory_space<semaphore_mem>> -> memref<1x!tpu.dma_semaphore, #tpu.memory_space<semaphore_mem>>
    %dma_wait3A_314 = tpu.memref_squeeze %dma_wait3A_313 : memref<1x!tpu.dma_semaphore, #tpu.memory_space<semaphore_mem>> -> memref<!tpu.dma_semaphore, #tpu.memory_space<semaphore_mem>>
    tpu.wait_indirect_dma semaphore(%dma_wait3A_314 : memref<!tpu.dma_semaphore, #tpu.memory_space<semaphore_mem>>) src(%dma_wait3A_306 : memref<128x32xf32, #tpu.memory_space<vmem>>) dst(%dma_wait3A_312 : memref<10240x32xf32, #tpu.memory_space<vmem_shared>>)
    %dma_start3A_315 = arith.constant 6 : i32
    %dma_start3A_316 = arith.constant 0 : i32
    %dma_start3A_317 = arith.constant 0 : i32
    %dma_start3A_318 = arith.constant 0 : i32
    %dma_start3A_319 = arith.constant 0 : i32
    %dma_start3A_320 = tpu.memref_slice %arg8[%dma_start3A_316, %dma_start3A_318, %dma_start3A_319] : memref<6x128x32xf32, #tpu.memory_space<vmem>> -> memref<1x128x32xf32, #tpu.memory_space<vmem>>
    %dma_start3A_321 = tpu.memref_squeeze %dma_start3A_320 : memref<1x128x32xf32, #tpu.memory_space<vmem>> -> memref<128x32xf32, #tpu.memory_space<vmem>>
    %dma_start3A_322 = arith.constant 0 : i32
    %dma_start3A_323 = tpu.memref_slice %arg6[%dma_start3A_315, %dma_start3A_322] : memref<157x128xi32, #tpu.memory_space<vmem>> -> memref<1x128xi32, #tpu.memory_space<vmem>>
    %dma_start3A_324 = tpu.memref_squeeze %dma_start3A_323 : memref<1x128xi32, #tpu.memory_space<vmem>> -> memref<128xi32, #tpu.memory_space<vmem>>
    %dma_start3A_325 = arith.constant 0 : i32
    %dma_start3A_326 = arith.constant 0 : i32
    %dma_start3A_327 = tpu.memref_slice %arg2[%arg0, %dma_start3A_325, %dma_start3A_326] : memref<2x10000x32xf32, #tpu.memory_space<hbm>> -> memref<1x10000x32xf32, #tpu.memory_space<hbm>>
    %dma_start3A_328 = tpu.memref_squeeze %dma_start3A_327 : memref<1x10000x32xf32, #tpu.memory_space<hbm>> -> memref<10000x32xf32, #tpu.memory_space<hbm>>
    %dma_start3A_329 = arith.constant 0 : i32
    %dma_start3A_330 = arith.constant 0 : i32
    %dma_start3A_331 = tpu.memref_slice %dma_start3A_328[%dma_start3A_329, %dma_start3A_330] : memref<10000x32xf32, #tpu.memory_space<hbm>> -> memref<10000x32xf32, #tpu.memory_space<hbm>>
    %dma_start3A_332 = tpu.memref_slice %arg9[%dma_start3A_317] : memref<6x!tpu.dma_semaphore, #tpu.memory_space<semaphore_mem>> -> memref<1x!tpu.dma_semaphore, #tpu.memory_space<semaphore_mem>>
    %dma_start3A_333 = tpu.memref_squeeze %dma_start3A_332 : memref<1x!tpu.dma_semaphore, #tpu.memory_space<semaphore_mem>> -> memref<!tpu.dma_semaphore, #tpu.memory_space<semaphore_mem>>
    tpu.enqueue_indirect_dma source(%dma_start3A_331 : memref<10000x32xf32, #tpu.memory_space<hbm>>) target(%dma_start3A_321 : memref<128x32xf32, #tpu.memory_space<vmem>>) offsets(%dma_start3A_324 : memref<128xi32, #tpu.memory_space<vmem>>) semaphore(%dma_start3A_333 : memref<!tpu.dma_semaphore, #tpu.memory_space<semaphore_mem>>)
    %dma_wait3A_334 = arith.constant 2 : i32
    %dma_wait3A_335 = arith.constant 2 : i32
    %dma_wait3A_336 = arith.constant 2 : i32
    %dma_wait3A_337 = arith.constant 0 : i32
    %dma_wait3A_338 = arith.constant 0 : i32
    %dma_wait3A_339 = tpu.memref_slice %arg8[%dma_wait3A_335, %dma_wait3A_337, %dma_wait3A_338] : memref<6x128x32xf32, #tpu.memory_space<vmem>> -> memref<1x128x32xf32, #tpu.memory_space<vmem>>
    %dma_wait3A_340 = tpu.memref_squeeze %dma_wait3A_339 : memref<1x128x32xf32, #tpu.memory_space<vmem>> -> memref<128x32xf32, #tpu.memory_space<vmem>>
    %dma_wait3A_341 = arith.constant 0 : i32
    %dma_wait3A_342 = tpu.memref_slice %arg6[%dma_wait3A_334, %dma_wait3A_341] : memref<157x128xi32, #tpu.memory_space<vmem>> -> memref<1x128xi32, #tpu.memory_space<vmem>>
    %dma_wait3A_343 = tpu.memref_squeeze %dma_wait3A_342 : memref<1x128xi32, #tpu.memory_space<vmem>> -> memref<128xi32, #tpu.memory_space<vmem>>
    %dma_wait3A_344 = arith.constant 0 : i32
    %dma_wait3A_345 = arith.constant 0 : i32
    %dma_wait3A_346 = tpu.memref_slice %arg2[%arg0, %dma_wait3A_344, %dma_wait3A_345] : memref<2x10000x32xf32, #tpu.memory_space<hbm>> -> memref<1x10000x32xf32, #tpu.memory_space<hbm>>
    %dma_wait3A_347 = tpu.memref_squeeze %dma_wait3A_346 : memref<1x10000x32xf32, #tpu.memory_space<hbm>> -> memref<10000x32xf32, #tpu.memory_space<hbm>>
    %dma_wait3A_348 = arith.constant 0 : i32
    %dma_wait3A_349 = arith.constant 0 : i32
    %dma_wait3A_350 = tpu.memref_slice %dma_wait3A_347[%dma_wait3A_348, %dma_wait3A_349] : memref<10000x32xf32, #tpu.memory_space<hbm>> -> memref<10000x32xf32, #tpu.memory_space<hbm>>
    %dma_wait3A_351 = tpu.memref_slice %arg9[%dma_wait3A_336] : memref<6x!tpu.dma_semaphore, #tpu.memory_space<semaphore_mem>> -> memref<1x!tpu.dma_semaphore, #tpu.memory_space<semaphore_mem>>
    %dma_wait3A_352 = tpu.memref_squeeze %dma_wait3A_351 : memref<1x!tpu.dma_semaphore, #tpu.memory_space<semaphore_mem>> -> memref<!tpu.dma_semaphore, #tpu.memory_space<semaphore_mem>>
    tpu.wait_indirect_dma semaphore(%dma_wait3A_352 : memref<!tpu.dma_semaphore, #tpu.memory_space<semaphore_mem>>) src(%dma_wait3A_350 : memref<10000x32xf32, #tpu.memory_space<hbm>>) dst(%dma_wait3A_340 : memref<128x32xf32, #tpu.memory_space<vmem>>)
    %dma_start3A_353 = arith.constant 2 : i32
    %dma_start3A_354 = arith.constant 2 : i32
    %dma_start3A_355 = arith.constant 2 : i32
    %dma_start3A_356 = arith.constant 0 : i32
    %dma_start3A_357 = arith.constant 0 : i32
    %dma_start3A_358 = tpu.memref_slice %arg8[%dma_start3A_353, %dma_start3A_356, %dma_start3A_357] : memref<6x128x32xf32, #tpu.memory_space<vmem>> -> memref<1x128x32xf32, #tpu.memory_space<vmem>>
    %dma_start3A_359 = tpu.memref_squeeze %dma_start3A_358 : memref<1x128x32xf32, #tpu.memory_space<vmem>> -> memref<128x32xf32, #tpu.memory_space<vmem>>
    %dma_start3A_360 = arith.constant 0 : i32
    %dma_start3A_361 = tpu.memref_slice %arg7[%dma_start3A_354, %dma_start3A_360] : memref<157x128xi32, #tpu.memory_space<vmem>> -> memref<1x128xi32, #tpu.memory_space<vmem>>
    %dma_start3A_362 = tpu.memref_squeeze %dma_start3A_361 : memref<1x128xi32, #tpu.memory_space<vmem>> -> memref<128xi32, #tpu.memory_space<vmem>>
    %dma_start3A_363 = arith.constant 0 : i32
    %dma_start3A_364 = arith.constant 0 : i32
    %dma_start3A_365 = tpu.memref_slice %arg5[%dma_start3A_363, %dma_start3A_364] : memref<10240x32xf32, #tpu.memory_space<vmem_shared>> -> memref<10240x32xf32, #tpu.memory_space<vmem_shared>>
    %dma_start3A_366 = tpu.memref_slice %arg10[%dma_start3A_355] : memref<6x!tpu.dma_semaphore, #tpu.memory_space<semaphore_mem>> -> memref<1x!tpu.dma_semaphore, #tpu.memory_space<semaphore_mem>>
    %dma_start3A_367 = tpu.memref_squeeze %dma_start3A_366 : memref<1x!tpu.dma_semaphore, #tpu.memory_space<semaphore_mem>> -> memref<!tpu.dma_semaphore, #tpu.memory_space<semaphore_mem>>
    tpu.enqueue_indirect_dma source(%dma_start3A_359 : memref<128x32xf32, #tpu.memory_space<vmem>>) target(%dma_start3A_365 : memref<10240x32xf32, #tpu.memory_space<vmem_shared>>) offsets(%dma_start3A_362 : memref<128xi32, #tpu.memory_space<vmem>>) semaphore(%dma_start3A_367 : memref<!tpu.dma_semaphore, #tpu.memory_space<semaphore_mem>>) {add = true}
    %dma_wait3A_368 = arith.constant 1 : i32
    %dma_wait3A_369 = arith.constant 1 : i32
    %dma_wait3A_370 = arith.constant 1 : i32
    %dma_wait3A_371 = arith.constant 0 : i32
    %dma_wait3A_372 = arith.constant 0 : i32
    %dma_wait3A_373 = tpu.memref_slice %arg8[%dma_wait3A_368, %dma_wait3A_371, %dma_wait3A_372] : memref<6x128x32xf32, #tpu.memory_space<vmem>> -> memref<1x128x32xf32, #tpu.memory_space<vmem>>
    %dma_wait3A_374 = tpu.memref_squeeze %dma_wait3A_373 : memref<1x128x32xf32, #tpu.memory_space<vmem>> -> memref<128x32xf32, #tpu.memory_space<vmem>>
    %dma_wait3A_375 = arith.constant 0 : i32
    %dma_wait3A_376 = tpu.memref_slice %arg7[%dma_wait3A_369, %dma_wait3A_375] : memref<157x128xi32, #tpu.memory_space<vmem>> -> memref<1x128xi32, #tpu.memory_space<vmem>>
    %dma_wait3A_377 = tpu.memref_squeeze %dma_wait3A_376 : memref<1x128xi32, #tpu.memory_space<vmem>> -> memref<128xi32, #tpu.memory_space<vmem>>
    %dma_wait3A_378 = arith.constant 0 : i32
    %dma_wait3A_379 = arith.constant 0 : i32
    %dma_wait3A_380 = tpu.memref_slice %arg5[%dma_wait3A_378, %dma_wait3A_379] : memref<10240x32xf32, #tpu.memory_space<vmem_shared>> -> memref<10240x32xf32, #tpu.memory_space<vmem_shared>>
    %dma_wait3A_381 = tpu.memref_slice %arg10[%dma_wait3A_370] : memref<6x!tpu.dma_semaphore, #tpu.memory_space<semaphore_mem>> -> memref<1x!tpu.dma_semaphore, #tpu.memory_space<semaphore_mem>>
    %dma_wait3A_382 = tpu.memref_squeeze %dma_wait3A_381 : memref<1x!tpu.dma_semaphore, #tpu.memory_space<semaphore_mem>> -> memref<!tpu.dma_semaphore, #tpu.memory_space<semaphore_mem>>
    tpu.wait_indirect_dma semaphore(%dma_wait3A_382 : memref<!tpu.dma_semaphore, #tpu.memory_space<semaphore_mem>>) src(%dma_wait3A_374 : memref<128x32xf32, #tpu.memory_space<vmem>>) dst(%dma_wait3A_380 : memref<10240x32xf32, #tpu.memory_space<vmem_shared>>)
    %dma_start3A_383 = arith.constant 7 : i32
    %dma_start3A_384 = arith.constant 1 : i32
    %dma_start3A_385 = arith.constant 1 : i32
    %dma_start3A_386 = arith.constant 0 : i32
    %dma_start3A_387 = arith.constant 0 : i32
    %dma_start3A_388 = tpu.memref_slice %arg8[%dma_start3A_384, %dma_start3A_386, %dma_start3A_387] : memref<6x128x32xf32, #tpu.memory_space<vmem>> -> memref<1x128x32xf32, #tpu.memory_space<vmem>>
    %dma_start3A_389 = tpu.memref_squeeze %dma_start3A_388 : memref<1x128x32xf32, #tpu.memory_space<vmem>> -> memref<128x32xf32, #tpu.memory_space<vmem>>
    %dma_start3A_390 = arith.constant 0 : i32
    %dma_start3A_391 = tpu.memref_slice %arg6[%dma_start3A_383, %dma_start3A_390] : memref<157x128xi32, #tpu.memory_space<vmem>> -> memref<1x128xi32, #tpu.memory_space<vmem>>
    %dma_start3A_392 = tpu.memref_squeeze %dma_start3A_391 : memref<1x128xi32, #tpu.memory_space<vmem>> -> memref<128xi32, #tpu.memory_space<vmem>>
    %dma_start3A_393 = arith.constant 0 : i32
    %dma_start3A_394 = arith.constant 0 : i32
    %dma_start3A_395 = tpu.memref_slice %arg2[%arg0, %dma_start3A_393, %dma_start3A_394] : memref<2x10000x32xf32, #tpu.memory_space<hbm>> -> memref<1x10000x32xf32, #tpu.memory_space<hbm>>
    %dma_start3A_396 = tpu.memref_squeeze %dma_start3A_395 : memref<1x10000x32xf32, #tpu.memory_space<hbm>> -> memref<10000x32xf32, #tpu.memory_space<hbm>>
    %dma_start3A_397 = arith.constant 0 : i32
    %dma_start3A_398 = arith.constant 0 : i32
    %dma_start3A_399 = tpu.memref_slice %dma_start3A_396[%dma_start3A_397, %dma_start3A_398] : memref<10000x32xf32, #tpu.memory_space<hbm>> -> memref<10000x32xf32, #tpu.memory_space<hbm>>
    %dma_start3A_400 = tpu.memref_slice %arg9[%dma_start3A_385] : memref<6x!tpu.dma_semaphore, #tpu.memory_space<semaphore_mem>> -> memref<1x!tpu.dma_semaphore, #tpu.memory_space<semaphore_mem>>
    %dma_start3A_401 = tpu.memref_squeeze %dma_start3A_400 : memref<1x!tpu.dma_semaphore, #tpu.memory_space<semaphore_mem>> -> memref<!tpu.dma_semaphore, #tpu.memory_space<semaphore_mem>>
    tpu.enqueue_indirect_dma source(%dma_start3A_399 : memref<10000x32xf32, #tpu.memory_space<hbm>>) target(%dma_start3A_389 : memref<128x32xf32, #tpu.memory_space<vmem>>) offsets(%dma_start3A_392 : memref<128xi32, #tpu.memory_space<vmem>>) semaphore(%dma_start3A_401 : memref<!tpu.dma_semaphore, #tpu.memory_space<semaphore_mem>>)
    %dma_wait3A_402 = arith.constant 3 : i32
    %dma_wait3A_403 = arith.constant 3 : i32
    %dma_wait3A_404 = arith.constant 3 : i32
    %dma_wait3A_405 = arith.constant 0 : i32
    %dma_wait3A_406 = arith.constant 0 : i32
    %dma_wait3A_407 = tpu.memref_slice %arg8[%dma_wait3A_403, %dma_wait3A_405, %dma_wait3A_406] : memref<6x128x32xf32, #tpu.memory_space<vmem>> -> memref<1x128x32xf32, #tpu.memory_space<vmem>>
    %dma_wait3A_408 = tpu.memref_squeeze %dma_wait3A_407 : memref<1x128x32xf32, #tpu.memory_space<vmem>> -> memref<128x32xf32, #tpu.memory_space<vmem>>
    %dma_wait3A_409 = arith.constant 0 : i32
    %dma_wait3A_410 = tpu.memref_slice %arg6[%dma_wait3A_402, %dma_wait3A_409] : memref<157x128xi32, #tpu.memory_space<vmem>> -> memref<1x128xi32, #tpu.memory_space<vmem>>
    %dma_wait3A_411 = tpu.memref_squeeze %dma_wait3A_410 : memref<1x128xi32, #tpu.memory_space<vmem>> -> memref<128xi32, #tpu.memory_space<vmem>>
    %dma_wait3A_412 = arith.constant 0 : i32
    %dma_wait3A_413 = arith.constant 0 : i32
    %dma_wait3A_414 = tpu.memref_slice %arg2[%arg0, %dma_wait3A_412, %dma_wait3A_413] : memref<2x10000x32xf32, #tpu.memory_space<hbm>> -> memref<1x10000x32xf32, #tpu.memory_space<hbm>>
    %dma_wait3A_415 = tpu.memref_squeeze %dma_wait3A_414 : memref<1x10000x32xf32, #tpu.memory_space<hbm>> -> memref<10000x32xf32, #tpu.memory_space<hbm>>
    %dma_wait3A_416 = arith.constant 0 : i32
    %dma_wait3A_417 = arith.constant 0 : i32
    %dma_wait3A_418 = tpu.memref_slice %dma_wait3A_415[%dma_wait3A_416, %dma_wait3A_417] : memref<10000x32xf32, #tpu.memory_space<hbm>> -> memref<10000x32xf32, #tpu.memory_space<hbm>>
    %dma_wait3A_419 = tpu.memref_slice %arg9[%dma_wait3A_404] : memref<6x!tpu.dma_semaphore, #tpu.memory_space<semaphore_mem>> -> memref<1x!tpu.dma_semaphore, #tpu.memory_space<semaphore_mem>>
    %dma_wait3A_420 = tpu.memref_squeeze %dma_wait3A_419 : memref<1x!tpu.dma_semaphore, #tpu.memory_space<semaphore_mem>> -> memref<!tpu.dma_semaphore, #tpu.memory_space<semaphore_mem>>
    tpu.wait_indirect_dma semaphore(%dma_wait3A_420 : memref<!tpu.dma_semaphore, #tpu.memory_space<semaphore_mem>>) src(%dma_wait3A_418 : memref<10000x32xf32, #tpu.memory_space<hbm>>) dst(%dma_wait3A_408 : memref<128x32xf32, #tpu.memory_space<vmem>>)
    %dma_start3A_421 = arith.constant 3 : i32
    %dma_start3A_422 = arith.constant 3 : i32
    %dma_start3A_423 = arith.constant 3 : i32
    %dma_start3A_424 = arith.constant 0 : i32
    %dma_start3A_425 = arith.constant 0 : i32
    %dma_start3A_426 = tpu.memref_slice %arg8[%dma_start3A_421, %dma_start3A_424, %dma_start3A_425] : memref<6x128x32xf32, #tpu.memory_space<vmem>> -> memref<1x128x32xf32, #tpu.memory_space<vmem>>
    %dma_start3A_427 = tpu.memref_squeeze %dma_start3A_426 : memref<1x128x32xf32, #tpu.memory_space<vmem>> -> memref<128x32xf32, #tpu.memory_space<vmem>>
    %dma_start3A_428 = arith.constant 0 : i32
    %dma_start3A_429 = tpu.memref_slice %arg7[%dma_start3A_422, %dma_start3A_428] : memref<157x128xi32, #tpu.memory_space<vmem>> -> memref<1x128xi32, #tpu.memory_space<vmem>>
    %dma_start3A_430 = tpu.memref_squeeze %dma_start3A_429 : memref<1x128xi32, #tpu.memory_space<vmem>> -> memref<128xi32, #tpu.memory_space<vmem>>
    %dma_start3A_431 = arith.constant 0 : i32
    %dma_start3A_432 = arith.constant 0 : i32
    %dma_start3A_433 = tpu.memref_slice %arg5[%dma_start3A_431, %dma_start3A_432] : memref<10240x32xf32, #tpu.memory_space<vmem_shared>> -> memref<10240x32xf32, #tpu.memory_space<vmem_shared>>
    %dma_start3A_434 = tpu.memref_slice %arg10[%dma_start3A_423] : memref<6x!tpu.dma_semaphore, #tpu.memory_space<semaphore_mem>> -> memref<1x!tpu.dma_semaphore, #tpu.memory_space<semaphore_mem>>
    %dma_start3A_435 = tpu.memref_squeeze %dma_start3A_434 : memref<1x!tpu.dma_semaphore, #tpu.memory_space<semaphore_mem>> -> memref<!tpu.dma_semaphore, #tpu.memory_space<semaphore_mem>>
    tpu.enqueue_indirect_dma source(%dma_start3A_427 : memref<128x32xf32, #tpu.memory_space<vmem>>) target(%dma_start3A_433 : memref<10240x32xf32, #tpu.memory_space<vmem_shared>>) offsets(%dma_start3A_430 : memref<128xi32, #tpu.memory_space<vmem>>) semaphore(%dma_start3A_435 : memref<!tpu.dma_semaphore, #tpu.memory_space<semaphore_mem>>) {add = true}
    %dma_wait3A_436 = arith.constant 2 : i32
    %dma_wait3A_437 = arith.constant 2 : i32
    %dma_wait3A_438 = arith.constant 2 : i32
    %dma_wait3A_439 = arith.constant 0 : i32
    %dma_wait3A_440 = arith.constant 0 : i32
    %dma_wait3A_441 = tpu.memref_slice %arg8[%dma_wait3A_436, %dma_wait3A_439, %dma_wait3A_440] : memref<6x128x32xf32, #tpu.memory_space<vmem>> -> memref<1x128x32xf32, #tpu.memory_space<vmem>>
    %dma_wait3A_442 = tpu.memref_squeeze %dma_wait3A_441 : memref<1x128x32xf32, #tpu.memory_space<vmem>> -> memref<128x32xf32, #tpu.memory_space<vmem>>
    %dma_wait3A_443 = arith.constant 0 : i32
    %dma_wait3A_444 = tpu.memref_slice %arg7[%dma_wait3A_437, %dma_wait3A_443] : memref<157x128xi32, #tpu.memory_space<vmem>> -> memref<1x128xi32, #tpu.memory_space<vmem>>
    %dma_wait3A_445 = tpu.memref_squeeze %dma_wait3A_444 : memref<1x128xi32, #tpu.memory_space<vmem>> -> memref<128xi32, #tpu.memory_space<vmem>>
    %dma_wait3A_446 = arith.constant 0 : i32
    %dma_wait3A_447 = arith.constant 0 : i32
    %dma_wait3A_448 = tpu.memref_slice %arg5[%dma_wait3A_446, %dma_wait3A_447] : memref<10240x32xf32, #tpu.memory_space<vmem_shared>> -> memref<10240x32xf32, #tpu.memory_space<vmem_shared>>
    %dma_wait3A_449 = tpu.memref_slice %arg10[%dma_wait3A_438] : memref<6x!tpu.dma_semaphore, #tpu.memory_space<semaphore_mem>> -> memref<1x!tpu.dma_semaphore, #tpu.memory_space<semaphore_mem>>
    %dma_wait3A_450 = tpu.memref_squeeze %dma_wait3A_449 : memref<1x!tpu.dma_semaphore, #tpu.memory_space<semaphore_mem>> -> memref<!tpu.dma_semaphore, #tpu.memory_space<semaphore_mem>>
    tpu.wait_indirect_dma semaphore(%dma_wait3A_450 : memref<!tpu.dma_semaphore, #tpu.memory_space<semaphore_mem>>) src(%dma_wait3A_442 : memref<128x32xf32, #tpu.memory_space<vmem>>) dst(%dma_wait3A_448 : memref<10240x32xf32, #tpu.memory_space<vmem_shared>>)
    %dma_start3A_451 = arith.constant 8 : i32
    %dma_start3A_452 = arith.constant 2 : i32
    %dma_start3A_453 = arith.constant 2 : i32
    %dma_start3A_454 = arith.constant 0 : i32
    %dma_start3A_455 = arith.constant 0 : i32
    %dma_start3A_456 = tpu.memref_slice %arg8[%dma_start3A_452, %dma_start3A_454, %dma_start3A_455] : memref<6x128x32xf32, #tpu.memory_space<vmem>> -> memref<1x128x32xf32, #tpu.memory_space<vmem>>
    %dma_start3A_457 = tpu.memref_squeeze %dma_start3A_456 : memref<1x128x32xf32, #tpu.memory_space<vmem>> -> memref<128x32xf32, #tpu.memory_space<vmem>>
    %dma_start3A_458 = arith.constant 0 : i32
    %dma_start3A_459 = tpu.memref_slice %arg6[%dma_start3A_451, %dma_start3A_458] : memref<157x128xi32, #tpu.memory_space<vmem>> -> memref<1x128xi32, #tpu.memory_space<vmem>>
    %dma_start3A_460 = tpu.memref_squeeze %dma_start3A_459 : memref<1x128xi32, #tpu.memory_space<vmem>> -> memref<128xi32, #tpu.memory_space<vmem>>
    %dma_start3A_461 = arith.constant 0 : i32
    %dma_start3A_462 = arith.constant 0 : i32
    %dma_start3A_463 = tpu.memref_slice %arg2[%arg0, %dma_start3A_461, %dma_start3A_462] : memref<2x10000x32xf32, #tpu.memory_space<hbm>> -> memref<1x10000x32xf32, #tpu.memory_space<hbm>>
    %dma_start3A_464 = tpu.memref_squeeze %dma_start3A_463 : memref<1x10000x32xf32, #tpu.memory_space<hbm>> -> memref<10000x32xf32, #tpu.memory_space<hbm>>
    %dma_start3A_465 = arith.constant 0 : i32
    %dma_start3A_466 = arith.constant 0 : i32
    %dma_start3A_467 = tpu.memref_slice %dma_start3A_464[%dma_start3A_465, %dma_start3A_466] : memref<10000x32xf32, #tpu.memory_space<hbm>> -> memref<10000x32xf32, #tpu.memory_space<hbm>>
    %dma_start3A_468 = tpu.memref_slice %arg9[%dma_start3A_453] : memref<6x!tpu.dma_semaphore, #tpu.memory_space<semaphore_mem>> -> memref<1x!tpu.dma_semaphore, #tpu.memory_space<semaphore_mem>>
    %dma_start3A_469 = tpu.memref_squeeze %dma_start3A_468 : memref<1x!tpu.dma_semaphore, #tpu.memory_space<semaphore_mem>> -> memref<!tpu.dma_semaphore, #tpu.memory_space<semaphore_mem>>
    tpu.enqueue_indirect_dma source(%dma_start3A_467 : memref<10000x32xf32, #tpu.memory_space<hbm>>) target(%dma_start3A_457 : memref<128x32xf32, #tpu.memory_space<vmem>>) offsets(%dma_start3A_460 : memref<128xi32, #tpu.memory_space<vmem>>) semaphore(%dma_start3A_469 : memref<!tpu.dma_semaphore, #tpu.memory_space<semaphore_mem>>)
    %dma_wait3A_470 = arith.constant 4 : i32
    %dma_wait3A_471 = arith.constant 4 : i32
    %dma_wait3A_472 = arith.constant 4 : i32
    %dma_wait3A_473 = arith.constant 0 : i32
    %dma_wait3A_474 = arith.constant 0 : i32
    %dma_wait3A_475 = tpu.memref_slice %arg8[%dma_wait3A_471, %dma_wait3A_473, %dma_wait3A_474] : memref<6x128x32xf32, #tpu.memory_space<vmem>> -> memref<1x128x32xf32, #tpu.memory_space<vmem>>
    %dma_wait3A_476 = tpu.memref_squeeze %dma_wait3A_475 : memref<1x128x32xf32, #tpu.memory_space<vmem>> -> memref<128x32xf32, #tpu.memory_space<vmem>>
    %dma_wait3A_477 = arith.constant 0 : i32
    %dma_wait3A_478 = tpu.memref_slice %arg6[%dma_wait3A_470, %dma_wait3A_477] : memref<157x128xi32, #tpu.memory_space<vmem>> -> memref<1x128xi32, #tpu.memory_space<vmem>>
    %dma_wait3A_479 = tpu.memref_squeeze %dma_wait3A_478 : memref<1x128xi32, #tpu.memory_space<vmem>> -> memref<128xi32, #tpu.memory_space<vmem>>
    %dma_wait3A_480 = arith.constant 0 : i32
    %dma_wait3A_481 = arith.constant 0 : i32
    %dma_wait3A_482 = tpu.memref_slice %arg2[%arg0, %dma_wait3A_480, %dma_wait3A_481] : memref<2x10000x32xf32, #tpu.memory_space<hbm>> -> memref<1x10000x32xf32, #tpu.memory_space<hbm>>
    %dma_wait3A_483 = tpu.memref_squeeze %dma_wait3A_482 : memref<1x10000x32xf32, #tpu.memory_space<hbm>> -> memref<10000x32xf32, #tpu.memory_space<hbm>>
    %dma_wait3A_484 = arith.constant 0 : i32
    %dma_wait3A_485 = arith.constant 0 : i32
    %dma_wait3A_486 = tpu.memref_slice %dma_wait3A_483[%dma_wait3A_484, %dma_wait3A_485] : memref<10000x32xf32, #tpu.memory_space<hbm>> -> memref<10000x32xf32, #tpu.memory_space<hbm>>
    %dma_wait3A_487 = tpu.memref_slice %arg9[%dma_wait3A_472] : memref<6x!tpu.dma_semaphore, #tpu.memory_space<semaphore_mem>> -> memref<1x!tpu.dma_semaphore, #tpu.memory_space<semaphore_mem>>
    %dma_wait3A_488 = tpu.memref_squeeze %dma_wait3A_487 : memref<1x!tpu.dma_semaphore, #tpu.memory_space<semaphore_mem>> -> memref<!tpu.dma_semaphore, #tpu.memory_space<semaphore_mem>>
    tpu.wait_indirect_dma semaphore(%dma_wait3A_488 : memref<!tpu.dma_semaphore, #tpu.memory_space<semaphore_mem>>) src(%dma_wait3A_486 : memref<10000x32xf32, #tpu.memory_space<hbm>>) dst(%dma_wait3A_476 : memref<128x32xf32, #tpu.memory_space<vmem>>)
    %dma_start3A_489 = arith.constant 4 : i32
    %dma_start3A_490 = arith.constant 4 : i32
    %dma_start3A_491 = arith.constant 4 : i32
    %dma_start3A_492 = arith.constant 0 : i32
    %dma_start3A_493 = arith.constant 0 : i32
    %dma_start3A_494 = tpu.memref_slice %arg8[%dma_start3A_489, %dma_start3A_492, %dma_start3A_493] : memref<6x128x32xf32, #tpu.memory_space<vmem>> -> memref<1x128x32xf32, #tpu.memory_space<vmem>>
    %dma_start3A_495 = tpu.memref_squeeze %dma_start3A_494 : memref<1x128x32xf32, #tpu.memory_space<vmem>> -> memref<128x32xf32, #tpu.memory_space<vmem>>
    %dma_start3A_496 = arith.constant 0 : i32
    %dma_start3A_497 = tpu.memref_slice %arg7[%dma_start3A_490, %dma_start3A_496] : memref<157x128xi32, #tpu.memory_space<vmem>> -> memref<1x128xi32, #tpu.memory_space<vmem>>
    %dma_start3A_498 = tpu.memref_squeeze %dma_start3A_497 : memref<1x128xi32, #tpu.memory_space<vmem>> -> memref<128xi32, #tpu.memory_space<vmem>>
    %dma_start3A_499 = arith.constant 0 : i32
    %dma_start3A_500 = arith.constant 0 : i32
    %dma_start3A_501 = tpu.memref_slice %arg5[%dma_start3A_499, %dma_start3A_500] : memref<10240x32xf32, #tpu.memory_space<vmem_shared>> -> memref<10240x32xf32, #tpu.memory_space<vmem_shared>>
    %dma_start3A_502 = tpu.memref_slice %arg10[%dma_start3A_491] : memref<6x!tpu.dma_semaphore, #tpu.memory_space<semaphore_mem>> -> memref<1x!tpu.dma_semaphore, #tpu.memory_space<semaphore_mem>>
    %dma_start3A_503 = tpu.memref_squeeze %dma_start3A_502 : memref<1x!tpu.dma_semaphore, #tpu.memory_space<semaphore_mem>> -> memref<!tpu.dma_semaphore, #tpu.memory_space<semaphore_mem>>
    tpu.enqueue_indirect_dma source(%dma_start3A_495 : memref<128x32xf32, #tpu.memory_space<vmem>>) target(%dma_start3A_501 : memref<10240x32xf32, #tpu.memory_space<vmem_shared>>) offsets(%dma_start3A_498 : memref<128xi32, #tpu.memory_space<vmem>>) semaphore(%dma_start3A_503 : memref<!tpu.dma_semaphore, #tpu.memory_space<semaphore_mem>>) {add = true}
    %dma_wait3A_504 = arith.constant 3 : i32
    %dma_wait3A_505 = arith.constant 3 : i32
    %dma_wait3A_506 = arith.constant 3 : i32
    %dma_wait3A_507 = arith.constant 0 : i32
    %dma_wait3A_508 = arith.constant 0 : i32
    %dma_wait3A_509 = tpu.memref_slice %arg8[%dma_wait3A_504, %dma_wait3A_507, %dma_wait3A_508] : memref<6x128x32xf32, #tpu.memory_space<vmem>> -> memref<1x128x32xf32, #tpu.memory_space<vmem>>
    %dma_wait3A_510 = tpu.memref_squeeze %dma_wait3A_509 : memref<1x128x32xf32, #tpu.memory_space<vmem>> -> memref<128x32xf32, #tpu.memory_space<vmem>>
    %dma_wait3A_511 = arith.constant 0 : i32
    %dma_wait3A_512 = tpu.memref_slice %arg7[%dma_wait3A_505, %dma_wait3A_511] : memref<157x128xi32, #tpu.memory_space<vmem>> -> memref<1x128xi32, #tpu.memory_space<vmem>>
    %dma_wait3A_513 = tpu.memref_squeeze %dma_wait3A_512 : memref<1x128xi32, #tpu.memory_space<vmem>> -> memref<128xi32, #tpu.memory_space<vmem>>
    %dma_wait3A_514 = arith.constant 0 : i32
    %dma_wait3A_515 = arith.constant 0 : i32
    %dma_wait3A_516 = tpu.memref_slice %arg5[%dma_wait3A_514, %dma_wait3A_515] : memref<10240x32xf32, #tpu.memory_space<vmem_shared>> -> memref<10240x32xf32, #tpu.memory_space<vmem_shared>>
    %dma_wait3A_517 = tpu.memref_slice %arg10[%dma_wait3A_506] : memref<6x!tpu.dma_semaphore, #tpu.memory_space<semaphore_mem>> -> memref<1x!tpu.dma_semaphore, #tpu.memory_space<semaphore_mem>>
    %dma_wait3A_518 = tpu.memref_squeeze %dma_wait3A_517 : memref<1x!tpu.dma_semaphore, #tpu.memory_space<semaphore_mem>> -> memref<!tpu.dma_semaphore, #tpu.memory_space<semaphore_mem>>
    tpu.wait_indirect_dma semaphore(%dma_wait3A_518 : memref<!tpu.dma_semaphore, #tpu.memory_space<semaphore_mem>>) src(%dma_wait3A_510 : memref<128x32xf32, #tpu.memory_space<vmem>>) dst(%dma_wait3A_516 : memref<10240x32xf32, #tpu.memory_space<vmem_shared>>)
    %dma_start3A_519 = arith.constant 9 : i32
    %dma_start3A_520 = arith.constant 3 : i32
    %dma_start3A_521 = arith.constant 3 : i32
    %dma_start3A_522 = arith.constant 0 : i32
    %dma_start3A_523 = arith.constant 0 : i32
    %dma_start3A_524 = tpu.memref_slice %arg8[%dma_start3A_520, %dma_start3A_522, %dma_start3A_523] : memref<6x128x32xf32, #tpu.memory_space<vmem>> -> memref<1x128x32xf32, #tpu.memory_space<vmem>>
    %dma_start3A_525 = tpu.memref_squeeze %dma_start3A_524 : memref<1x128x32xf32, #tpu.memory_space<vmem>> -> memref<128x32xf32, #tpu.memory_space<vmem>>
    %dma_start3A_526 = arith.constant 0 : i32
    %dma_start3A_527 = tpu.memref_slice %arg6[%dma_start3A_519, %dma_start3A_526] : memref<157x128xi32, #tpu.memory_space<vmem>> -> memref<1x128xi32, #tpu.memory_space<vmem>>
    %dma_start3A_528 = tpu.memref_squeeze %dma_start3A_527 : memref<1x128xi32, #tpu.memory_space<vmem>> -> memref<128xi32, #tpu.memory_space<vmem>>
    %dma_start3A_529 = arith.constant 0 : i32
    %dma_start3A_530 = arith.constant 0 : i32
    %dma_start3A_531 = tpu.memref_slice %arg2[%arg0, %dma_start3A_529, %dma_start3A_530] : memref<2x10000x32xf32, #tpu.memory_space<hbm>> -> memref<1x10000x32xf32, #tpu.memory_space<hbm>>
    %dma_start3A_532 = tpu.memref_squeeze %dma_start3A_531 : memref<1x10000x32xf32, #tpu.memory_space<hbm>> -> memref<10000x32xf32, #tpu.memory_space<hbm>>
    %dma_start3A_533 = arith.constant 0 : i32
    %dma_start3A_534 = arith.constant 0 : i32
    %dma_start3A_535 = tpu.memref_slice %dma_start3A_532[%dma_start3A_533, %dma_start3A_534] : memref<10000x32xf32, #tpu.memory_space<hbm>> -> memref<10000x32xf32, #tpu.memory_space<hbm>>
    %dma_start3A_536 = tpu.memref_slice %arg9[%dma_start3A_521] : memref<6x!tpu.dma_semaphore, #tpu.memory_space<semaphore_mem>> -> memref<1x!tpu.dma_semaphore, #tpu.memory_space<semaphore_mem>>
    %dma_start3A_537 = tpu.memref_squeeze %dma_start3A_536 : memref<1x!tpu.dma_semaphore, #tpu.memory_space<semaphore_mem>> -> memref<!tpu.dma_semaphore, #tpu.memory_space<semaphore_mem>>
    tpu.enqueue_indirect_dma source(%dma_start3A_535 : memref<10000x32xf32, #tpu.memory_space<hbm>>) target(%dma_start3A_525 : memref<128x32xf32, #tpu.memory_space<vmem>>) offsets(%dma_start3A_528 : memref<128xi32, #tpu.memory_space<vmem>>) semaphore(%dma_start3A_537 : memref<!tpu.dma_semaphore, #tpu.memory_space<semaphore_mem>>)
    %dma_wait3A_538 = arith.constant 5 : i32
    %dma_wait3A_539 = arith.constant 5 : i32
    %dma_wait3A_540 = arith.constant 5 : i32
    %dma_wait3A_541 = arith.constant 0 : i32
    %dma_wait3A_542 = arith.constant 0 : i32
    %dma_wait3A_543 = tpu.memref_slice %arg8[%dma_wait3A_539, %dma_wait3A_541, %dma_wait3A_542] : memref<6x128x32xf32, #tpu.memory_space<vmem>> -> memref<1x128x32xf32, #tpu.memory_space<vmem>>
    %dma_wait3A_544 = tpu.memref_squeeze %dma_wait3A_543 : memref<1x128x32xf32, #tpu.memory_space<vmem>> -> memref<128x32xf32, #tpu.memory_space<vmem>>
    %dma_wait3A_545 = arith.constant 0 : i32
    %dma_wait3A_546 = tpu.memref_slice %arg6[%dma_wait3A_538, %dma_wait3A_545] : memref<157x128xi32, #tpu.memory_space<vmem>> -> memref<1x128xi32, #tpu.memory_space<vmem>>
    %dma_wait3A_547 = tpu.memref_squeeze %dma_wait3A_546 : memref<1x128xi32, #tpu.memory_space<vmem>> -> memref<128xi32, #tpu.memory_space<vmem>>
    %dma_wait3A_548 = arith.constant 0 : i32
    %dma_wait3A_549 = arith.constant 0 : i32
    %dma_wait3A_550 = tpu.memref_slice %arg2[%arg0, %dma_wait3A_548, %dma_wait3A_549] : memref<2x10000x32xf32, #tpu.memory_space<hbm>> -> memref<1x10000x32xf32, #tpu.memory_space<hbm>>
    %dma_wait3A_551 = tpu.memref_squeeze %dma_wait3A_550 : memref<1x10000x32xf32, #tpu.memory_space<hbm>> -> memref<10000x32xf32, #tpu.memory_space<hbm>>
    %dma_wait3A_552 = arith.constant 0 : i32
    %dma_wait3A_553 = arith.constant 0 : i32
    %dma_wait3A_554 = tpu.memref_slice %dma_wait3A_551[%dma_wait3A_552, %dma_wait3A_553] : memref<10000x32xf32, #tpu.memory_space<hbm>> -> memref<10000x32xf32, #tpu.memory_space<hbm>>
    %dma_wait3A_555 = tpu.memref_slice %arg9[%dma_wait3A_540] : memref<6x!tpu.dma_semaphore, #tpu.memory_space<semaphore_mem>> -> memref<1x!tpu.dma_semaphore, #tpu.memory_space<semaphore_mem>>
    %dma_wait3A_556 = tpu.memref_squeeze %dma_wait3A_555 : memref<1x!tpu.dma_semaphore, #tpu.memory_space<semaphore_mem>> -> memref<!tpu.dma_semaphore, #tpu.memory_space<semaphore_mem>>
    tpu.wait_indirect_dma semaphore(%dma_wait3A_556 : memref<!tpu.dma_semaphore, #tpu.memory_space<semaphore_mem>>) src(%dma_wait3A_554 : memref<10000x32xf32, #tpu.memory_space<hbm>>) dst(%dma_wait3A_544 : memref<128x32xf32, #tpu.memory_space<vmem>>)
    %dma_start3A_557 = arith.constant 5 : i32
    %dma_start3A_558 = arith.constant 5 : i32
    %dma_start3A_559 = arith.constant 5 : i32
    %dma_start3A_560 = arith.constant 0 : i32
    %dma_start3A_561 = arith.constant 0 : i32
    %dma_start3A_562 = tpu.memref_slice %arg8[%dma_start3A_557, %dma_start3A_560, %dma_start3A_561] : memref<6x128x32xf32, #tpu.memory_space<vmem>> -> memref<1x128x32xf32, #tpu.memory_space<vmem>>
    %dma_start3A_563 = tpu.memref_squeeze %dma_start3A_562 : memref<1x128x32xf32, #tpu.memory_space<vmem>> -> memref<128x32xf32, #tpu.memory_space<vmem>>
    %dma_start3A_564 = arith.constant 0 : i32
    %dma_start3A_565 = tpu.memref_slice %arg7[%dma_start3A_558, %dma_start3A_564] : memref<157x128xi32, #tpu.memory_space<vmem>> -> memref<1x128xi32, #tpu.memory_space<vmem>>
    %dma_start3A_566 = tpu.memref_squeeze %dma_start3A_565 : memref<1x128xi32, #tpu.memory_space<vmem>> -> memref<128xi32, #tpu.memory_space<vmem>>
    %dma_start3A_567 = arith.constant 0 : i32
    %dma_start3A_568 = arith.constant 0 : i32
    %dma_start3A_569 = tpu.memref_slice %arg5[%dma_start3A_567, %dma_start3A_568] : memref<10240x32xf32, #tpu.memory_space<vmem_shared>> -> memref<10240x32xf32, #tpu.memory_space<vmem_shared>>
    %dma_start3A_570 = tpu.memref_slice %arg10[%dma_start3A_559] : memref<6x!tpu.dma_semaphore, #tpu.memory_space<semaphore_mem>> -> memref<1x!tpu.dma_semaphore, #tpu.memory_space<semaphore_mem>>
    %dma_start3A_571 = tpu.memref_squeeze %dma_start3A_570 : memref<1x!tpu.dma_semaphore, #tpu.memory_space<semaphore_mem>> -> memref<!tpu.dma_semaphore, #tpu.memory_space<semaphore_mem>>
    tpu.enqueue_indirect_dma source(%dma_start3A_563 : memref<128x32xf32, #tpu.memory_space<vmem>>) target(%dma_start3A_569 : memref<10240x32xf32, #tpu.memory_space<vmem_shared>>) offsets(%dma_start3A_566 : memref<128xi32, #tpu.memory_space<vmem>>) semaphore(%dma_start3A_571 : memref<!tpu.dma_semaphore, #tpu.memory_space<semaphore_mem>>) {add = true}
    %scan3A_572 = arith.constant 0 : i32
    %scan3A_573 = arith.constant 1 : i32
    %scan3A_574 = arith.constant 24 : i32
    %scan3A_575 = arith.addi %scan3A_573, %scan3A_574 : i32
    %scan3A_576 = arith.constant 1 : i32
    %scan3A_577 = scf.for %scan3A_960 = %scan3A_573 to %scan3A_575 step %scan3A_576 iter_args(%scan3A_961 = %scan3A_572) -> (i32)  : i32 {
      %mul3A_962 = arith.constant 6 : i32
      %mul3A_963 = arith.muli %mul3A_962, %scan3A_960 : i32
      %add3A_964 = arith.constant 0 : i32
      %add3A_965 = arith.addi %mul3A_963, %add3A_964 : i32
      %add3A_966 = arith.constant 4 : i32
      %add3A_967 = arith.addi %add3A_965, %add3A_966 : i32
      %jit3A_968 = arith.constant 6 : i32
      %eq3A_969 = arith.constant 0 : i32
      %eq3A_970 = arith.cmpi eq, %jit3A_968, %eq3A_969 : i32
      %jit3A_971 = arith.constant 1 : i32
      %select_n3A_972 = arith.select %eq3A_970, %jit3A_971, %jit3A_968 : i32
      %rem3A_973 = arith.remsi %add3A_967, %select_n3A_972 : i32
      %ne3A_974 = arith.constant 0 : i32
      %ne3A_975 = arith.cmpi ne, %rem3A_973, %ne3A_974 : i32
      %lt3A_976 = arith.constant 0 : i32
      %lt3A_977 = arith.cmpi slt, %rem3A_973, %lt3A_976 : i32
      %lt3A_978 = arith.constant 0 : i32
      %lt3A_979 = arith.cmpi slt, %select_n3A_972, %lt3A_978 : i32
      %ne3A_980 = arith.xori %lt3A_977, %lt3A_979 : i1
      %and3A_981 = arith.andi %ne3A_980, %ne3A_975 : i1
      %add3A_982 = arith.addi %rem3A_973, %select_n3A_972 : i32
      %select_n3A_983 = arith.select %and3A_981, %add3A_982, %rem3A_973 : i32
      %sub3A_984 = arith.constant 2 : i32
      %sub3A_985 = arith.subi %add3A_965, %sub3A_984 : i32
      %dma_wait3A_986 = arith.constant 0 : i32
      %dma_wait3A_987 = arith.constant 0 : i32
      %dma_wait3A_988 = tpu.memref_slice %arg8[%select_n3A_983, %dma_wait3A_986, %dma_wait3A_987] : memref<6x128x32xf32, #tpu.memory_space<vmem>> -> memref<1x128x32xf32, #tpu.memory_space<vmem>>
      %dma_wait3A_989 = tpu.memref_squeeze %dma_wait3A_988 : memref<1x128x32xf32, #tpu.memory_space<vmem>> -> memref<128x32xf32, #tpu.memory_space<vmem>>
      %dma_wait3A_990 = arith.constant 0 : i32
      %dma_wait3A_991 = tpu.memref_slice %arg7[%sub3A_985, %dma_wait3A_990] : memref<157x128xi32, #tpu.memory_space<vmem>> -> memref<1x128xi32, #tpu.memory_space<vmem>>
      %dma_wait3A_992 = tpu.memref_squeeze %dma_wait3A_991 : memref<1x128xi32, #tpu.memory_space<vmem>> -> memref<128xi32, #tpu.memory_space<vmem>>
      %dma_wait3A_993 = arith.constant 0 : i32
      %dma_wait3A_994 = arith.constant 0 : i32
      %dma_wait3A_995 = tpu.memref_slice %arg5[%dma_wait3A_993, %dma_wait3A_994] : memref<10240x32xf32, #tpu.memory_space<vmem_shared>> -> memref<10240x32xf32, #tpu.memory_space<vmem_shared>>
      %dma_wait3A_996 = tpu.memref_slice %arg10[%select_n3A_983] : memref<6x!tpu.dma_semaphore, #tpu.memory_space<semaphore_mem>> -> memref<1x!tpu.dma_semaphore, #tpu.memory_space<semaphore_mem>>
      %dma_wait3A_997 = tpu.memref_squeeze %dma_wait3A_996 : memref<1x!tpu.dma_semaphore, #tpu.memory_space<semaphore_mem>> -> memref<!tpu.dma_semaphore, #tpu.memory_space<semaphore_mem>>
      tpu.wait_indirect_dma semaphore(%dma_wait3A_997 : memref<!tpu.dma_semaphore, #tpu.memory_space<semaphore_mem>>) src(%dma_wait3A_989 : memref<128x32xf32, #tpu.memory_space<vmem>>) dst(%dma_wait3A_995 : memref<10240x32xf32, #tpu.memory_space<vmem_shared>>)
      %add3A_998 = arith.constant 4 : i32
      %add3A_999 = arith.addi %add3A_965, %add3A_998 : i32
      %dma_start3A_1000 = arith.constant 0 : i32
      %dma_start3A_1001 = arith.constant 0 : i32
      %dma_start3A_1002 = tpu.memref_slice %arg8[%select_n3A_983, %dma_start3A_1000, %dma_start3A_1001] : memref<6x128x32xf32, #tpu.memory_space<vmem>> -> memref<1x128x32xf32, #tpu.memory_space<vmem>>
      %dma_start3A_1003 = tpu.memref_squeeze %dma_start3A_1002 : memref<1x128x32xf32, #tpu.memory_space<vmem>> -> memref<128x32xf32, #tpu.memory_space<vmem>>
      %dma_start3A_1004 = arith.constant 0 : i32
      %dma_start3A_1005 = tpu.memref_slice %arg6[%add3A_999, %dma_start3A_1004] : memref<157x128xi32, #tpu.memory_space<vmem>> -> memref<1x128xi32, #tpu.memory_space<vmem>>
      %dma_start3A_1006 = tpu.memref_squeeze %dma_start3A_1005 : memref<1x128xi32, #tpu.memory_space<vmem>> -> memref<128xi32, #tpu.memory_space<vmem>>
      %dma_start3A_1007 = arith.constant 0 : i32
      %dma_start3A_1008 = arith.constant 0 : i32
      %dma_start3A_1009 = tpu.memref_slice %arg2[%arg0, %dma_start3A_1007, %dma_start3A_1008] : memref<2x10000x32xf32, #tpu.memory_space<hbm>> -> memref<1x10000x32xf32, #tpu.memory_space<hbm>>
      %dma_start3A_1010 = tpu.memref_squeeze %dma_start3A_1009 : memref<1x10000x32xf32, #tpu.memory_space<hbm>> -> memref<10000x32xf32, #tpu.memory_space<hbm>>
      %dma_start3A_1011 = arith.constant 0 : i32
      %dma_start3A_1012 = arith.constant 0 : i32
      %dma_start3A_1013 = tpu.memref_slice %dma_start3A_1010[%dma_start3A_1011, %dma_start3A_1012] : memref<10000x32xf32, #tpu.memory_space<hbm>> -> memref<10000x32xf32, #tpu.memory_space<hbm>>
      %dma_start3A_1014 = tpu.memref_slice %arg9[%select_n3A_983] : memref<6x!tpu.dma_semaphore, #tpu.memory_space<semaphore_mem>> -> memref<1x!tpu.dma_semaphore, #tpu.memory_space<semaphore_mem>>
      %dma_start3A_1015 = tpu.memref_squeeze %dma_start3A_1014 : memref<1x!tpu.dma_semaphore, #tpu.memory_space<semaphore_mem>> -> memref<!tpu.dma_semaphore, #tpu.memory_space<semaphore_mem>>
      tpu.enqueue_indirect_dma source(%dma_start3A_1013 : memref<10000x32xf32, #tpu.memory_space<hbm>>) target(%dma_start3A_1003 : memref<128x32xf32, #tpu.memory_space<vmem>>) offsets(%dma_start3A_1006 : memref<128xi32, #tpu.memory_space<vmem>>) semaphore(%dma_start3A_1015 : memref<!tpu.dma_semaphore, #tpu.memory_space<semaphore_mem>>)
      %jit3A_1016 = arith.constant 6 : i32
      %eq3A_1017 = arith.constant 0 : i32
      %eq3A_1018 = arith.cmpi eq, %jit3A_1016, %eq3A_1017 : i32
      %jit3A_1019 = arith.constant 1 : i32
      %select_n3A_1020 = arith.select %eq3A_1018, %jit3A_1019, %jit3A_1016 : i32
      %rem3A_1021 = arith.remsi %add3A_965, %select_n3A_1020 : i32
      %ne3A_1022 = arith.constant 0 : i32
      %ne3A_1023 = arith.cmpi ne, %rem3A_1021, %ne3A_1022 : i32
      %lt3A_1024 = arith.constant 0 : i32
      %lt3A_1025 = arith.cmpi slt, %rem3A_1021, %lt3A_1024 : i32
      %lt3A_1026 = arith.constant 0 : i32
      %lt3A_1027 = arith.cmpi slt, %select_n3A_1020, %lt3A_1026 : i32
      %ne3A_1028 = arith.xori %lt3A_1025, %lt3A_1027 : i1
      %and3A_1029 = arith.andi %ne3A_1028, %ne3A_1023 : i1
      %add3A_1030 = arith.addi %rem3A_1021, %select_n3A_1020 : i32
      %select_n3A_1031 = arith.select %and3A_1029, %add3A_1030, %rem3A_1021 : i32
      %dma_wait3A_1032 = arith.constant 0 : i32
      %dma_wait3A_1033 = arith.constant 0 : i32
      %dma_wait3A_1034 = tpu.memref_slice %arg8[%select_n3A_1031, %dma_wait3A_1032, %dma_wait3A_1033] : memref<6x128x32xf32, #tpu.memory_space<vmem>> -> memref<1x128x32xf32, #tpu.memory_space<vmem>>
      %dma_wait3A_1035 = tpu.memref_squeeze %dma_wait3A_1034 : memref<1x128x32xf32, #tpu.memory_space<vmem>> -> memref<128x32xf32, #tpu.memory_space<vmem>>
      %dma_wait3A_1036 = arith.constant 0 : i32
      %dma_wait3A_1037 = tpu.memref_slice %arg6[%add3A_965, %dma_wait3A_1036] : memref<157x128xi32, #tpu.memory_space<vmem>> -> memref<1x128xi32, #tpu.memory_space<vmem>>
      %dma_wait3A_1038 = tpu.memref_squeeze %dma_wait3A_1037 : memref<1x128xi32, #tpu.memory_space<vmem>> -> memref<128xi32, #tpu.memory_space<vmem>>
      %dma_wait3A_1039 = arith.constant 0 : i32
      %dma_wait3A_1040 = arith.constant 0 : i32
      %dma_wait3A_1041 = tpu.memref_slice %arg2[%arg0, %dma_wait3A_1039, %dma_wait3A_1040] : memref<2x10000x32xf32, #tpu.memory_space<hbm>> -> memref<1x10000x32xf32, #tpu.memory_space<hbm>>
      %dma_wait3A_1042 = tpu.memref_squeeze %dma_wait3A_1041 : memref<1x10000x32xf32, #tpu.memory_space<hbm>> -> memref<10000x32xf32, #tpu.memory_space<hbm>>
      %dma_wait3A_1043 = arith.constant 0 : i32
      %dma_wait3A_1044 = arith.constant 0 : i32
      %dma_wait3A_1045 = tpu.memref_slice %dma_wait3A_1042[%dma_wait3A_1043, %dma_wait3A_1044] : memref<10000x32xf32, #tpu.memory_space<hbm>> -> memref<10000x32xf32, #tpu.memory_space<hbm>>
      %dma_wait3A_1046 = tpu.memref_slice %arg9[%select_n3A_1031] : memref<6x!tpu.dma_semaphore, #tpu.memory_space<semaphore_mem>> -> memref<1x!tpu.dma_semaphore, #tpu.memory_space<semaphore_mem>>
      %dma_wait3A_1047 = tpu.memref_squeeze %dma_wait3A_1046 : memref<1x!tpu.dma_semaphore, #tpu.memory_space<semaphore_mem>> -> memref<!tpu.dma_semaphore, #tpu.memory_space<semaphore_mem>>
      tpu.wait_indirect_dma semaphore(%dma_wait3A_1047 : memref<!tpu.dma_semaphore, #tpu.memory_space<semaphore_mem>>) src(%dma_wait3A_1045 : memref<10000x32xf32, #tpu.memory_space<hbm>>) dst(%dma_wait3A_1035 : memref<128x32xf32, #tpu.memory_space<vmem>>)
      %jit3A_1048 = arith.constant 6 : i32
      %eq3A_1049 = arith.constant 0 : i32
      %eq3A_1050 = arith.cmpi eq, %jit3A_1048, %eq3A_1049 : i32
      %jit3A_1051 = arith.constant 1 : i32
      %select_n3A_1052 = arith.select %eq3A_1050, %jit3A_1051, %jit3A_1048 : i32
      %rem3A_1053 = arith.remsi %add3A_965, %select_n3A_1052 : i32
      %ne3A_1054 = arith.constant 0 : i32
      %ne3A_1055 = arith.cmpi ne, %rem3A_1053, %ne3A_1054 : i32
      %lt3A_1056 = arith.constant 0 : i32
      %lt3A_1057 = arith.cmpi slt, %rem3A_1053, %lt3A_1056 : i32
      %lt3A_1058 = arith.constant 0 : i32
      %lt3A_1059 = arith.cmpi slt, %select_n3A_1052, %lt3A_1058 : i32
      %ne3A_1060 = arith.xori %lt3A_1057, %lt3A_1059 : i1
      %and3A_1061 = arith.andi %ne3A_1060, %ne3A_1055 : i1
      %add3A_1062 = arith.addi %rem3A_1053, %select_n3A_1052 : i32
      %select_n3A_1063 = arith.select %and3A_1061, %add3A_1062, %rem3A_1053 : i32
      %dma_start3A_1064 = arith.constant 0 : i32
      %dma_start3A_1065 = arith.constant 0 : i32
      %dma_start3A_1066 = tpu.memref_slice %arg8[%select_n3A_1063, %dma_start3A_1064, %dma_start3A_1065] : memref<6x128x32xf32, #tpu.memory_space<vmem>> -> memref<1x128x32xf32, #tpu.memory_space<vmem>>
      %dma_start3A_1067 = tpu.memref_squeeze %dma_start3A_1066 : memref<1x128x32xf32, #tpu.memory_space<vmem>> -> memref<128x32xf32, #tpu.memory_space<vmem>>
      %dma_start3A_1068 = arith.constant 0 : i32
      %dma_start3A_1069 = tpu.memref_slice %arg7[%add3A_965, %dma_start3A_1068] : memref<157x128xi32, #tpu.memory_space<vmem>> -> memref<1x128xi32, #tpu.memory_space<vmem>>
      %dma_start3A_1070 = tpu.memref_squeeze %dma_start3A_1069 : memref<1x128xi32, #tpu.memory_space<vmem>> -> memref<128xi32, #tpu.memory_space<vmem>>
      %dma_start3A_1071 = arith.constant 0 : i32
      %dma_start3A_1072 = arith.constant 0 : i32
      %dma_start3A_1073 = tpu.memref_slice %arg5[%dma_start3A_1071, %dma_start3A_1072] : memref<10240x32xf32, #tpu.memory_space<vmem_shared>> -> memref<10240x32xf32, #tpu.memory_space<vmem_shared>>
      %dma_start3A_1074 = tpu.memref_slice %arg10[%select_n3A_1063] : memref<6x!tpu.dma_semaphore, #tpu.memory_space<semaphore_mem>> -> memref<1x!tpu.dma_semaphore, #tpu.memory_space<semaphore_mem>>
      %dma_start3A_1075 = tpu.memref_squeeze %dma_start3A_1074 : memref<1x!tpu.dma_semaphore, #tpu.memory_space<semaphore_mem>> -> memref<!tpu.dma_semaphore, #tpu.memory_space<semaphore_mem>>
      tpu.enqueue_indirect_dma source(%dma_start3A_1067 : memref<128x32xf32, #tpu.memory_space<vmem>>) target(%dma_start3A_1073 : memref<10240x32xf32, #tpu.memory_space<vmem_shared>>) offsets(%dma_start3A_1070 : memref<128xi32, #tpu.memory_space<vmem>>) semaphore(%dma_start3A_1075 : memref<!tpu.dma_semaphore, #tpu.memory_space<semaphore_mem>>) {add = true}
      %add3A_1076 = arith.constant 1 : i32
      %add3A_1077 = arith.addi %mul3A_963, %add3A_1076 : i32
      %add3A_1078 = arith.constant 4 : i32
      %add3A_1079 = arith.addi %add3A_1077, %add3A_1078 : i32
      %jit3A_1080 = arith.constant 6 : i32
      %eq3A_1081 = arith.constant 0 : i32
      %eq3A_1082 = arith.cmpi eq, %jit3A_1080, %eq3A_1081 : i32
      %jit3A_1083 = arith.constant 1 : i32
      %select_n3A_1084 = arith.select %eq3A_1082, %jit3A_1083, %jit3A_1080 : i32
      %rem3A_1085 = arith.remsi %add3A_1079, %select_n3A_1084 : i32
      %ne3A_1086 = arith.constant 0 : i32
      %ne3A_1087 = arith.cmpi ne, %rem3A_1085, %ne3A_1086 : i32
      %lt3A_1088 = arith.constant 0 : i32
      %lt3A_1089 = arith.cmpi slt, %rem3A_1085, %lt3A_1088 : i32
      %lt3A_1090 = arith.constant 0 : i32
      %lt3A_1091 = arith.cmpi slt, %select_n3A_1084, %lt3A_1090 : i32
      %ne3A_1092 = arith.xori %lt3A_1089, %lt3A_1091 : i1
      %and3A_1093 = arith.andi %ne3A_1092, %ne3A_1087 : i1
      %add3A_1094 = arith.addi %rem3A_1085, %select_n3A_1084 : i32
      %select_n3A_1095 = arith.select %and3A_1093, %add3A_1094, %rem3A_1085 : i32
      %sub3A_1096 = arith.constant 2 : i32
      %sub3A_1097 = arith.subi %add3A_1077, %sub3A_1096 : i32
      %dma_wait3A_1098 = arith.constant 0 : i32
      %dma_wait3A_1099 = arith.constant 0 : i32
      %dma_wait3A_1100 = tpu.memref_slice %arg8[%select_n3A_1095, %dma_wait3A_1098, %dma_wait3A_1099] : memref<6x128x32xf32, #tpu.memory_space<vmem>> -> memref<1x128x32xf32, #tpu.memory_space<vmem>>
      %dma_wait3A_1101 = tpu.memref_squeeze %dma_wait3A_1100 : memref<1x128x32xf32, #tpu.memory_space<vmem>> -> memref<128x32xf32, #tpu.memory_space<vmem>>
      %dma_wait3A_1102 = arith.constant 0 : i32
      %dma_wait3A_1103 = tpu.memref_slice %arg7[%sub3A_1097, %dma_wait3A_1102] : memref<157x128xi32, #tpu.memory_space<vmem>> -> memref<1x128xi32, #tpu.memory_space<vmem>>
      %dma_wait3A_1104 = tpu.memref_squeeze %dma_wait3A_1103 : memref<1x128xi32, #tpu.memory_space<vmem>> -> memref<128xi32, #tpu.memory_space<vmem>>
      %dma_wait3A_1105 = arith.constant 0 : i32
      %dma_wait3A_1106 = arith.constant 0 : i32
      %dma_wait3A_1107 = tpu.memref_slice %arg5[%dma_wait3A_1105, %dma_wait3A_1106] : memref<10240x32xf32, #tpu.memory_space<vmem_shared>> -> memref<10240x32xf32, #tpu.memory_space<vmem_shared>>
      %dma_wait3A_1108 = tpu.memref_slice %arg10[%select_n3A_1095] : memref<6x!tpu.dma_semaphore, #tpu.memory_space<semaphore_mem>> -> memref<1x!tpu.dma_semaphore, #tpu.memory_space<semaphore_mem>>
      %dma_wait3A_1109 = tpu.memref_squeeze %dma_wait3A_1108 : memref<1x!tpu.dma_semaphore, #tpu.memory_space<semaphore_mem>> -> memref<!tpu.dma_semaphore, #tpu.memory_space<semaphore_mem>>
      tpu.wait_indirect_dma semaphore(%dma_wait3A_1109 : memref<!tpu.dma_semaphore, #tpu.memory_space<semaphore_mem>>) src(%dma_wait3A_1101 : memref<128x32xf32, #tpu.memory_space<vmem>>) dst(%dma_wait3A_1107 : memref<10240x32xf32, #tpu.memory_space<vmem_shared>>)
      %add3A_1110 = arith.constant 4 : i32
      %add3A_1111 = arith.addi %add3A_1077, %add3A_1110 : i32
      %dma_start3A_1112 = arith.constant 0 : i32
      %dma_start3A_1113 = arith.constant 0 : i32
      %dma_start3A_1114 = tpu.memref_slice %arg8[%select_n3A_1095, %dma_start3A_1112, %dma_start3A_1113] : memref<6x128x32xf32, #tpu.memory_space<vmem>> -> memref<1x128x32xf32, #tpu.memory_space<vmem>>
      %dma_start3A_1115 = tpu.memref_squeeze %dma_start3A_1114 : memref<1x128x32xf32, #tpu.memory_space<vmem>> -> memref<128x32xf32, #tpu.memory_space<vmem>>
      %dma_start3A_1116 = arith.constant 0 : i32
      %dma_start3A_1117 = tpu.memref_slice %arg6[%add3A_1111, %dma_start3A_1116] : memref<157x128xi32, #tpu.memory_space<vmem>> -> memref<1x128xi32, #tpu.memory_space<vmem>>
      %dma_start3A_1118 = tpu.memref_squeeze %dma_start3A_1117 : memref<1x128xi32, #tpu.memory_space<vmem>> -> memref<128xi32, #tpu.memory_space<vmem>>
      %dma_start3A_1119 = arith.constant 0 : i32
      %dma_start3A_1120 = arith.constant 0 : i32
      %dma_start3A_1121 = tpu.memref_slice %arg2[%arg0, %dma_start3A_1119, %dma_start3A_1120] : memref<2x10000x32xf32, #tpu.memory_space<hbm>> -> memref<1x10000x32xf32, #tpu.memory_space<hbm>>
      %dma_start3A_1122 = tpu.memref_squeeze %dma_start3A_1121 : memref<1x10000x32xf32, #tpu.memory_space<hbm>> -> memref<10000x32xf32, #tpu.memory_space<hbm>>
      %dma_start3A_1123 = arith.constant 0 : i32
      %dma_start3A_1124 = arith.constant 0 : i32
      %dma_start3A_1125 = tpu.memref_slice %dma_start3A_1122[%dma_start3A_1123, %dma_start3A_1124] : memref<10000x32xf32, #tpu.memory_space<hbm>> -> memref<10000x32xf32, #tpu.memory_space<hbm>>
      %dma_start3A_1126 = tpu.memref_slice %arg9[%select_n3A_1095] : memref<6x!tpu.dma_semaphore, #tpu.memory_space<semaphore_mem>> -> memref<1x!tpu.dma_semaphore, #tpu.memory_space<semaphore_mem>>
      %dma_start3A_1127 = tpu.memref_squeeze %dma_start3A_1126 : memref<1x!tpu.dma_semaphore, #tpu.memory_space<semaphore_mem>> -> memref<!tpu.dma_semaphore, #tpu.memory_space<semaphore_mem>>
      tpu.enqueue_indirect_dma source(%dma_start3A_1125 : memref<10000x32xf32, #tpu.memory_space<hbm>>) target(%dma_start3A_1115 : memref<128x32xf32, #tpu.memory_space<vmem>>) offsets(%dma_start3A_1118 : memref<128xi32, #tpu.memory_space<vmem>>) semaphore(%dma_start3A_1127 : memref<!tpu.dma_semaphore, #tpu.memory_space<semaphore_mem>>)
      %jit3A_1128 = arith.constant 6 : i32
      %eq3A_1129 = arith.constant 0 : i32
      %eq3A_1130 = arith.cmpi eq, %jit3A_1128, %eq3A_1129 : i32
      %jit3A_1131 = arith.constant 1 : i32
      %select_n3A_1132 = arith.select %eq3A_1130, %jit3A_1131, %jit3A_1128 : i32
      %rem3A_1133 = arith.remsi %add3A_1077, %select_n3A_1132 : i32
      %ne3A_1134 = arith.constant 0 : i32
      %ne3A_1135 = arith.cmpi ne, %rem3A_1133, %ne3A_1134 : i32
      %lt3A_1136 = arith.constant 0 : i32
      %lt3A_1137 = arith.cmpi slt, %rem3A_1133, %lt3A_1136 : i32
      %lt3A_1138 = arith.constant 0 : i32
      %lt3A_1139 = arith.cmpi slt, %select_n3A_1132, %lt3A_1138 : i32
      %ne3A_1140 = arith.xori %lt3A_1137, %lt3A_1139 : i1
      %and3A_1141 = arith.andi %ne3A_1140, %ne3A_1135 : i1
      %add3A_1142 = arith.addi %rem3A_1133, %select_n3A_1132 : i32
      %select_n3A_1143 = arith.select %and3A_1141, %add3A_1142, %rem3A_1133 : i32
      %dma_wait3A_1144 = arith.constant 0 : i32
      %dma_wait3A_1145 = arith.constant 0 : i32
      %dma_wait3A_1146 = tpu.memref_slice %arg8[%select_n3A_1143, %dma_wait3A_1144, %dma_wait3A_1145] : memref<6x128x32xf32, #tpu.memory_space<vmem>> -> memref<1x128x32xf32, #tpu.memory_space<vmem>>
      %dma_wait3A_1147 = tpu.memref_squeeze %dma_wait3A_1146 : memref<1x128x32xf32, #tpu.memory_space<vmem>> -> memref<128x32xf32, #tpu.memory_space<vmem>>
      %dma_wait3A_1148 = arith.constant 0 : i32
      %dma_wait3A_1149 = tpu.memref_slice %arg6[%add3A_1077, %dma_wait3A_1148] : memref<157x128xi32, #tpu.memory_space<vmem>> -> memref<1x128xi32, #tpu.memory_space<vmem>>
      %dma_wait3A_1150 = tpu.memref_squeeze %dma_wait3A_1149 : memref<1x128xi32, #tpu.memory_space<vmem>> -> memref<128xi32, #tpu.memory_space<vmem>>
      %dma_wait3A_1151 = arith.constant 0 : i32
      %dma_wait3A_1152 = arith.constant 0 : i32
      %dma_wait3A_1153 = tpu.memref_slice %arg2[%arg0, %dma_wait3A_1151, %dma_wait3A_1152] : memref<2x10000x32xf32, #tpu.memory_space<hbm>> -> memref<1x10000x32xf32, #tpu.memory_space<hbm>>
      %dma_wait3A_1154 = tpu.memref_squeeze %dma_wait3A_1153 : memref<1x10000x32xf32, #tpu.memory_space<hbm>> -> memref<10000x32xf32, #tpu.memory_space<hbm>>
      %dma_wait3A_1155 = arith.constant 0 : i32
      %dma_wait3A_1156 = arith.constant 0 : i32
      %dma_wait3A_1157 = tpu.memref_slice %dma_wait3A_1154[%dma_wait3A_1155, %dma_wait3A_1156] : memref<10000x32xf32, #tpu.memory_space<hbm>> -> memref<10000x32xf32, #tpu.memory_space<hbm>>
      %dma_wait3A_1158 = tpu.memref_slice %arg9[%select_n3A_1143] : memref<6x!tpu.dma_semaphore, #tpu.memory_space<semaphore_mem>> -> memref<1x!tpu.dma_semaphore, #tpu.memory_space<semaphore_mem>>
      %dma_wait3A_1159 = tpu.memref_squeeze %dma_wait3A_1158 : memref<1x!tpu.dma_semaphore, #tpu.memory_space<semaphore_mem>> -> memref<!tpu.dma_semaphore, #tpu.memory_space<semaphore_mem>>
      tpu.wait_indirect_dma semaphore(%dma_wait3A_1159 : memref<!tpu.dma_semaphore, #tpu.memory_space<semaphore_mem>>) src(%dma_wait3A_1157 : memref<10000x32xf32, #tpu.memory_space<hbm>>) dst(%dma_wait3A_1147 : memref<128x32xf32, #tpu.memory_space<vmem>>)
      %jit3A_1160 = arith.constant 6 : i32
      %eq3A_1161 = arith.constant 0 : i32
      %eq3A_1162 = arith.cmpi eq, %jit3A_1160, %eq3A_1161 : i32
      %jit3A_1163 = arith.constant 1 : i32
      %select_n3A_1164 = arith.select %eq3A_1162, %jit3A_1163, %jit3A_1160 : i32
      %rem3A_1165 = arith.remsi %add3A_1077, %select_n3A_1164 : i32
      %ne3A_1166 = arith.constant 0 : i32
      %ne3A_1167 = arith.cmpi ne, %rem3A_1165, %ne3A_1166 : i32
      %lt3A_1168 = arith.constant 0 : i32
      %lt3A_1169 = arith.cmpi slt, %rem3A_1165, %lt3A_1168 : i32
      %lt3A_1170 = arith.constant 0 : i32
      %lt3A_1171 = arith.cmpi slt, %select_n3A_1164, %lt3A_1170 : i32
      %ne3A_1172 = arith.xori %lt3A_1169, %lt3A_1171 : i1
      %and3A_1173 = arith.andi %ne3A_1172, %ne3A_1167 : i1
      %add3A_1174 = arith.addi %rem3A_1165, %select_n3A_1164 : i32
      %select_n3A_1175 = arith.select %and3A_1173, %add3A_1174, %rem3A_1165 : i32
      %dma_start3A_1176 = arith.constant 0 : i32
      %dma_start3A_1177 = arith.constant 0 : i32
      %dma_start3A_1178 = tpu.memref_slice %arg8[%select_n3A_1175, %dma_start3A_1176, %dma_start3A_1177] : memref<6x128x32xf32, #tpu.memory_space<vmem>> -> memref<1x128x32xf32, #tpu.memory_space<vmem>>
      %dma_start3A_1179 = tpu.memref_squeeze %dma_start3A_1178 : memref<1x128x32xf32, #tpu.memory_space<vmem>> -> memref<128x32xf32, #tpu.memory_space<vmem>>
      %dma_start3A_1180 = arith.constant 0 : i32
      %dma_start3A_1181 = tpu.memref_slice %arg7[%add3A_1077, %dma_start3A_1180] : memref<157x128xi32, #tpu.memory_space<vmem>> -> memref<1x128xi32, #tpu.memory_space<vmem>>
      %dma_start3A_1182 = tpu.memref_squeeze %dma_start3A_1181 : memref<1x128xi32, #tpu.memory_space<vmem>> -> memref<128xi32, #tpu.memory_space<vmem>>
      %dma_start3A_1183 = arith.constant 0 : i32
      %dma_start3A_1184 = arith.constant 0 : i32
      %dma_start3A_1185 = tpu.memref_slice %arg5[%dma_start3A_1183, %dma_start3A_1184] : memref<10240x32xf32, #tpu.memory_space<vmem_shared>> -> memref<10240x32xf32, #tpu.memory_space<vmem_shared>>
      %dma_start3A_1186 = tpu.memref_slice %arg10[%select_n3A_1175] : memref<6x!tpu.dma_semaphore, #tpu.memory_space<semaphore_mem>> -> memref<1x!tpu.dma_semaphore, #tpu.memory_space<semaphore_mem>>
      %dma_start3A_1187 = tpu.memref_squeeze %dma_start3A_1186 : memref<1x!tpu.dma_semaphore, #tpu.memory_space<semaphore_mem>> -> memref<!tpu.dma_semaphore, #tpu.memory_space<semaphore_mem>>
      tpu.enqueue_indirect_dma source(%dma_start3A_1179 : memref<128x32xf32, #tpu.memory_space<vmem>>) target(%dma_start3A_1185 : memref<10240x32xf32, #tpu.memory_space<vmem_shared>>) offsets(%dma_start3A_1182 : memref<128xi32, #tpu.memory_space<vmem>>) semaphore(%dma_start3A_1187 : memref<!tpu.dma_semaphore, #tpu.memory_space<semaphore_mem>>) {add = true}
      %add3A_1188 = arith.constant 2 : i32
      %add3A_1189 = arith.addi %mul3A_963, %add3A_1188 : i32
      %add3A_1190 = arith.constant 4 : i32
      %add3A_1191 = arith.addi %add3A_1189, %add3A_1190 : i32
      %jit3A_1192 = arith.constant 6 : i32
      %eq3A_1193 = arith.constant 0 : i32
      %eq3A_1194 = arith.cmpi eq, %jit3A_1192, %eq3A_1193 : i32
      %jit3A_1195 = arith.constant 1 : i32
      %select_n3A_1196 = arith.select %eq3A_1194, %jit3A_1195, %jit3A_1192 : i32
      %rem3A_1197 = arith.remsi %add3A_1191, %select_n3A_1196 : i32
      %ne3A_1198 = arith.constant 0 : i32
      %ne3A_1199 = arith.cmpi ne, %rem3A_1197, %ne3A_1198 : i32
      %lt3A_1200 = arith.constant 0 : i32
      %lt3A_1201 = arith.cmpi slt, %rem3A_1197, %lt3A_1200 : i32
      %lt3A_1202 = arith.constant 0 : i32
      %lt3A_1203 = arith.cmpi slt, %select_n3A_1196, %lt3A_1202 : i32
      %ne3A_1204 = arith.xori %lt3A_1201, %lt3A_1203 : i1
      %and3A_1205 = arith.andi %ne3A_1204, %ne3A_1199 : i1
      %add3A_1206 = arith.addi %rem3A_1197, %select_n3A_1196 : i32
      %select_n3A_1207 = arith.select %and3A_1205, %add3A_1206, %rem3A_1197 : i32
      %sub3A_1208 = arith.constant 2 : i32
      %sub3A_1209 = arith.subi %add3A_1189, %sub3A_1208 : i32
      %dma_wait3A_1210 = arith.constant 0 : i32
      %dma_wait3A_1211 = arith.constant 0 : i32
      %dma_wait3A_1212 = tpu.memref_slice %arg8[%select_n3A_1207, %dma_wait3A_1210, %dma_wait3A_1211] : memref<6x128x32xf32, #tpu.memory_space<vmem>> -> memref<1x128x32xf32, #tpu.memory_space<vmem>>
      %dma_wait3A_1213 = tpu.memref_squeeze %dma_wait3A_1212 : memref<1x128x32xf32, #tpu.memory_space<vmem>> -> memref<128x32xf32, #tpu.memory_space<vmem>>
      %dma_wait3A_1214 = arith.constant 0 : i32
      %dma_wait3A_1215 = tpu.memref_slice %arg7[%sub3A_1209, %dma_wait3A_1214] : memref<157x128xi32, #tpu.memory_space<vmem>> -> memref<1x128xi32, #tpu.memory_space<vmem>>
      %dma_wait3A_1216 = tpu.memref_squeeze %dma_wait3A_1215 : memref<1x128xi32, #tpu.memory_space<vmem>> -> memref<128xi32, #tpu.memory_space<vmem>>
      %dma_wait3A_1217 = arith.constant 0 : i32
      %dma_wait3A_1218 = arith.constant 0 : i32
      %dma_wait3A_1219 = tpu.memref_slice %arg5[%dma_wait3A_1217, %dma_wait3A_1218] : memref<10240x32xf32, #tpu.memory_space<vmem_shared>> -> memref<10240x32xf32, #tpu.memory_space<vmem_shared>>
      %dma_wait3A_1220 = tpu.memref_slice %arg10[%select_n3A_1207] : memref<6x!tpu.dma_semaphore, #tpu.memory_space<semaphore_mem>> -> memref<1x!tpu.dma_semaphore, #tpu.memory_space<semaphore_mem>>
      %dma_wait3A_1221 = tpu.memref_squeeze %dma_wait3A_1220 : memref<1x!tpu.dma_semaphore, #tpu.memory_space<semaphore_mem>> -> memref<!tpu.dma_semaphore, #tpu.memory_space<semaphore_mem>>
      tpu.wait_indirect_dma semaphore(%dma_wait3A_1221 : memref<!tpu.dma_semaphore, #tpu.memory_space<semaphore_mem>>) src(%dma_wait3A_1213 : memref<128x32xf32, #tpu.memory_space<vmem>>) dst(%dma_wait3A_1219 : memref<10240x32xf32, #tpu.memory_space<vmem_shared>>)
      %add3A_1222 = arith.constant 4 : i32
      %add3A_1223 = arith.addi %add3A_1189, %add3A_1222 : i32
      %dma_start3A_1224 = arith.constant 0 : i32
      %dma_start3A_1225 = arith.constant 0 : i32
      %dma_start3A_1226 = tpu.memref_slice %arg8[%select_n3A_1207, %dma_start3A_1224, %dma_start3A_1225] : memref<6x128x32xf32, #tpu.memory_space<vmem>> -> memref<1x128x32xf32, #tpu.memory_space<vmem>>
      %dma_start3A_1227 = tpu.memref_squeeze %dma_start3A_1226 : memref<1x128x32xf32, #tpu.memory_space<vmem>> -> memref<128x32xf32, #tpu.memory_space<vmem>>
      %dma_start3A_1228 = arith.constant 0 : i32
      %dma_start3A_1229 = tpu.memref_slice %arg6[%add3A_1223, %dma_start3A_1228] : memref<157x128xi32, #tpu.memory_space<vmem>> -> memref<1x128xi32, #tpu.memory_space<vmem>>
      %dma_start3A_1230 = tpu.memref_squeeze %dma_start3A_1229 : memref<1x128xi32, #tpu.memory_space<vmem>> -> memref<128xi32, #tpu.memory_space<vmem>>
      %dma_start3A_1231 = arith.constant 0 : i32
      %dma_start3A_1232 = arith.constant 0 : i32
      %dma_start3A_1233 = tpu.memref_slice %arg2[%arg0, %dma_start3A_1231, %dma_start3A_1232] : memref<2x10000x32xf32, #tpu.memory_space<hbm>> -> memref<1x10000x32xf32, #tpu.memory_space<hbm>>
      %dma_start3A_1234 = tpu.memref_squeeze %dma_start3A_1233 : memref<1x10000x32xf32, #tpu.memory_space<hbm>> -> memref<10000x32xf32, #tpu.memory_space<hbm>>
      %dma_start3A_1235 = arith.constant 0 : i32
      %dma_start3A_1236 = arith.constant 0 : i32
      %dma_start3A_1237 = tpu.memref_slice %dma_start3A_1234[%dma_start3A_1235, %dma_start3A_1236] : memref<10000x32xf32, #tpu.memory_space<hbm>> -> memref<10000x32xf32, #tpu.memory_space<hbm>>
      %dma_start3A_1238 = tpu.memref_slice %arg9[%select_n3A_1207] : memref<6x!tpu.dma_semaphore, #tpu.memory_space<semaphore_mem>> -> memref<1x!tpu.dma_semaphore, #tpu.memory_space<semaphore_mem>>
      %dma_start3A_1239 = tpu.memref_squeeze %dma_start3A_1238 : memref<1x!tpu.dma_semaphore, #tpu.memory_space<semaphore_mem>> -> memref<!tpu.dma_semaphore, #tpu.memory_space<semaphore_mem>>
      tpu.enqueue_indirect_dma source(%dma_start3A_1237 : memref<10000x32xf32, #tpu.memory_space<hbm>>) target(%dma_start3A_1227 : memref<128x32xf32, #tpu.memory_space<vmem>>) offsets(%dma_start3A_1230 : memref<128xi32, #tpu.memory_space<vmem>>) semaphore(%dma_start3A_1239 : memref<!tpu.dma_semaphore, #tpu.memory_space<semaphore_mem>>)
      %jit3A_1240 = arith.constant 6 : i32
      %eq3A_1241 = arith.constant 0 : i32
      %eq3A_1242 = arith.cmpi eq, %jit3A_1240, %eq3A_1241 : i32
      %jit3A_1243 = arith.constant 1 : i32
      %select_n3A_1244 = arith.select %eq3A_1242, %jit3A_1243, %jit3A_1240 : i32
      %rem3A_1245 = arith.remsi %add3A_1189, %select_n3A_1244 : i32
      %ne3A_1246 = arith.constant 0 : i32
      %ne3A_1247 = arith.cmpi ne, %rem3A_1245, %ne3A_1246 : i32
      %lt3A_1248 = arith.constant 0 : i32
      %lt3A_1249 = arith.cmpi slt, %rem3A_1245, %lt3A_1248 : i32
      %lt3A_1250 = arith.constant 0 : i32
      %lt3A_1251 = arith.cmpi slt, %select_n3A_1244, %lt3A_1250 : i32
      %ne3A_1252 = arith.xori %lt3A_1249, %lt3A_1251 : i1
      %and3A_1253 = arith.andi %ne3A_1252, %ne3A_1247 : i1
      %add3A_1254 = arith.addi %rem3A_1245, %select_n3A_1244 : i32
      %select_n3A_1255 = arith.select %and3A_1253, %add3A_1254, %rem3A_1245 : i32
      %dma_wait3A_1256 = arith.constant 0 : i32
      %dma_wait3A_1257 = arith.constant 0 : i32
      %dma_wait3A_1258 = tpu.memref_slice %arg8[%select_n3A_1255, %dma_wait3A_1256, %dma_wait3A_1257] : memref<6x128x32xf32, #tpu.memory_space<vmem>> -> memref<1x128x32xf32, #tpu.memory_space<vmem>>
      %dma_wait3A_1259 = tpu.memref_squeeze %dma_wait3A_1258 : memref<1x128x32xf32, #tpu.memory_space<vmem>> -> memref<128x32xf32, #tpu.memory_space<vmem>>
      %dma_wait3A_1260 = arith.constant 0 : i32
      %dma_wait3A_1261 = tpu.memref_slice %arg6[%add3A_1189, %dma_wait3A_1260] : memref<157x128xi32, #tpu.memory_space<vmem>> -> memref<1x128xi32, #tpu.memory_space<vmem>>
      %dma_wait3A_1262 = tpu.memref_squeeze %dma_wait3A_1261 : memref<1x128xi32, #tpu.memory_space<vmem>> -> memref<128xi32, #tpu.memory_space<vmem>>
      %dma_wait3A_1263 = arith.constant 0 : i32
      %dma_wait3A_1264 = arith.constant 0 : i32
      %dma_wait3A_1265 = tpu.memref_slice %arg2[%arg0, %dma_wait3A_1263, %dma_wait3A_1264] : memref<2x10000x32xf32, #tpu.memory_space<hbm>> -> memref<1x10000x32xf32, #tpu.memory_space<hbm>>
      %dma_wait3A_1266 = tpu.memref_squeeze %dma_wait3A_1265 : memref<1x10000x32xf32, #tpu.memory_space<hbm>> -> memref<10000x32xf32, #tpu.memory_space<hbm>>
      %dma_wait3A_1267 = arith.constant 0 : i32
      %dma_wait3A_1268 = arith.constant 0 : i32
      %dma_wait3A_1269 = tpu.memref_slice %dma_wait3A_1266[%dma_wait3A_1267, %dma_wait3A_1268] : memref<10000x32xf32, #tpu.memory_space<hbm>> -> memref<10000x32xf32, #tpu.memory_space<hbm>>
      %dma_wait3A_1270 = tpu.memref_slice %arg9[%select_n3A_1255] : memref<6x!tpu.dma_semaphore, #tpu.memory_space<semaphore_mem>> -> memref<1x!tpu.dma_semaphore, #tpu.memory_space<semaphore_mem>>
      %dma_wait3A_1271 = tpu.memref_squeeze %dma_wait3A_1270 : memref<1x!tpu.dma_semaphore, #tpu.memory_space<semaphore_mem>> -> memref<!tpu.dma_semaphore, #tpu.memory_space<semaphore_mem>>
      tpu.wait_indirect_dma semaphore(%dma_wait3A_1271 : memref<!tpu.dma_semaphore, #tpu.memory_space<semaphore_mem>>) src(%dma_wait3A_1269 : memref<10000x32xf32, #tpu.memory_space<hbm>>) dst(%dma_wait3A_1259 : memref<128x32xf32, #tpu.memory_space<vmem>>)
      %jit3A_1272 = arith.constant 6 : i32
      %eq3A_1273 = arith.constant 0 : i32
      %eq3A_1274 = arith.cmpi eq, %jit3A_1272, %eq3A_1273 : i32
      %jit3A_1275 = arith.constant 1 : i32
      %select_n3A_1276 = arith.select %eq3A_1274, %jit3A_1275, %jit3A_1272 : i32
      %rem3A_1277 = arith.remsi %add3A_1189, %select_n3A_1276 : i32
      %ne3A_1278 = arith.constant 0 : i32
      %ne3A_1279 = arith.cmpi ne, %rem3A_1277, %ne3A_1278 : i32
      %lt3A_1280 = arith.constant 0 : i32
      %lt3A_1281 = arith.cmpi slt, %rem3A_1277, %lt3A_1280 : i32
      %lt3A_1282 = arith.constant 0 : i32
      %lt3A_1283 = arith.cmpi slt, %select_n3A_1276, %lt3A_1282 : i32
      %ne3A_1284 = arith.xori %lt3A_1281, %lt3A_1283 : i1
      %and3A_1285 = arith.andi %ne3A_1284, %ne3A_1279 : i1
      %add3A_1286 = arith.addi %rem3A_1277, %select_n3A_1276 : i32
      %select_n3A_1287 = arith.select %and3A_1285, %add3A_1286, %rem3A_1277 : i32
      %dma_start3A_1288 = arith.constant 0 : i32
      %dma_start3A_1289 = arith.constant 0 : i32
      %dma_start3A_1290 = tpu.memref_slice %arg8[%select_n3A_1287, %dma_start3A_1288, %dma_start3A_1289] : memref<6x128x32xf32, #tpu.memory_space<vmem>> -> memref<1x128x32xf32, #tpu.memory_space<vmem>>
      %dma_start3A_1291 = tpu.memref_squeeze %dma_start3A_1290 : memref<1x128x32xf32, #tpu.memory_space<vmem>> -> memref<128x32xf32, #tpu.memory_space<vmem>>
      %dma_start3A_1292 = arith.constant 0 : i32
      %dma_start3A_1293 = tpu.memref_slice %arg7[%add3A_1189, %dma_start3A_1292] : memref<157x128xi32, #tpu.memory_space<vmem>> -> memref<1x128xi32, #tpu.memory_space<vmem>>
      %dma_start3A_1294 = tpu.memref_squeeze %dma_start3A_1293 : memref<1x128xi32, #tpu.memory_space<vmem>> -> memref<128xi32, #tpu.memory_space<vmem>>
      %dma_start3A_1295 = arith.constant 0 : i32
      %dma_start3A_1296 = arith.constant 0 : i32
      %dma_start3A_1297 = tpu.memref_slice %arg5[%dma_start3A_1295, %dma_start3A_1296] : memref<10240x32xf32, #tpu.memory_space<vmem_shared>> -> memref<10240x32xf32, #tpu.memory_space<vmem_shared>>
      %dma_start3A_1298 = tpu.memref_slice %arg10[%select_n3A_1287] : memref<6x!tpu.dma_semaphore, #tpu.memory_space<semaphore_mem>> -> memref<1x!tpu.dma_semaphore, #tpu.memory_space<semaphore_mem>>
      %dma_start3A_1299 = tpu.memref_squeeze %dma_start3A_1298 : memref<1x!tpu.dma_semaphore, #tpu.memory_space<semaphore_mem>> -> memref<!tpu.dma_semaphore, #tpu.memory_space<semaphore_mem>>
      tpu.enqueue_indirect_dma source(%dma_start3A_1291 : memref<128x32xf32, #tpu.memory_space<vmem>>) target(%dma_start3A_1297 : memref<10240x32xf32, #tpu.memory_space<vmem_shared>>) offsets(%dma_start3A_1294 : memref<128xi32, #tpu.memory_space<vmem>>) semaphore(%dma_start3A_1299 : memref<!tpu.dma_semaphore, #tpu.memory_space<semaphore_mem>>) {add = true}
      %add3A_1300 = arith.constant 3 : i32
      %add3A_1301 = arith.addi %mul3A_963, %add3A_1300 : i32
      %add3A_1302 = arith.constant 4 : i32
      %add3A_1303 = arith.addi %add3A_1301, %add3A_1302 : i32
      %jit3A_1304 = arith.constant 6 : i32
      %eq3A_1305 = arith.constant 0 : i32
      %eq3A_1306 = arith.cmpi eq, %jit3A_1304, %eq3A_1305 : i32
      %jit3A_1307 = arith.constant 1 : i32
      %select_n3A_1308 = arith.select %eq3A_1306, %jit3A_1307, %jit3A_1304 : i32
      %rem3A_1309 = arith.remsi %add3A_1303, %select_n3A_1308 : i32
      %ne3A_1310 = arith.constant 0 : i32
      %ne3A_1311 = arith.cmpi ne, %rem3A_1309, %ne3A_1310 : i32
      %lt3A_1312 = arith.constant 0 : i32
      %lt3A_1313 = arith.cmpi slt, %rem3A_1309, %lt3A_1312 : i32
      %lt3A_1314 = arith.constant 0 : i32
      %lt3A_1315 = arith.cmpi slt, %select_n3A_1308, %lt3A_1314 : i32
      %ne3A_1316 = arith.xori %lt3A_1313, %lt3A_1315 : i1
      %and3A_1317 = arith.andi %ne3A_1316, %ne3A_1311 : i1
      %add3A_1318 = arith.addi %rem3A_1309, %select_n3A_1308 : i32
      %select_n3A_1319 = arith.select %and3A_1317, %add3A_1318, %rem3A_1309 : i32
      %sub3A_1320 = arith.constant 2 : i32
      %sub3A_1321 = arith.subi %add3A_1301, %sub3A_1320 : i32
      %dma_wait3A_1322 = arith.constant 0 : i32
      %dma_wait3A_1323 = arith.constant 0 : i32
      %dma_wait3A_1324 = tpu.memref_slice %arg8[%select_n3A_1319, %dma_wait3A_1322, %dma_wait3A_1323] : memref<6x128x32xf32, #tpu.memory_space<vmem>> -> memref<1x128x32xf32, #tpu.memory_space<vmem>>
      %dma_wait3A_1325 = tpu.memref_squeeze %dma_wait3A_1324 : memref<1x128x32xf32, #tpu.memory_space<vmem>> -> memref<128x32xf32, #tpu.memory_space<vmem>>
      %dma_wait3A_1326 = arith.constant 0 : i32
      %dma_wait3A_1327 = tpu.memref_slice %arg7[%sub3A_1321, %dma_wait3A_1326] : memref<157x128xi32, #tpu.memory_space<vmem>> -> memref<1x128xi32, #tpu.memory_space<vmem>>
      %dma_wait3A_1328 = tpu.memref_squeeze %dma_wait3A_1327 : memref<1x128xi32, #tpu.memory_space<vmem>> -> memref<128xi32, #tpu.memory_space<vmem>>
      %dma_wait3A_1329 = arith.constant 0 : i32
      %dma_wait3A_1330 = arith.constant 0 : i32
      %dma_wait3A_1331 = tpu.memref_slice %arg5[%dma_wait3A_1329, %dma_wait3A_1330] : memref<10240x32xf32, #tpu.memory_space<vmem_shared>> -> memref<10240x32xf32, #tpu.memory_space<vmem_shared>>
      %dma_wait3A_1332 = tpu.memref_slice %arg10[%select_n3A_1319] : memref<6x!tpu.dma_semaphore, #tpu.memory_space<semaphore_mem>> -> memref<1x!tpu.dma_semaphore, #tpu.memory_space<semaphore_mem>>
      %dma_wait3A_1333 = tpu.memref_squeeze %dma_wait3A_1332 : memref<1x!tpu.dma_semaphore, #tpu.memory_space<semaphore_mem>> -> memref<!tpu.dma_semaphore, #tpu.memory_space<semaphore_mem>>
      tpu.wait_indirect_dma semaphore(%dma_wait3A_1333 : memref<!tpu.dma_semaphore, #tpu.memory_space<semaphore_mem>>) src(%dma_wait3A_1325 : memref<128x32xf32, #tpu.memory_space<vmem>>) dst(%dma_wait3A_1331 : memref<10240x32xf32, #tpu.memory_space<vmem_shared>>)
      %add3A_1334 = arith.constant 4 : i32
      %add3A_1335 = arith.addi %add3A_1301, %add3A_1334 : i32
      %dma_start3A_1336 = arith.constant 0 : i32
      %dma_start3A_1337 = arith.constant 0 : i32
      %dma_start3A_1338 = tpu.memref_slice %arg8[%select_n3A_1319, %dma_start3A_1336, %dma_start3A_1337] : memref<6x128x32xf32, #tpu.memory_space<vmem>> -> memref<1x128x32xf32, #tpu.memory_space<vmem>>
      %dma_start3A_1339 = tpu.memref_squeeze %dma_start3A_1338 : memref<1x128x32xf32, #tpu.memory_space<vmem>> -> memref<128x32xf32, #tpu.memory_space<vmem>>
      %dma_start3A_1340 = arith.constant 0 : i32
      %dma_start3A_1341 = tpu.memref_slice %arg6[%add3A_1335, %dma_start3A_1340] : memref<157x128xi32, #tpu.memory_space<vmem>> -> memref<1x128xi32, #tpu.memory_space<vmem>>
      %dma_start3A_1342 = tpu.memref_squeeze %dma_start3A_1341 : memref<1x128xi32, #tpu.memory_space<vmem>> -> memref<128xi32, #tpu.memory_space<vmem>>
      %dma_start3A_1343 = arith.constant 0 : i32
      %dma_start3A_1344 = arith.constant 0 : i32
      %dma_start3A_1345 = tpu.memref_slice %arg2[%arg0, %dma_start3A_1343, %dma_start3A_1344] : memref<2x10000x32xf32, #tpu.memory_space<hbm>> -> memref<1x10000x32xf32, #tpu.memory_space<hbm>>
      %dma_start3A_1346 = tpu.memref_squeeze %dma_start3A_1345 : memref<1x10000x32xf32, #tpu.memory_space<hbm>> -> memref<10000x32xf32, #tpu.memory_space<hbm>>
      %dma_start3A_1347 = arith.constant 0 : i32
      %dma_start3A_1348 = arith.constant 0 : i32
      %dma_start3A_1349 = tpu.memref_slice %dma_start3A_1346[%dma_start3A_1347, %dma_start3A_1348] : memref<10000x32xf32, #tpu.memory_space<hbm>> -> memref<10000x32xf32, #tpu.memory_space<hbm>>
      %dma_start3A_1350 = tpu.memref_slice %arg9[%select_n3A_1319] : memref<6x!tpu.dma_semaphore, #tpu.memory_space<semaphore_mem>> -> memref<1x!tpu.dma_semaphore, #tpu.memory_space<semaphore_mem>>
      %dma_start3A_1351 = tpu.memref_squeeze %dma_start3A_1350 : memref<1x!tpu.dma_semaphore, #tpu.memory_space<semaphore_mem>> -> memref<!tpu.dma_semaphore, #tpu.memory_space<semaphore_mem>>
      tpu.enqueue_indirect_dma source(%dma_start3A_1349 : memref<10000x32xf32, #tpu.memory_space<hbm>>) target(%dma_start3A_1339 : memref<128x32xf32, #tpu.memory_space<vmem>>) offsets(%dma_start3A_1342 : memref<128xi32, #tpu.memory_space<vmem>>) semaphore(%dma_start3A_1351 : memref<!tpu.dma_semaphore, #tpu.memory_space<semaphore_mem>>)
      %jit3A_1352 = arith.constant 6 : i32
      %eq3A_1353 = arith.constant 0 : i32
      %eq3A_1354 = arith.cmpi eq, %jit3A_1352, %eq3A_1353 : i32
      %jit3A_1355 = arith.constant 1 : i32
      %select_n3A_1356 = arith.select %eq3A_1354, %jit3A_1355, %jit3A_1352 : i32
      %rem3A_1357 = arith.remsi %add3A_1301, %select_n3A_1356 : i32
      %ne3A_1358 = arith.constant 0 : i32
      %ne3A_1359 = arith.cmpi ne, %rem3A_1357, %ne3A_1358 : i32
      %lt3A_1360 = arith.constant 0 : i32
      %lt3A_1361 = arith.cmpi slt, %rem3A_1357, %lt3A_1360 : i32
      %lt3A_1362 = arith.constant 0 : i32
      %lt3A_1363 = arith.cmpi slt, %select_n3A_1356, %lt3A_1362 : i32
      %ne3A_1364 = arith.xori %lt3A_1361, %lt3A_1363 : i1
      %and3A_1365 = arith.andi %ne3A_1364, %ne3A_1359 : i1
      %add3A_1366 = arith.addi %rem3A_1357, %select_n3A_1356 : i32
      %select_n3A_1367 = arith.select %and3A_1365, %add3A_1366, %rem3A_1357 : i32
      %dma_wait3A_1368 = arith.constant 0 : i32
      %dma_wait3A_1369 = arith.constant 0 : i32
      %dma_wait3A_1370 = tpu.memref_slice %arg8[%select_n3A_1367, %dma_wait3A_1368, %dma_wait3A_1369] : memref<6x128x32xf32, #tpu.memory_space<vmem>> -> memref<1x128x32xf32, #tpu.memory_space<vmem>>
      %dma_wait3A_1371 = tpu.memref_squeeze %dma_wait3A_1370 : memref<1x128x32xf32, #tpu.memory_space<vmem>> -> memref<128x32xf32, #tpu.memory_space<vmem>>
      %dma_wait3A_1372 = arith.constant 0 : i32
      %dma_wait3A_1373 = tpu.memref_slice %arg6[%add3A_1301, %dma_wait3A_1372] : memref<157x128xi32, #tpu.memory_space<vmem>> -> memref<1x128xi32, #tpu.memory_space<vmem>>
      %dma_wait3A_1374 = tpu.memref_squeeze %dma_wait3A_1373 : memref<1x128xi32, #tpu.memory_space<vmem>> -> memref<128xi32, #tpu.memory_space<vmem>>
      %dma_wait3A_1375 = arith.constant 0 : i32
      %dma_wait3A_1376 = arith.constant 0 : i32
      %dma_wait3A_1377 = tpu.memref_slice %arg2[%arg0, %dma_wait3A_1375, %dma_wait3A_1376] : memref<2x10000x32xf32, #tpu.memory_space<hbm>> -> memref<1x10000x32xf32, #tpu.memory_space<hbm>>
      %dma_wait3A_1378 = tpu.memref_squeeze %dma_wait3A_1377 : memref<1x10000x32xf32, #tpu.memory_space<hbm>> -> memref<10000x32xf32, #tpu.memory_space<hbm>>
      %dma_wait3A_1379 = arith.constant 0 : i32
      %dma_wait3A_1380 = arith.constant 0 : i32
      %dma_wait3A_1381 = tpu.memref_slice %dma_wait3A_1378[%dma_wait3A_1379, %dma_wait3A_1380] : memref<10000x32xf32, #tpu.memory_space<hbm>> -> memref<10000x32xf32, #tpu.memory_space<hbm>>
      %dma_wait3A_1382 = tpu.memref_slice %arg9[%select_n3A_1367] : memref<6x!tpu.dma_semaphore, #tpu.memory_space<semaphore_mem>> -> memref<1x!tpu.dma_semaphore, #tpu.memory_space<semaphore_mem>>
      %dma_wait3A_1383 = tpu.memref_squeeze %dma_wait3A_1382 : memref<1x!tpu.dma_semaphore, #tpu.memory_space<semaphore_mem>> -> memref<!tpu.dma_semaphore, #tpu.memory_space<semaphore_mem>>
      tpu.wait_indirect_dma semaphore(%dma_wait3A_1383 : memref<!tpu.dma_semaphore, #tpu.memory_space<semaphore_mem>>) src(%dma_wait3A_1381 : memref<10000x32xf32, #tpu.memory_space<hbm>>) dst(%dma_wait3A_1371 : memref<128x32xf32, #tpu.memory_space<vmem>>)
      %jit3A_1384 = arith.constant 6 : i32
      %eq3A_1385 = arith.constant 0 : i32
      %eq3A_1386 = arith.cmpi eq, %jit3A_1384, %eq3A_1385 : i32
      %jit3A_1387 = arith.constant 1 : i32
      %select_n3A_1388 = arith.select %eq3A_1386, %jit3A_1387, %jit3A_1384 : i32
      %rem3A_1389 = arith.remsi %add3A_1301, %select_n3A_1388 : i32
      %ne3A_1390 = arith.constant 0 : i32
      %ne3A_1391 = arith.cmpi ne, %rem3A_1389, %ne3A_1390 : i32
      %lt3A_1392 = arith.constant 0 : i32
      %lt3A_1393 = arith.cmpi slt, %rem3A_1389, %lt3A_1392 : i32
      %lt3A_1394 = arith.constant 0 : i32
      %lt3A_1395 = arith.cmpi slt, %select_n3A_1388, %lt3A_1394 : i32
      %ne3A_1396 = arith.xori %lt3A_1393, %lt3A_1395 : i1
      %and3A_1397 = arith.andi %ne3A_1396, %ne3A_1391 : i1
      %add3A_1398 = arith.addi %rem3A_1389, %select_n3A_1388 : i32
      %select_n3A_1399 = arith.select %and3A_1397, %add3A_1398, %rem3A_1389 : i32
      %dma_start3A_1400 = arith.constant 0 : i32
      %dma_start3A_1401 = arith.constant 0 : i32
      %dma_start3A_1402 = tpu.memref_slice %arg8[%select_n3A_1399, %dma_start3A_1400, %dma_start3A_1401] : memref<6x128x32xf32, #tpu.memory_space<vmem>> -> memref<1x128x32xf32, #tpu.memory_space<vmem>>
      %dma_start3A_1403 = tpu.memref_squeeze %dma_start3A_1402 : memref<1x128x32xf32, #tpu.memory_space<vmem>> -> memref<128x32xf32, #tpu.memory_space<vmem>>
      %dma_start3A_1404 = arith.constant 0 : i32
      %dma_start3A_1405 = tpu.memref_slice %arg7[%add3A_1301, %dma_start3A_1404] : memref<157x128xi32, #tpu.memory_space<vmem>> -> memref<1x128xi32, #tpu.memory_space<vmem>>
      %dma_start3A_1406 = tpu.memref_squeeze %dma_start3A_1405 : memref<1x128xi32, #tpu.memory_space<vmem>> -> memref<128xi32, #tpu.memory_space<vmem>>
      %dma_start3A_1407 = arith.constant 0 : i32
      %dma_start3A_1408 = arith.constant 0 : i32
      %dma_start3A_1409 = tpu.memref_slice %arg5[%dma_start3A_1407, %dma_start3A_1408] : memref<10240x32xf32, #tpu.memory_space<vmem_shared>> -> memref<10240x32xf32, #tpu.memory_space<vmem_shared>>
      %dma_start3A_1410 = tpu.memref_slice %arg10[%select_n3A_1399] : memref<6x!tpu.dma_semaphore, #tpu.memory_space<semaphore_mem>> -> memref<1x!tpu.dma_semaphore, #tpu.memory_space<semaphore_mem>>
      %dma_start3A_1411 = tpu.memref_squeeze %dma_start3A_1410 : memref<1x!tpu.dma_semaphore, #tpu.memory_space<semaphore_mem>> -> memref<!tpu.dma_semaphore, #tpu.memory_space<semaphore_mem>>
      tpu.enqueue_indirect_dma source(%dma_start3A_1403 : memref<128x32xf32, #tpu.memory_space<vmem>>) target(%dma_start3A_1409 : memref<10240x32xf32, #tpu.memory_space<vmem_shared>>) offsets(%dma_start3A_1406 : memref<128xi32, #tpu.memory_space<vmem>>) semaphore(%dma_start3A_1411 : memref<!tpu.dma_semaphore, #tpu.memory_space<semaphore_mem>>) {add = true}
      %add3A_1412 = arith.constant 4 : i32
      %add3A_1413 = arith.addi %mul3A_963, %add3A_1412 : i32
      %add3A_1414 = arith.constant 4 : i32
      %add3A_1415 = arith.addi %add3A_1413, %add3A_1414 : i32
      %jit3A_1416 = arith.constant 6 : i32
      %eq3A_1417 = arith.constant 0 : i32
      %eq3A_1418 = arith.cmpi eq, %jit3A_1416, %eq3A_1417 : i32
      %jit3A_1419 = arith.constant 1 : i32
      %select_n3A_1420 = arith.select %eq3A_1418, %jit3A_1419, %jit3A_1416 : i32
      %rem3A_1421 = arith.remsi %add3A_1415, %select_n3A_1420 : i32
      %ne3A_1422 = arith.constant 0 : i32
      %ne3A_1423 = arith.cmpi ne, %rem3A_1421, %ne3A_1422 : i32
      %lt3A_1424 = arith.constant 0 : i32
      %lt3A_1425 = arith.cmpi slt, %rem3A_1421, %lt3A_1424 : i32
      %lt3A_1426 = arith.constant 0 : i32
      %lt3A_1427 = arith.cmpi slt, %select_n3A_1420, %lt3A_1426 : i32
      %ne3A_1428 = arith.xori %lt3A_1425, %lt3A_1427 : i1
      %and3A_1429 = arith.andi %ne3A_1428, %ne3A_1423 : i1
      %add3A_1430 = arith.addi %rem3A_1421, %select_n3A_1420 : i32
      %select_n3A_1431 = arith.select %and3A_1429, %add3A_1430, %rem3A_1421 : i32
      %sub3A_1432 = arith.constant 2 : i32
      %sub3A_1433 = arith.subi %add3A_1413, %sub3A_1432 : i32
      %dma_wait3A_1434 = arith.constant 0 : i32
      %dma_wait3A_1435 = arith.constant 0 : i32
      %dma_wait3A_1436 = tpu.memref_slice %arg8[%select_n3A_1431, %dma_wait3A_1434, %dma_wait3A_1435] : memref<6x128x32xf32, #tpu.memory_space<vmem>> -> memref<1x128x32xf32, #tpu.memory_space<vmem>>
      %dma_wait3A_1437 = tpu.memref_squeeze %dma_wait3A_1436 : memref<1x128x32xf32, #tpu.memory_space<vmem>> -> memref<128x32xf32, #tpu.memory_space<vmem>>
      %dma_wait3A_1438 = arith.constant 0 : i32
      %dma_wait3A_1439 = tpu.memref_slice %arg7[%sub3A_1433, %dma_wait3A_1438] : memref<157x128xi32, #tpu.memory_space<vmem>> -> memref<1x128xi32, #tpu.memory_space<vmem>>
      %dma_wait3A_1440 = tpu.memref_squeeze %dma_wait3A_1439 : memref<1x128xi32, #tpu.memory_space<vmem>> -> memref<128xi32, #tpu.memory_space<vmem>>
      %dma_wait3A_1441 = arith.constant 0 : i32
      %dma_wait3A_1442 = arith.constant 0 : i32
      %dma_wait3A_1443 = tpu.memref_slice %arg5[%dma_wait3A_1441, %dma_wait3A_1442] : memref<10240x32xf32, #tpu.memory_space<vmem_shared>> -> memref<10240x32xf32, #tpu.memory_space<vmem_shared>>
      %dma_wait3A_1444 = tpu.memref_slice %arg10[%select_n3A_1431] : memref<6x!tpu.dma_semaphore, #tpu.memory_space<semaphore_mem>> -> memref<1x!tpu.dma_semaphore, #tpu.memory_space<semaphore_mem>>
      %dma_wait3A_1445 = tpu.memref_squeeze %dma_wait3A_1444 : memref<1x!tpu.dma_semaphore, #tpu.memory_space<semaphore_mem>> -> memref<!tpu.dma_semaphore, #tpu.memory_space<semaphore_mem>>
      tpu.wait_indirect_dma semaphore(%dma_wait3A_1445 : memref<!tpu.dma_semaphore, #tpu.memory_space<semaphore_mem>>) src(%dma_wait3A_1437 : memref<128x32xf32, #tpu.memory_space<vmem>>) dst(%dma_wait3A_1443 : memref<10240x32xf32, #tpu.memory_space<vmem_shared>>)
      %add3A_1446 = arith.constant 4 : i32
      %add3A_1447 = arith.addi %add3A_1413, %add3A_1446 : i32
      %dma_start3A_1448 = arith.constant 0 : i32
      %dma_start3A_1449 = arith.constant 0 : i32
      %dma_start3A_1450 = tpu.memref_slice %arg8[%select_n3A_1431, %dma_start3A_1448, %dma_start3A_1449] : memref<6x128x32xf32, #tpu.memory_space<vmem>> -> memref<1x128x32xf32, #tpu.memory_space<vmem>>
      %dma_start3A_1451 = tpu.memref_squeeze %dma_start3A_1450 : memref<1x128x32xf32, #tpu.memory_space<vmem>> -> memref<128x32xf32, #tpu.memory_space<vmem>>
      %dma_start3A_1452 = arith.constant 0 : i32
      %dma_start3A_1453 = tpu.memref_slice %arg6[%add3A_1447, %dma_start3A_1452] : memref<157x128xi32, #tpu.memory_space<vmem>> -> memref<1x128xi32, #tpu.memory_space<vmem>>
      %dma_start3A_1454 = tpu.memref_squeeze %dma_start3A_1453 : memref<1x128xi32, #tpu.memory_space<vmem>> -> memref<128xi32, #tpu.memory_space<vmem>>
      %dma_start3A_1455 = arith.constant 0 : i32
      %dma_start3A_1456 = arith.constant 0 : i32
      %dma_start3A_1457 = tpu.memref_slice %arg2[%arg0, %dma_start3A_1455, %dma_start3A_1456] : memref<2x10000x32xf32, #tpu.memory_space<hbm>> -> memref<1x10000x32xf32, #tpu.memory_space<hbm>>
      %dma_start3A_1458 = tpu.memref_squeeze %dma_start3A_1457 : memref<1x10000x32xf32, #tpu.memory_space<hbm>> -> memref<10000x32xf32, #tpu.memory_space<hbm>>
      %dma_start3A_1459 = arith.constant 0 : i32
      %dma_start3A_1460 = arith.constant 0 : i32
      %dma_start3A_1461 = tpu.memref_slice %dma_start3A_1458[%dma_start3A_1459, %dma_start3A_1460] : memref<10000x32xf32, #tpu.memory_space<hbm>> -> memref<10000x32xf32, #tpu.memory_space<hbm>>
      %dma_start3A_1462 = tpu.memref_slice %arg9[%select_n3A_1431] : memref<6x!tpu.dma_semaphore, #tpu.memory_space<semaphore_mem>> -> memref<1x!tpu.dma_semaphore, #tpu.memory_space<semaphore_mem>>
      %dma_start3A_1463 = tpu.memref_squeeze %dma_start3A_1462 : memref<1x!tpu.dma_semaphore, #tpu.memory_space<semaphore_mem>> -> memref<!tpu.dma_semaphore, #tpu.memory_space<semaphore_mem>>
      tpu.enqueue_indirect_dma source(%dma_start3A_1461 : memref<10000x32xf32, #tpu.memory_space<hbm>>) target(%dma_start3A_1451 : memref<128x32xf32, #tpu.memory_space<vmem>>) offsets(%dma_start3A_1454 : memref<128xi32, #tpu.memory_space<vmem>>) semaphore(%dma_start3A_1463 : memref<!tpu.dma_semaphore, #tpu.memory_space<semaphore_mem>>)
      %jit3A_1464 = arith.constant 6 : i32
      %eq3A_1465 = arith.constant 0 : i32
      %eq3A_1466 = arith.cmpi eq, %jit3A_1464, %eq3A_1465 : i32
      %jit3A_1467 = arith.constant 1 : i32
      %select_n3A_1468 = arith.select %eq3A_1466, %jit3A_1467, %jit3A_1464 : i32
      %rem3A_1469 = arith.remsi %add3A_1413, %select_n3A_1468 : i32
      %ne3A_1470 = arith.constant 0 : i32
      %ne3A_1471 = arith.cmpi ne, %rem3A_1469, %ne3A_1470 : i32
      %lt3A_1472 = arith.constant 0 : i32
      %lt3A_1473 = arith.cmpi slt, %rem3A_1469, %lt3A_1472 : i32
      %lt3A_1474 = arith.constant 0 : i32
      %lt3A_1475 = arith.cmpi slt, %select_n3A_1468, %lt3A_1474 : i32
      %ne3A_1476 = arith.xori %lt3A_1473, %lt3A_1475 : i1
      %and3A_1477 = arith.andi %ne3A_1476, %ne3A_1471 : i1
      %add3A_1478 = arith.addi %rem3A_1469, %select_n3A_1468 : i32
      %select_n3A_1479 = arith.select %and3A_1477, %add3A_1478, %rem3A_1469 : i32
      %dma_wait3A_1480 = arith.constant 0 : i32
      %dma_wait3A_1481 = arith.constant 0 : i32
      %dma_wait3A_1482 = tpu.memref_slice %arg8[%select_n3A_1479, %dma_wait3A_1480, %dma_wait3A_1481] : memref<6x128x32xf32, #tpu.memory_space<vmem>> -> memref<1x128x32xf32, #tpu.memory_space<vmem>>
      %dma_wait3A_1483 = tpu.memref_squeeze %dma_wait3A_1482 : memref<1x128x32xf32, #tpu.memory_space<vmem>> -> memref<128x32xf32, #tpu.memory_space<vmem>>
      %dma_wait3A_1484 = arith.constant 0 : i32
      %dma_wait3A_1485 = tpu.memref_slice %arg6[%add3A_1413, %dma_wait3A_1484] : memref<157x128xi32, #tpu.memory_space<vmem>> -> memref<1x128xi32, #tpu.memory_space<vmem>>
      %dma_wait3A_1486 = tpu.memref_squeeze %dma_wait3A_1485 : memref<1x128xi32, #tpu.memory_space<vmem>> -> memref<128xi32, #tpu.memory_space<vmem>>
      %dma_wait3A_1487 = arith.constant 0 : i32
      %dma_wait3A_1488 = arith.constant 0 : i32
      %dma_wait3A_1489 = tpu.memref_slice %arg2[%arg0, %dma_wait3A_1487, %dma_wait3A_1488] : memref<2x10000x32xf32, #tpu.memory_space<hbm>> -> memref<1x10000x32xf32, #tpu.memory_space<hbm>>
      %dma_wait3A_1490 = tpu.memref_squeeze %dma_wait3A_1489 : memref<1x10000x32xf32, #tpu.memory_space<hbm>> -> memref<10000x32xf32, #tpu.memory_space<hbm>>
      %dma_wait3A_1491 = arith.constant 0 : i32
      %dma_wait3A_1492 = arith.constant 0 : i32
      %dma_wait3A_1493 = tpu.memref_slice %dma_wait3A_1490[%dma_wait3A_1491, %dma_wait3A_1492] : memref<10000x32xf32, #tpu.memory_space<hbm>> -> memref<10000x32xf32, #tpu.memory_space<hbm>>
      %dma_wait3A_1494 = tpu.memref_slice %arg9[%select_n3A_1479] : memref<6x!tpu.dma_semaphore, #tpu.memory_space<semaphore_mem>> -> memref<1x!tpu.dma_semaphore, #tpu.memory_space<semaphore_mem>>
      %dma_wait3A_1495 = tpu.memref_squeeze %dma_wait3A_1494 : memref<1x!tpu.dma_semaphore, #tpu.memory_space<semaphore_mem>> -> memref<!tpu.dma_semaphore, #tpu.memory_space<semaphore_mem>>
      tpu.wait_indirect_dma semaphore(%dma_wait3A_1495 : memref<!tpu.dma_semaphore, #tpu.memory_space<semaphore_mem>>) src(%dma_wait3A_1493 : memref<10000x32xf32, #tpu.memory_space<hbm>>) dst(%dma_wait3A_1483 : memref<128x32xf32, #tpu.memory_space<vmem>>)
      %jit3A_1496 = arith.constant 6 : i32
      %eq3A_1497 = arith.constant 0 : i32
      %eq3A_1498 = arith.cmpi eq, %jit3A_1496, %eq3A_1497 : i32
      %jit3A_1499 = arith.constant 1 : i32
      %select_n3A_1500 = arith.select %eq3A_1498, %jit3A_1499, %jit3A_1496 : i32
      %rem3A_1501 = arith.remsi %add3A_1413, %select_n3A_1500 : i32
      %ne3A_1502 = arith.constant 0 : i32
      %ne3A_1503 = arith.cmpi ne, %rem3A_1501, %ne3A_1502 : i32
      %lt3A_1504 = arith.constant 0 : i32
      %lt3A_1505 = arith.cmpi slt, %rem3A_1501, %lt3A_1504 : i32
      %lt3A_1506 = arith.constant 0 : i32
      %lt3A_1507 = arith.cmpi slt, %select_n3A_1500, %lt3A_1506 : i32
      %ne3A_1508 = arith.xori %lt3A_1505, %lt3A_1507 : i1
      %and3A_1509 = arith.andi %ne3A_1508, %ne3A_1503 : i1
      %add3A_1510 = arith.addi %rem3A_1501, %select_n3A_1500 : i32
      %select_n3A_1511 = arith.select %and3A_1509, %add3A_1510, %rem3A_1501 : i32
      %dma_start3A_1512 = arith.constant 0 : i32
      %dma_start3A_1513 = arith.constant 0 : i32
      %dma_start3A_1514 = tpu.memref_slice %arg8[%select_n3A_1511, %dma_start3A_1512, %dma_start3A_1513] : memref<6x128x32xf32, #tpu.memory_space<vmem>> -> memref<1x128x32xf32, #tpu.memory_space<vmem>>
      %dma_start3A_1515 = tpu.memref_squeeze %dma_start3A_1514 : memref<1x128x32xf32, #tpu.memory_space<vmem>> -> memref<128x32xf32, #tpu.memory_space<vmem>>
      %dma_start3A_1516 = arith.constant 0 : i32
      %dma_start3A_1517 = tpu.memref_slice %arg7[%add3A_1413, %dma_start3A_1516] : memref<157x128xi32, #tpu.memory_space<vmem>> -> memref<1x128xi32, #tpu.memory_space<vmem>>
      %dma_start3A_1518 = tpu.memref_squeeze %dma_start3A_1517 : memref<1x128xi32, #tpu.memory_space<vmem>> -> memref<128xi32, #tpu.memory_space<vmem>>
      %dma_start3A_1519 = arith.constant 0 : i32
      %dma_start3A_1520 = arith.constant 0 : i32
      %dma_start3A_1521 = tpu.memref_slice %arg5[%dma_start3A_1519, %dma_start3A_1520] : memref<10240x32xf32, #tpu.memory_space<vmem_shared>> -> memref<10240x32xf32, #tpu.memory_space<vmem_shared>>
      %dma_start3A_1522 = tpu.memref_slice %arg10[%select_n3A_1511] : memref<6x!tpu.dma_semaphore, #tpu.memory_space<semaphore_mem>> -> memref<1x!tpu.dma_semaphore, #tpu.memory_space<semaphore_mem>>
      %dma_start3A_1523 = tpu.memref_squeeze %dma_start3A_1522 : memref<1x!tpu.dma_semaphore, #tpu.memory_space<semaphore_mem>> -> memref<!tpu.dma_semaphore, #tpu.memory_space<semaphore_mem>>
      tpu.enqueue_indirect_dma source(%dma_start3A_1515 : memref<128x32xf32, #tpu.memory_space<vmem>>) target(%dma_start3A_1521 : memref<10240x32xf32, #tpu.memory_space<vmem_shared>>) offsets(%dma_start3A_1518 : memref<128xi32, #tpu.memory_space<vmem>>) semaphore(%dma_start3A_1523 : memref<!tpu.dma_semaphore, #tpu.memory_space<semaphore_mem>>) {add = true}
      %add3A_1524 = arith.constant 5 : i32
      %add3A_1525 = arith.addi %mul3A_963, %add3A_1524 : i32
      %add3A_1526 = arith.constant 4 : i32
      %add3A_1527 = arith.addi %add3A_1525, %add3A_1526 : i32
      %jit3A_1528 = arith.constant 6 : i32
      %eq3A_1529 = arith.constant 0 : i32
      %eq3A_1530 = arith.cmpi eq, %jit3A_1528, %eq3A_1529 : i32
      %jit3A_1531 = arith.constant 1 : i32
      %select_n3A_1532 = arith.select %eq3A_1530, %jit3A_1531, %jit3A_1528 : i32
      %rem3A_1533 = arith.remsi %add3A_1527, %select_n3A_1532 : i32
      %ne3A_1534 = arith.constant 0 : i32
      %ne3A_1535 = arith.cmpi ne, %rem3A_1533, %ne3A_1534 : i32
      %lt3A_1536 = arith.constant 0 : i32
      %lt3A_1537 = arith.cmpi slt, %rem3A_1533, %lt3A_1536 : i32
      %lt3A_1538 = arith.constant 0 : i32
      %lt3A_1539 = arith.cmpi slt, %select_n3A_1532, %lt3A_1538 : i32
      %ne3A_1540 = arith.xori %lt3A_1537, %lt3A_1539 : i1
      %and3A_1541 = arith.andi %ne3A_1540, %ne3A_1535 : i1
      %add3A_1542 = arith.addi %rem3A_1533, %select_n3A_1532 : i32
      %select_n3A_1543 = arith.select %and3A_1541, %add3A_1542, %rem3A_1533 : i32
      %sub3A_1544 = arith.constant 2 : i32
      %sub3A_1545 = arith.subi %add3A_1525, %sub3A_1544 : i32
      %dma_wait3A_1546 = arith.constant 0 : i32
      %dma_wait3A_1547 = arith.constant 0 : i32
      %dma_wait3A_1548 = tpu.memref_slice %arg8[%select_n3A_1543, %dma_wait3A_1546, %dma_wait3A_1547] : memref<6x128x32xf32, #tpu.memory_space<vmem>> -> memref<1x128x32xf32, #tpu.memory_space<vmem>>
      %dma_wait3A_1549 = tpu.memref_squeeze %dma_wait3A_1548 : memref<1x128x32xf32, #tpu.memory_space<vmem>> -> memref<128x32xf32, #tpu.memory_space<vmem>>
      %dma_wait3A_1550 = arith.constant 0 : i32
      %dma_wait3A_1551 = tpu.memref_slice %arg7[%sub3A_1545, %dma_wait3A_1550] : memref<157x128xi32, #tpu.memory_space<vmem>> -> memref<1x128xi32, #tpu.memory_space<vmem>>
      %dma_wait3A_1552 = tpu.memref_squeeze %dma_wait3A_1551 : memref<1x128xi32, #tpu.memory_space<vmem>> -> memref<128xi32, #tpu.memory_space<vmem>>
      %dma_wait3A_1553 = arith.constant 0 : i32
      %dma_wait3A_1554 = arith.constant 0 : i32
      %dma_wait3A_1555 = tpu.memref_slice %arg5[%dma_wait3A_1553, %dma_wait3A_1554] : memref<10240x32xf32, #tpu.memory_space<vmem_shared>> -> memref<10240x32xf32, #tpu.memory_space<vmem_shared>>
      %dma_wait3A_1556 = tpu.memref_slice %arg10[%select_n3A_1543] : memref<6x!tpu.dma_semaphore, #tpu.memory_space<semaphore_mem>> -> memref<1x!tpu.dma_semaphore, #tpu.memory_space<semaphore_mem>>
      %dma_wait3A_1557 = tpu.memref_squeeze %dma_wait3A_1556 : memref<1x!tpu.dma_semaphore, #tpu.memory_space<semaphore_mem>> -> memref<!tpu.dma_semaphore, #tpu.memory_space<semaphore_mem>>
      tpu.wait_indirect_dma semaphore(%dma_wait3A_1557 : memref<!tpu.dma_semaphore, #tpu.memory_space<semaphore_mem>>) src(%dma_wait3A_1549 : memref<128x32xf32, #tpu.memory_space<vmem>>) dst(%dma_wait3A_1555 : memref<10240x32xf32, #tpu.memory_space<vmem_shared>>)
      %add3A_1558 = arith.constant 4 : i32
      %add3A_1559 = arith.addi %add3A_1525, %add3A_1558 : i32
      %dma_start3A_1560 = arith.constant 0 : i32
      %dma_start3A_1561 = arith.constant 0 : i32
      %dma_start3A_1562 = tpu.memref_slice %arg8[%select_n3A_1543, %dma_start3A_1560, %dma_start3A_1561] : memref<6x128x32xf32, #tpu.memory_space<vmem>> -> memref<1x128x32xf32, #tpu.memory_space<vmem>>
      %dma_start3A_1563 = tpu.memref_squeeze %dma_start3A_1562 : memref<1x128x32xf32, #tpu.memory_space<vmem>> -> memref<128x32xf32, #tpu.memory_space<vmem>>
      %dma_start3A_1564 = arith.constant 0 : i32
      %dma_start3A_1565 = tpu.memref_slice %arg6[%add3A_1559, %dma_start3A_1564] : memref<157x128xi32, #tpu.memory_space<vmem>> -> memref<1x128xi32, #tpu.memory_space<vmem>>
      %dma_start3A_1566 = tpu.memref_squeeze %dma_start3A_1565 : memref<1x128xi32, #tpu.memory_space<vmem>> -> memref<128xi32, #tpu.memory_space<vmem>>
      %dma_start3A_1567 = arith.constant 0 : i32
      %dma_start3A_1568 = arith.constant 0 : i32
      %dma_start3A_1569 = tpu.memref_slice %arg2[%arg0, %dma_start3A_1567, %dma_start3A_1568] : memref<2x10000x32xf32, #tpu.memory_space<hbm>> -> memref<1x10000x32xf32, #tpu.memory_space<hbm>>
      %dma_start3A_1570 = tpu.memref_squeeze %dma_start3A_1569 : memref<1x10000x32xf32, #tpu.memory_space<hbm>> -> memref<10000x32xf32, #tpu.memory_space<hbm>>
      %dma_start3A_1571 = arith.constant 0 : i32
      %dma_start3A_1572 = arith.constant 0 : i32
      %dma_start3A_1573 = tpu.memref_slice %dma_start3A_1570[%dma_start3A_1571, %dma_start3A_1572] : memref<10000x32xf32, #tpu.memory_space<hbm>> -> memref<10000x32xf32, #tpu.memory_space<hbm>>
      %dma_start3A_1574 = tpu.memref_slice %arg9[%select_n3A_1543] : memref<6x!tpu.dma_semaphore, #tpu.memory_space<semaphore_mem>> -> memref<1x!tpu.dma_semaphore, #tpu.memory_space<semaphore_mem>>
      %dma_start3A_1575 = tpu.memref_squeeze %dma_start3A_1574 : memref<1x!tpu.dma_semaphore, #tpu.memory_space<semaphore_mem>> -> memref<!tpu.dma_semaphore, #tpu.memory_space<semaphore_mem>>
      tpu.enqueue_indirect_dma source(%dma_start3A_1573 : memref<10000x32xf32, #tpu.memory_space<hbm>>) target(%dma_start3A_1563 : memref<128x32xf32, #tpu.memory_space<vmem>>) offsets(%dma_start3A_1566 : memref<128xi32, #tpu.memory_space<vmem>>) semaphore(%dma_start3A_1575 : memref<!tpu.dma_semaphore, #tpu.memory_space<semaphore_mem>>)
      %jit3A_1576 = arith.constant 6 : i32
      %eq3A_1577 = arith.constant 0 : i32
      %eq3A_1578 = arith.cmpi eq, %jit3A_1576, %eq3A_1577 : i32
      %jit3A_1579 = arith.constant 1 : i32
      %select_n3A_1580 = arith.select %eq3A_1578, %jit3A_1579, %jit3A_1576 : i32
      %rem3A_1581 = arith.remsi %add3A_1525, %select_n3A_1580 : i32
      %ne3A_1582 = arith.constant 0 : i32
      %ne3A_1583 = arith.cmpi ne, %rem3A_1581, %ne3A_1582 : i32
      %lt3A_1584 = arith.constant 0 : i32
      %lt3A_1585 = arith.cmpi slt, %rem3A_1581, %lt3A_1584 : i32
      %lt3A_1586 = arith.constant 0 : i32
      %lt3A_1587 = arith.cmpi slt, %select_n3A_1580, %lt3A_1586 : i32
      %ne3A_1588 = arith.xori %lt3A_1585, %lt3A_1587 : i1
      %and3A_1589 = arith.andi %ne3A_1588, %ne3A_1583 : i1
      %add3A_1590 = arith.addi %rem3A_1581, %select_n3A_1580 : i32
      %select_n3A_1591 = arith.select %and3A_1589, %add3A_1590, %rem3A_1581 : i32
      %dma_wait3A_1592 = arith.constant 0 : i32
      %dma_wait3A_1593 = arith.constant 0 : i32
      %dma_wait3A_1594 = tpu.memref_slice %arg8[%select_n3A_1591, %dma_wait3A_1592, %dma_wait3A_1593] : memref<6x128x32xf32, #tpu.memory_space<vmem>> -> memref<1x128x32xf32, #tpu.memory_space<vmem>>
      %dma_wait3A_1595 = tpu.memref_squeeze %dma_wait3A_1594 : memref<1x128x32xf32, #tpu.memory_space<vmem>> -> memref<128x32xf32, #tpu.memory_space<vmem>>
      %dma_wait3A_1596 = arith.constant 0 : i32
      %dma_wait3A_1597 = tpu.memref_slice %arg6[%add3A_1525, %dma_wait3A_1596] : memref<157x128xi32, #tpu.memory_space<vmem>> -> memref<1x128xi32, #tpu.memory_space<vmem>>
      %dma_wait3A_1598 = tpu.memref_squeeze %dma_wait3A_1597 : memref<1x128xi32, #tpu.memory_space<vmem>> -> memref<128xi32, #tpu.memory_space<vmem>>
      %dma_wait3A_1599 = arith.constant 0 : i32
      %dma_wait3A_1600 = arith.constant 0 : i32
      %dma_wait3A_1601 = tpu.memref_slice %arg2[%arg0, %dma_wait3A_1599, %dma_wait3A_1600] : memref<2x10000x32xf32, #tpu.memory_space<hbm>> -> memref<1x10000x32xf32, #tpu.memory_space<hbm>>
      %dma_wait3A_1602 = tpu.memref_squeeze %dma_wait3A_1601 : memref<1x10000x32xf32, #tpu.memory_space<hbm>> -> memref<10000x32xf32, #tpu.memory_space<hbm>>
      %dma_wait3A_1603 = arith.constant 0 : i32
      %dma_wait3A_1604 = arith.constant 0 : i32
      %dma_wait3A_1605 = tpu.memref_slice %dma_wait3A_1602[%dma_wait3A_1603, %dma_wait3A_1604] : memref<10000x32xf32, #tpu.memory_space<hbm>> -> memref<10000x32xf32, #tpu.memory_space<hbm>>
      %dma_wait3A_1606 = tpu.memref_slice %arg9[%select_n3A_1591] : memref<6x!tpu.dma_semaphore, #tpu.memory_space<semaphore_mem>> -> memref<1x!tpu.dma_semaphore, #tpu.memory_space<semaphore_mem>>
      %dma_wait3A_1607 = tpu.memref_squeeze %dma_wait3A_1606 : memref<1x!tpu.dma_semaphore, #tpu.memory_space<semaphore_mem>> -> memref<!tpu.dma_semaphore, #tpu.memory_space<semaphore_mem>>
      tpu.wait_indirect_dma semaphore(%dma_wait3A_1607 : memref<!tpu.dma_semaphore, #tpu.memory_space<semaphore_mem>>) src(%dma_wait3A_1605 : memref<10000x32xf32, #tpu.memory_space<hbm>>) dst(%dma_wait3A_1595 : memref<128x32xf32, #tpu.memory_space<vmem>>)
      %jit3A_1608 = arith.constant 6 : i32
      %eq3A_1609 = arith.constant 0 : i32
      %eq3A_1610 = arith.cmpi eq, %jit3A_1608, %eq3A_1609 : i32
      %jit3A_1611 = arith.constant 1 : i32
      %select_n3A_1612 = arith.select %eq3A_1610, %jit3A_1611, %jit3A_1608 : i32
      %rem3A_1613 = arith.remsi %add3A_1525, %select_n3A_1612 : i32
      %ne3A_1614 = arith.constant 0 : i32
      %ne3A_1615 = arith.cmpi ne, %rem3A_1613, %ne3A_1614 : i32
      %lt3A_1616 = arith.constant 0 : i32
      %lt3A_1617 = arith.cmpi slt, %rem3A_1613, %lt3A_1616 : i32
      %lt3A_1618 = arith.constant 0 : i32
      %lt3A_1619 = arith.cmpi slt, %select_n3A_1612, %lt3A_1618 : i32
      %ne3A_1620 = arith.xori %lt3A_1617, %lt3A_1619 : i1
      %and3A_1621 = arith.andi %ne3A_1620, %ne3A_1615 : i1
      %add3A_1622 = arith.addi %rem3A_1613, %select_n3A_1612 : i32
      %select_n3A_1623 = arith.select %and3A_1621, %add3A_1622, %rem3A_1613 : i32
      %dma_start3A_1624 = arith.constant 0 : i32
      %dma_start3A_1625 = arith.constant 0 : i32
      %dma_start3A_1626 = tpu.memref_slice %arg8[%select_n3A_1623, %dma_start3A_1624, %dma_start3A_1625] : memref<6x128x32xf32, #tpu.memory_space<vmem>> -> memref<1x128x32xf32, #tpu.memory_space<vmem>>
      %dma_start3A_1627 = tpu.memref_squeeze %dma_start3A_1626 : memref<1x128x32xf32, #tpu.memory_space<vmem>> -> memref<128x32xf32, #tpu.memory_space<vmem>>
      %dma_start3A_1628 = arith.constant 0 : i32
      %dma_start3A_1629 = tpu.memref_slice %arg7[%add3A_1525, %dma_start3A_1628] : memref<157x128xi32, #tpu.memory_space<vmem>> -> memref<1x128xi32, #tpu.memory_space<vmem>>
      %dma_start3A_1630 = tpu.memref_squeeze %dma_start3A_1629 : memref<1x128xi32, #tpu.memory_space<vmem>> -> memref<128xi32, #tpu.memory_space<vmem>>
      %dma_start3A_1631 = arith.constant 0 : i32
      %dma_start3A_1632 = arith.constant 0 : i32
      %dma_start3A_1633 = tpu.memref_slice %arg5[%dma_start3A_1631, %dma_start3A_1632] : memref<10240x32xf32, #tpu.memory_space<vmem_shared>> -> memref<10240x32xf32, #tpu.memory_space<vmem_shared>>
      %dma_start3A_1634 = tpu.memref_slice %arg10[%select_n3A_1623] : memref<6x!tpu.dma_semaphore, #tpu.memory_space<semaphore_mem>> -> memref<1x!tpu.dma_semaphore, #tpu.memory_space<semaphore_mem>>
      %dma_start3A_1635 = tpu.memref_squeeze %dma_start3A_1634 : memref<1x!tpu.dma_semaphore, #tpu.memory_space<semaphore_mem>> -> memref<!tpu.dma_semaphore, #tpu.memory_space<semaphore_mem>>
      tpu.enqueue_indirect_dma source(%dma_start3A_1627 : memref<128x32xf32, #tpu.memory_space<vmem>>) target(%dma_start3A_1633 : memref<10240x32xf32, #tpu.memory_space<vmem_shared>>) offsets(%dma_start3A_1630 : memref<128xi32, #tpu.memory_space<vmem>>) semaphore(%dma_start3A_1635 : memref<!tpu.dma_semaphore, #tpu.memory_space<semaphore_mem>>) {add = true}
      %scan3A_1636 = arith.constant 0 : i32
      scf.yield %scan3A_1636 : i32
    }
    %scan3A_578 = arith.constant 24 : i32
    %dma_wait3A_579 = arith.constant 4 : i32
    %dma_wait3A_580 = arith.constant 148 : i32
    %dma_wait3A_581 = arith.constant 4 : i32
    %dma_wait3A_582 = arith.constant 0 : i32
    %dma_wait3A_583 = arith.constant 0 : i32
    %dma_wait3A_584 = tpu.memref_slice %arg8[%dma_wait3A_579, %dma_wait3A_582, %dma_wait3A_583] : memref<6x128x32xf32, #tpu.memory_space<vmem>> -> memref<1x128x32xf32, #tpu.memory_space<vmem>>
    %dma_wait3A_585 = tpu.memref_squeeze %dma_wait3A_584 : memref<1x128x32xf32, #tpu.memory_space<vmem>> -> memref<128x32xf32, #tpu.memory_space<vmem>>
    %dma_wait3A_586 = arith.constant 0 : i32
    %dma_wait3A_587 = tpu.memref_slice %arg7[%dma_wait3A_580, %dma_wait3A_586] : memref<157x128xi32, #tpu.memory_space<vmem>> -> memref<1x128xi32, #tpu.memory_space<vmem>>
    %dma_wait3A_588 = tpu.memref_squeeze %dma_wait3A_587 : memref<1x128xi32, #tpu.memory_space<vmem>> -> memref<128xi32, #tpu.memory_space<vmem>>
    %dma_wait3A_589 = arith.constant 0 : i32
    %dma_wait3A_590 = arith.constant 0 : i32
    %dma_wait3A_591 = tpu.memref_slice %arg5[%dma_wait3A_589, %dma_wait3A_590] : memref<10240x32xf32, #tpu.memory_space<vmem_shared>> -> memref<10240x32xf32, #tpu.memory_space<vmem_shared>>
    %dma_wait3A_592 = tpu.memref_slice %arg10[%dma_wait3A_581] : memref<6x!tpu.dma_semaphore, #tpu.memory_space<semaphore_mem>> -> memref<1x!tpu.dma_semaphore, #tpu.memory_space<semaphore_mem>>
    %dma_wait3A_593 = tpu.memref_squeeze %dma_wait3A_592 : memref<1x!tpu.dma_semaphore, #tpu.memory_space<semaphore_mem>> -> memref<!tpu.dma_semaphore, #tpu.memory_space<semaphore_mem>>
    tpu.wait_indirect_dma semaphore(%dma_wait3A_593 : memref<!tpu.dma_semaphore, #tpu.memory_space<semaphore_mem>>) src(%dma_wait3A_585 : memref<128x32xf32, #tpu.memory_space<vmem>>) dst(%dma_wait3A_591 : memref<10240x32xf32, #tpu.memory_space<vmem_shared>>)
    %dma_start3A_594 = arith.constant 154 : i32
    %dma_start3A_595 = arith.constant 4 : i32
    %dma_start3A_596 = arith.constant 4 : i32
    %dma_start3A_597 = arith.constant 0 : i32
    %dma_start3A_598 = arith.constant 0 : i32
    %dma_start3A_599 = tpu.memref_slice %arg8[%dma_start3A_595, %dma_start3A_597, %dma_start3A_598] : memref<6x128x32xf32, #tpu.memory_space<vmem>> -> memref<1x128x32xf32, #tpu.memory_space<vmem>>
    %dma_start3A_600 = tpu.memref_squeeze %dma_start3A_599 : memref<1x128x32xf32, #tpu.memory_space<vmem>> -> memref<128x32xf32, #tpu.memory_space<vmem>>
    %dma_start3A_601 = arith.constant 0 : i32
    %dma_start3A_602 = tpu.memref_slice %arg6[%dma_start3A_594, %dma_start3A_601] : memref<157x128xi32, #tpu.memory_space<vmem>> -> memref<1x128xi32, #tpu.memory_space<vmem>>
    %dma_start3A_603 = tpu.memref_squeeze %dma_start3A_602 : memref<1x128xi32, #tpu.memory_space<vmem>> -> memref<128xi32, #tpu.memory_space<vmem>>
    %dma_start3A_604 = arith.constant 0 : i32
    %dma_start3A_605 = arith.constant 0 : i32
    %dma_start3A_606 = tpu.memref_slice %arg2[%arg0, %dma_start3A_604, %dma_start3A_605] : memref<2x10000x32xf32, #tpu.memory_space<hbm>> -> memref<1x10000x32xf32, #tpu.memory_space<hbm>>
    %dma_start3A_607 = tpu.memref_squeeze %dma_start3A_606 : memref<1x10000x32xf32, #tpu.memory_space<hbm>> -> memref<10000x32xf32, #tpu.memory_space<hbm>>
    %dma_start3A_608 = arith.constant 0 : i32
    %dma_start3A_609 = arith.constant 0 : i32
    %dma_start3A_610 = tpu.memref_slice %dma_start3A_607[%dma_start3A_608, %dma_start3A_609] : memref<10000x32xf32, #tpu.memory_space<hbm>> -> memref<10000x32xf32, #tpu.memory_space<hbm>>
    %dma_start3A_611 = tpu.memref_slice %arg9[%dma_start3A_596] : memref<6x!tpu.dma_semaphore, #tpu.memory_space<semaphore_mem>> -> memref<1x!tpu.dma_semaphore, #tpu.memory_space<semaphore_mem>>
    %dma_start3A_612 = tpu.memref_squeeze %dma_start3A_611 : memref<1x!tpu.dma_semaphore, #tpu.memory_space<semaphore_mem>> -> memref<!tpu.dma_semaphore, #tpu.memory_space<semaphore_mem>>
    tpu.enqueue_indirect_dma source(%dma_start3A_610 : memref<10000x32xf32, #tpu.memory_space<hbm>>) target(%dma_start3A_600 : memref<128x32xf32, #tpu.memory_space<vmem>>) offsets(%dma_start3A_603 : memref<128xi32, #tpu.memory_space<vmem>>) semaphore(%dma_start3A_612 : memref<!tpu.dma_semaphore, #tpu.memory_space<semaphore_mem>>)
    %dma_wait3A_613 = arith.constant 150 : i32
    %dma_wait3A_614 = arith.constant 0 : i32
    %dma_wait3A_615 = arith.constant 0 : i32
    %dma_wait3A_616 = arith.constant 0 : i32
    %dma_wait3A_617 = arith.constant 0 : i32
    %dma_wait3A_618 = tpu.memref_slice %arg8[%dma_wait3A_614, %dma_wait3A_616, %dma_wait3A_617] : memref<6x128x32xf32, #tpu.memory_space<vmem>> -> memref<1x128x32xf32, #tpu.memory_space<vmem>>
    %dma_wait3A_619 = tpu.memref_squeeze %dma_wait3A_618 : memref<1x128x32xf32, #tpu.memory_space<vmem>> -> memref<128x32xf32, #tpu.memory_space<vmem>>
    %dma_wait3A_620 = arith.constant 0 : i32
    %dma_wait3A_621 = tpu.memref_slice %arg6[%dma_wait3A_613, %dma_wait3A_620] : memref<157x128xi32, #tpu.memory_space<vmem>> -> memref<1x128xi32, #tpu.memory_space<vmem>>
    %dma_wait3A_622 = tpu.memref_squeeze %dma_wait3A_621 : memref<1x128xi32, #tpu.memory_space<vmem>> -> memref<128xi32, #tpu.memory_space<vmem>>
    %dma_wait3A_623 = arith.constant 0 : i32
    %dma_wait3A_624 = arith.constant 0 : i32
    %dma_wait3A_625 = tpu.memref_slice %arg2[%arg0, %dma_wait3A_623, %dma_wait3A_624] : memref<2x10000x32xf32, #tpu.memory_space<hbm>> -> memref<1x10000x32xf32, #tpu.memory_space<hbm>>
    %dma_wait3A_626 = tpu.memref_squeeze %dma_wait3A_625 : memref<1x10000x32xf32, #tpu.memory_space<hbm>> -> memref<10000x32xf32, #tpu.memory_space<hbm>>
    %dma_wait3A_627 = arith.constant 0 : i32
    %dma_wait3A_628 = arith.constant 0 : i32
    %dma_wait3A_629 = tpu.memref_slice %dma_wait3A_626[%dma_wait3A_627, %dma_wait3A_628] : memref<10000x32xf32, #tpu.memory_space<hbm>> -> memref<10000x32xf32, #tpu.memory_space<hbm>>
    %dma_wait3A_630 = tpu.memref_slice %arg9[%dma_wait3A_615] : memref<6x!tpu.dma_semaphore, #tpu.memory_space<semaphore_mem>> -> memref<1x!tpu.dma_semaphore, #tpu.memory_space<semaphore_mem>>
    %dma_wait3A_631 = tpu.memref_squeeze %dma_wait3A_630 : memref<1x!tpu.dma_semaphore, #tpu.memory_space<semaphore_mem>> -> memref<!tpu.dma_semaphore, #tpu.memory_space<semaphore_mem>>
    tpu.wait_indirect_dma semaphore(%dma_wait3A_631 : memref<!tpu.dma_semaphore, #tpu.memory_space<semaphore_mem>>) src(%dma_wait3A_629 : memref<10000x32xf32, #tpu.memory_space<hbm>>) dst(%dma_wait3A_619 : memref<128x32xf32, #tpu.memory_space<vmem>>)
    %dma_start3A_632 = arith.constant 0 : i32
    %dma_start3A_633 = arith.constant 150 : i32
    %dma_start3A_634 = arith.constant 0 : i32
    %dma_start3A_635 = arith.constant 0 : i32
    %dma_start3A_636 = arith.constant 0 : i32
    %dma_start3A_637 = tpu.memref_slice %arg8[%dma_start3A_632, %dma_start3A_635, %dma_start3A_636] : memref<6x128x32xf32, #tpu.memory_space<vmem>> -> memref<1x128x32xf32, #tpu.memory_space<vmem>>
    %dma_start3A_638 = tpu.memref_squeeze %dma_start3A_637 : memref<1x128x32xf32, #tpu.memory_space<vmem>> -> memref<128x32xf32, #tpu.memory_space<vmem>>
    %dma_start3A_639 = arith.constant 0 : i32
    %dma_start3A_640 = tpu.memref_slice %arg7[%dma_start3A_633, %dma_start3A_639] : memref<157x128xi32, #tpu.memory_space<vmem>> -> memref<1x128xi32, #tpu.memory_space<vmem>>
    %dma_start3A_641 = tpu.memref_squeeze %dma_start3A_640 : memref<1x128xi32, #tpu.memory_space<vmem>> -> memref<128xi32, #tpu.memory_space<vmem>>
    %dma_start3A_642 = arith.constant 0 : i32
    %dma_start3A_643 = arith.constant 0 : i32
    %dma_start3A_644 = tpu.memref_slice %arg5[%dma_start3A_642, %dma_start3A_643] : memref<10240x32xf32, #tpu.memory_space<vmem_shared>> -> memref<10240x32xf32, #tpu.memory_space<vmem_shared>>
    %dma_start3A_645 = tpu.memref_slice %arg10[%dma_start3A_634] : memref<6x!tpu.dma_semaphore, #tpu.memory_space<semaphore_mem>> -> memref<1x!tpu.dma_semaphore, #tpu.memory_space<semaphore_mem>>
    %dma_start3A_646 = tpu.memref_squeeze %dma_start3A_645 : memref<1x!tpu.dma_semaphore, #tpu.memory_space<semaphore_mem>> -> memref<!tpu.dma_semaphore, #tpu.memory_space<semaphore_mem>>
    tpu.enqueue_indirect_dma source(%dma_start3A_638 : memref<128x32xf32, #tpu.memory_space<vmem>>) target(%dma_start3A_644 : memref<10240x32xf32, #tpu.memory_space<vmem_shared>>) offsets(%dma_start3A_641 : memref<128xi32, #tpu.memory_space<vmem>>) semaphore(%dma_start3A_646 : memref<!tpu.dma_semaphore, #tpu.memory_space<semaphore_mem>>) {add = true}
    %dma_wait3A_647 = arith.constant 5 : i32
    %dma_wait3A_648 = arith.constant 149 : i32
    %dma_wait3A_649 = arith.constant 5 : i32
    %dma_wait3A_650 = arith.constant 0 : i32
    %dma_wait3A_651 = arith.constant 0 : i32
    %dma_wait3A_652 = tpu.memref_slice %arg8[%dma_wait3A_647, %dma_wait3A_650, %dma_wait3A_651] : memref<6x128x32xf32, #tpu.memory_space<vmem>> -> memref<1x128x32xf32, #tpu.memory_space<vmem>>
    %dma_wait3A_653 = tpu.memref_squeeze %dma_wait3A_652 : memref<1x128x32xf32, #tpu.memory_space<vmem>> -> memref<128x32xf32, #tpu.memory_space<vmem>>
    %dma_wait3A_654 = arith.constant 0 : i32
    %dma_wait3A_655 = tpu.memref_slice %arg7[%dma_wait3A_648, %dma_wait3A_654] : memref<157x128xi32, #tpu.memory_space<vmem>> -> memref<1x128xi32, #tpu.memory_space<vmem>>
    %dma_wait3A_656 = tpu.memref_squeeze %dma_wait3A_655 : memref<1x128xi32, #tpu.memory_space<vmem>> -> memref<128xi32, #tpu.memory_space<vmem>>
    %dma_wait3A_657 = arith.constant 0 : i32
    %dma_wait3A_658 = arith.constant 0 : i32
    %dma_wait3A_659 = tpu.memref_slice %arg5[%dma_wait3A_657, %dma_wait3A_658] : memref<10240x32xf32, #tpu.memory_space<vmem_shared>> -> memref<10240x32xf32, #tpu.memory_space<vmem_shared>>
    %dma_wait3A_660 = tpu.memref_slice %arg10[%dma_wait3A_649] : memref<6x!tpu.dma_semaphore, #tpu.memory_space<semaphore_mem>> -> memref<1x!tpu.dma_semaphore, #tpu.memory_space<semaphore_mem>>
    %dma_wait3A_661 = tpu.memref_squeeze %dma_wait3A_660 : memref<1x!tpu.dma_semaphore, #tpu.memory_space<semaphore_mem>> -> memref<!tpu.dma_semaphore, #tpu.memory_space<semaphore_mem>>
    tpu.wait_indirect_dma semaphore(%dma_wait3A_661 : memref<!tpu.dma_semaphore, #tpu.memory_space<semaphore_mem>>) src(%dma_wait3A_653 : memref<128x32xf32, #tpu.memory_space<vmem>>) dst(%dma_wait3A_659 : memref<10240x32xf32, #tpu.memory_space<vmem_shared>>)
    %dma_start3A_662 = arith.constant 155 : i32
    %dma_start3A_663 = arith.constant 5 : i32
    %dma_start3A_664 = arith.constant 5 : i32
    %dma_start3A_665 = arith.constant 0 : i32
    %dma_start3A_666 = arith.constant 0 : i32
    %dma_start3A_667 = tpu.memref_slice %arg8[%dma_start3A_663, %dma_start3A_665, %dma_start3A_666] : memref<6x128x32xf32, #tpu.memory_space<vmem>> -> memref<1x128x32xf32, #tpu.memory_space<vmem>>
    %dma_start3A_668 = tpu.memref_squeeze %dma_start3A_667 : memref<1x128x32xf32, #tpu.memory_space<vmem>> -> memref<128x32xf32, #tpu.memory_space<vmem>>
    %dma_start3A_669 = arith.constant 0 : i32
    %dma_start3A_670 = tpu.memref_slice %arg6[%dma_start3A_662, %dma_start3A_669] : memref<157x128xi32, #tpu.memory_space<vmem>> -> memref<1x128xi32, #tpu.memory_space<vmem>>
    %dma_start3A_671 = tpu.memref_squeeze %dma_start3A_670 : memref<1x128xi32, #tpu.memory_space<vmem>> -> memref<128xi32, #tpu.memory_space<vmem>>
    %dma_start3A_672 = arith.constant 0 : i32
    %dma_start3A_673 = arith.constant 0 : i32
    %dma_start3A_674 = tpu.memref_slice %arg2[%arg0, %dma_start3A_672, %dma_start3A_673] : memref<2x10000x32xf32, #tpu.memory_space<hbm>> -> memref<1x10000x32xf32, #tpu.memory_space<hbm>>
    %dma_start3A_675 = tpu.memref_squeeze %dma_start3A_674 : memref<1x10000x32xf32, #tpu.memory_space<hbm>> -> memref<10000x32xf32, #tpu.memory_space<hbm>>
    %dma_start3A_676 = arith.constant 0 : i32
    %dma_start3A_677 = arith.constant 0 : i32
    %dma_start3A_678 = tpu.memref_slice %dma_start3A_675[%dma_start3A_676, %dma_start3A_677] : memref<10000x32xf32, #tpu.memory_space<hbm>> -> memref<10000x32xf32, #tpu.memory_space<hbm>>
    %dma_start3A_679 = tpu.memref_slice %arg9[%dma_start3A_664] : memref<6x!tpu.dma_semaphore, #tpu.memory_space<semaphore_mem>> -> memref<1x!tpu.dma_semaphore, #tpu.memory_space<semaphore_mem>>
    %dma_start3A_680 = tpu.memref_squeeze %dma_start3A_679 : memref<1x!tpu.dma_semaphore, #tpu.memory_space<semaphore_mem>> -> memref<!tpu.dma_semaphore, #tpu.memory_space<semaphore_mem>>
    tpu.enqueue_indirect_dma source(%dma_start3A_678 : memref<10000x32xf32, #tpu.memory_space<hbm>>) target(%dma_start3A_668 : memref<128x32xf32, #tpu.memory_space<vmem>>) offsets(%dma_start3A_671 : memref<128xi32, #tpu.memory_space<vmem>>) semaphore(%dma_start3A_680 : memref<!tpu.dma_semaphore, #tpu.memory_space<semaphore_mem>>)
    %dma_wait3A_681 = arith.constant 151 : i32
    %dma_wait3A_682 = arith.constant 1 : i32
    %dma_wait3A_683 = arith.constant 1 : i32
    %dma_wait3A_684 = arith.constant 0 : i32
    %dma_wait3A_685 = arith.constant 0 : i32
    %dma_wait3A_686 = tpu.memref_slice %arg8[%dma_wait3A_682, %dma_wait3A_684, %dma_wait3A_685] : memref<6x128x32xf32, #tpu.memory_space<vmem>> -> memref<1x128x32xf32, #tpu.memory_space<vmem>>
    %dma_wait3A_687 = tpu.memref_squeeze %dma_wait3A_686 : memref<1x128x32xf32, #tpu.memory_space<vmem>> -> memref<128x32xf32, #tpu.memory_space<vmem>>
    %dma_wait3A_688 = arith.constant 0 : i32
    %dma_wait3A_689 = tpu.memref_slice %arg6[%dma_wait3A_681, %dma_wait3A_688] : memref<157x128xi32, #tpu.memory_space<vmem>> -> memref<1x128xi32, #tpu.memory_space<vmem>>
    %dma_wait3A_690 = tpu.memref_squeeze %dma_wait3A_689 : memref<1x128xi32, #tpu.memory_space<vmem>> -> memref<128xi32, #tpu.memory_space<vmem>>
    %dma_wait3A_691 = arith.constant 0 : i32
    %dma_wait3A_692 = arith.constant 0 : i32
    %dma_wait3A_693 = tpu.memref_slice %arg2[%arg0, %dma_wait3A_691, %dma_wait3A_692] : memref<2x10000x32xf32, #tpu.memory_space<hbm>> -> memref<1x10000x32xf32, #tpu.memory_space<hbm>>
    %dma_wait3A_694 = tpu.memref_squeeze %dma_wait3A_693 : memref<1x10000x32xf32, #tpu.memory_space<hbm>> -> memref<10000x32xf32, #tpu.memory_space<hbm>>
    %dma_wait3A_695 = arith.constant 0 : i32
    %dma_wait3A_696 = arith.constant 0 : i32
    %dma_wait3A_697 = tpu.memref_slice %dma_wait3A_694[%dma_wait3A_695, %dma_wait3A_696] : memref<10000x32xf32, #tpu.memory_space<hbm>> -> memref<10000x32xf32, #tpu.memory_space<hbm>>
    %dma_wait3A_698 = tpu.memref_slice %arg9[%dma_wait3A_683] : memref<6x!tpu.dma_semaphore, #tpu.memory_space<semaphore_mem>> -> memref<1x!tpu.dma_semaphore, #tpu.memory_space<semaphore_mem>>
    %dma_wait3A_699 = tpu.memref_squeeze %dma_wait3A_698 : memref<1x!tpu.dma_semaphore, #tpu.memory_space<semaphore_mem>> -> memref<!tpu.dma_semaphore, #tpu.memory_space<semaphore_mem>>
    tpu.wait_indirect_dma semaphore(%dma_wait3A_699 : memref<!tpu.dma_semaphore, #tpu.memory_space<semaphore_mem>>) src(%dma_wait3A_697 : memref<10000x32xf32, #tpu.memory_space<hbm>>) dst(%dma_wait3A_687 : memref<128x32xf32, #tpu.memory_space<vmem>>)
    %dma_start3A_700 = arith.constant 1 : i32
    %dma_start3A_701 = arith.constant 151 : i32
    %dma_start3A_702 = arith.constant 1 : i32
    %dma_start3A_703 = arith.constant 0 : i32
    %dma_start3A_704 = arith.constant 0 : i32
    %dma_start3A_705 = tpu.memref_slice %arg8[%dma_start3A_700, %dma_start3A_703, %dma_start3A_704] : memref<6x128x32xf32, #tpu.memory_space<vmem>> -> memref<1x128x32xf32, #tpu.memory_space<vmem>>
    %dma_start3A_706 = tpu.memref_squeeze %dma_start3A_705 : memref<1x128x32xf32, #tpu.memory_space<vmem>> -> memref<128x32xf32, #tpu.memory_space<vmem>>
    %dma_start3A_707 = arith.constant 0 : i32
    %dma_start3A_708 = tpu.memref_slice %arg7[%dma_start3A_701, %dma_start3A_707] : memref<157x128xi32, #tpu.memory_space<vmem>> -> memref<1x128xi32, #tpu.memory_space<vmem>>
    %dma_start3A_709 = tpu.memref_squeeze %dma_start3A_708 : memref<1x128xi32, #tpu.memory_space<vmem>> -> memref<128xi32, #tpu.memory_space<vmem>>
    %dma_start3A_710 = arith.constant 0 : i32
    %dma_start3A_711 = arith.constant 0 : i32
    %dma_start3A_712 = tpu.memref_slice %arg5[%dma_start3A_710, %dma_start3A_711] : memref<10240x32xf32, #tpu.memory_space<vmem_shared>> -> memref<10240x32xf32, #tpu.memory_space<vmem_shared>>
    %dma_start3A_713 = tpu.memref_slice %arg10[%dma_start3A_702] : memref<6x!tpu.dma_semaphore, #tpu.memory_space<semaphore_mem>> -> memref<1x!tpu.dma_semaphore, #tpu.memory_space<semaphore_mem>>
    %dma_start3A_714 = tpu.memref_squeeze %dma_start3A_713 : memref<1x!tpu.dma_semaphore, #tpu.memory_space<semaphore_mem>> -> memref<!tpu.dma_semaphore, #tpu.memory_space<semaphore_mem>>
    tpu.enqueue_indirect_dma source(%dma_start3A_706 : memref<128x32xf32, #tpu.memory_space<vmem>>) target(%dma_start3A_712 : memref<10240x32xf32, #tpu.memory_space<vmem_shared>>) offsets(%dma_start3A_709 : memref<128xi32, #tpu.memory_space<vmem>>) semaphore(%dma_start3A_714 : memref<!tpu.dma_semaphore, #tpu.memory_space<semaphore_mem>>) {add = true}
    %dma_wait3A_715 = arith.constant 0 : i32
    %dma_wait3A_716 = arith.constant 150 : i32
    %dma_wait3A_717 = arith.constant 0 : i32
    %dma_wait3A_718 = arith.constant 0 : i32
    %dma_wait3A_719 = arith.constant 0 : i32
    %dma_wait3A_720 = tpu.memref_slice %arg8[%dma_wait3A_715, %dma_wait3A_718, %dma_wait3A_719] : memref<6x128x32xf32, #tpu.memory_space<vmem>> -> memref<1x128x32xf32, #tpu.memory_space<vmem>>
    %dma_wait3A_721 = tpu.memref_squeeze %dma_wait3A_720 : memref<1x128x32xf32, #tpu.memory_space<vmem>> -> memref<128x32xf32, #tpu.memory_space<vmem>>
    %dma_wait3A_722 = arith.constant 0 : i32
    %dma_wait3A_723 = tpu.memref_slice %arg7[%dma_wait3A_716, %dma_wait3A_722] : memref<157x128xi32, #tpu.memory_space<vmem>> -> memref<1x128xi32, #tpu.memory_space<vmem>>
    %dma_wait3A_724 = tpu.memref_squeeze %dma_wait3A_723 : memref<1x128xi32, #tpu.memory_space<vmem>> -> memref<128xi32, #tpu.memory_space<vmem>>
    %dma_wait3A_725 = arith.constant 0 : i32
    %dma_wait3A_726 = arith.constant 0 : i32
    %dma_wait3A_727 = tpu.memref_slice %arg5[%dma_wait3A_725, %dma_wait3A_726] : memref<10240x32xf32, #tpu.memory_space<vmem_shared>> -> memref<10240x32xf32, #tpu.memory_space<vmem_shared>>
    %dma_wait3A_728 = tpu.memref_slice %arg10[%dma_wait3A_717] : memref<6x!tpu.dma_semaphore, #tpu.memory_space<semaphore_mem>> -> memref<1x!tpu.dma_semaphore, #tpu.memory_space<semaphore_mem>>
    %dma_wait3A_729 = tpu.memref_squeeze %dma_wait3A_728 : memref<1x!tpu.dma_semaphore, #tpu.memory_space<semaphore_mem>> -> memref<!tpu.dma_semaphore, #tpu.memory_space<semaphore_mem>>
    tpu.wait_indirect_dma semaphore(%dma_wait3A_729 : memref<!tpu.dma_semaphore, #tpu.memory_space<semaphore_mem>>) src(%dma_wait3A_721 : memref<128x32xf32, #tpu.memory_space<vmem>>) dst(%dma_wait3A_727 : memref<10240x32xf32, #tpu.memory_space<vmem_shared>>)
    %eq3A = arith.constant 157 : i32
    %eq3A_730 = arith.cmpi eq, %sub3A_44, %eq3A : i32
    %convert_element_type3A = arith.extui %eq3A_730 : i1 to i32
    %cond3A = arith.constant 0 : i32
    %cond3A_731 = arith.cmpi ne, %convert_element_type3A, %cond3A : i32
    scf.if %cond3A_731 {
      %dma_start3A_960 = arith.constant 156 : i32
      %dma_start3A_961 = arith.constant 0 : i32
      %dma_start3A_962 = arith.constant 0 : i32
      %dma_start3A_963 = arith.constant 0 : i32
      %dma_start3A_964 = arith.constant 0 : i32
      %dma_start3A_965 = tpu.memref_slice %arg8[%dma_start3A_961, %dma_start3A_963, %dma_start3A_964] : memref<6x128x32xf32, #tpu.memory_space<vmem>> -> memref<1x128x32xf32, #tpu.memory_space<vmem>>
      %dma_start3A_966 = tpu.memref_squeeze %dma_start3A_965 : memref<1x128x32xf32, #tpu.memory_space<vmem>> -> memref<128x32xf32, #tpu.memory_space<vmem>>
      %dma_start3A_967 = arith.constant 0 : i32
      %dma_start3A_968 = tpu.memref_slice %arg6[%dma_start3A_960, %dma_start3A_967] : memref<157x128xi32, #tpu.memory_space<vmem>> -> memref<1x128xi32, #tpu.memory_space<vmem>>
      %dma_start3A_969 = tpu.memref_squeeze %dma_start3A_968 : memref<1x128xi32, #tpu.memory_space<vmem>> -> memref<128xi32, #tpu.memory_space<vmem>>
      %dma_start3A_970 = arith.constant 0 : i32
      %dma_start3A_971 = arith.constant 0 : i32
      %dma_start3A_972 = tpu.memref_slice %arg2[%arg0, %dma_start3A_970, %dma_start3A_971] : memref<2x10000x32xf32, #tpu.memory_space<hbm>> -> memref<1x10000x32xf32, #tpu.memory_space<hbm>>
      %dma_start3A_973 = tpu.memref_squeeze %dma_start3A_972 : memref<1x10000x32xf32, #tpu.memory_space<hbm>> -> memref<10000x32xf32, #tpu.memory_space<hbm>>
      %dma_start3A_974 = arith.constant 0 : i32
      %dma_start3A_975 = arith.constant 0 : i32
      %dma_start3A_976 = tpu.memref_slice %dma_start3A_973[%dma_start3A_974, %dma_start3A_975] : memref<10000x32xf32, #tpu.memory_space<hbm>> -> memref<10000x32xf32, #tpu.memory_space<hbm>>
      %dma_start3A_977 = tpu.memref_slice %arg9[%dma_start3A_962] : memref<6x!tpu.dma_semaphore, #tpu.memory_space<semaphore_mem>> -> memref<1x!tpu.dma_semaphore, #tpu.memory_space<semaphore_mem>>
      %dma_start3A_978 = tpu.memref_squeeze %dma_start3A_977 : memref<1x!tpu.dma_semaphore, #tpu.memory_space<semaphore_mem>> -> memref<!tpu.dma_semaphore, #tpu.memory_space<semaphore_mem>>
      tpu.enqueue_indirect_dma source(%dma_start3A_976 : memref<10000x32xf32, #tpu.memory_space<hbm>>) target(%dma_start3A_966 : memref<128x32xf32, #tpu.memory_space<vmem>>) offsets(%dma_start3A_969 : memref<128xi32, #tpu.memory_space<vmem>>) semaphore(%dma_start3A_978 : memref<!tpu.dma_semaphore, #tpu.memory_space<semaphore_mem>>)
    } else {
    }
    %dma_wait3A_732 = arith.constant 152 : i32
    %dma_wait3A_733 = arith.constant 2 : i32
    %dma_wait3A_734 = arith.constant 2 : i32
    %dma_wait3A_735 = arith.constant 0 : i32
    %dma_wait3A_736 = arith.constant 0 : i32
    %dma_wait3A_737 = tpu.memref_slice %arg8[%dma_wait3A_733, %dma_wait3A_735, %dma_wait3A_736] : memref<6x128x32xf32, #tpu.memory_space<vmem>> -> memref<1x128x32xf32, #tpu.memory_space<vmem>>
    %dma_wait3A_738 = tpu.memref_squeeze %dma_wait3A_737 : memref<1x128x32xf32, #tpu.memory_space<vmem>> -> memref<128x32xf32, #tpu.memory_space<vmem>>
    %dma_wait3A_739 = arith.constant 0 : i32
    %dma_wait3A_740 = tpu.memref_slice %arg6[%dma_wait3A_732, %dma_wait3A_739] : memref<157x128xi32, #tpu.memory_space<vmem>> -> memref<1x128xi32, #tpu.memory_space<vmem>>
    %dma_wait3A_741 = tpu.memref_squeeze %dma_wait3A_740 : memref<1x128xi32, #tpu.memory_space<vmem>> -> memref<128xi32, #tpu.memory_space<vmem>>
    %dma_wait3A_742 = arith.constant 0 : i32
    %dma_wait3A_743 = arith.constant 0 : i32
    %dma_wait3A_744 = tpu.memref_slice %arg2[%arg0, %dma_wait3A_742, %dma_wait3A_743] : memref<2x10000x32xf32, #tpu.memory_space<hbm>> -> memref<1x10000x32xf32, #tpu.memory_space<hbm>>
    %dma_wait3A_745 = tpu.memref_squeeze %dma_wait3A_744 : memref<1x10000x32xf32, #tpu.memory_space<hbm>> -> memref<10000x32xf32, #tpu.memory_space<hbm>>
    %dma_wait3A_746 = arith.constant 0 : i32
    %dma_wait3A_747 = arith.constant 0 : i32
    %dma_wait3A_748 = tpu.memref_slice %dma_wait3A_745[%dma_wait3A_746, %dma_wait3A_747] : memref<10000x32xf32, #tpu.memory_space<hbm>> -> memref<10000x32xf32, #tpu.memory_space<hbm>>
    %dma_wait3A_749 = tpu.memref_slice %arg9[%dma_wait3A_734] : memref<6x!tpu.dma_semaphore, #tpu.memory_space<semaphore_mem>> -> memref<1x!tpu.dma_semaphore, #tpu.memory_space<semaphore_mem>>
    %dma_wait3A_750 = tpu.memref_squeeze %dma_wait3A_749 : memref<1x!tpu.dma_semaphore, #tpu.memory_space<semaphore_mem>> -> memref<!tpu.dma_semaphore, #tpu.memory_space<semaphore_mem>>
    tpu.wait_indirect_dma semaphore(%dma_wait3A_750 : memref<!tpu.dma_semaphore, #tpu.memory_space<semaphore_mem>>) src(%dma_wait3A_748 : memref<10000x32xf32, #tpu.memory_space<hbm>>) dst(%dma_wait3A_738 : memref<128x32xf32, #tpu.memory_space<vmem>>)
    %dma_start3A_751 = arith.constant 2 : i32
    %dma_start3A_752 = arith.constant 152 : i32
    %dma_start3A_753 = arith.constant 2 : i32
    %dma_start3A_754 = arith.constant 0 : i32
    %dma_start3A_755 = arith.constant 0 : i32
    %dma_start3A_756 = tpu.memref_slice %arg8[%dma_start3A_751, %dma_start3A_754, %dma_start3A_755] : memref<6x128x32xf32, #tpu.memory_space<vmem>> -> memref<1x128x32xf32, #tpu.memory_space<vmem>>
    %dma_start3A_757 = tpu.memref_squeeze %dma_start3A_756 : memref<1x128x32xf32, #tpu.memory_space<vmem>> -> memref<128x32xf32, #tpu.memory_space<vmem>>
    %dma_start3A_758 = arith.constant 0 : i32
    %dma_start3A_759 = tpu.memref_slice %arg7[%dma_start3A_752, %dma_start3A_758] : memref<157x128xi32, #tpu.memory_space<vmem>> -> memref<1x128xi32, #tpu.memory_space<vmem>>
    %dma_start3A_760 = tpu.memref_squeeze %dma_start3A_759 : memref<1x128xi32, #tpu.memory_space<vmem>> -> memref<128xi32, #tpu.memory_space<vmem>>
    %dma_start3A_761 = arith.constant 0 : i32
    %dma_start3A_762 = arith.constant 0 : i32
    %dma_start3A_763 = tpu.memref_slice %arg5[%dma_start3A_761, %dma_start3A_762] : memref<10240x32xf32, #tpu.memory_space<vmem_shared>> -> memref<10240x32xf32, #tpu.memory_space<vmem_shared>>
    %dma_start3A_764 = tpu.memref_slice %arg10[%dma_start3A_753] : memref<6x!tpu.dma_semaphore, #tpu.memory_space<semaphore_mem>> -> memref<1x!tpu.dma_semaphore, #tpu.memory_space<semaphore_mem>>
    %dma_start3A_765 = tpu.memref_squeeze %dma_start3A_764 : memref<1x!tpu.dma_semaphore, #tpu.memory_space<semaphore_mem>> -> memref<!tpu.dma_semaphore, #tpu.memory_space<semaphore_mem>>
    tpu.enqueue_indirect_dma source(%dma_start3A_757 : memref<128x32xf32, #tpu.memory_space<vmem>>) target(%dma_start3A_763 : memref<10240x32xf32, #tpu.memory_space<vmem_shared>>) offsets(%dma_start3A_760 : memref<128xi32, #tpu.memory_space<vmem>>) semaphore(%dma_start3A_765 : memref<!tpu.dma_semaphore, #tpu.memory_space<semaphore_mem>>) {add = true}
    %dma_wait3A_766 = arith.constant 1 : i32
    %dma_wait3A_767 = arith.constant 151 : i32
    %dma_wait3A_768 = arith.constant 1 : i32
    %dma_wait3A_769 = arith.constant 0 : i32
    %dma_wait3A_770 = arith.constant 0 : i32
    %dma_wait3A_771 = tpu.memref_slice %arg8[%dma_wait3A_766, %dma_wait3A_769, %dma_wait3A_770] : memref<6x128x32xf32, #tpu.memory_space<vmem>> -> memref<1x128x32xf32, #tpu.memory_space<vmem>>
    %dma_wait3A_772 = tpu.memref_squeeze %dma_wait3A_771 : memref<1x128x32xf32, #tpu.memory_space<vmem>> -> memref<128x32xf32, #tpu.memory_space<vmem>>
    %dma_wait3A_773 = arith.constant 0 : i32
    %dma_wait3A_774 = tpu.memref_slice %arg7[%dma_wait3A_767, %dma_wait3A_773] : memref<157x128xi32, #tpu.memory_space<vmem>> -> memref<1x128xi32, #tpu.memory_space<vmem>>
    %dma_wait3A_775 = tpu.memref_squeeze %dma_wait3A_774 : memref<1x128xi32, #tpu.memory_space<vmem>> -> memref<128xi32, #tpu.memory_space<vmem>>
    %dma_wait3A_776 = arith.constant 0 : i32
    %dma_wait3A_777 = arith.constant 0 : i32
    %dma_wait3A_778 = tpu.memref_slice %arg5[%dma_wait3A_776, %dma_wait3A_777] : memref<10240x32xf32, #tpu.memory_space<vmem_shared>> -> memref<10240x32xf32, #tpu.memory_space<vmem_shared>>
    %dma_wait3A_779 = tpu.memref_slice %arg10[%dma_wait3A_768] : memref<6x!tpu.dma_semaphore, #tpu.memory_space<semaphore_mem>> -> memref<1x!tpu.dma_semaphore, #tpu.memory_space<semaphore_mem>>
    %dma_wait3A_780 = tpu.memref_squeeze %dma_wait3A_779 : memref<1x!tpu.dma_semaphore, #tpu.memory_space<semaphore_mem>> -> memref<!tpu.dma_semaphore, #tpu.memory_space<semaphore_mem>>
    tpu.wait_indirect_dma semaphore(%dma_wait3A_780 : memref<!tpu.dma_semaphore, #tpu.memory_space<semaphore_mem>>) src(%dma_wait3A_772 : memref<128x32xf32, #tpu.memory_space<vmem>>) dst(%dma_wait3A_778 : memref<10240x32xf32, #tpu.memory_space<vmem_shared>>)
    %dma_wait3A_781 = arith.constant 153 : i32
    %dma_wait3A_782 = arith.constant 3 : i32
    %dma_wait3A_783 = arith.constant 3 : i32
    %dma_wait3A_784 = arith.constant 0 : i32
    %dma_wait3A_785 = arith.constant 0 : i32
    %dma_wait3A_786 = tpu.memref_slice %arg8[%dma_wait3A_782, %dma_wait3A_784, %dma_wait3A_785] : memref<6x128x32xf32, #tpu.memory_space<vmem>> -> memref<1x128x32xf32, #tpu.memory_space<vmem>>
    %dma_wait3A_787 = tpu.memref_squeeze %dma_wait3A_786 : memref<1x128x32xf32, #tpu.memory_space<vmem>> -> memref<128x32xf32, #tpu.memory_space<vmem>>
    %dma_wait3A_788 = arith.constant 0 : i32
    %dma_wait3A_789 = tpu.memref_slice %arg6[%dma_wait3A_781, %dma_wait3A_788] : memref<157x128xi32, #tpu.memory_space<vmem>> -> memref<1x128xi32, #tpu.memory_space<vmem>>
    %dma_wait3A_790 = tpu.memref_squeeze %dma_wait3A_789 : memref<1x128xi32, #tpu.memory_space<vmem>> -> memref<128xi32, #tpu.memory_space<vmem>>
    %dma_wait3A_791 = arith.constant 0 : i32
    %dma_wait3A_792 = arith.constant 0 : i32
    %dma_wait3A_793 = tpu.memref_slice %arg2[%arg0, %dma_wait3A_791, %dma_wait3A_792] : memref<2x10000x32xf32, #tpu.memory_space<hbm>> -> memref<1x10000x32xf32, #tpu.memory_space<hbm>>
    %dma_wait3A_794 = tpu.memref_squeeze %dma_wait3A_793 : memref<1x10000x32xf32, #tpu.memory_space<hbm>> -> memref<10000x32xf32, #tpu.memory_space<hbm>>
    %dma_wait3A_795 = arith.constant 0 : i32
    %dma_wait3A_796 = arith.constant 0 : i32
    %dma_wait3A_797 = tpu.memref_slice %dma_wait3A_794[%dma_wait3A_795, %dma_wait3A_796] : memref<10000x32xf32, #tpu.memory_space<hbm>> -> memref<10000x32xf32, #tpu.memory_space<hbm>>
    %dma_wait3A_798 = tpu.memref_slice %arg9[%dma_wait3A_783] : memref<6x!tpu.dma_semaphore, #tpu.memory_space<semaphore_mem>> -> memref<1x!tpu.dma_semaphore, #tpu.memory_space<semaphore_mem>>
    %dma_wait3A_799 = tpu.memref_squeeze %dma_wait3A_798 : memref<1x!tpu.dma_semaphore, #tpu.memory_space<semaphore_mem>> -> memref<!tpu.dma_semaphore, #tpu.memory_space<semaphore_mem>>
    tpu.wait_indirect_dma semaphore(%dma_wait3A_799 : memref<!tpu.dma_semaphore, #tpu.memory_space<semaphore_mem>>) src(%dma_wait3A_797 : memref<10000x32xf32, #tpu.memory_space<hbm>>) dst(%dma_wait3A_787 : memref<128x32xf32, #tpu.memory_space<vmem>>)
    %dma_start3A_800 = arith.constant 3 : i32
    %dma_start3A_801 = arith.constant 153 : i32
    %dma_start3A_802 = arith.constant 3 : i32
    %dma_start3A_803 = arith.constant 0 : i32
    %dma_start3A_804 = arith.constant 0 : i32
    %dma_start3A_805 = tpu.memref_slice %arg8[%dma_start3A_800, %dma_start3A_803, %dma_start3A_804] : memref<6x128x32xf32, #tpu.memory_space<vmem>> -> memref<1x128x32xf32, #tpu.memory_space<vmem>>
    %dma_start3A_806 = tpu.memref_squeeze %dma_start3A_805 : memref<1x128x32xf32, #tpu.memory_space<vmem>> -> memref<128x32xf32, #tpu.memory_space<vmem>>
    %dma_start3A_807 = arith.constant 0 : i32
    %dma_start3A_808 = tpu.memref_slice %arg7[%dma_start3A_801, %dma_start3A_807] : memref<157x128xi32, #tpu.memory_space<vmem>> -> memref<1x128xi32, #tpu.memory_space<vmem>>
    %dma_start3A_809 = tpu.memref_squeeze %dma_start3A_808 : memref<1x128xi32, #tpu.memory_space<vmem>> -> memref<128xi32, #tpu.memory_space<vmem>>
    %dma_start3A_810 = arith.constant 0 : i32
    %dma_start3A_811 = arith.constant 0 : i32
    %dma_start3A_812 = tpu.memref_slice %arg5[%dma_start3A_810, %dma_start3A_811] : memref<10240x32xf32, #tpu.memory_space<vmem_shared>> -> memref<10240x32xf32, #tpu.memory_space<vmem_shared>>
    %dma_start3A_813 = tpu.memref_slice %arg10[%dma_start3A_802] : memref<6x!tpu.dma_semaphore, #tpu.memory_space<semaphore_mem>> -> memref<1x!tpu.dma_semaphore, #tpu.memory_space<semaphore_mem>>
    %dma_start3A_814 = tpu.memref_squeeze %dma_start3A_813 : memref<1x!tpu.dma_semaphore, #tpu.memory_space<semaphore_mem>> -> memref<!tpu.dma_semaphore, #tpu.memory_space<semaphore_mem>>
    tpu.enqueue_indirect_dma source(%dma_start3A_806 : memref<128x32xf32, #tpu.memory_space<vmem>>) target(%dma_start3A_812 : memref<10240x32xf32, #tpu.memory_space<vmem_shared>>) offsets(%dma_start3A_809 : memref<128xi32, #tpu.memory_space<vmem>>) semaphore(%dma_start3A_814 : memref<!tpu.dma_semaphore, #tpu.memory_space<semaphore_mem>>) {add = true}
    %dma_wait3A_815 = arith.constant 2 : i32
    %dma_wait3A_816 = arith.constant 152 : i32
    %dma_wait3A_817 = arith.constant 2 : i32
    %dma_wait3A_818 = arith.constant 0 : i32
    %dma_wait3A_819 = arith.constant 0 : i32
    %dma_wait3A_820 = tpu.memref_slice %arg8[%dma_wait3A_815, %dma_wait3A_818, %dma_wait3A_819] : memref<6x128x32xf32, #tpu.memory_space<vmem>> -> memref<1x128x32xf32, #tpu.memory_space<vmem>>
    %dma_wait3A_821 = tpu.memref_squeeze %dma_wait3A_820 : memref<1x128x32xf32, #tpu.memory_space<vmem>> -> memref<128x32xf32, #tpu.memory_space<vmem>>
    %dma_wait3A_822 = arith.constant 0 : i32
    %dma_wait3A_823 = tpu.memref_slice %arg7[%dma_wait3A_816, %dma_wait3A_822] : memref<157x128xi32, #tpu.memory_space<vmem>> -> memref<1x128xi32, #tpu.memory_space<vmem>>
    %dma_wait3A_824 = tpu.memref_squeeze %dma_wait3A_823 : memref<1x128xi32, #tpu.memory_space<vmem>> -> memref<128xi32, #tpu.memory_space<vmem>>
    %dma_wait3A_825 = arith.constant 0 : i32
    %dma_wait3A_826 = arith.constant 0 : i32
    %dma_wait3A_827 = tpu.memref_slice %arg5[%dma_wait3A_825, %dma_wait3A_826] : memref<10240x32xf32, #tpu.memory_space<vmem_shared>> -> memref<10240x32xf32, #tpu.memory_space<vmem_shared>>
    %dma_wait3A_828 = tpu.memref_slice %arg10[%dma_wait3A_817] : memref<6x!tpu.dma_semaphore, #tpu.memory_space<semaphore_mem>> -> memref<1x!tpu.dma_semaphore, #tpu.memory_space<semaphore_mem>>
    %dma_wait3A_829 = tpu.memref_squeeze %dma_wait3A_828 : memref<1x!tpu.dma_semaphore, #tpu.memory_space<semaphore_mem>> -> memref<!tpu.dma_semaphore, #tpu.memory_space<semaphore_mem>>
    tpu.wait_indirect_dma semaphore(%dma_wait3A_829 : memref<!tpu.dma_semaphore, #tpu.memory_space<semaphore_mem>>) src(%dma_wait3A_821 : memref<128x32xf32, #tpu.memory_space<vmem>>) dst(%dma_wait3A_827 : memref<10240x32xf32, #tpu.memory_space<vmem_shared>>)
    %dma_wait3A_830 = arith.constant 154 : i32
    %dma_wait3A_831 = arith.constant 4 : i32
    %dma_wait3A_832 = arith.constant 4 : i32
    %dma_wait3A_833 = arith.constant 0 : i32
    %dma_wait3A_834 = arith.constant 0 : i32
    %dma_wait3A_835 = tpu.memref_slice %arg8[%dma_wait3A_831, %dma_wait3A_833, %dma_wait3A_834] : memref<6x128x32xf32, #tpu.memory_space<vmem>> -> memref<1x128x32xf32, #tpu.memory_space<vmem>>
    %dma_wait3A_836 = tpu.memref_squeeze %dma_wait3A_835 : memref<1x128x32xf32, #tpu.memory_space<vmem>> -> memref<128x32xf32, #tpu.memory_space<vmem>>
    %dma_wait3A_837 = arith.constant 0 : i32
    %dma_wait3A_838 = tpu.memref_slice %arg6[%dma_wait3A_830, %dma_wait3A_837] : memref<157x128xi32, #tpu.memory_space<vmem>> -> memref<1x128xi32, #tpu.memory_space<vmem>>
    %dma_wait3A_839 = tpu.memref_squeeze %dma_wait3A_838 : memref<1x128xi32, #tpu.memory_space<vmem>> -> memref<128xi32, #tpu.memory_space<vmem>>
    %dma_wait3A_840 = arith.constant 0 : i32
    %dma_wait3A_841 = arith.constant 0 : i32
    %dma_wait3A_842 = tpu.memref_slice %arg2[%arg0, %dma_wait3A_840, %dma_wait3A_841] : memref<2x10000x32xf32, #tpu.memory_space<hbm>> -> memref<1x10000x32xf32, #tpu.memory_space<hbm>>
    %dma_wait3A_843 = tpu.memref_squeeze %dma_wait3A_842 : memref<1x10000x32xf32, #tpu.memory_space<hbm>> -> memref<10000x32xf32, #tpu.memory_space<hbm>>
    %dma_wait3A_844 = arith.constant 0 : i32
    %dma_wait3A_845 = arith.constant 0 : i32
    %dma_wait3A_846 = tpu.memref_slice %dma_wait3A_843[%dma_wait3A_844, %dma_wait3A_845] : memref<10000x32xf32, #tpu.memory_space<hbm>> -> memref<10000x32xf32, #tpu.memory_space<hbm>>
    %dma_wait3A_847 = tpu.memref_slice %arg9[%dma_wait3A_832] : memref<6x!tpu.dma_semaphore, #tpu.memory_space<semaphore_mem>> -> memref<1x!tpu.dma_semaphore, #tpu.memory_space<semaphore_mem>>
    %dma_wait3A_848 = tpu.memref_squeeze %dma_wait3A_847 : memref<1x!tpu.dma_semaphore, #tpu.memory_space<semaphore_mem>> -> memref<!tpu.dma_semaphore, #tpu.memory_space<semaphore_mem>>
    tpu.wait_indirect_dma semaphore(%dma_wait3A_848 : memref<!tpu.dma_semaphore, #tpu.memory_space<semaphore_mem>>) src(%dma_wait3A_846 : memref<10000x32xf32, #tpu.memory_space<hbm>>) dst(%dma_wait3A_836 : memref<128x32xf32, #tpu.memory_space<vmem>>)
    %dma_start3A_849 = arith.constant 4 : i32
    %dma_start3A_850 = arith.constant 154 : i32
    %dma_start3A_851 = arith.constant 4 : i32
    %dma_start3A_852 = arith.constant 0 : i32
    %dma_start3A_853 = arith.constant 0 : i32
    %dma_start3A_854 = tpu.memref_slice %arg8[%dma_start3A_849, %dma_start3A_852, %dma_start3A_853] : memref<6x128x32xf32, #tpu.memory_space<vmem>> -> memref<1x128x32xf32, #tpu.memory_space<vmem>>
    %dma_start3A_855 = tpu.memref_squeeze %dma_start3A_854 : memref<1x128x32xf32, #tpu.memory_space<vmem>> -> memref<128x32xf32, #tpu.memory_space<vmem>>
    %dma_start3A_856 = arith.constant 0 : i32
    %dma_start3A_857 = tpu.memref_slice %arg7[%dma_start3A_850, %dma_start3A_856] : memref<157x128xi32, #tpu.memory_space<vmem>> -> memref<1x128xi32, #tpu.memory_space<vmem>>
    %dma_start3A_858 = tpu.memref_squeeze %dma_start3A_857 : memref<1x128xi32, #tpu.memory_space<vmem>> -> memref<128xi32, #tpu.memory_space<vmem>>
    %dma_start3A_859 = arith.constant 0 : i32
    %dma_start3A_860 = arith.constant 0 : i32
    %dma_start3A_861 = tpu.memref_slice %arg5[%dma_start3A_859, %dma_start3A_860] : memref<10240x32xf32, #tpu.memory_space<vmem_shared>> -> memref<10240x32xf32, #tpu.memory_space<vmem_shared>>
    %dma_start3A_862 = tpu.memref_slice %arg10[%dma_start3A_851] : memref<6x!tpu.dma_semaphore, #tpu.memory_space<semaphore_mem>> -> memref<1x!tpu.dma_semaphore, #tpu.memory_space<semaphore_mem>>
    %dma_start3A_863 = tpu.memref_squeeze %dma_start3A_862 : memref<1x!tpu.dma_semaphore, #tpu.memory_space<semaphore_mem>> -> memref<!tpu.dma_semaphore, #tpu.memory_space<semaphore_mem>>
    tpu.enqueue_indirect_dma source(%dma_start3A_855 : memref<128x32xf32, #tpu.memory_space<vmem>>) target(%dma_start3A_861 : memref<10240x32xf32, #tpu.memory_space<vmem_shared>>) offsets(%dma_start3A_858 : memref<128xi32, #tpu.memory_space<vmem>>) semaphore(%dma_start3A_863 : memref<!tpu.dma_semaphore, #tpu.memory_space<semaphore_mem>>) {add = true}
    %dma_wait3A_864 = arith.constant 3 : i32
    %dma_wait3A_865 = arith.constant 153 : i32
    %dma_wait3A_866 = arith.constant 3 : i32
    %dma_wait3A_867 = arith.constant 0 : i32
    %dma_wait3A_868 = arith.constant 0 : i32
    %dma_wait3A_869 = tpu.memref_slice %arg8[%dma_wait3A_864, %dma_wait3A_867, %dma_wait3A_868] : memref<6x128x32xf32, #tpu.memory_space<vmem>> -> memref<1x128x32xf32, #tpu.memory_space<vmem>>
    %dma_wait3A_870 = tpu.memref_squeeze %dma_wait3A_869 : memref<1x128x32xf32, #tpu.memory_space<vmem>> -> memref<128x32xf32, #tpu.memory_space<vmem>>
    %dma_wait3A_871 = arith.constant 0 : i32
    %dma_wait3A_872 = tpu.memref_slice %arg7[%dma_wait3A_865, %dma_wait3A_871] : memref<157x128xi32, #tpu.memory_space<vmem>> -> memref<1x128xi32, #tpu.memory_space<vmem>>
    %dma_wait3A_873 = tpu.memref_squeeze %dma_wait3A_872 : memref<1x128xi32, #tpu.memory_space<vmem>> -> memref<128xi32, #tpu.memory_space<vmem>>
    %dma_wait3A_874 = arith.constant 0 : i32
    %dma_wait3A_875 = arith.constant 0 : i32
    %dma_wait3A_876 = tpu.memref_slice %arg5[%dma_wait3A_874, %dma_wait3A_875] : memref<10240x32xf32, #tpu.memory_space<vmem_shared>> -> memref<10240x32xf32, #tpu.memory_space<vmem_shared>>
    %dma_wait3A_877 = tpu.memref_slice %arg10[%dma_wait3A_866] : memref<6x!tpu.dma_semaphore, #tpu.memory_space<semaphore_mem>> -> memref<1x!tpu.dma_semaphore, #tpu.memory_space<semaphore_mem>>
    %dma_wait3A_878 = tpu.memref_squeeze %dma_wait3A_877 : memref<1x!tpu.dma_semaphore, #tpu.memory_space<semaphore_mem>> -> memref<!tpu.dma_semaphore, #tpu.memory_space<semaphore_mem>>
    tpu.wait_indirect_dma semaphore(%dma_wait3A_878 : memref<!tpu.dma_semaphore, #tpu.memory_space<semaphore_mem>>) src(%dma_wait3A_870 : memref<128x32xf32, #tpu.memory_space<vmem>>) dst(%dma_wait3A_876 : memref<10240x32xf32, #tpu.memory_space<vmem_shared>>)
    %dma_wait3A_879 = arith.constant 155 : i32
    %dma_wait3A_880 = arith.constant 5 : i32
    %dma_wait3A_881 = arith.constant 5 : i32
    %dma_wait3A_882 = arith.constant 0 : i32
    %dma_wait3A_883 = arith.constant 0 : i32
    %dma_wait3A_884 = tpu.memref_slice %arg8[%dma_wait3A_880, %dma_wait3A_882, %dma_wait3A_883] : memref<6x128x32xf32, #tpu.memory_space<vmem>> -> memref<1x128x32xf32, #tpu.memory_space<vmem>>
    %dma_wait3A_885 = tpu.memref_squeeze %dma_wait3A_884 : memref<1x128x32xf32, #tpu.memory_space<vmem>> -> memref<128x32xf32, #tpu.memory_space<vmem>>
    %dma_wait3A_886 = arith.constant 0 : i32
    %dma_wait3A_887 = tpu.memref_slice %arg6[%dma_wait3A_879, %dma_wait3A_886] : memref<157x128xi32, #tpu.memory_space<vmem>> -> memref<1x128xi32, #tpu.memory_space<vmem>>
    %dma_wait3A_888 = tpu.memref_squeeze %dma_wait3A_887 : memref<1x128xi32, #tpu.memory_space<vmem>> -> memref<128xi32, #tpu.memory_space<vmem>>
    %dma_wait3A_889 = arith.constant 0 : i32
    %dma_wait3A_890 = arith.constant 0 : i32
    %dma_wait3A_891 = tpu.memref_slice %arg2[%arg0, %dma_wait3A_889, %dma_wait3A_890] : memref<2x10000x32xf32, #tpu.memory_space<hbm>> -> memref<1x10000x32xf32, #tpu.memory_space<hbm>>
    %dma_wait3A_892 = tpu.memref_squeeze %dma_wait3A_891 : memref<1x10000x32xf32, #tpu.memory_space<hbm>> -> memref<10000x32xf32, #tpu.memory_space<hbm>>
    %dma_wait3A_893 = arith.constant 0 : i32
    %dma_wait3A_894 = arith.constant 0 : i32
    %dma_wait3A_895 = tpu.memref_slice %dma_wait3A_892[%dma_wait3A_893, %dma_wait3A_894] : memref<10000x32xf32, #tpu.memory_space<hbm>> -> memref<10000x32xf32, #tpu.memory_space<hbm>>
    %dma_wait3A_896 = tpu.memref_slice %arg9[%dma_wait3A_881] : memref<6x!tpu.dma_semaphore, #tpu.memory_space<semaphore_mem>> -> memref<1x!tpu.dma_semaphore, #tpu.memory_space<semaphore_mem>>
    %dma_wait3A_897 = tpu.memref_squeeze %dma_wait3A_896 : memref<1x!tpu.dma_semaphore, #tpu.memory_space<semaphore_mem>> -> memref<!tpu.dma_semaphore, #tpu.memory_space<semaphore_mem>>
    tpu.wait_indirect_dma semaphore(%dma_wait3A_897 : memref<!tpu.dma_semaphore, #tpu.memory_space<semaphore_mem>>) src(%dma_wait3A_895 : memref<10000x32xf32, #tpu.memory_space<hbm>>) dst(%dma_wait3A_885 : memref<128x32xf32, #tpu.memory_space<vmem>>)
    %dma_start3A_898 = arith.constant 5 : i32
    %dma_start3A_899 = arith.constant 155 : i32
    %dma_start3A_900 = arith.constant 5 : i32
    %dma_start3A_901 = arith.constant 0 : i32
    %dma_start3A_902 = arith.constant 0 : i32
    %dma_start3A_903 = tpu.memref_slice %arg8[%dma_start3A_898, %dma_start3A_901, %dma_start3A_902] : memref<6x128x32xf32, #tpu.memory_space<vmem>> -> memref<1x128x32xf32, #tpu.memory_space<vmem>>
    %dma_start3A_904 = tpu.memref_squeeze %dma_start3A_903 : memref<1x128x32xf32, #tpu.memory_space<vmem>> -> memref<128x32xf32, #tpu.memory_space<vmem>>
    %dma_start3A_905 = arith.constant 0 : i32
    %dma_start3A_906 = tpu.memref_slice %arg7[%dma_start3A_899, %dma_start3A_905] : memref<157x128xi32, #tpu.memory_space<vmem>> -> memref<1x128xi32, #tpu.memory_space<vmem>>
    %dma_start3A_907 = tpu.memref_squeeze %dma_start3A_906 : memref<1x128xi32, #tpu.memory_space<vmem>> -> memref<128xi32, #tpu.memory_space<vmem>>
    %dma_start3A_908 = arith.constant 0 : i32
    %dma_start3A_909 = arith.constant 0 : i32
    %dma_start3A_910 = tpu.memref_slice %arg5[%dma_start3A_908, %dma_start3A_909] : memref<10240x32xf32, #tpu.memory_space<vmem_shared>> -> memref<10240x32xf32, #tpu.memory_space<vmem_shared>>
    %dma_start3A_911 = tpu.memref_slice %arg10[%dma_start3A_900] : memref<6x!tpu.dma_semaphore, #tpu.memory_space<semaphore_mem>> -> memref<1x!tpu.dma_semaphore, #tpu.memory_space<semaphore_mem>>
    %dma_start3A_912 = tpu.memref_squeeze %dma_start3A_911 : memref<1x!tpu.dma_semaphore, #tpu.memory_space<semaphore_mem>> -> memref<!tpu.dma_semaphore, #tpu.memory_space<semaphore_mem>>
    tpu.enqueue_indirect_dma source(%dma_start3A_904 : memref<128x32xf32, #tpu.memory_space<vmem>>) target(%dma_start3A_910 : memref<10240x32xf32, #tpu.memory_space<vmem_shared>>) offsets(%dma_start3A_907 : memref<128xi32, #tpu.memory_space<vmem>>) semaphore(%dma_start3A_912 : memref<!tpu.dma_semaphore, #tpu.memory_space<semaphore_mem>>) {add = true}
    %dma_wait3A_913 = arith.constant 4 : i32
    %dma_wait3A_914 = arith.constant 154 : i32
    %dma_wait3A_915 = arith.constant 4 : i32
    %dma_wait3A_916 = arith.constant 0 : i32
    %dma_wait3A_917 = arith.constant 0 : i32
    %dma_wait3A_918 = tpu.memref_slice %arg8[%dma_wait3A_913, %dma_wait3A_916, %dma_wait3A_917] : memref<6x128x32xf32, #tpu.memory_space<vmem>> -> memref<1x128x32xf32, #tpu.memory_space<vmem>>
    %dma_wait3A_919 = tpu.memref_squeeze %dma_wait3A_918 : memref<1x128x32xf32, #tpu.memory_space<vmem>> -> memref<128x32xf32, #tpu.memory_space<vmem>>
    %dma_wait3A_920 = arith.constant 0 : i32
    %dma_wait3A_921 = tpu.memref_slice %arg7[%dma_wait3A_914, %dma_wait3A_920] : memref<157x128xi32, #tpu.memory_space<vmem>> -> memref<1x128xi32, #tpu.memory_space<vmem>>
    %dma_wait3A_922 = tpu.memref_squeeze %dma_wait3A_921 : memref<1x128xi32, #tpu.memory_space<vmem>> -> memref<128xi32, #tpu.memory_space<vmem>>
    %dma_wait3A_923 = arith.constant 0 : i32
    %dma_wait3A_924 = arith.constant 0 : i32
    %dma_wait3A_925 = tpu.memref_slice %arg5[%dma_wait3A_923, %dma_wait3A_924] : memref<10240x32xf32, #tpu.memory_space<vmem_shared>> -> memref<10240x32xf32, #tpu.memory_space<vmem_shared>>
    %dma_wait3A_926 = tpu.memref_slice %arg10[%dma_wait3A_915] : memref<6x!tpu.dma_semaphore, #tpu.memory_space<semaphore_mem>> -> memref<1x!tpu.dma_semaphore, #tpu.memory_space<semaphore_mem>>
    %dma_wait3A_927 = tpu.memref_squeeze %dma_wait3A_926 : memref<1x!tpu.dma_semaphore, #tpu.memory_space<semaphore_mem>> -> memref<!tpu.dma_semaphore, #tpu.memory_space<semaphore_mem>>
    tpu.wait_indirect_dma semaphore(%dma_wait3A_927 : memref<!tpu.dma_semaphore, #tpu.memory_space<semaphore_mem>>) src(%dma_wait3A_919 : memref<128x32xf32, #tpu.memory_space<vmem>>) dst(%dma_wait3A_925 : memref<10240x32xf32, #tpu.memory_space<vmem_shared>>)
    %dma_wait3A_928 = arith.constant 5 : i32
    %dma_wait3A_929 = arith.constant 155 : i32
    %dma_wait3A_930 = arith.constant 5 : i32
    %dma_wait3A_931 = arith.constant 0 : i32
    %dma_wait3A_932 = arith.constant 0 : i32
    %dma_wait3A_933 = tpu.memref_slice %arg8[%dma_wait3A_928, %dma_wait3A_931, %dma_wait3A_932] : memref<6x128x32xf32, #tpu.memory_space<vmem>> -> memref<1x128x32xf32, #tpu.memory_space<vmem>>
    %dma_wait3A_934 = tpu.memref_squeeze %dma_wait3A_933 : memref<1x128x32xf32, #tpu.memory_space<vmem>> -> memref<128x32xf32, #tpu.memory_space<vmem>>
    %dma_wait3A_935 = arith.constant 0 : i32
    %dma_wait3A_936 = tpu.memref_slice %arg7[%dma_wait3A_929, %dma_wait3A_935] : memref<157x128xi32, #tpu.memory_space<vmem>> -> memref<1x128xi32, #tpu.memory_space<vmem>>
    %dma_wait3A_937 = tpu.memref_squeeze %dma_wait3A_936 : memref<1x128xi32, #tpu.memory_space<vmem>> -> memref<128xi32, #tpu.memory_space<vmem>>
    %dma_wait3A_938 = arith.constant 0 : i32
    %dma_wait3A_939 = arith.constant 0 : i32
    %dma_wait3A_940 = tpu.memref_slice %arg5[%dma_wait3A_938, %dma_wait3A_939] : memref<10240x32xf32, #tpu.memory_space<vmem_shared>> -> memref<10240x32xf32, #tpu.memory_space<vmem_shared>>
    %dma_wait3A_941 = tpu.memref_slice %arg10[%dma_wait3A_930] : memref<6x!tpu.dma_semaphore, #tpu.memory_space<semaphore_mem>> -> memref<1x!tpu.dma_semaphore, #tpu.memory_space<semaphore_mem>>
    %dma_wait3A_942 = tpu.memref_squeeze %dma_wait3A_941 : memref<1x!tpu.dma_semaphore, #tpu.memory_space<semaphore_mem>> -> memref<!tpu.dma_semaphore, #tpu.memory_space<semaphore_mem>>
    tpu.wait_indirect_dma semaphore(%dma_wait3A_942 : memref<!tpu.dma_semaphore, #tpu.memory_space<semaphore_mem>>) src(%dma_wait3A_934 : memref<128x32xf32, #tpu.memory_space<vmem>>) dst(%dma_wait3A_940 : memref<10240x32xf32, #tpu.memory_space<vmem_shared>>)
    %eq3A_943 = arith.constant 157 : i32
    %eq3A_944 = arith.cmpi eq, %sub3A_44, %eq3A_943 : i32
    %convert_element_type3A_945 = arith.extui %eq3A_944 : i1 to i32
    %cond3A_946 = arith.constant 0 : i32
    %cond3A_947 = arith.cmpi ne, %convert_element_type3A_945, %cond3A_946 : i32
    scf.if %cond3A_947 {
      %dma_wait3A_960 = arith.constant 156 : i32
      %dma_wait3A_961 = arith.constant 0 : i32
      %dma_wait3A_962 = arith.constant 0 : i32
      %dma_wait3A_963 = arith.constant 0 : i32
      %dma_wait3A_964 = arith.constant 0 : i32
      %dma_wait3A_965 = tpu.memref_slice %arg8[%dma_wait3A_961, %dma_wait3A_963, %dma_wait3A_964] : memref<6x128x32xf32, #tpu.memory_space<vmem>> -> memref<1x128x32xf32, #tpu.memory_space<vmem>>
      %dma_wait3A_966 = tpu.memref_squeeze %dma_wait3A_965 : memref<1x128x32xf32, #tpu.memory_space<vmem>> -> memref<128x32xf32, #tpu.memory_space<vmem>>
      %dma_wait3A_967 = arith.constant 0 : i32
      %dma_wait3A_968 = tpu.memref_slice %arg6[%dma_wait3A_960, %dma_wait3A_967] : memref<157x128xi32, #tpu.memory_space<vmem>> -> memref<1x128xi32, #tpu.memory_space<vmem>>
      %dma_wait3A_969 = tpu.memref_squeeze %dma_wait3A_968 : memref<1x128xi32, #tpu.memory_space<vmem>> -> memref<128xi32, #tpu.memory_space<vmem>>
      %dma_wait3A_970 = arith.constant 0 : i32
      %dma_wait3A_971 = arith.constant 0 : i32
      %dma_wait3A_972 = tpu.memref_slice %arg2[%arg0, %dma_wait3A_970, %dma_wait3A_971] : memref<2x10000x32xf32, #tpu.memory_space<hbm>> -> memref<1x10000x32xf32, #tpu.memory_space<hbm>>
      %dma_wait3A_973 = tpu.memref_squeeze %dma_wait3A_972 : memref<1x10000x32xf32, #tpu.memory_space<hbm>> -> memref<10000x32xf32, #tpu.memory_space<hbm>>
      %dma_wait3A_974 = arith.constant 0 : i32
      %dma_wait3A_975 = arith.constant 0 : i32
      %dma_wait3A_976 = tpu.memref_slice %dma_wait3A_973[%dma_wait3A_974, %dma_wait3A_975] : memref<10000x32xf32, #tpu.memory_space<hbm>> -> memref<10000x32xf32, #tpu.memory_space<hbm>>
      %dma_wait3A_977 = tpu.memref_slice %arg9[%dma_wait3A_962] : memref<6x!tpu.dma_semaphore, #tpu.memory_space<semaphore_mem>> -> memref<1x!tpu.dma_semaphore, #tpu.memory_space<semaphore_mem>>
      %dma_wait3A_978 = tpu.memref_squeeze %dma_wait3A_977 : memref<1x!tpu.dma_semaphore, #tpu.memory_space<semaphore_mem>> -> memref<!tpu.dma_semaphore, #tpu.memory_space<semaphore_mem>>
      tpu.wait_indirect_dma semaphore(%dma_wait3A_978 : memref<!tpu.dma_semaphore, #tpu.memory_space<semaphore_mem>>) src(%dma_wait3A_976 : memref<10000x32xf32, #tpu.memory_space<hbm>>) dst(%dma_wait3A_966 : memref<128x32xf32, #tpu.memory_space<vmem>>)
      %dma_start3A_979 = arith.constant 0 : i32
      %dma_start3A_980 = arith.constant 156 : i32
      %dma_start3A_981 = arith.constant 0 : i32
      %dma_start3A_982 = arith.constant 0 : i32
      %dma_start3A_983 = arith.constant 0 : i32
      %dma_start3A_984 = tpu.memref_slice %arg8[%dma_start3A_979, %dma_start3A_982, %dma_start3A_983] : memref<6x128x32xf32, #tpu.memory_space<vmem>> -> memref<1x128x32xf32, #tpu.memory_space<vmem>>
      %dma_start3A_985 = tpu.memref_squeeze %dma_start3A_984 : memref<1x128x32xf32, #tpu.memory_space<vmem>> -> memref<128x32xf32, #tpu.memory_space<vmem>>
      %dma_start3A_986 = arith.constant 0 : i32
      %dma_start3A_987 = tpu.memref_slice %arg7[%dma_start3A_980, %dma_start3A_986] : memref<157x128xi32, #tpu.memory_space<vmem>> -> memref<1x128xi32, #tpu.memory_space<vmem>>
      %dma_start3A_988 = tpu.memref_squeeze %dma_start3A_987 : memref<1x128xi32, #tpu.memory_space<vmem>> -> memref<128xi32, #tpu.memory_space<vmem>>
      %dma_start3A_989 = arith.constant 0 : i32
      %dma_start3A_990 = arith.constant 0 : i32
      %dma_start3A_991 = tpu.memref_slice %arg5[%dma_start3A_989, %dma_start3A_990] : memref<10240x32xf32, #tpu.memory_space<vmem_shared>> -> memref<10240x32xf32, #tpu.memory_space<vmem_shared>>
      %dma_start3A_992 = tpu.memref_slice %arg10[%dma_start3A_981] : memref<6x!tpu.dma_semaphore, #tpu.memory_space<semaphore_mem>> -> memref<1x!tpu.dma_semaphore, #tpu.memory_space<semaphore_mem>>
      %dma_start3A_993 = tpu.memref_squeeze %dma_start3A_992 : memref<1x!tpu.dma_semaphore, #tpu.memory_space<semaphore_mem>> -> memref<!tpu.dma_semaphore, #tpu.memory_space<semaphore_mem>>
      tpu.enqueue_indirect_dma source(%dma_start3A_985 : memref<128x32xf32, #tpu.memory_space<vmem>>) target(%dma_start3A_991 : memref<10240x32xf32, #tpu.memory_space<vmem_shared>>) offsets(%dma_start3A_988 : memref<128xi32, #tpu.memory_space<vmem>>) semaphore(%dma_start3A_993 : memref<!tpu.dma_semaphore, #tpu.memory_space<semaphore_mem>>) {add = true}
      %dma_wait3A_994 = arith.constant 0 : i32
      %dma_wait3A_995 = arith.constant 156 : i32
      %dma_wait3A_996 = arith.constant 0 : i32
      %dma_wait3A_997 = arith.constant 0 : i32
      %dma_wait3A_998 = arith.constant 0 : i32
      %dma_wait3A_999 = tpu.memref_slice %arg8[%dma_wait3A_994, %dma_wait3A_997, %dma_wait3A_998] : memref<6x128x32xf32, #tpu.memory_space<vmem>> -> memref<1x128x32xf32, #tpu.memory_space<vmem>>
      %dma_wait3A_1000 = tpu.memref_squeeze %dma_wait3A_999 : memref<1x128x32xf32, #tpu.memory_space<vmem>> -> memref<128x32xf32, #tpu.memory_space<vmem>>
      %dma_wait3A_1001 = arith.constant 0 : i32
      %dma_wait3A_1002 = tpu.memref_slice %arg7[%dma_wait3A_995, %dma_wait3A_1001] : memref<157x128xi32, #tpu.memory_space<vmem>> -> memref<1x128xi32, #tpu.memory_space<vmem>>
      %dma_wait3A_1003 = tpu.memref_squeeze %dma_wait3A_1002 : memref<1x128xi32, #tpu.memory_space<vmem>> -> memref<128xi32, #tpu.memory_space<vmem>>
      %dma_wait3A_1004 = arith.constant 0 : i32
      %dma_wait3A_1005 = arith.constant 0 : i32
      %dma_wait3A_1006 = tpu.memref_slice %arg5[%dma_wait3A_1004, %dma_wait3A_1005] : memref<10240x32xf32, #tpu.memory_space<vmem_shared>> -> memref<10240x32xf32, #tpu.memory_space<vmem_shared>>
      %dma_wait3A_1007 = tpu.memref_slice %arg10[%dma_wait3A_996] : memref<6x!tpu.dma_semaphore, #tpu.memory_space<semaphore_mem>> -> memref<1x!tpu.dma_semaphore, #tpu.memory_space<semaphore_mem>>
      %dma_wait3A_1008 = tpu.memref_squeeze %dma_wait3A_1007 : memref<1x!tpu.dma_semaphore, #tpu.memory_space<semaphore_mem>> -> memref<!tpu.dma_semaphore, #tpu.memory_space<semaphore_mem>>
      tpu.wait_indirect_dma semaphore(%dma_wait3A_1008 : memref<!tpu.dma_semaphore, #tpu.memory_space<semaphore_mem>>) src(%dma_wait3A_1000 : memref<128x32xf32, #tpu.memory_space<vmem>>) dst(%dma_wait3A_1006 : memref<10240x32xf32, #tpu.memory_space<vmem_shared>>)
    } else {
    }
    %barrier3A_948 = arith.constant 0 : index
    tpu.barrier barrier_id(%barrier3A_948)
    %mul3A_949 = arith.constant 640 : i32
    %mul3A_950 = arith.muli %arg1, %mul3A_949 : i32
    %lt3A = arith.constant 15 : i32
    %lt3A_951 = arith.cmpi slt, %arg1, %lt3A : i32
    %convert_element_type3A_952 = arith.extui %lt3A_951 : i1 to i32
    %cond3A_953 = arith.constant 0 : i32
    %cond3A_954 = arith.cmpi ne, %convert_element_type3A_952, %cond3A_953 : i32
    scf.if %cond3A_954 {
      %mul3A_960 = arith.constant 32 : i32
      %mul3A_961 = arith.muli %arg0, %mul3A_960 : i32
      "tpu.region"() ({
        %run_scoped3A_962 = tpu.sem_alloc : memref<!tpu.dma_semaphore, #tpu.memory_space<semaphore_mem>>
        %dma_start3A_963 = tpu.memref_slice %arg4[%mul3A_950, %mul3A_961] : memref<10000x64xf32, #tpu.memory_space<hbm>> -> memref<640x32xf32, #tpu.memory_space<hbm>>
        %dma_start3A_964 = arith.constant 0 : i32
        %dma_start3A_965 = tpu.memref_slice %arg5[%mul3A_950, %dma_start3A_964] : memref<10240x32xf32, #tpu.memory_space<vmem_shared>> -> memref<640x32xf32, #tpu.memory_space<vmem_shared>>
        tpu.enqueue_dma source(%dma_start3A_965 : memref<640x32xf32, #tpu.memory_space<vmem_shared>>) target(%dma_start3A_963 : memref<640x32xf32, #tpu.memory_space<hbm>>) target_semaphore(%run_scoped3A_962 : memref<!tpu.dma_semaphore, #tpu.memory_space<semaphore_mem>>)
        %dma_wait3A_966 = tpu.memref_slice %arg4[%mul3A_950, %mul3A_961] : memref<10000x64xf32, #tpu.memory_space<hbm>> -> memref<640x32xf32, #tpu.memory_space<hbm>>
        %dma_wait3A_967 = arith.constant 0 : i32
        %dma_wait3A_968 = tpu.memref_slice %arg5[%mul3A_950, %dma_wait3A_967] : memref<10240x32xf32, #tpu.memory_space<vmem_shared>> -> memref<640x32xf32, #tpu.memory_space<vmem_shared>>
        tpu.wait_dma2 semaphore(%run_scoped3A_962 : memref<!tpu.dma_semaphore, #tpu.memory_space<semaphore_mem>>) src(%dma_wait3A_968 : memref<640x32xf32, #tpu.memory_space<vmem_shared>>) dst(%dma_wait3A_966 : memref<640x32xf32, #tpu.memory_space<hbm>>)
        tpu.yield
      }) : () -> ()
    } else {
    }
    %eq3A_955 = arith.constant 15 : i32
    %eq3A_956 = arith.cmpi eq, %arg1, %eq3A_955 : i32
    %convert_element_type3A_957 = arith.extui %eq3A_956 : i1 to i32
    %cond3A_958 = arith.constant 0 : i32
    %cond3A_959 = arith.cmpi ne, %convert_element_type3A_957, %cond3A_958 : i32
    scf.if %cond3A_959 {
      %mul3A_960 = arith.constant 32 : i32
      %mul3A_961 = arith.muli %arg0, %mul3A_960 : i32
      "tpu.region"() ({
        %run_scoped3A_962 = tpu.sem_alloc : memref<!tpu.dma_semaphore, #tpu.memory_space<semaphore_mem>>
        %dma_start3A_963 = tpu.memref_slice %arg4[%mul3A_950, %mul3A_961] : memref<10000x64xf32, #tpu.memory_space<hbm>> -> memref<400x32xf32, #tpu.memory_space<hbm>>
        %dma_start3A_964 = arith.constant 0 : i32
        %dma_start3A_965 = tpu.memref_slice %arg5[%mul3A_950, %dma_start3A_964] : memref<10240x32xf32, #tpu.memory_space<vmem_shared>> -> memref<400x32xf32, #tpu.memory_space<vmem_shared>>
        tpu.enqueue_dma source(%dma_start3A_965 : memref<400x32xf32, #tpu.memory_space<vmem_shared>>) target(%dma_start3A_963 : memref<400x32xf32, #tpu.memory_space<hbm>>) target_semaphore(%run_scoped3A_962 : memref<!tpu.dma_semaphore, #tpu.memory_space<semaphore_mem>>)
        %dma_wait3A_966 = tpu.memref_slice %arg4[%mul3A_950, %mul3A_961] : memref<10000x64xf32, #tpu.memory_space<hbm>> -> memref<400x32xf32, #tpu.memory_space<hbm>>
        %dma_wait3A_967 = arith.constant 0 : i32
        %dma_wait3A_968 = tpu.memref_slice %arg5[%mul3A_950, %dma_wait3A_967] : memref<10240x32xf32, #tpu.memory_space<vmem_shared>> -> memref<400x32xf32, #tpu.memory_space<vmem_shared>>
        tpu.wait_dma2 semaphore(%run_scoped3A_962 : memref<!tpu.dma_semaphore, #tpu.memory_space<semaphore_mem>>) src(%dma_wait3A_968 : memref<400x32xf32, #tpu.memory_space<vmem_shared>>) dst(%dma_wait3A_966 : memref<400x32xf32, #tpu.memory_space<hbm>>)
        tpu.yield
      }) : () -> ()
    } else {
    }
    return
  }
}

#map = affine_map<(d0, d1) -> (0, 0, 0)>
#map1 = affine_map<(d0, d1) -> (0, 0)>
module attributes {stable_mosaic.version = 14 : i64} {
  func.func @body(%arg0: i32, %arg1: i32, %arg2: memref<2x10000x64xf32, #tpu.memory_space<hbm>>, %arg3: memref<2x2500x128xi32, #tpu.memory_space<hbm>>, %arg4: memref<10000x128xf32, #tpu.memory_space<hbm>>, %arg5: memref<10240x64xf32, #tpu.memory_space<vmem_shared>>, %arg6: memref<157x128xi32, #tpu.memory_space<vmem>>, %arg7: memref<157x128xi32, #tpu.memory_space<vmem>>, %arg8: memref<6x128x64xf32, #tpu.memory_space<vmem>>, %arg9: memref<6x!tpu.dma_semaphore, #tpu.memory_space<semaphore_mem>>, %arg10: memref<6x!tpu.dma_semaphore, #tpu.memory_space<semaphore_mem>>, %arg11: memref<!tpu.dma_semaphore, #tpu.memory_space<semaphore_mem>>) attributes {dimension_semantics = [#tpu.dimension_semantics<core_parallel>, #tpu.dimension_semantics<subcore_parallel>], iteration_bounds = array<i64: 2, 16>, scalar_prefetch = 0 : i64, scratch_operands = 7 : i64, tpu.core_type = #tpu.core_type<sc_vector_subcore>, window_params = [{transform_indices = #map}, {transform_indices = #map}, {transform_indices = #map1}]} {
    %mul3A = arith.constant 2500 : i32
    %mul3A_0 = arith.muli %arg1, %mul3A : i32
    %jit3A = arith.constant 16 : i32
    %div3A = arith.divsi %mul3A_0, %jit3A : i32
    %sign3A = arith.constant 0 : i32
    %sign3A_1 = arith.cmpi sgt, %mul3A_0, %sign3A : i32
    %sign3A_2 = arith.extui %sign3A_1 : i1 to i32
    %sign3A_3 = arith.constant 0 : i32
    %sign3A_4 = arith.cmpi slt, %mul3A_0, %sign3A_3 : i32
    %sign3A_5 = arith.extui %sign3A_4 : i1 to i32
    %sign3A_6 = arith.subi %sign3A_2, %sign3A_5 : i32
    %sign3A_7 = arith.constant 0 : i32
    %sign3A_8 = arith.cmpi sgt, %jit3A, %sign3A_7 : i32
    %sign3A_9 = arith.extui %sign3A_8 : i1 to i32
    %sign3A_10 = arith.constant 0 : i32
    %sign3A_11 = arith.cmpi slt, %jit3A, %sign3A_10 : i32
    %sign3A_12 = arith.extui %sign3A_11 : i1 to i32
    %sign3A_13 = arith.subi %sign3A_9, %sign3A_12 : i32
    %ne3A = arith.cmpi ne, %sign3A_6, %sign3A_13 : i32
    %rem3A = arith.remsi %mul3A_0, %jit3A : i32
    %ne3A_14 = arith.constant 0 : i32
    %ne3A_15 = arith.cmpi ne, %rem3A, %ne3A_14 : i32
    %and3A = arith.andi %ne3A, %ne3A_15 : i1
    %sub3A = arith.constant 1 : i32
    %sub3A_16 = arith.subi %div3A, %sub3A : i32
    %select_n3A = arith.select %and3A, %sub3A_16, %div3A : i32
    %add3A = arith.constant 1 : i32
    %add3A_17 = arith.addi %arg1, %add3A : i32
    %mul3A_18 = arith.constant 2500 : i32
    %mul3A_19 = arith.muli %add3A_17, %mul3A_18 : i32
    %jit3A_20 = arith.constant 16 : i32
    %div3A_21 = arith.divsi %mul3A_19, %jit3A_20 : i32
    %sign3A_22 = arith.constant 0 : i32
    %sign3A_23 = arith.cmpi sgt, %mul3A_19, %sign3A_22 : i32
    %sign3A_24 = arith.extui %sign3A_23 : i1 to i32
    %sign3A_25 = arith.constant 0 : i32
    %sign3A_26 = arith.cmpi slt, %mul3A_19, %sign3A_25 : i32
    %sign3A_27 = arith.extui %sign3A_26 : i1 to i32
    %sign3A_28 = arith.subi %sign3A_24, %sign3A_27 : i32
    %sign3A_29 = arith.constant 0 : i32
    %sign3A_30 = arith.cmpi sgt, %jit3A_20, %sign3A_29 : i32
    %sign3A_31 = arith.extui %sign3A_30 : i1 to i32
    %sign3A_32 = arith.constant 0 : i32
    %sign3A_33 = arith.cmpi slt, %jit3A_20, %sign3A_32 : i32
    %sign3A_34 = arith.extui %sign3A_33 : i1 to i32
    %sign3A_35 = arith.subi %sign3A_31, %sign3A_34 : i32
    %ne3A_36 = arith.cmpi ne, %sign3A_28, %sign3A_35 : i32
    %rem3A_37 = arith.remsi %mul3A_19, %jit3A_20 : i32
    %ne3A_38 = arith.constant 0 : i32
    %ne3A_39 = arith.cmpi ne, %rem3A_37, %ne3A_38 : i32
    %and3A_40 = arith.andi %ne3A_36, %ne3A_39 : i1
    %sub3A_41 = arith.constant 1 : i32
    %sub3A_42 = arith.subi %div3A_21, %sub3A_41 : i32
    %select_n3A_43 = arith.select %and3A_40, %sub3A_42, %div3A_21 : i32
    %sub3A_44 = arith.subi %select_n3A_43, %select_n3A : i32
    %dma_start3A = arith.constant 0 : i32
    %dma_start3A_45 = arith.constant 0 : i32
    %dma_start3A_46 = arith.constant 0 : i32
    %dma_start3A_47 = tpu.memref_slice %arg3[%dma_start3A, %dma_start3A_45, %dma_start3A_46] : memref<2x2500x128xi32, #tpu.memory_space<hbm>> -> memref<1x2500x128xi32, #tpu.memory_space<hbm>>
    %dma_start3A_48 = tpu.memref_squeeze %dma_start3A_47 : memref<1x2500x128xi32, #tpu.memory_space<hbm>> -> memref<2500x128xi32, #tpu.memory_space<hbm>>
    %dma_start3A_49 = arith.constant 0 : i32
    %dma_start3A_50 = tpu.memref_slice %dma_start3A_48[%select_n3A, %dma_start3A_49] : memref<2500x128xi32, #tpu.memory_space<hbm>> -> memref<157x128xi32, #tpu.memory_space<hbm>>
    %dma_start3A_51 = arith.constant 0 : i32
    %dma_start3A_52 = arith.constant 0 : i32
    %dma_start3A_53 = tpu.memref_slice %arg3[%dma_start3A, %dma_start3A_51, %dma_start3A_52] : memref<2x2500x128xi32, #tpu.memory_space<hbm>> -> memref<1x2500x128xi32, #tpu.memory_space<hbm>>
    %dma_start3A_54 = tpu.memref_squeeze %dma_start3A_53 : memref<1x2500x128xi32, #tpu.memory_space<hbm>> -> memref<2500x128xi32, #tpu.memory_space<hbm>>
    %dma_start3A_55 = arith.constant 0 : i32
    %dma_start3A_56 = tpu.memref_slice %dma_start3A_54[%select_n3A, %dma_start3A_55] : memref<2500x128xi32, #tpu.memory_space<hbm>> -> memref<157x128xi32, #tpu.memory_space<hbm>>
    tpu.enqueue_dma source(%dma_start3A_56 : memref<157x128xi32, #tpu.memory_space<hbm>>) target(%arg6 : memref<157x128xi32, #tpu.memory_space<vmem>>) target_semaphore(%arg11 : memref<!tpu.dma_semaphore, #tpu.memory_space<semaphore_mem>>)
    %dma_start3A_57 = arith.constant 1 : i32
    %dma_start3A_58 = arith.constant 0 : i32
    %dma_start3A_59 = arith.constant 0 : i32
    %dma_start3A_60 = tpu.memref_slice %arg3[%dma_start3A_57, %dma_start3A_58, %dma_start3A_59] : memref<2x2500x128xi32, #tpu.memory_space<hbm>> -> memref<1x2500x128xi32, #tpu.memory_space<hbm>>
    %dma_start3A_61 = tpu.memref_squeeze %dma_start3A_60 : memref<1x2500x128xi32, #tpu.memory_space<hbm>> -> memref<2500x128xi32, #tpu.memory_space<hbm>>
    %dma_start3A_62 = arith.constant 0 : i32
    %dma_start3A_63 = tpu.memref_slice %dma_start3A_61[%select_n3A, %dma_start3A_62] : memref<2500x128xi32, #tpu.memory_space<hbm>> -> memref<157x128xi32, #tpu.memory_space<hbm>>
    %dma_start3A_64 = arith.constant 0 : i32
    %dma_start3A_65 = arith.constant 0 : i32
    %dma_start3A_66 = tpu.memref_slice %arg3[%dma_start3A_57, %dma_start3A_64, %dma_start3A_65] : memref<2x2500x128xi32, #tpu.memory_space<hbm>> -> memref<1x2500x128xi32, #tpu.memory_space<hbm>>
    %dma_start3A_67 = tpu.memref_squeeze %dma_start3A_66 : memref<1x2500x128xi32, #tpu.memory_space<hbm>> -> memref<2500x128xi32, #tpu.memory_space<hbm>>
    %dma_start3A_68 = arith.constant 0 : i32
    %dma_start3A_69 = tpu.memref_slice %dma_start3A_67[%select_n3A, %dma_start3A_68] : memref<2500x128xi32, #tpu.memory_space<hbm>> -> memref<157x128xi32, #tpu.memory_space<hbm>>
    tpu.enqueue_dma source(%dma_start3A_69 : memref<157x128xi32, #tpu.memory_space<hbm>>) target(%arg7 : memref<157x128xi32, #tpu.memory_space<vmem>>) target_semaphore(%arg11 : memref<!tpu.dma_semaphore, #tpu.memory_space<semaphore_mem>>)
    %dma_wait3A = arith.constant 0 : i32
    %dma_wait3A_70 = arith.constant 0 : i32
    %dma_wait3A_71 = arith.constant 0 : i32
    %dma_wait3A_72 = tpu.memref_slice %arg3[%dma_wait3A, %dma_wait3A_70, %dma_wait3A_71] : memref<2x2500x128xi32, #tpu.memory_space<hbm>> -> memref<1x2500x128xi32, #tpu.memory_space<hbm>>
    %dma_wait3A_73 = tpu.memref_squeeze %dma_wait3A_72 : memref<1x2500x128xi32, #tpu.memory_space<hbm>> -> memref<2500x128xi32, #tpu.memory_space<hbm>>
    %dma_wait3A_74 = arith.constant 0 : i32
    %dma_wait3A_75 = tpu.memref_slice %dma_wait3A_73[%select_n3A, %dma_wait3A_74] : memref<2500x128xi32, #tpu.memory_space<hbm>> -> memref<157x128xi32, #tpu.memory_space<hbm>>
    %dma_wait3A_76 = arith.constant 0 : i32
    %dma_wait3A_77 = arith.constant 0 : i32
    %dma_wait3A_78 = tpu.memref_slice %arg3[%dma_wait3A, %dma_wait3A_76, %dma_wait3A_77] : memref<2x2500x128xi32, #tpu.memory_space<hbm>> -> memref<1x2500x128xi32, #tpu.memory_space<hbm>>
    %dma_wait3A_79 = tpu.memref_squeeze %dma_wait3A_78 : memref<1x2500x128xi32, #tpu.memory_space<hbm>> -> memref<2500x128xi32, #tpu.memory_space<hbm>>
    %dma_wait3A_80 = arith.constant 0 : i32
    %dma_wait3A_81 = tpu.memref_slice %dma_wait3A_79[%select_n3A, %dma_wait3A_80] : memref<2500x128xi32, #tpu.memory_space<hbm>> -> memref<157x128xi32, #tpu.memory_space<hbm>>
    tpu.wait_dma2 semaphore(%arg11 : memref<!tpu.dma_semaphore, #tpu.memory_space<semaphore_mem>>) src(%dma_wait3A_81 : memref<157x128xi32, #tpu.memory_space<hbm>>) dst(%arg6 : memref<157x128xi32, #tpu.memory_space<vmem>>)
    %dma_wait3A_82 = arith.constant 1 : i32
    %dma_wait3A_83 = arith.constant 0 : i32
    %dma_wait3A_84 = arith.constant 0 : i32
    %dma_wait3A_85 = tpu.memref_slice %arg3[%dma_wait3A_82, %dma_wait3A_83, %dma_wait3A_84] : memref<2x2500x128xi32, #tpu.memory_space<hbm>> -> memref<1x2500x128xi32, #tpu.memory_space<hbm>>
    %dma_wait3A_86 = tpu.memref_squeeze %dma_wait3A_85 : memref<1x2500x128xi32, #tpu.memory_space<hbm>> -> memref<2500x128xi32, #tpu.memory_space<hbm>>
    %dma_wait3A_87 = arith.constant 0 : i32
    %dma_wait3A_88 = tpu.memref_slice %dma_wait3A_86[%select_n3A, %dma_wait3A_87] : memref<2500x128xi32, #tpu.memory_space<hbm>> -> memref<157x128xi32, #tpu.memory_space<hbm>>
    %dma_wait3A_89 = arith.constant 0 : i32
    %dma_wait3A_90 = arith.constant 0 : i32
    %dma_wait3A_91 = tpu.memref_slice %arg3[%dma_wait3A_82, %dma_wait3A_89, %dma_wait3A_90] : memref<2x2500x128xi32, #tpu.memory_space<hbm>> -> memref<1x2500x128xi32, #tpu.memory_space<hbm>>
    %dma_wait3A_92 = tpu.memref_squeeze %dma_wait3A_91 : memref<1x2500x128xi32, #tpu.memory_space<hbm>> -> memref<2500x128xi32, #tpu.memory_space<hbm>>
    %dma_wait3A_93 = arith.constant 0 : i32
    %dma_wait3A_94 = tpu.memref_slice %dma_wait3A_92[%select_n3A, %dma_wait3A_93] : memref<2500x128xi32, #tpu.memory_space<hbm>> -> memref<157x128xi32, #tpu.memory_space<hbm>>
    tpu.wait_dma2 semaphore(%arg11 : memref<!tpu.dma_semaphore, #tpu.memory_space<semaphore_mem>>) src(%dma_wait3A_94 : memref<157x128xi32, #tpu.memory_space<hbm>>) dst(%arg7 : memref<157x128xi32, #tpu.memory_space<vmem>>)
    %dma_start3A_95 = arith.constant 0 : i32
    %dma_start3A_96 = arith.constant 0 : i32
    %dma_start3A_97 = arith.constant 0 : i32
    %dma_start3A_98 = arith.constant 0 : i32
    %dma_start3A_99 = arith.constant 0 : i32
    %dma_start3A_100 = tpu.memref_slice %arg8[%dma_start3A_96, %dma_start3A_98, %dma_start3A_99] : memref<6x128x64xf32, #tpu.memory_space<vmem>> -> memref<1x128x64xf32, #tpu.memory_space<vmem>>
    %dma_start3A_101 = tpu.memref_squeeze %dma_start3A_100 : memref<1x128x64xf32, #tpu.memory_space<vmem>> -> memref<128x64xf32, #tpu.memory_space<vmem>>
    %dma_start3A_102 = arith.constant 0 : i32
    %dma_start3A_103 = tpu.memref_slice %arg6[%dma_start3A_95, %dma_start3A_102] : memref<157x128xi32, #tpu.memory_space<vmem>> -> memref<1x128xi32, #tpu.memory_space<vmem>>
    %dma_start3A_104 = tpu.memref_squeeze %dma_start3A_103 : memref<1x128xi32, #tpu.memory_space<vmem>> -> memref<128xi32, #tpu.memory_space<vmem>>
    %dma_start3A_105 = arith.constant 0 : i32
    %dma_start3A_106 = arith.constant 0 : i32
    %dma_start3A_107 = tpu.memref_slice %arg2[%arg0, %dma_start3A_105, %dma_start3A_106] : memref<2x10000x64xf32, #tpu.memory_space<hbm>> -> memref<1x10000x64xf32, #tpu.memory_space<hbm>>
    %dma_start3A_108 = tpu.memref_squeeze %dma_start3A_107 : memref<1x10000x64xf32, #tpu.memory_space<hbm>> -> memref<10000x64xf32, #tpu.memory_space<hbm>>
    %dma_start3A_109 = arith.constant 0 : i32
    %dma_start3A_110 = arith.constant 0 : i32
    %dma_start3A_111 = tpu.memref_slice %dma_start3A_108[%dma_start3A_109, %dma_start3A_110] : memref<10000x64xf32, #tpu.memory_space<hbm>> -> memref<10000x64xf32, #tpu.memory_space<hbm>>
    %dma_start3A_112 = tpu.memref_slice %arg9[%dma_start3A_97] : memref<6x!tpu.dma_semaphore, #tpu.memory_space<semaphore_mem>> -> memref<1x!tpu.dma_semaphore, #tpu.memory_space<semaphore_mem>>
    %dma_start3A_113 = tpu.memref_squeeze %dma_start3A_112 : memref<1x!tpu.dma_semaphore, #tpu.memory_space<semaphore_mem>> -> memref<!tpu.dma_semaphore, #tpu.memory_space<semaphore_mem>>
    tpu.enqueue_indirect_dma source(%dma_start3A_111 : memref<10000x64xf32, #tpu.memory_space<hbm>>) target(%dma_start3A_101 : memref<128x64xf32, #tpu.memory_space<vmem>>) offsets(%dma_start3A_104 : memref<128xi32, #tpu.memory_space<vmem>>) semaphore(%dma_start3A_113 : memref<!tpu.dma_semaphore, #tpu.memory_space<semaphore_mem>>)
    %dma_start3A_114 = arith.constant 1 : i32
    %dma_start3A_115 = arith.constant 1 : i32
    %dma_start3A_116 = arith.constant 1 : i32
    %dma_start3A_117 = arith.constant 0 : i32
    %dma_start3A_118 = arith.constant 0 : i32
    %dma_start3A_119 = tpu.memref_slice %arg8[%dma_start3A_115, %dma_start3A_117, %dma_start3A_118] : memref<6x128x64xf32, #tpu.memory_space<vmem>> -> memref<1x128x64xf32, #tpu.memory_space<vmem>>
    %dma_start3A_120 = tpu.memref_squeeze %dma_start3A_119 : memref<1x128x64xf32, #tpu.memory_space<vmem>> -> memref<128x64xf32, #tpu.memory_space<vmem>>
    %dma_start3A_121 = arith.constant 0 : i32
    %dma_start3A_122 = tpu.memref_slice %arg6[%dma_start3A_114, %dma_start3A_121] : memref<157x128xi32, #tpu.memory_space<vmem>> -> memref<1x128xi32, #tpu.memory_space<vmem>>
    %dma_start3A_123 = tpu.memref_squeeze %dma_start3A_122 : memref<1x128xi32, #tpu.memory_space<vmem>> -> memref<128xi32, #tpu.memory_space<vmem>>
    %dma_start3A_124 = arith.constant 0 : i32
    %dma_start3A_125 = arith.constant 0 : i32
    %dma_start3A_126 = tpu.memref_slice %arg2[%arg0, %dma_start3A_124, %dma_start3A_125] : memref<2x10000x64xf32, #tpu.memory_space<hbm>> -> memref<1x10000x64xf32, #tpu.memory_space<hbm>>
    %dma_start3A_127 = tpu.memref_squeeze %dma_start3A_126 : memref<1x10000x64xf32, #tpu.memory_space<hbm>> -> memref<10000x64xf32, #tpu.memory_space<hbm>>
    %dma_start3A_128 = arith.constant 0 : i32
    %dma_start3A_129 = arith.constant 0 : i32
    %dma_start3A_130 = tpu.memref_slice %dma_start3A_127[%dma_start3A_128, %dma_start3A_129] : memref<10000x64xf32, #tpu.memory_space<hbm>> -> memref<10000x64xf32, #tpu.memory_space<hbm>>
    %dma_start3A_131 = tpu.memref_slice %arg9[%dma_start3A_116] : memref<6x!tpu.dma_semaphore, #tpu.memory_space<semaphore_mem>> -> memref<1x!tpu.dma_semaphore, #tpu.memory_space<semaphore_mem>>
    %dma_start3A_132 = tpu.memref_squeeze %dma_start3A_131 : memref<1x!tpu.dma_semaphore, #tpu.memory_space<semaphore_mem>> -> memref<!tpu.dma_semaphore, #tpu.memory_space<semaphore_mem>>
    tpu.enqueue_indirect_dma source(%dma_start3A_130 : memref<10000x64xf32, #tpu.memory_space<hbm>>) target(%dma_start3A_120 : memref<128x64xf32, #tpu.memory_space<vmem>>) offsets(%dma_start3A_123 : memref<128xi32, #tpu.memory_space<vmem>>) semaphore(%dma_start3A_132 : memref<!tpu.dma_semaphore, #tpu.memory_space<semaphore_mem>>)
    %dma_start3A_133 = arith.constant 2 : i32
    %dma_start3A_134 = arith.constant 2 : i32
    %dma_start3A_135 = arith.constant 2 : i32
    %dma_start3A_136 = arith.constant 0 : i32
    %dma_start3A_137 = arith.constant 0 : i32
    %dma_start3A_138 = tpu.memref_slice %arg8[%dma_start3A_134, %dma_start3A_136, %dma_start3A_137] : memref<6x128x64xf32, #tpu.memory_space<vmem>> -> memref<1x128x64xf32, #tpu.memory_space<vmem>>
    %dma_start3A_139 = tpu.memref_squeeze %dma_start3A_138 : memref<1x128x64xf32, #tpu.memory_space<vmem>> -> memref<128x64xf32, #tpu.memory_space<vmem>>
    %dma_start3A_140 = arith.constant 0 : i32
    %dma_start3A_141 = tpu.memref_slice %arg6[%dma_start3A_133, %dma_start3A_140] : memref<157x128xi32, #tpu.memory_space<vmem>> -> memref<1x128xi32, #tpu.memory_space<vmem>>
    %dma_start3A_142 = tpu.memref_squeeze %dma_start3A_141 : memref<1x128xi32, #tpu.memory_space<vmem>> -> memref<128xi32, #tpu.memory_space<vmem>>
    %dma_start3A_143 = arith.constant 0 : i32
    %dma_start3A_144 = arith.constant 0 : i32
    %dma_start3A_145 = tpu.memref_slice %arg2[%arg0, %dma_start3A_143, %dma_start3A_144] : memref<2x10000x64xf32, #tpu.memory_space<hbm>> -> memref<1x10000x64xf32, #tpu.memory_space<hbm>>
    %dma_start3A_146 = tpu.memref_squeeze %dma_start3A_145 : memref<1x10000x64xf32, #tpu.memory_space<hbm>> -> memref<10000x64xf32, #tpu.memory_space<hbm>>
    %dma_start3A_147 = arith.constant 0 : i32
    %dma_start3A_148 = arith.constant 0 : i32
    %dma_start3A_149 = tpu.memref_slice %dma_start3A_146[%dma_start3A_147, %dma_start3A_148] : memref<10000x64xf32, #tpu.memory_space<hbm>> -> memref<10000x64xf32, #tpu.memory_space<hbm>>
    %dma_start3A_150 = tpu.memref_slice %arg9[%dma_start3A_135] : memref<6x!tpu.dma_semaphore, #tpu.memory_space<semaphore_mem>> -> memref<1x!tpu.dma_semaphore, #tpu.memory_space<semaphore_mem>>
    %dma_start3A_151 = tpu.memref_squeeze %dma_start3A_150 : memref<1x!tpu.dma_semaphore, #tpu.memory_space<semaphore_mem>> -> memref<!tpu.dma_semaphore, #tpu.memory_space<semaphore_mem>>
    tpu.enqueue_indirect_dma source(%dma_start3A_149 : memref<10000x64xf32, #tpu.memory_space<hbm>>) target(%dma_start3A_139 : memref<128x64xf32, #tpu.memory_space<vmem>>) offsets(%dma_start3A_142 : memref<128xi32, #tpu.memory_space<vmem>>) semaphore(%dma_start3A_151 : memref<!tpu.dma_semaphore, #tpu.memory_space<semaphore_mem>>)
    %dma_start3A_152 = arith.constant 3 : i32
    %dma_start3A_153 = arith.constant 3 : i32
    %dma_start3A_154 = arith.constant 3 : i32
    %dma_start3A_155 = arith.constant 0 : i32
    %dma_start3A_156 = arith.constant 0 : i32
    %dma_start3A_157 = tpu.memref_slice %arg8[%dma_start3A_153, %dma_start3A_155, %dma_start3A_156] : memref<6x128x64xf32, #tpu.memory_space<vmem>> -> memref<1x128x64xf32, #tpu.memory_space<vmem>>
    %dma_start3A_158 = tpu.memref_squeeze %dma_start3A_157 : memref<1x128x64xf32, #tpu.memory_space<vmem>> -> memref<128x64xf32, #tpu.memory_space<vmem>>
    %dma_start3A_159 = arith.constant 0 : i32
    %dma_start3A_160 = tpu.memref_slice %arg6[%dma_start3A_152, %dma_start3A_159] : memref<157x128xi32, #tpu.memory_space<vmem>> -> memref<1x128xi32, #tpu.memory_space<vmem>>
    %dma_start3A_161 = tpu.memref_squeeze %dma_start3A_160 : memref<1x128xi32, #tpu.memory_space<vmem>> -> memref<128xi32, #tpu.memory_space<vmem>>
    %dma_start3A_162 = arith.constant 0 : i32
    %dma_start3A_163 = arith.constant 0 : i32
    %dma_start3A_164 = tpu.memref_slice %arg2[%arg0, %dma_start3A_162, %dma_start3A_163] : memref<2x10000x64xf32, #tpu.memory_space<hbm>> -> memref<1x10000x64xf32, #tpu.memory_space<hbm>>
    %dma_start3A_165 = tpu.memref_squeeze %dma_start3A_164 : memref<1x10000x64xf32, #tpu.memory_space<hbm>> -> memref<10000x64xf32, #tpu.memory_space<hbm>>
    %dma_start3A_166 = arith.constant 0 : i32
    %dma_start3A_167 = arith.constant 0 : i32
    %dma_start3A_168 = tpu.memref_slice %dma_start3A_165[%dma_start3A_166, %dma_start3A_167] : memref<10000x64xf32, #tpu.memory_space<hbm>> -> memref<10000x64xf32, #tpu.memory_space<hbm>>
    %dma_start3A_169 = tpu.memref_slice %arg9[%dma_start3A_154] : memref<6x!tpu.dma_semaphore, #tpu.memory_space<semaphore_mem>> -> memref<1x!tpu.dma_semaphore, #tpu.memory_space<semaphore_mem>>
    %dma_start3A_170 = tpu.memref_squeeze %dma_start3A_169 : memref<1x!tpu.dma_semaphore, #tpu.memory_space<semaphore_mem>> -> memref<!tpu.dma_semaphore, #tpu.memory_space<semaphore_mem>>
    tpu.enqueue_indirect_dma source(%dma_start3A_168 : memref<10000x64xf32, #tpu.memory_space<hbm>>) target(%dma_start3A_158 : memref<128x64xf32, #tpu.memory_space<vmem>>) offsets(%dma_start3A_161 : memref<128xi32, #tpu.memory_space<vmem>>) semaphore(%dma_start3A_170 : memref<!tpu.dma_semaphore, #tpu.memory_space<semaphore_mem>>)
    %scan3A = arith.constant 5 : i32
    %scan3A_171 = arith.constant 0 : i32
    %scan3A_172 = arith.constant 0 : i32
    %scan3A_173 = arith.constant 128 : i32
    %scan3A_174 = arith.addi %scan3A_172, %scan3A_173 : i32
    %scan3A_175 = arith.constant 1 : i32
    %scan3A_176 = scf.for %scan3A_960 = %scan3A_172 to %scan3A_174 step %scan3A_175 iter_args(%scan3A_961 = %scan3A_171) -> (i32)  : i32 {
      %broadcast_in_dim3A = arith.constant 0.000000e+00 : f32
      %broadcast_in_dim3A_962 = vector.broadcast %broadcast_in_dim3A : f32 to vector<16xf32>
      %swap3A = arith.constant 0 : i32
      %swap3A_963 = arith.constant 0 : i32
      %swap3A_964 = tpu.memref_slice %arg8[%scan3A, %swap3A, %swap3A_963] : memref<6x128x64xf32, #tpu.memory_space<vmem>> -> memref<1x128x64xf32, #tpu.memory_space<vmem>>
      %swap3A_965 = tpu.memref_squeeze %swap3A_964 : memref<1x128x64xf32, #tpu.memory_space<vmem>> -> memref<128x64xf32, #tpu.memory_space<vmem>>
      %swap3A_966 = arith.index_cast %scan3A_960 : i32 to index
      %swap3A_967 = arith.constant 0 : index
      %swap3A_968 = tpu.vector_load %swap3A_965[%swap3A_966, %swap3A_967] {strides = array<i32>} : memref<128x64xf32, #tpu.memory_space<vmem>>, vector<1x16xf32>,
      %swap3A_969 = vector.shape_cast %swap3A_968 : vector<1x16xf32> to vector<16xf32>
      %swap3A_970 = vector.shape_cast %broadcast_in_dim3A_962 : vector<16xf32> to vector<1x16xf32>
      tpu.vector_store %swap3A_965[%swap3A_966, %swap3A_967], %swap3A_970 {strides = array<i32>} : memref<128x64xf32, #tpu.memory_space<vmem>>, vector<1x16xf32>,
      %broadcast_in_dim3A_971 = arith.constant 0.000000e+00 : f32
      %broadcast_in_dim3A_972 = vector.broadcast %broadcast_in_dim3A_971 : f32 to vector<16xf32>
      %swap3A_973 = arith.constant 0 : i32
      %swap3A_974 = arith.constant 0 : i32
      %swap3A_975 = tpu.memref_slice %arg8[%scan3A, %swap3A_973, %swap3A_974] : memref<6x128x64xf32, #tpu.memory_space<vmem>> -> memref<1x128x64xf32, #tpu.memory_space<vmem>>
      %swap3A_976 = tpu.memref_squeeze %swap3A_975 : memref<1x128x64xf32, #tpu.memory_space<vmem>> -> memref<128x64xf32, #tpu.memory_space<vmem>>
      %swap3A_977 = arith.index_cast %scan3A_960 : i32 to index
      %swap3A_978 = arith.constant 16 : index
      %swap3A_979 = tpu.vector_load %swap3A_976[%swap3A_977, %swap3A_978] {strides = array<i32>} : memref<128x64xf32, #tpu.memory_space<vmem>>, vector<1x16xf32>,
      %swap3A_980 = vector.shape_cast %swap3A_979 : vector<1x16xf32> to vector<16xf32>
      %swap3A_981 = vector.shape_cast %broadcast_in_dim3A_972 : vector<16xf32> to vector<1x16xf32>
      tpu.vector_store %swap3A_976[%swap3A_977, %swap3A_978], %swap3A_981 {strides = array<i32>} : memref<128x64xf32, #tpu.memory_space<vmem>>, vector<1x16xf32>,
      %broadcast_in_dim3A_982 = arith.constant 0.000000e+00 : f32
      %broadcast_in_dim3A_983 = vector.broadcast %broadcast_in_dim3A_982 : f32 to vector<16xf32>
      %swap3A_984 = arith.constant 0 : i32
      %swap3A_985 = arith.constant 0 : i32
      %swap3A_986 = tpu.memref_slice %arg8[%scan3A, %swap3A_984, %swap3A_985] : memref<6x128x64xf32, #tpu.memory_space<vmem>> -> memref<1x128x64xf32, #tpu.memory_space<vmem>>
      %swap3A_987 = tpu.memref_squeeze %swap3A_986 : memref<1x128x64xf32, #tpu.memory_space<vmem>> -> memref<128x64xf32, #tpu.memory_space<vmem>>
      %swap3A_988 = arith.index_cast %scan3A_960 : i32 to index
      %swap3A_989 = arith.constant 32 : index
      %swap3A_990 = tpu.vector_load %swap3A_987[%swap3A_988, %swap3A_989] {strides = array<i32>} : memref<128x64xf32, #tpu.memory_space<vmem>>, vector<1x16xf32>,
      %swap3A_991 = vector.shape_cast %swap3A_990 : vector<1x16xf32> to vector<16xf32>
      %swap3A_992 = vector.shape_cast %broadcast_in_dim3A_983 : vector<16xf32> to vector<1x16xf32>
      tpu.vector_store %swap3A_987[%swap3A_988, %swap3A_989], %swap3A_992 {strides = array<i32>} : memref<128x64xf32, #tpu.memory_space<vmem>>, vector<1x16xf32>,
      %broadcast_in_dim3A_993 = arith.constant 0.000000e+00 : f32
      %broadcast_in_dim3A_994 = vector.broadcast %broadcast_in_dim3A_993 : f32 to vector<16xf32>
      %swap3A_995 = arith.constant 0 : i32
      %swap3A_996 = arith.constant 0 : i32
      %swap3A_997 = tpu.memref_slice %arg8[%scan3A, %swap3A_995, %swap3A_996] : memref<6x128x64xf32, #tpu.memory_space<vmem>> -> memref<1x128x64xf32, #tpu.memory_space<vmem>>
      %swap3A_998 = tpu.memref_squeeze %swap3A_997 : memref<1x128x64xf32, #tpu.memory_space<vmem>> -> memref<128x64xf32, #tpu.memory_space<vmem>>
      %swap3A_999 = arith.index_cast %scan3A_960 : i32 to index
      %swap3A_1000 = arith.constant 48 : index
      %swap3A_1001 = tpu.vector_load %swap3A_998[%swap3A_999, %swap3A_1000] {strides = array<i32>} : memref<128x64xf32, #tpu.memory_space<vmem>>, vector<1x16xf32>,
      %swap3A_1002 = vector.shape_cast %swap3A_1001 : vector<1x16xf32> to vector<16xf32>
      %swap3A_1003 = vector.shape_cast %broadcast_in_dim3A_994 : vector<16xf32> to vector<1x16xf32>
      tpu.vector_store %swap3A_998[%swap3A_999, %swap3A_1000], %swap3A_1003 {strides = array<i32>} : memref<128x64xf32, #tpu.memory_space<vmem>>, vector<1x16xf32>,
      %scan3A_1004 = arith.constant 0 : i32
      scf.yield %scan3A_1004 : i32
    }
    %scan3A_177 = arith.constant 128 : i32
    %mul3A_178 = arith.constant 640 : i32
    %mul3A_179 = arith.muli %arg1, %mul3A_178 : i32
    %add3A_180 = arith.constant 0 : i32
    %add3A_181 = arith.addi %mul3A_179, %add3A_180 : i32
    %run_scoped3A = arith.constant 5 : i32
    "tpu.region"() ({
      %run_scoped3A_960 = tpu.sem_alloc : memref<!tpu.dma_semaphore, #tpu.memory_space<semaphore_mem>>
      %dma_start3A_961 = arith.constant 0 : i32
      %dma_start3A_962 = arith.constant 0 : i32
      %dma_start3A_963 = tpu.memref_slice %arg8[%run_scoped3A, %dma_start3A_961, %dma_start3A_962] : memref<6x128x64xf32, #tpu.memory_space<vmem>> -> memref<1x128x64xf32, #tpu.memory_space<vmem>>
      %dma_start3A_964 = tpu.memref_squeeze %dma_start3A_963 : memref<1x128x64xf32, #tpu.memory_space<vmem>> -> memref<128x64xf32, #tpu.memory_space<vmem>>
      %dma_start3A_965 = arith.constant 0 : i32
      %dma_start3A_966 = arith.constant 0 : i32
      %dma_start3A_967 = tpu.memref_slice %dma_start3A_964[%dma_start3A_965, %dma_start3A_966] : memref<128x64xf32, #tpu.memory_space<vmem>> -> memref<128x64xf32, #tpu.memory_space<vmem>>
      %dma_start3A_968 = arith.constant 0 : i32
      %dma_start3A_969 = tpu.memref_slice %arg5[%add3A_181, %dma_start3A_968] : memref<10240x64xf32, #tpu.memory_space<vmem_shared>> -> memref<128x64xf32, #tpu.memory_space<vmem_shared>>
      %dma_start3A_970 = arith.constant 0 : i32
      %dma_start3A_971 = tpu.memref_slice %arg5[%add3A_181, %dma_start3A_970] : memref<10240x64xf32, #tpu.memory_space<vmem_shared>> -> memref<128x64xf32, #tpu.memory_space<vmem_shared>>
      %dma_start3A_972 = arith.constant 0 : i32
      %dma_start3A_973 = arith.constant 0 : i32
      %dma_start3A_974 = tpu.memref_slice %arg8[%run_scoped3A, %dma_start3A_972, %dma_start3A_973] : memref<6x128x64xf32, #tpu.memory_space<vmem>> -> memref<1x128x64xf32, #tpu.memory_space<vmem>>
      %dma_start3A_975 = tpu.memref_squeeze %dma_start3A_974 : memref<1x128x64xf32, #tpu.memory_space<vmem>> -> memref<128x64xf32, #tpu.memory_space<vmem>>
      %dma_start3A_976 = arith.constant 0 : i32
      %dma_start3A_977 = arith.constant 0 : i32
      %dma_start3A_978 = tpu.memref_slice %dma_start3A_975[%dma_start3A_976, %dma_start3A_977] : memref<128x64xf32, #tpu.memory_space<vmem>> -> memref<128x64xf32, #tpu.memory_space<vmem>>
      tpu.enqueue_dma source(%dma_start3A_978 : memref<128x64xf32, #tpu.memory_space<vmem>>) target(%dma_start3A_971 : memref<128x64xf32, #tpu.memory_space<vmem_shared>>) target_semaphore(%run_scoped3A_960 : memref<!tpu.dma_semaphore, #tpu.memory_space<semaphore_mem>>)
      %dma_wait3A_979 = arith.constant 0 : i32
      %dma_wait3A_980 = arith.constant 0 : i32
      %dma_wait3A_981 = tpu.memref_slice %arg8[%run_scoped3A, %dma_wait3A_979, %dma_wait3A_980] : memref<6x128x64xf32, #tpu.memory_space<vmem>> -> memref<1x128x64xf32, #tpu.memory_space<vmem>>
      %dma_wait3A_982 = tpu.memref_squeeze %dma_wait3A_981 : memref<1x128x64xf32, #tpu.memory_space<vmem>> -> memref<128x64xf32, #tpu.memory_space<vmem>>
      %dma_wait3A_983 = arith.constant 0 : i32
      %dma_wait3A_984 = arith.constant 0 : i32
      %dma_wait3A_985 = tpu.memref_slice %dma_wait3A_982[%dma_wait3A_983, %dma_wait3A_984] : memref<128x64xf32, #tpu.memory_space<vmem>> -> memref<128x64xf32, #tpu.memory_space<vmem>>
      %dma_wait3A_986 = arith.constant 0 : i32
      %dma_wait3A_987 = tpu.memref_slice %arg5[%add3A_181, %dma_wait3A_986] : memref<10240x64xf32, #tpu.memory_space<vmem_shared>> -> memref<128x64xf32, #tpu.memory_space<vmem_shared>>
      %dma_wait3A_988 = arith.constant 0 : i32
      %dma_wait3A_989 = tpu.memref_slice %arg5[%add3A_181, %dma_wait3A_988] : memref<10240x64xf32, #tpu.memory_space<vmem_shared>> -> memref<128x64xf32, #tpu.memory_space<vmem_shared>>
      %dma_wait3A_990 = arith.constant 0 : i32
      %dma_wait3A_991 = arith.constant 0 : i32
      %dma_wait3A_992 = tpu.memref_slice %arg8[%run_scoped3A, %dma_wait3A_990, %dma_wait3A_991] : memref<6x128x64xf32, #tpu.memory_space<vmem>> -> memref<1x128x64xf32, #tpu.memory_space<vmem>>
      %dma_wait3A_993 = tpu.memref_squeeze %dma_wait3A_992 : memref<1x128x64xf32, #tpu.memory_space<vmem>> -> memref<128x64xf32, #tpu.memory_space<vmem>>
      %dma_wait3A_994 = arith.constant 0 : i32
      %dma_wait3A_995 = arith.constant 0 : i32
      %dma_wait3A_996 = tpu.memref_slice %dma_wait3A_993[%dma_wait3A_994, %dma_wait3A_995] : memref<128x64xf32, #tpu.memory_space<vmem>> -> memref<128x64xf32, #tpu.memory_space<vmem>>
      tpu.wait_dma2 semaphore(%run_scoped3A_960 : memref<!tpu.dma_semaphore, #tpu.memory_space<semaphore_mem>>) src(%dma_wait3A_996 : memref<128x64xf32, #tpu.memory_space<vmem>>) dst(%dma_wait3A_989 : memref<128x64xf32, #tpu.memory_space<vmem_shared>>)
      tpu.yield
    }) : () -> ()
    %add3A_182 = arith.constant 128 : i32
    %add3A_183 = arith.addi %mul3A_179, %add3A_182 : i32
    %run_scoped3A_184 = arith.constant 5 : i32
    "tpu.region"() ({
      %run_scoped3A_960 = tpu.sem_alloc : memref<!tpu.dma_semaphore, #tpu.memory_space<semaphore_mem>>
      %dma_start3A_961 = arith.constant 0 : i32
      %dma_start3A_962 = arith.constant 0 : i32
      %dma_start3A_963 = tpu.memref_slice %arg8[%run_scoped3A_184, %dma_start3A_961, %dma_start3A_962] : memref<6x128x64xf32, #tpu.memory_space<vmem>> -> memref<1x128x64xf32, #tpu.memory_space<vmem>>
      %dma_start3A_964 = tpu.memref_squeeze %dma_start3A_963 : memref<1x128x64xf32, #tpu.memory_space<vmem>> -> memref<128x64xf32, #tpu.memory_space<vmem>>
      %dma_start3A_965 = arith.constant 0 : i32
      %dma_start3A_966 = arith.constant 0 : i32
      %dma_start3A_967 = tpu.memref_slice %dma_start3A_964[%dma_start3A_965, %dma_start3A_966] : memref<128x64xf32, #tpu.memory_space<vmem>> -> memref<128x64xf32, #tpu.memory_space<vmem>>
      %dma_start3A_968 = arith.constant 0 : i32
      %dma_start3A_969 = tpu.memref_slice %arg5[%add3A_183, %dma_start3A_968] : memref<10240x64xf32, #tpu.memory_space<vmem_shared>> -> memref<128x64xf32, #tpu.memory_space<vmem_shared>>
      %dma_start3A_970 = arith.constant 0 : i32
      %dma_start3A_971 = tpu.memref_slice %arg5[%add3A_183, %dma_start3A_970] : memref<10240x64xf32, #tpu.memory_space<vmem_shared>> -> memref<128x64xf32, #tpu.memory_space<vmem_shared>>
      %dma_start3A_972 = arith.constant 0 : i32
      %dma_start3A_973 = arith.constant 0 : i32
      %dma_start3A_974 = tpu.memref_slice %arg8[%run_scoped3A_184, %dma_start3A_972, %dma_start3A_973] : memref<6x128x64xf32, #tpu.memory_space<vmem>> -> memref<1x128x64xf32, #tpu.memory_space<vmem>>
      %dma_start3A_975 = tpu.memref_squeeze %dma_start3A_974 : memref<1x128x64xf32, #tpu.memory_space<vmem>> -> memref<128x64xf32, #tpu.memory_space<vmem>>
      %dma_start3A_976 = arith.constant 0 : i32
      %dma_start3A_977 = arith.constant 0 : i32
      %dma_start3A_978 = tpu.memref_slice %dma_start3A_975[%dma_start3A_976, %dma_start3A_977] : memref<128x64xf32, #tpu.memory_space<vmem>> -> memref<128x64xf32, #tpu.memory_space<vmem>>
      tpu.enqueue_dma source(%dma_start3A_978 : memref<128x64xf32, #tpu.memory_space<vmem>>) target(%dma_start3A_971 : memref<128x64xf32, #tpu.memory_space<vmem_shared>>) target_semaphore(%run_scoped3A_960 : memref<!tpu.dma_semaphore, #tpu.memory_space<semaphore_mem>>)
      %dma_wait3A_979 = arith.constant 0 : i32
      %dma_wait3A_980 = arith.constant 0 : i32
      %dma_wait3A_981 = tpu.memref_slice %arg8[%run_scoped3A_184, %dma_wait3A_979, %dma_wait3A_980] : memref<6x128x64xf32, #tpu.memory_space<vmem>> -> memref<1x128x64xf32, #tpu.memory_space<vmem>>
      %dma_wait3A_982 = tpu.memref_squeeze %dma_wait3A_981 : memref<1x128x64xf32, #tpu.memory_space<vmem>> -> memref<128x64xf32, #tpu.memory_space<vmem>>
      %dma_wait3A_983 = arith.constant 0 : i32
      %dma_wait3A_984 = arith.constant 0 : i32
      %dma_wait3A_985 = tpu.memref_slice %dma_wait3A_982[%dma_wait3A_983, %dma_wait3A_984] : memref<128x64xf32, #tpu.memory_space<vmem>> -> memref<128x64xf32, #tpu.memory_space<vmem>>
      %dma_wait3A_986 = arith.constant 0 : i32
      %dma_wait3A_987 = tpu.memref_slice %arg5[%add3A_183, %dma_wait3A_986] : memref<10240x64xf32, #tpu.memory_space<vmem_shared>> -> memref<128x64xf32, #tpu.memory_space<vmem_shared>>
      %dma_wait3A_988 = arith.constant 0 : i32
      %dma_wait3A_989 = tpu.memref_slice %arg5[%add3A_183, %dma_wait3A_988] : memref<10240x64xf32, #tpu.memory_space<vmem_shared>> -> memref<128x64xf32, #tpu.memory_space<vmem_shared>>
      %dma_wait3A_990 = arith.constant 0 : i32
      %dma_wait3A_991 = arith.constant 0 : i32
      %dma_wait3A_992 = tpu.memref_slice %arg8[%run_scoped3A_184, %dma_wait3A_990, %dma_wait3A_991] : memref<6x128x64xf32, #tpu.memory_space<vmem>> -> memref<1x128x64xf32, #tpu.memory_space<vmem>>
      %dma_wait3A_993 = tpu.memref_squeeze %dma_wait3A_992 : memref<1x128x64xf32, #tpu.memory_space<vmem>> -> memref<128x64xf32, #tpu.memory_space<vmem>>
      %dma_wait3A_994 = arith.constant 0 : i32
      %dma_wait3A_995 = arith.constant 0 : i32
      %dma_wait3A_996 = tpu.memref_slice %dma_wait3A_993[%dma_wait3A_994, %dma_wait3A_995] : memref<128x64xf32, #tpu.memory_space<vmem>> -> memref<128x64xf32, #tpu.memory_space<vmem>>
      tpu.wait_dma2 semaphore(%run_scoped3A_960 : memref<!tpu.dma_semaphore, #tpu.memory_space<semaphore_mem>>) src(%dma_wait3A_996 : memref<128x64xf32, #tpu.memory_space<vmem>>) dst(%dma_wait3A_989 : memref<128x64xf32, #tpu.memory_space<vmem_shared>>)
      tpu.yield
    }) : () -> ()
    %add3A_185 = arith.constant 256 : i32
    %add3A_186 = arith.addi %mul3A_179, %add3A_185 : i32
    %run_scoped3A_187 = arith.constant 5 : i32
    "tpu.region"() ({
      %run_scoped3A_960 = tpu.sem_alloc : memref<!tpu.dma_semaphore, #tpu.memory_space<semaphore_mem>>
      %dma_start3A_961 = arith.constant 0 : i32
      %dma_start3A_962 = arith.constant 0 : i32
      %dma_start3A_963 = tpu.memref_slice %arg8[%run_scoped3A_187, %dma_start3A_961, %dma_start3A_962] : memref<6x128x64xf32, #tpu.memory_space<vmem>> -> memref<1x128x64xf32, #tpu.memory_space<vmem>>
      %dma_start3A_964 = tpu.memref_squeeze %dma_start3A_963 : memref<1x128x64xf32, #tpu.memory_space<vmem>> -> memref<128x64xf32, #tpu.memory_space<vmem>>
      %dma_start3A_965 = arith.constant 0 : i32
      %dma_start3A_966 = arith.constant 0 : i32
      %dma_start3A_967 = tpu.memref_slice %dma_start3A_964[%dma_start3A_965, %dma_start3A_966] : memref<128x64xf32, #tpu.memory_space<vmem>> -> memref<128x64xf32, #tpu.memory_space<vmem>>
      %dma_start3A_968 = arith.constant 0 : i32
      %dma_start3A_969 = tpu.memref_slice %arg5[%add3A_186, %dma_start3A_968] : memref<10240x64xf32, #tpu.memory_space<vmem_shared>> -> memref<128x64xf32, #tpu.memory_space<vmem_shared>>
      %dma_start3A_970 = arith.constant 0 : i32
      %dma_start3A_971 = tpu.memref_slice %arg5[%add3A_186, %dma_start3A_970] : memref<10240x64xf32, #tpu.memory_space<vmem_shared>> -> memref<128x64xf32, #tpu.memory_space<vmem_shared>>
      %dma_start3A_972 = arith.constant 0 : i32
      %dma_start3A_973 = arith.constant 0 : i32
      %dma_start3A_974 = tpu.memref_slice %arg8[%run_scoped3A_187, %dma_start3A_972, %dma_start3A_973] : memref<6x128x64xf32, #tpu.memory_space<vmem>> -> memref<1x128x64xf32, #tpu.memory_space<vmem>>
      %dma_start3A_975 = tpu.memref_squeeze %dma_start3A_974 : memref<1x128x64xf32, #tpu.memory_space<vmem>> -> memref<128x64xf32, #tpu.memory_space<vmem>>
      %dma_start3A_976 = arith.constant 0 : i32
      %dma_start3A_977 = arith.constant 0 : i32
      %dma_start3A_978 = tpu.memref_slice %dma_start3A_975[%dma_start3A_976, %dma_start3A_977] : memref<128x64xf32, #tpu.memory_space<vmem>> -> memref<128x64xf32, #tpu.memory_space<vmem>>
      tpu.enqueue_dma source(%dma_start3A_978 : memref<128x64xf32, #tpu.memory_space<vmem>>) target(%dma_start3A_971 : memref<128x64xf32, #tpu.memory_space<vmem_shared>>) target_semaphore(%run_scoped3A_960 : memref<!tpu.dma_semaphore, #tpu.memory_space<semaphore_mem>>)
      %dma_wait3A_979 = arith.constant 0 : i32
      %dma_wait3A_980 = arith.constant 0 : i32
      %dma_wait3A_981 = tpu.memref_slice %arg8[%run_scoped3A_187, %dma_wait3A_979, %dma_wait3A_980] : memref<6x128x64xf32, #tpu.memory_space<vmem>> -> memref<1x128x64xf32, #tpu.memory_space<vmem>>
      %dma_wait3A_982 = tpu.memref_squeeze %dma_wait3A_981 : memref<1x128x64xf32, #tpu.memory_space<vmem>> -> memref<128x64xf32, #tpu.memory_space<vmem>>
      %dma_wait3A_983 = arith.constant 0 : i32
      %dma_wait3A_984 = arith.constant 0 : i32
      %dma_wait3A_985 = tpu.memref_slice %dma_wait3A_982[%dma_wait3A_983, %dma_wait3A_984] : memref<128x64xf32, #tpu.memory_space<vmem>> -> memref<128x64xf32, #tpu.memory_space<vmem>>
      %dma_wait3A_986 = arith.constant 0 : i32
      %dma_wait3A_987 = tpu.memref_slice %arg5[%add3A_186, %dma_wait3A_986] : memref<10240x64xf32, #tpu.memory_space<vmem_shared>> -> memref<128x64xf32, #tpu.memory_space<vmem_shared>>
      %dma_wait3A_988 = arith.constant 0 : i32
      %dma_wait3A_989 = tpu.memref_slice %arg5[%add3A_186, %dma_wait3A_988] : memref<10240x64xf32, #tpu.memory_space<vmem_shared>> -> memref<128x64xf32, #tpu.memory_space<vmem_shared>>
      %dma_wait3A_990 = arith.constant 0 : i32
      %dma_wait3A_991 = arith.constant 0 : i32
      %dma_wait3A_992 = tpu.memref_slice %arg8[%run_scoped3A_187, %dma_wait3A_990, %dma_wait3A_991] : memref<6x128x64xf32, #tpu.memory_space<vmem>> -> memref<1x128x64xf32, #tpu.memory_space<vmem>>
      %dma_wait3A_993 = tpu.memref_squeeze %dma_wait3A_992 : memref<1x128x64xf32, #tpu.memory_space<vmem>> -> memref<128x64xf32, #tpu.memory_space<vmem>>
      %dma_wait3A_994 = arith.constant 0 : i32
      %dma_wait3A_995 = arith.constant 0 : i32
      %dma_wait3A_996 = tpu.memref_slice %dma_wait3A_993[%dma_wait3A_994, %dma_wait3A_995] : memref<128x64xf32, #tpu.memory_space<vmem>> -> memref<128x64xf32, #tpu.memory_space<vmem>>
      tpu.wait_dma2 semaphore(%run_scoped3A_960 : memref<!tpu.dma_semaphore, #tpu.memory_space<semaphore_mem>>) src(%dma_wait3A_996 : memref<128x64xf32, #tpu.memory_space<vmem>>) dst(%dma_wait3A_989 : memref<128x64xf32, #tpu.memory_space<vmem_shared>>)
      tpu.yield
    }) : () -> ()
    %add3A_188 = arith.constant 384 : i32
    %add3A_189 = arith.addi %mul3A_179, %add3A_188 : i32
    %run_scoped3A_190 = arith.constant 5 : i32
    "tpu.region"() ({
      %run_scoped3A_960 = tpu.sem_alloc : memref<!tpu.dma_semaphore, #tpu.memory_space<semaphore_mem>>
      %dma_start3A_961 = arith.constant 0 : i32
      %dma_start3A_962 = arith.constant 0 : i32
      %dma_start3A_963 = tpu.memref_slice %arg8[%run_scoped3A_190, %dma_start3A_961, %dma_start3A_962] : memref<6x128x64xf32, #tpu.memory_space<vmem>> -> memref<1x128x64xf32, #tpu.memory_space<vmem>>
      %dma_start3A_964 = tpu.memref_squeeze %dma_start3A_963 : memref<1x128x64xf32, #tpu.memory_space<vmem>> -> memref<128x64xf32, #tpu.memory_space<vmem>>
      %dma_start3A_965 = arith.constant 0 : i32
      %dma_start3A_966 = arith.constant 0 : i32
      %dma_start3A_967 = tpu.memref_slice %dma_start3A_964[%dma_start3A_965, %dma_start3A_966] : memref<128x64xf32, #tpu.memory_space<vmem>> -> memref<128x64xf32, #tpu.memory_space<vmem>>
      %dma_start3A_968 = arith.constant 0 : i32
      %dma_start3A_969 = tpu.memref_slice %arg5[%add3A_189, %dma_start3A_968] : memref<10240x64xf32, #tpu.memory_space<vmem_shared>> -> memref<128x64xf32, #tpu.memory_space<vmem_shared>>
      %dma_start3A_970 = arith.constant 0 : i32
      %dma_start3A_971 = tpu.memref_slice %arg5[%add3A_189, %dma_start3A_970] : memref<10240x64xf32, #tpu.memory_space<vmem_shared>> -> memref<128x64xf32, #tpu.memory_space<vmem_shared>>
      %dma_start3A_972 = arith.constant 0 : i32
      %dma_start3A_973 = arith.constant 0 : i32
      %dma_start3A_974 = tpu.memref_slice %arg8[%run_scoped3A_190, %dma_start3A_972, %dma_start3A_973] : memref<6x128x64xf32, #tpu.memory_space<vmem>> -> memref<1x128x64xf32, #tpu.memory_space<vmem>>
      %dma_start3A_975 = tpu.memref_squeeze %dma_start3A_974 : memref<1x128x64xf32, #tpu.memory_space<vmem>> -> memref<128x64xf32, #tpu.memory_space<vmem>>
      %dma_start3A_976 = arith.constant 0 : i32
      %dma_start3A_977 = arith.constant 0 : i32
      %dma_start3A_978 = tpu.memref_slice %dma_start3A_975[%dma_start3A_976, %dma_start3A_977] : memref<128x64xf32, #tpu.memory_space<vmem>> -> memref<128x64xf32, #tpu.memory_space<vmem>>
      tpu.enqueue_dma source(%dma_start3A_978 : memref<128x64xf32, #tpu.memory_space<vmem>>) target(%dma_start3A_971 : memref<128x64xf32, #tpu.memory_space<vmem_shared>>) target_semaphore(%run_scoped3A_960 : memref<!tpu.dma_semaphore, #tpu.memory_space<semaphore_mem>>)
      %dma_wait3A_979 = arith.constant 0 : i32
      %dma_wait3A_980 = arith.constant 0 : i32
      %dma_wait3A_981 = tpu.memref_slice %arg8[%run_scoped3A_190, %dma_wait3A_979, %dma_wait3A_980] : memref<6x128x64xf32, #tpu.memory_space<vmem>> -> memref<1x128x64xf32, #tpu.memory_space<vmem>>
      %dma_wait3A_982 = tpu.memref_squeeze %dma_wait3A_981 : memref<1x128x64xf32, #tpu.memory_space<vmem>> -> memref<128x64xf32, #tpu.memory_space<vmem>>
      %dma_wait3A_983 = arith.constant 0 : i32
      %dma_wait3A_984 = arith.constant 0 : i32
      %dma_wait3A_985 = tpu.memref_slice %dma_wait3A_982[%dma_wait3A_983, %dma_wait3A_984] : memref<128x64xf32, #tpu.memory_space<vmem>> -> memref<128x64xf32, #tpu.memory_space<vmem>>
      %dma_wait3A_986 = arith.constant 0 : i32
      %dma_wait3A_987 = tpu.memref_slice %arg5[%add3A_189, %dma_wait3A_986] : memref<10240x64xf32, #tpu.memory_space<vmem_shared>> -> memref<128x64xf32, #tpu.memory_space<vmem_shared>>
      %dma_wait3A_988 = arith.constant 0 : i32
      %dma_wait3A_989 = tpu.memref_slice %arg5[%add3A_189, %dma_wait3A_988] : memref<10240x64xf32, #tpu.memory_space<vmem_shared>> -> memref<128x64xf32, #tpu.memory_space<vmem_shared>>
      %dma_wait3A_990 = arith.constant 0 : i32
      %dma_wait3A_991 = arith.constant 0 : i32
      %dma_wait3A_992 = tpu.memref_slice %arg8[%run_scoped3A_190, %dma_wait3A_990, %dma_wait3A_991] : memref<6x128x64xf32, #tpu.memory_space<vmem>> -> memref<1x128x64xf32, #tpu.memory_space<vmem>>
      %dma_wait3A_993 = tpu.memref_squeeze %dma_wait3A_992 : memref<1x128x64xf32, #tpu.memory_space<vmem>> -> memref<128x64xf32, #tpu.memory_space<vmem>>
      %dma_wait3A_994 = arith.constant 0 : i32
      %dma_wait3A_995 = arith.constant 0 : i32
      %dma_wait3A_996 = tpu.memref_slice %dma_wait3A_993[%dma_wait3A_994, %dma_wait3A_995] : memref<128x64xf32, #tpu.memory_space<vmem>> -> memref<128x64xf32, #tpu.memory_space<vmem>>
      tpu.wait_dma2 semaphore(%run_scoped3A_960 : memref<!tpu.dma_semaphore, #tpu.memory_space<semaphore_mem>>) src(%dma_wait3A_996 : memref<128x64xf32, #tpu.memory_space<vmem>>) dst(%dma_wait3A_989 : memref<128x64xf32, #tpu.memory_space<vmem_shared>>)
      tpu.yield
    }) : () -> ()
    %add3A_191 = arith.constant 512 : i32
    %add3A_192 = arith.addi %mul3A_179, %add3A_191 : i32
    %run_scoped3A_193 = arith.constant 5 : i32
    "tpu.region"() ({
      %run_scoped3A_960 = tpu.sem_alloc : memref<!tpu.dma_semaphore, #tpu.memory_space<semaphore_mem>>
      %dma_start3A_961 = arith.constant 0 : i32
      %dma_start3A_962 = arith.constant 0 : i32
      %dma_start3A_963 = tpu.memref_slice %arg8[%run_scoped3A_193, %dma_start3A_961, %dma_start3A_962] : memref<6x128x64xf32, #tpu.memory_space<vmem>> -> memref<1x128x64xf32, #tpu.memory_space<vmem>>
      %dma_start3A_964 = tpu.memref_squeeze %dma_start3A_963 : memref<1x128x64xf32, #tpu.memory_space<vmem>> -> memref<128x64xf32, #tpu.memory_space<vmem>>
      %dma_start3A_965 = arith.constant 0 : i32
      %dma_start3A_966 = arith.constant 0 : i32
      %dma_start3A_967 = tpu.memref_slice %dma_start3A_964[%dma_start3A_965, %dma_start3A_966] : memref<128x64xf32, #tpu.memory_space<vmem>> -> memref<128x64xf32, #tpu.memory_space<vmem>>
      %dma_start3A_968 = arith.constant 0 : i32
      %dma_start3A_969 = tpu.memref_slice %arg5[%add3A_192, %dma_start3A_968] : memref<10240x64xf32, #tpu.memory_space<vmem_shared>> -> memref<128x64xf32, #tpu.memory_space<vmem_shared>>
      %dma_start3A_970 = arith.constant 0 : i32
      %dma_start3A_971 = tpu.memref_slice %arg5[%add3A_192, %dma_start3A_970] : memref<10240x64xf32, #tpu.memory_space<vmem_shared>> -> memref<128x64xf32, #tpu.memory_space<vmem_shared>>
      %dma_start3A_972 = arith.constant 0 : i32
      %dma_start3A_973 = arith.constant 0 : i32
      %dma_start3A_974 = tpu.memref_slice %arg8[%run_scoped3A_193, %dma_start3A_972, %dma_start3A_973] : memref<6x128x64xf32, #tpu.memory_space<vmem>> -> memref<1x128x64xf32, #tpu.memory_space<vmem>>
      %dma_start3A_975 = tpu.memref_squeeze %dma_start3A_974 : memref<1x128x64xf32, #tpu.memory_space<vmem>> -> memref<128x64xf32, #tpu.memory_space<vmem>>
      %dma_start3A_976 = arith.constant 0 : i32
      %dma_start3A_977 = arith.constant 0 : i32
      %dma_start3A_978 = tpu.memref_slice %dma_start3A_975[%dma_start3A_976, %dma_start3A_977] : memref<128x64xf32, #tpu.memory_space<vmem>> -> memref<128x64xf32, #tpu.memory_space<vmem>>
      tpu.enqueue_dma source(%dma_start3A_978 : memref<128x64xf32, #tpu.memory_space<vmem>>) target(%dma_start3A_971 : memref<128x64xf32, #tpu.memory_space<vmem_shared>>) target_semaphore(%run_scoped3A_960 : memref<!tpu.dma_semaphore, #tpu.memory_space<semaphore_mem>>)
      %dma_wait3A_979 = arith.constant 0 : i32
      %dma_wait3A_980 = arith.constant 0 : i32
      %dma_wait3A_981 = tpu.memref_slice %arg8[%run_scoped3A_193, %dma_wait3A_979, %dma_wait3A_980] : memref<6x128x64xf32, #tpu.memory_space<vmem>> -> memref<1x128x64xf32, #tpu.memory_space<vmem>>
      %dma_wait3A_982 = tpu.memref_squeeze %dma_wait3A_981 : memref<1x128x64xf32, #tpu.memory_space<vmem>> -> memref<128x64xf32, #tpu.memory_space<vmem>>
      %dma_wait3A_983 = arith.constant 0 : i32
      %dma_wait3A_984 = arith.constant 0 : i32
      %dma_wait3A_985 = tpu.memref_slice %dma_wait3A_982[%dma_wait3A_983, %dma_wait3A_984] : memref<128x64xf32, #tpu.memory_space<vmem>> -> memref<128x64xf32, #tpu.memory_space<vmem>>
      %dma_wait3A_986 = arith.constant 0 : i32
      %dma_wait3A_987 = tpu.memref_slice %arg5[%add3A_192, %dma_wait3A_986] : memref<10240x64xf32, #tpu.memory_space<vmem_shared>> -> memref<128x64xf32, #tpu.memory_space<vmem_shared>>
      %dma_wait3A_988 = arith.constant 0 : i32
      %dma_wait3A_989 = tpu.memref_slice %arg5[%add3A_192, %dma_wait3A_988] : memref<10240x64xf32, #tpu.memory_space<vmem_shared>> -> memref<128x64xf32, #tpu.memory_space<vmem_shared>>
      %dma_wait3A_990 = arith.constant 0 : i32
      %dma_wait3A_991 = arith.constant 0 : i32
      %dma_wait3A_992 = tpu.memref_slice %arg8[%run_scoped3A_193, %dma_wait3A_990, %dma_wait3A_991] : memref<6x128x64xf32, #tpu.memory_space<vmem>> -> memref<1x128x64xf32, #tpu.memory_space<vmem>>
      %dma_wait3A_993 = tpu.memref_squeeze %dma_wait3A_992 : memref<1x128x64xf32, #tpu.memory_space<vmem>> -> memref<128x64xf32, #tpu.memory_space<vmem>>
      %dma_wait3A_994 = arith.constant 0 : i32
      %dma_wait3A_995 = arith.constant 0 : i32
      %dma_wait3A_996 = tpu.memref_slice %dma_wait3A_993[%dma_wait3A_994, %dma_wait3A_995] : memref<128x64xf32, #tpu.memory_space<vmem>> -> memref<128x64xf32, #tpu.memory_space<vmem>>
      tpu.wait_dma2 semaphore(%run_scoped3A_960 : memref<!tpu.dma_semaphore, #tpu.memory_space<semaphore_mem>>) src(%dma_wait3A_996 : memref<128x64xf32, #tpu.memory_space<vmem>>) dst(%dma_wait3A_989 : memref<128x64xf32, #tpu.memory_space<vmem_shared>>)
      tpu.yield
    }) : () -> ()
    %barrier3A = arith.constant 0 : index
    tpu.barrier barrier_id(%barrier3A)
    %dma_start3A_194 = arith.constant 4 : i32
    %dma_start3A_195 = arith.constant 4 : i32
    %dma_start3A_196 = arith.constant 4 : i32
    %dma_start3A_197 = arith.constant 0 : i32
    %dma_start3A_198 = arith.constant 0 : i32
    %dma_start3A_199 = tpu.memref_slice %arg8[%dma_start3A_195, %dma_start3A_197, %dma_start3A_198] : memref<6x128x64xf32, #tpu.memory_space<vmem>> -> memref<1x128x64xf32, #tpu.memory_space<vmem>>
    %dma_start3A_200 = tpu.memref_squeeze %dma_start3A_199 : memref<1x128x64xf32, #tpu.memory_space<vmem>> -> memref<128x64xf32, #tpu.memory_space<vmem>>
    %dma_start3A_201 = arith.constant 0 : i32
    %dma_start3A_202 = tpu.memref_slice %arg6[%dma_start3A_194, %dma_start3A_201] : memref<157x128xi32, #tpu.memory_space<vmem>> -> memref<1x128xi32, #tpu.memory_space<vmem>>
    %dma_start3A_203 = tpu.memref_squeeze %dma_start3A_202 : memref<1x128xi32, #tpu.memory_space<vmem>> -> memref<128xi32, #tpu.memory_space<vmem>>
    %dma_start3A_204 = arith.constant 0 : i32
    %dma_start3A_205 = arith.constant 0 : i32
    %dma_start3A_206 = tpu.memref_slice %arg2[%arg0, %dma_start3A_204, %dma_start3A_205] : memref<2x10000x64xf32, #tpu.memory_space<hbm>> -> memref<1x10000x64xf32, #tpu.memory_space<hbm>>
    %dma_start3A_207 = tpu.memref_squeeze %dma_start3A_206 : memref<1x10000x64xf32, #tpu.memory_space<hbm>> -> memref<10000x64xf32, #tpu.memory_space<hbm>>
    %dma_start3A_208 = arith.constant 0 : i32
    %dma_start3A_209 = arith.constant 0 : i32
    %dma_start3A_210 = tpu.memref_slice %dma_start3A_207[%dma_start3A_208, %dma_start3A_209] : memref<10000x64xf32, #tpu.memory_space<hbm>> -> memref<10000x64xf32, #tpu.memory_space<hbm>>
    %dma_start3A_211 = tpu.memref_slice %arg9[%dma_start3A_196] : memref<6x!tpu.dma_semaphore, #tpu.memory_space<semaphore_mem>> -> memref<1x!tpu.dma_semaphore, #tpu.memory_space<semaphore_mem>>
    %dma_start3A_212 = tpu.memref_squeeze %dma_start3A_211 : memref<1x!tpu.dma_semaphore, #tpu.memory_space<semaphore_mem>> -> memref<!tpu.dma_semaphore, #tpu.memory_space<semaphore_mem>>
    tpu.enqueue_indirect_dma source(%dma_start3A_210 : memref<10000x64xf32, #tpu.memory_space<hbm>>) target(%dma_start3A_200 : memref<128x64xf32, #tpu.memory_space<vmem>>) offsets(%dma_start3A_203 : memref<128xi32, #tpu.memory_space<vmem>>) semaphore(%dma_start3A_212 : memref<!tpu.dma_semaphore, #tpu.memory_space<semaphore_mem>>)
    %dma_wait3A_213 = arith.constant 0 : i32
    %dma_wait3A_214 = arith.constant 0 : i32
    %dma_wait3A_215 = arith.constant 0 : i32
    %dma_wait3A_216 = arith.constant 0 : i32
    %dma_wait3A_217 = arith.constant 0 : i32
    %dma_wait3A_218 = tpu.memref_slice %arg8[%dma_wait3A_214, %dma_wait3A_216, %dma_wait3A_217] : memref<6x128x64xf32, #tpu.memory_space<vmem>> -> memref<1x128x64xf32, #tpu.memory_space<vmem>>
    %dma_wait3A_219 = tpu.memref_squeeze %dma_wait3A_218 : memref<1x128x64xf32, #tpu.memory_space<vmem>> -> memref<128x64xf32, #tpu.memory_space<vmem>>
    %dma_wait3A_220 = arith.constant 0 : i32
    %dma_wait3A_221 = tpu.memref_slice %arg6[%dma_wait3A_213, %dma_wait3A_220] : memref<157x128xi32, #tpu.memory_space<vmem>> -> memref<1x128xi32, #tpu.memory_space<vmem>>
    %dma_wait3A_222 = tpu.memref_squeeze %dma_wait3A_221 : memref<1x128xi32, #tpu.memory_space<vmem>> -> memref<128xi32, #tpu.memory_space<vmem>>
    %dma_wait3A_223 = arith.constant 0 : i32
    %dma_wait3A_224 = arith.constant 0 : i32
    %dma_wait3A_225 = tpu.memref_slice %arg2[%arg0, %dma_wait3A_223, %dma_wait3A_224] : memref<2x10000x64xf32, #tpu.memory_space<hbm>> -> memref<1x10000x64xf32, #tpu.memory_space<hbm>>
    %dma_wait3A_226 = tpu.memref_squeeze %dma_wait3A_225 : memref<1x10000x64xf32, #tpu.memory_space<hbm>> -> memref<10000x64xf32, #tpu.memory_space<hbm>>
    %dma_wait3A_227 = arith.constant 0 : i32
    %dma_wait3A_228 = arith.constant 0 : i32
    %dma_wait3A_229 = tpu.memref_slice %dma_wait3A_226[%dma_wait3A_227, %dma_wait3A_228] : memref<10000x64xf32, #tpu.memory_space<hbm>> -> memref<10000x64xf32, #tpu.memory_space<hbm>>
    %dma_wait3A_230 = tpu.memref_slice %arg9[%dma_wait3A_215] : memref<6x!tpu.dma_semaphore, #tpu.memory_space<semaphore_mem>> -> memref<1x!tpu.dma_semaphore, #tpu.memory_space<semaphore_mem>>
    %dma_wait3A_231 = tpu.memref_squeeze %dma_wait3A_230 : memref<1x!tpu.dma_semaphore, #tpu.memory_space<semaphore_mem>> -> memref<!tpu.dma_semaphore, #tpu.memory_space<semaphore_mem>>
    tpu.wait_indirect_dma semaphore(%dma_wait3A_231 : memref<!tpu.dma_semaphore, #tpu.memory_space<semaphore_mem>>) src(%dma_wait3A_229 : memref<10000x64xf32, #tpu.memory_space<hbm>>) dst(%dma_wait3A_219 : memref<128x64xf32, #tpu.memory_space<vmem>>)
    %dma_start3A_232 = arith.constant 0 : i32
    %dma_start3A_233 = arith.constant 0 : i32
    %dma_start3A_234 = arith.constant 0 : i32
    %dma_start3A_235 = arith.constant 0 : i32
    %dma_start3A_236 = arith.constant 0 : i32
    %dma_start3A_237 = tpu.memref_slice %arg8[%dma_start3A_232, %dma_start3A_235, %dma_start3A_236] : memref<6x128x64xf32, #tpu.memory_space<vmem>> -> memref<1x128x64xf32, #tpu.memory_space<vmem>>
    %dma_start3A_238 = tpu.memref_squeeze %dma_start3A_237 : memref<1x128x64xf32, #tpu.memory_space<vmem>> -> memref<128x64xf32, #tpu.memory_space<vmem>>
    %dma_start3A_239 = arith.constant 0 : i32
    %dma_start3A_240 = tpu.memref_slice %arg7[%dma_start3A_233, %dma_start3A_239] : memref<157x128xi32, #tpu.memory_space<vmem>> -> memref<1x128xi32, #tpu.memory_space<vmem>>
    %dma_start3A_241 = tpu.memref_squeeze %dma_start3A_240 : memref<1x128xi32, #tpu.memory_space<vmem>> -> memref<128xi32, #tpu.memory_space<vmem>>
    %dma_start3A_242 = arith.constant 0 : i32
    %dma_start3A_243 = arith.constant 0 : i32
    %dma_start3A_244 = tpu.memref_slice %arg5[%dma_start3A_242, %dma_start3A_243] : memref<10240x64xf32, #tpu.memory_space<vmem_shared>> -> memref<10240x64xf32, #tpu.memory_space<vmem_shared>>
    %dma_start3A_245 = tpu.memref_slice %arg10[%dma_start3A_234] : memref<6x!tpu.dma_semaphore, #tpu.memory_space<semaphore_mem>> -> memref<1x!tpu.dma_semaphore, #tpu.memory_space<semaphore_mem>>
    %dma_start3A_246 = tpu.memref_squeeze %dma_start3A_245 : memref<1x!tpu.dma_semaphore, #tpu.memory_space<semaphore_mem>> -> memref<!tpu.dma_semaphore, #tpu.memory_space<semaphore_mem>>
    tpu.enqueue_indirect_dma source(%dma_start3A_238 : memref<128x64xf32, #tpu.memory_space<vmem>>) target(%dma_start3A_244 : memref<10240x64xf32, #tpu.memory_space<vmem_shared>>) offsets(%dma_start3A_241 : memref<128xi32, #tpu.memory_space<vmem>>) semaphore(%dma_start3A_246 : memref<!tpu.dma_semaphore, #tpu.memory_space<semaphore_mem>>) {add = true}
    %dma_start3A_247 = arith.constant 5 : i32
    %dma_start3A_248 = arith.constant 5 : i32
    %dma_start3A_249 = arith.constant 5 : i32
    %dma_start3A_250 = arith.constant 0 : i32
    %dma_start3A_251 = arith.constant 0 : i32
    %dma_start3A_252 = tpu.memref_slice %arg8[%dma_start3A_248, %dma_start3A_250, %dma_start3A_251] : memref<6x128x64xf32, #tpu.memory_space<vmem>> -> memref<1x128x64xf32, #tpu.memory_space<vmem>>
    %dma_start3A_253 = tpu.memref_squeeze %dma_start3A_252 : memref<1x128x64xf32, #tpu.memory_space<vmem>> -> memref<128x64xf32, #tpu.memory_space<vmem>>
    %dma_start3A_254 = arith.constant 0 : i32
    %dma_start3A_255 = tpu.memref_slice %arg6[%dma_start3A_247, %dma_start3A_254] : memref<157x128xi32, #tpu.memory_space<vmem>> -> memref<1x128xi32, #tpu.memory_space<vmem>>
    %dma_start3A_256 = tpu.memref_squeeze %dma_start3A_255 : memref<1x128xi32, #tpu.memory_space<vmem>> -> memref<128xi32, #tpu.memory_space<vmem>>
    %dma_start3A_257 = arith.constant 0 : i32
    %dma_start3A_258 = arith.constant 0 : i32
    %dma_start3A_259 = tpu.memref_slice %arg2[%arg0, %dma_start3A_257, %dma_start3A_258] : memref<2x10000x64xf32, #tpu.memory_space<hbm>> -> memref<1x10000x64xf32, #tpu.memory_space<hbm>>
    %dma_start3A_260 = tpu.memref_squeeze %dma_start3A_259 : memref<1x10000x64xf32, #tpu.memory_space<hbm>> -> memref<10000x64xf32, #tpu.memory_space<hbm>>
    %dma_start3A_261 = arith.constant 0 : i32
    %dma_start3A_262 = arith.constant 0 : i32
    %dma_start3A_263 = tpu.memref_slice %dma_start3A_260[%dma_start3A_261, %dma_start3A_262] : memref<10000x64xf32, #tpu.memory_space<hbm>> -> memref<10000x64xf32, #tpu.memory_space<hbm>>
    %dma_start3A_264 = tpu.memref_slice %arg9[%dma_start3A_249] : memref<6x!tpu.dma_semaphore, #tpu.memory_space<semaphore_mem>> -> memref<1x!tpu.dma_semaphore, #tpu.memory_space<semaphore_mem>>
    %dma_start3A_265 = tpu.memref_squeeze %dma_start3A_264 : memref<1x!tpu.dma_semaphore, #tpu.memory_space<semaphore_mem>> -> memref<!tpu.dma_semaphore, #tpu.memory_space<semaphore_mem>>
    tpu.enqueue_indirect_dma source(%dma_start3A_263 : memref<10000x64xf32, #tpu.memory_space<hbm>>) target(%dma_start3A_253 : memref<128x64xf32, #tpu.memory_space<vmem>>) offsets(%dma_start3A_256 : memref<128xi32, #tpu.memory_space<vmem>>) semaphore(%dma_start3A_265 : memref<!tpu.dma_semaphore, #tpu.memory_space<semaphore_mem>>)
    %dma_wait3A_266 = arith.constant 1 : i32
    %dma_wait3A_267 = arith.constant 1 : i32
    %dma_wait3A_268 = arith.constant 1 : i32
    %dma_wait3A_269 = arith.constant 0 : i32
    %dma_wait3A_270 = arith.constant 0 : i32
    %dma_wait3A_271 = tpu.memref_slice %arg8[%dma_wait3A_267, %dma_wait3A_269, %dma_wait3A_270] : memref<6x128x64xf32, #tpu.memory_space<vmem>> -> memref<1x128x64xf32, #tpu.memory_space<vmem>>
    %dma_wait3A_272 = tpu.memref_squeeze %dma_wait3A_271 : memref<1x128x64xf32, #tpu.memory_space<vmem>> -> memref<128x64xf32, #tpu.memory_space<vmem>>
    %dma_wait3A_273 = arith.constant 0 : i32
    %dma_wait3A_274 = tpu.memref_slice %arg6[%dma_wait3A_266, %dma_wait3A_273] : memref<157x128xi32, #tpu.memory_space<vmem>> -> memref<1x128xi32, #tpu.memory_space<vmem>>
    %dma_wait3A_275 = tpu.memref_squeeze %dma_wait3A_274 : memref<1x128xi32, #tpu.memory_space<vmem>> -> memref<128xi32, #tpu.memory_space<vmem>>
    %dma_wait3A_276 = arith.constant 0 : i32
    %dma_wait3A_277 = arith.constant 0 : i32
    %dma_wait3A_278 = tpu.memref_slice %arg2[%arg0, %dma_wait3A_276, %dma_wait3A_277] : memref<2x10000x64xf32, #tpu.memory_space<hbm>> -> memref<1x10000x64xf32, #tpu.memory_space<hbm>>
    %dma_wait3A_279 = tpu.memref_squeeze %dma_wait3A_278 : memref<1x10000x64xf32, #tpu.memory_space<hbm>> -> memref<10000x64xf32, #tpu.memory_space<hbm>>
    %dma_wait3A_280 = arith.constant 0 : i32
    %dma_wait3A_281 = arith.constant 0 : i32
    %dma_wait3A_282 = tpu.memref_slice %dma_wait3A_279[%dma_wait3A_280, %dma_wait3A_281] : memref<10000x64xf32, #tpu.memory_space<hbm>> -> memref<10000x64xf32, #tpu.memory_space<hbm>>
    %dma_wait3A_283 = tpu.memref_slice %arg9[%dma_wait3A_268] : memref<6x!tpu.dma_semaphore, #tpu.memory_space<semaphore_mem>> -> memref<1x!tpu.dma_semaphore, #tpu.memory_space<semaphore_mem>>
    %dma_wait3A_284 = tpu.memref_squeeze %dma_wait3A_283 : memref<1x!tpu.dma_semaphore, #tpu.memory_space<semaphore_mem>> -> memref<!tpu.dma_semaphore, #tpu.memory_space<semaphore_mem>>
    tpu.wait_indirect_dma semaphore(%dma_wait3A_284 : memref<!tpu.dma_semaphore, #tpu.memory_space<semaphore_mem>>) src(%dma_wait3A_282 : memref<10000x64xf32, #tpu.memory_space<hbm>>) dst(%dma_wait3A_272 : memref<128x64xf32, #tpu.memory_space<vmem>>)
    %dma_start3A_285 = arith.constant 1 : i32
    %dma_start3A_286 = arith.constant 1 : i32
    %dma_start3A_287 = arith.constant 1 : i32
    %dma_start3A_288 = arith.constant 0 : i32
    %dma_start3A_289 = arith.constant 0 : i32
    %dma_start3A_290 = tpu.memref_slice %arg8[%dma_start3A_285, %dma_start3A_288, %dma_start3A_289] : memref<6x128x64xf32, #tpu.memory_space<vmem>> -> memref<1x128x64xf32, #tpu.memory_space<vmem>>
    %dma_start3A_291 = tpu.memref_squeeze %dma_start3A_290 : memref<1x128x64xf32, #tpu.memory_space<vmem>> -> memref<128x64xf32, #tpu.memory_space<vmem>>
    %dma_start3A_292 = arith.constant 0 : i32
    %dma_start3A_293 = tpu.memref_slice %arg7[%dma_start3A_286, %dma_start3A_292] : memref<157x128xi32, #tpu.memory_space<vmem>> -> memref<1x128xi32, #tpu.memory_space<vmem>>
    %dma_start3A_294 = tpu.memref_squeeze %dma_start3A_293 : memref<1x128xi32, #tpu.memory_space<vmem>> -> memref<128xi32, #tpu.memory_space<vmem>>
    %dma_start3A_295 = arith.constant 0 : i32
    %dma_start3A_296 = arith.constant 0 : i32
    %dma_start3A_297 = tpu.memref_slice %arg5[%dma_start3A_295, %dma_start3A_296] : memref<10240x64xf32, #tpu.memory_space<vmem_shared>> -> memref<10240x64xf32, #tpu.memory_space<vmem_shared>>
    %dma_start3A_298 = tpu.memref_slice %arg10[%dma_start3A_287] : memref<6x!tpu.dma_semaphore, #tpu.memory_space<semaphore_mem>> -> memref<1x!tpu.dma_semaphore, #tpu.memory_space<semaphore_mem>>
    %dma_start3A_299 = tpu.memref_squeeze %dma_start3A_298 : memref<1x!tpu.dma_semaphore, #tpu.memory_space<semaphore_mem>> -> memref<!tpu.dma_semaphore, #tpu.memory_space<semaphore_mem>>
    tpu.enqueue_indirect_dma source(%dma_start3A_291 : memref<128x64xf32, #tpu.memory_space<vmem>>) target(%dma_start3A_297 : memref<10240x64xf32, #tpu.memory_space<vmem_shared>>) offsets(%dma_start3A_294 : memref<128xi32, #tpu.memory_space<vmem>>) semaphore(%dma_start3A_299 : memref<!tpu.dma_semaphore, #tpu.memory_space<semaphore_mem>>) {add = true}
    %dma_wait3A_300 = arith.constant 0 : i32
    %dma_wait3A_301 = arith.constant 0 : i32
    %dma_wait3A_302 = arith.constant 0 : i32
    %dma_wait3A_303 = arith.constant 0 : i32
    %dma_wait3A_304 = arith.constant 0 : i32
    %dma_wait3A_305 = tpu.memref_slice %arg8[%dma_wait3A_300, %dma_wait3A_303, %dma_wait3A_304] : memref<6x128x64xf32, #tpu.memory_space<vmem>> -> memref<1x128x64xf32, #tpu.memory_space<vmem>>
    %dma_wait3A_306 = tpu.memref_squeeze %dma_wait3A_305 : memref<1x128x64xf32, #tpu.memory_space<vmem>> -> memref<128x64xf32, #tpu.memory_space<vmem>>
    %dma_wait3A_307 = arith.constant 0 : i32
    %dma_wait3A_308 = tpu.memref_slice %arg7[%dma_wait3A_301, %dma_wait3A_307] : memref<157x128xi32, #tpu.memory_space<vmem>> -> memref<1x128xi32, #tpu.memory_space<vmem>>
    %dma_wait3A_309 = tpu.memref_squeeze %dma_wait3A_308 : memref<1x128xi32, #tpu.memory_space<vmem>> -> memref<128xi32, #tpu.memory_space<vmem>>
    %dma_wait3A_310 = arith.constant 0 : i32
    %dma_wait3A_311 = arith.constant 0 : i32
    %dma_wait3A_312 = tpu.memref_slice %arg5[%dma_wait3A_310, %dma_wait3A_311] : memref<10240x64xf32, #tpu.memory_space<vmem_shared>> -> memref<10240x64xf32, #tpu.memory_space<vmem_shared>>
    %dma_wait3A_313 = tpu.memref_slice %arg10[%dma_wait3A_302] : memref<6x!tpu.dma_semaphore, #tpu.memory_space<semaphore_mem>> -> memref<1x!tpu.dma_semaphore, #tpu.memory_space<semaphore_mem>>
    %dma_wait3A_314 = tpu.memref_squeeze %dma_wait3A_313 : memref<1x!tpu.dma_semaphore, #tpu.memory_space<semaphore_mem>> -> memref<!tpu.dma_semaphore, #tpu.memory_space<semaphore_mem>>
    tpu.wait_indirect_dma semaphore(%dma_wait3A_314 : memref<!tpu.dma_semaphore, #tpu.memory_space<semaphore_mem>>) src(%dma_wait3A_306 : memref<128x64xf32, #tpu.memory_space<vmem>>) dst(%dma_wait3A_312 : memref<10240x64xf32, #tpu.memory_space<vmem_shared>>)
    %dma_start3A_315 = arith.constant 6 : i32
    %dma_start3A_316 = arith.constant 0 : i32
    %dma_start3A_317 = arith.constant 0 : i32
    %dma_start3A_318 = arith.constant 0 : i32
    %dma_start3A_319 = arith.constant 0 : i32
    %dma_start3A_320 = tpu.memref_slice %arg8[%dma_start3A_316, %dma_start3A_318, %dma_start3A_319] : memref<6x128x64xf32, #tpu.memory_space<vmem>> -> memref<1x128x64xf32, #tpu.memory_space<vmem>>
    %dma_start3A_321 = tpu.memref_squeeze %dma_start3A_320 : memref<1x128x64xf32, #tpu.memory_space<vmem>> -> memref<128x64xf32, #tpu.memory_space<vmem>>
    %dma_start3A_322 = arith.constant 0 : i32
    %dma_start3A_323 = tpu.memref_slice %arg6[%dma_start3A_315, %dma_start3A_322] : memref<157x128xi32, #tpu.memory_space<vmem>> -> memref<1x128xi32, #tpu.memory_space<vmem>>
    %dma_start3A_324 = tpu.memref_squeeze %dma_start3A_323 : memref<1x128xi32, #tpu.memory_space<vmem>> -> memref<128xi32, #tpu.memory_space<vmem>>
    %dma_start3A_325 = arith.constant 0 : i32
    %dma_start3A_326 = arith.constant 0 : i32
    %dma_start3A_327 = tpu.memref_slice %arg2[%arg0, %dma_start3A_325, %dma_start3A_326] : memref<2x10000x64xf32, #tpu.memory_space<hbm>> -> memref<1x10000x64xf32, #tpu.memory_space<hbm>>
    %dma_start3A_328 = tpu.memref_squeeze %dma_start3A_327 : memref<1x10000x64xf32, #tpu.memory_space<hbm>> -> memref<10000x64xf32, #tpu.memory_space<hbm>>
    %dma_start3A_329 = arith.constant 0 : i32
    %dma_start3A_330 = arith.constant 0 : i32
    %dma_start3A_331 = tpu.memref_slice %dma_start3A_328[%dma_start3A_329, %dma_start3A_330] : memref<10000x64xf32, #tpu.memory_space<hbm>> -> memref<10000x64xf32, #tpu.memory_space<hbm>>
    %dma_start3A_332 = tpu.memref_slice %arg9[%dma_start3A_317] : memref<6x!tpu.dma_semaphore, #tpu.memory_space<semaphore_mem>> -> memref<1x!tpu.dma_semaphore, #tpu.memory_space<semaphore_mem>>
    %dma_start3A_333 = tpu.memref_squeeze %dma_start3A_332 : memref<1x!tpu.dma_semaphore, #tpu.memory_space<semaphore_mem>> -> memref<!tpu.dma_semaphore, #tpu.memory_space<semaphore_mem>>
    tpu.enqueue_indirect_dma source(%dma_start3A_331 : memref<10000x64xf32, #tpu.memory_space<hbm>>) target(%dma_start3A_321 : memref<128x64xf32, #tpu.memory_space<vmem>>) offsets(%dma_start3A_324 : memref<128xi32, #tpu.memory_space<vmem>>) semaphore(%dma_start3A_333 : memref<!tpu.dma_semaphore, #tpu.memory_space<semaphore_mem>>)
    %dma_wait3A_334 = arith.constant 2 : i32
    %dma_wait3A_335 = arith.constant 2 : i32
    %dma_wait3A_336 = arith.constant 2 : i32
    %dma_wait3A_337 = arith.constant 0 : i32
    %dma_wait3A_338 = arith.constant 0 : i32
    %dma_wait3A_339 = tpu.memref_slice %arg8[%dma_wait3A_335, %dma_wait3A_337, %dma_wait3A_338] : memref<6x128x64xf32, #tpu.memory_space<vmem>> -> memref<1x128x64xf32, #tpu.memory_space<vmem>>
    %dma_wait3A_340 = tpu.memref_squeeze %dma_wait3A_339 : memref<1x128x64xf32, #tpu.memory_space<vmem>> -> memref<128x64xf32, #tpu.memory_space<vmem>>
    %dma_wait3A_341 = arith.constant 0 : i32
    %dma_wait3A_342 = tpu.memref_slice %arg6[%dma_wait3A_334, %dma_wait3A_341] : memref<157x128xi32, #tpu.memory_space<vmem>> -> memref<1x128xi32, #tpu.memory_space<vmem>>
    %dma_wait3A_343 = tpu.memref_squeeze %dma_wait3A_342 : memref<1x128xi32, #tpu.memory_space<vmem>> -> memref<128xi32, #tpu.memory_space<vmem>>
    %dma_wait3A_344 = arith.constant 0 : i32
    %dma_wait3A_345 = arith.constant 0 : i32
    %dma_wait3A_346 = tpu.memref_slice %arg2[%arg0, %dma_wait3A_344, %dma_wait3A_345] : memref<2x10000x64xf32, #tpu.memory_space<hbm>> -> memref<1x10000x64xf32, #tpu.memory_space<hbm>>
    %dma_wait3A_347 = tpu.memref_squeeze %dma_wait3A_346 : memref<1x10000x64xf32, #tpu.memory_space<hbm>> -> memref<10000x64xf32, #tpu.memory_space<hbm>>
    %dma_wait3A_348 = arith.constant 0 : i32
    %dma_wait3A_349 = arith.constant 0 : i32
    %dma_wait3A_350 = tpu.memref_slice %dma_wait3A_347[%dma_wait3A_348, %dma_wait3A_349] : memref<10000x64xf32, #tpu.memory_space<hbm>> -> memref<10000x64xf32, #tpu.memory_space<hbm>>
    %dma_wait3A_351 = tpu.memref_slice %arg9[%dma_wait3A_336] : memref<6x!tpu.dma_semaphore, #tpu.memory_space<semaphore_mem>> -> memref<1x!tpu.dma_semaphore, #tpu.memory_space<semaphore_mem>>
    %dma_wait3A_352 = tpu.memref_squeeze %dma_wait3A_351 : memref<1x!tpu.dma_semaphore, #tpu.memory_space<semaphore_mem>> -> memref<!tpu.dma_semaphore, #tpu.memory_space<semaphore_mem>>
    tpu.wait_indirect_dma semaphore(%dma_wait3A_352 : memref<!tpu.dma_semaphore, #tpu.memory_space<semaphore_mem>>) src(%dma_wait3A_350 : memref<10000x64xf32, #tpu.memory_space<hbm>>) dst(%dma_wait3A_340 : memref<128x64xf32, #tpu.memory_space<vmem>>)
    %dma_start3A_353 = arith.constant 2 : i32
    %dma_start3A_354 = arith.constant 2 : i32
    %dma_start3A_355 = arith.constant 2 : i32
    %dma_start3A_356 = arith.constant 0 : i32
    %dma_start3A_357 = arith.constant 0 : i32
    %dma_start3A_358 = tpu.memref_slice %arg8[%dma_start3A_353, %dma_start3A_356, %dma_start3A_357] : memref<6x128x64xf32, #tpu.memory_space<vmem>> -> memref<1x128x64xf32, #tpu.memory_space<vmem>>
    %dma_start3A_359 = tpu.memref_squeeze %dma_start3A_358 : memref<1x128x64xf32, #tpu.memory_space<vmem>> -> memref<128x64xf32, #tpu.memory_space<vmem>>
    %dma_start3A_360 = arith.constant 0 : i32
    %dma_start3A_361 = tpu.memref_slice %arg7[%dma_start3A_354, %dma_start3A_360] : memref<157x128xi32, #tpu.memory_space<vmem>> -> memref<1x128xi32, #tpu.memory_space<vmem>>
    %dma_start3A_362 = tpu.memref_squeeze %dma_start3A_361 : memref<1x128xi32, #tpu.memory_space<vmem>> -> memref<128xi32, #tpu.memory_space<vmem>>
    %dma_start3A_363 = arith.constant 0 : i32
    %dma_start3A_364 = arith.constant 0 : i32
    %dma_start3A_365 = tpu.memref_slice %arg5[%dma_start3A_363, %dma_start3A_364] : memref<10240x64xf32, #tpu.memory_space<vmem_shared>> -> memref<10240x64xf32, #tpu.memory_space<vmem_shared>>
    %dma_start3A_366 = tpu.memref_slice %arg10[%dma_start3A_355] : memref<6x!tpu.dma_semaphore, #tpu.memory_space<semaphore_mem>> -> memref<1x!tpu.dma_semaphore, #tpu.memory_space<semaphore_mem>>
    %dma_start3A_367 = tpu.memref_squeeze %dma_start3A_366 : memref<1x!tpu.dma_semaphore, #tpu.memory_space<semaphore_mem>> -> memref<!tpu.dma_semaphore, #tpu.memory_space<semaphore_mem>>
    tpu.enqueue_indirect_dma source(%dma_start3A_359 : memref<128x64xf32, #tpu.memory_space<vmem>>) target(%dma_start3A_365 : memref<10240x64xf32, #tpu.memory_space<vmem_shared>>) offsets(%dma_start3A_362 : memref<128xi32, #tpu.memory_space<vmem>>) semaphore(%dma_start3A_367 : memref<!tpu.dma_semaphore, #tpu.memory_space<semaphore_mem>>) {add = true}
    %dma_wait3A_368 = arith.constant 1 : i32
    %dma_wait3A_369 = arith.constant 1 : i32
    %dma_wait3A_370 = arith.constant 1 : i32
    %dma_wait3A_371 = arith.constant 0 : i32
    %dma_wait3A_372 = arith.constant 0 : i32
    %dma_wait3A_373 = tpu.memref_slice %arg8[%dma_wait3A_368, %dma_wait3A_371, %dma_wait3A_372] : memref<6x128x64xf32, #tpu.memory_space<vmem>> -> memref<1x128x64xf32, #tpu.memory_space<vmem>>
    %dma_wait3A_374 = tpu.memref_squeeze %dma_wait3A_373 : memref<1x128x64xf32, #tpu.memory_space<vmem>> -> memref<128x64xf32, #tpu.memory_space<vmem>>
    %dma_wait3A_375 = arith.constant 0 : i32
    %dma_wait3A_376 = tpu.memref_slice %arg7[%dma_wait3A_369, %dma_wait3A_375] : memref<157x128xi32, #tpu.memory_space<vmem>> -> memref<1x128xi32, #tpu.memory_space<vmem>>
    %dma_wait3A_377 = tpu.memref_squeeze %dma_wait3A_376 : memref<1x128xi32, #tpu.memory_space<vmem>> -> memref<128xi32, #tpu.memory_space<vmem>>
    %dma_wait3A_378 = arith.constant 0 : i32
    %dma_wait3A_379 = arith.constant 0 : i32
    %dma_wait3A_380 = tpu.memref_slice %arg5[%dma_wait3A_378, %dma_wait3A_379] : memref<10240x64xf32, #tpu.memory_space<vmem_shared>> -> memref<10240x64xf32, #tpu.memory_space<vmem_shared>>
    %dma_wait3A_381 = tpu.memref_slice %arg10[%dma_wait3A_370] : memref<6x!tpu.dma_semaphore, #tpu.memory_space<semaphore_mem>> -> memref<1x!tpu.dma_semaphore, #tpu.memory_space<semaphore_mem>>
    %dma_wait3A_382 = tpu.memref_squeeze %dma_wait3A_381 : memref<1x!tpu.dma_semaphore, #tpu.memory_space<semaphore_mem>> -> memref<!tpu.dma_semaphore, #tpu.memory_space<semaphore_mem>>
    tpu.wait_indirect_dma semaphore(%dma_wait3A_382 : memref<!tpu.dma_semaphore, #tpu.memory_space<semaphore_mem>>) src(%dma_wait3A_374 : memref<128x64xf32, #tpu.memory_space<vmem>>) dst(%dma_wait3A_380 : memref<10240x64xf32, #tpu.memory_space<vmem_shared>>)
    %dma_start3A_383 = arith.constant 7 : i32
    %dma_start3A_384 = arith.constant 1 : i32
    %dma_start3A_385 = arith.constant 1 : i32
    %dma_start3A_386 = arith.constant 0 : i32
    %dma_start3A_387 = arith.constant 0 : i32
    %dma_start3A_388 = tpu.memref_slice %arg8[%dma_start3A_384, %dma_start3A_386, %dma_start3A_387] : memref<6x128x64xf32, #tpu.memory_space<vmem>> -> memref<1x128x64xf32, #tpu.memory_space<vmem>>
    %dma_start3A_389 = tpu.memref_squeeze %dma_start3A_388 : memref<1x128x64xf32, #tpu.memory_space<vmem>> -> memref<128x64xf32, #tpu.memory_space<vmem>>
    %dma_start3A_390 = arith.constant 0 : i32
    %dma_start3A_391 = tpu.memref_slice %arg6[%dma_start3A_383, %dma_start3A_390] : memref<157x128xi32, #tpu.memory_space<vmem>> -> memref<1x128xi32, #tpu.memory_space<vmem>>
    %dma_start3A_392 = tpu.memref_squeeze %dma_start3A_391 : memref<1x128xi32, #tpu.memory_space<vmem>> -> memref<128xi32, #tpu.memory_space<vmem>>
    %dma_start3A_393 = arith.constant 0 : i32
    %dma_start3A_394 = arith.constant 0 : i32
    %dma_start3A_395 = tpu.memref_slice %arg2[%arg0, %dma_start3A_393, %dma_start3A_394] : memref<2x10000x64xf32, #tpu.memory_space<hbm>> -> memref<1x10000x64xf32, #tpu.memory_space<hbm>>
    %dma_start3A_396 = tpu.memref_squeeze %dma_start3A_395 : memref<1x10000x64xf32, #tpu.memory_space<hbm>> -> memref<10000x64xf32, #tpu.memory_space<hbm>>
    %dma_start3A_397 = arith.constant 0 : i32
    %dma_start3A_398 = arith.constant 0 : i32
    %dma_start3A_399 = tpu.memref_slice %dma_start3A_396[%dma_start3A_397, %dma_start3A_398] : memref<10000x64xf32, #tpu.memory_space<hbm>> -> memref<10000x64xf32, #tpu.memory_space<hbm>>
    %dma_start3A_400 = tpu.memref_slice %arg9[%dma_start3A_385] : memref<6x!tpu.dma_semaphore, #tpu.memory_space<semaphore_mem>> -> memref<1x!tpu.dma_semaphore, #tpu.memory_space<semaphore_mem>>
    %dma_start3A_401 = tpu.memref_squeeze %dma_start3A_400 : memref<1x!tpu.dma_semaphore, #tpu.memory_space<semaphore_mem>> -> memref<!tpu.dma_semaphore, #tpu.memory_space<semaphore_mem>>
    tpu.enqueue_indirect_dma source(%dma_start3A_399 : memref<10000x64xf32, #tpu.memory_space<hbm>>) target(%dma_start3A_389 : memref<128x64xf32, #tpu.memory_space<vmem>>) offsets(%dma_start3A_392 : memref<128xi32, #tpu.memory_space<vmem>>) semaphore(%dma_start3A_401 : memref<!tpu.dma_semaphore, #tpu.memory_space<semaphore_mem>>)
    %dma_wait3A_402 = arith.constant 3 : i32
    %dma_wait3A_403 = arith.constant 3 : i32
    %dma_wait3A_404 = arith.constant 3 : i32
    %dma_wait3A_405 = arith.constant 0 : i32
    %dma_wait3A_406 = arith.constant 0 : i32
    %dma_wait3A_407 = tpu.memref_slice %arg8[%dma_wait3A_403, %dma_wait3A_405, %dma_wait3A_406] : memref<6x128x64xf32, #tpu.memory_space<vmem>> -> memref<1x128x64xf32, #tpu.memory_space<vmem>>
    %dma_wait3A_408 = tpu.memref_squeeze %dma_wait3A_407 : memref<1x128x64xf32, #tpu.memory_space<vmem>> -> memref<128x64xf32, #tpu.memory_space<vmem>>
    %dma_wait3A_409 = arith.constant 0 : i32
    %dma_wait3A_410 = tpu.memref_slice %arg6[%dma_wait3A_402, %dma_wait3A_409] : memref<157x128xi32, #tpu.memory_space<vmem>> -> memref<1x128xi32, #tpu.memory_space<vmem>>
    %dma_wait3A_411 = tpu.memref_squeeze %dma_wait3A_410 : memref<1x128xi32, #tpu.memory_space<vmem>> -> memref<128xi32, #tpu.memory_space<vmem>>
    %dma_wait3A_412 = arith.constant 0 : i32
    %dma_wait3A_413 = arith.constant 0 : i32
    %dma_wait3A_414 = tpu.memref_slice %arg2[%arg0, %dma_wait3A_412, %dma_wait3A_413] : memref<2x10000x64xf32, #tpu.memory_space<hbm>> -> memref<1x10000x64xf32, #tpu.memory_space<hbm>>
    %dma_wait3A_415 = tpu.memref_squeeze %dma_wait3A_414 : memref<1x10000x64xf32, #tpu.memory_space<hbm>> -> memref<10000x64xf32, #tpu.memory_space<hbm>>
    %dma_wait3A_416 = arith.constant 0 : i32
    %dma_wait3A_417 = arith.constant 0 : i32
    %dma_wait3A_418 = tpu.memref_slice %dma_wait3A_415[%dma_wait3A_416, %dma_wait3A_417] : memref<10000x64xf32, #tpu.memory_space<hbm>> -> memref<10000x64xf32, #tpu.memory_space<hbm>>
    %dma_wait3A_419 = tpu.memref_slice %arg9[%dma_wait3A_404] : memref<6x!tpu.dma_semaphore, #tpu.memory_space<semaphore_mem>> -> memref<1x!tpu.dma_semaphore, #tpu.memory_space<semaphore_mem>>
    %dma_wait3A_420 = tpu.memref_squeeze %dma_wait3A_419 : memref<1x!tpu.dma_semaphore, #tpu.memory_space<semaphore_mem>> -> memref<!tpu.dma_semaphore, #tpu.memory_space<semaphore_mem>>
    tpu.wait_indirect_dma semaphore(%dma_wait3A_420 : memref<!tpu.dma_semaphore, #tpu.memory_space<semaphore_mem>>) src(%dma_wait3A_418 : memref<10000x64xf32, #tpu.memory_space<hbm>>) dst(%dma_wait3A_408 : memref<128x64xf32, #tpu.memory_space<vmem>>)
    %dma_start3A_421 = arith.constant 3 : i32
    %dma_start3A_422 = arith.constant 3 : i32
    %dma_start3A_423 = arith.constant 3 : i32
    %dma_start3A_424 = arith.constant 0 : i32
    %dma_start3A_425 = arith.constant 0 : i32
    %dma_start3A_426 = tpu.memref_slice %arg8[%dma_start3A_421, %dma_start3A_424, %dma_start3A_425] : memref<6x128x64xf32, #tpu.memory_space<vmem>> -> memref<1x128x64xf32, #tpu.memory_space<vmem>>
    %dma_start3A_427 = tpu.memref_squeeze %dma_start3A_426 : memref<1x128x64xf32, #tpu.memory_space<vmem>> -> memref<128x64xf32, #tpu.memory_space<vmem>>
    %dma_start3A_428 = arith.constant 0 : i32
    %dma_start3A_429 = tpu.memref_slice %arg7[%dma_start3A_422, %dma_start3A_428] : memref<157x128xi32, #tpu.memory_space<vmem>> -> memref<1x128xi32, #tpu.memory_space<vmem>>
    %dma_start3A_430 = tpu.memref_squeeze %dma_start3A_429 : memref<1x128xi32, #tpu.memory_space<vmem>> -> memref<128xi32, #tpu.memory_space<vmem>>
    %dma_start3A_431 = arith.constant 0 : i32
    %dma_start3A_432 = arith.constant 0 : i32
    %dma_start3A_433 = tpu.memref_slice %arg5[%dma_start3A_431, %dma_start3A_432] : memref<10240x64xf32, #tpu.memory_space<vmem_shared>> -> memref<10240x64xf32, #tpu.memory_space<vmem_shared>>
    %dma_start3A_434 = tpu.memref_slice %arg10[%dma_start3A_423] : memref<6x!tpu.dma_semaphore, #tpu.memory_space<semaphore_mem>> -> memref<1x!tpu.dma_semaphore, #tpu.memory_space<semaphore_mem>>
    %dma_start3A_435 = tpu.memref_squeeze %dma_start3A_434 : memref<1x!tpu.dma_semaphore, #tpu.memory_space<semaphore_mem>> -> memref<!tpu.dma_semaphore, #tpu.memory_space<semaphore_mem>>
    tpu.enqueue_indirect_dma source(%dma_start3A_427 : memref<128x64xf32, #tpu.memory_space<vmem>>) target(%dma_start3A_433 : memref<10240x64xf32, #tpu.memory_space<vmem_shared>>) offsets(%dma_start3A_430 : memref<128xi32, #tpu.memory_space<vmem>>) semaphore(%dma_start3A_435 : memref<!tpu.dma_semaphore, #tpu.memory_space<semaphore_mem>>) {add = true}
    %dma_wait3A_436 = arith.constant 2 : i32
    %dma_wait3A_437 = arith.constant 2 : i32
    %dma_wait3A_438 = arith.constant 2 : i32
    %dma_wait3A_439 = arith.constant 0 : i32
    %dma_wait3A_440 = arith.constant 0 : i32
    %dma_wait3A_441 = tpu.memref_slice %arg8[%dma_wait3A_436, %dma_wait3A_439, %dma_wait3A_440] : memref<6x128x64xf32, #tpu.memory_space<vmem>> -> memref<1x128x64xf32, #tpu.memory_space<vmem>>
    %dma_wait3A_442 = tpu.memref_squeeze %dma_wait3A_441 : memref<1x128x64xf32, #tpu.memory_space<vmem>> -> memref<128x64xf32, #tpu.memory_space<vmem>>
    %dma_wait3A_443 = arith.constant 0 : i32
    %dma_wait3A_444 = tpu.memref_slice %arg7[%dma_wait3A_437, %dma_wait3A_443] : memref<157x128xi32, #tpu.memory_space<vmem>> -> memref<1x128xi32, #tpu.memory_space<vmem>>
    %dma_wait3A_445 = tpu.memref_squeeze %dma_wait3A_444 : memref<1x128xi32, #tpu.memory_space<vmem>> -> memref<128xi32, #tpu.memory_space<vmem>>
    %dma_wait3A_446 = arith.constant 0 : i32
    %dma_wait3A_447 = arith.constant 0 : i32
    %dma_wait3A_448 = tpu.memref_slice %arg5[%dma_wait3A_446, %dma_wait3A_447] : memref<10240x64xf32, #tpu.memory_space<vmem_shared>> -> memref<10240x64xf32, #tpu.memory_space<vmem_shared>>
    %dma_wait3A_449 = tpu.memref_slice %arg10[%dma_wait3A_438] : memref<6x!tpu.dma_semaphore, #tpu.memory_space<semaphore_mem>> -> memref<1x!tpu.dma_semaphore, #tpu.memory_space<semaphore_mem>>
    %dma_wait3A_450 = tpu.memref_squeeze %dma_wait3A_449 : memref<1x!tpu.dma_semaphore, #tpu.memory_space<semaphore_mem>> -> memref<!tpu.dma_semaphore, #tpu.memory_space<semaphore_mem>>
    tpu.wait_indirect_dma semaphore(%dma_wait3A_450 : memref<!tpu.dma_semaphore, #tpu.memory_space<semaphore_mem>>) src(%dma_wait3A_442 : memref<128x64xf32, #tpu.memory_space<vmem>>) dst(%dma_wait3A_448 : memref<10240x64xf32, #tpu.memory_space<vmem_shared>>)
    %dma_start3A_451 = arith.constant 8 : i32
    %dma_start3A_452 = arith.constant 2 : i32
    %dma_start3A_453 = arith.constant 2 : i32
    %dma_start3A_454 = arith.constant 0 : i32
    %dma_start3A_455 = arith.constant 0 : i32
    %dma_start3A_456 = tpu.memref_slice %arg8[%dma_start3A_452, %dma_start3A_454, %dma_start3A_455] : memref<6x128x64xf32, #tpu.memory_space<vmem>> -> memref<1x128x64xf32, #tpu.memory_space<vmem>>
    %dma_start3A_457 = tpu.memref_squeeze %dma_start3A_456 : memref<1x128x64xf32, #tpu.memory_space<vmem>> -> memref<128x64xf32, #tpu.memory_space<vmem>>
    %dma_start3A_458 = arith.constant 0 : i32
    %dma_start3A_459 = tpu.memref_slice %arg6[%dma_start3A_451, %dma_start3A_458] : memref<157x128xi32, #tpu.memory_space<vmem>> -> memref<1x128xi32, #tpu.memory_space<vmem>>
    %dma_start3A_460 = tpu.memref_squeeze %dma_start3A_459 : memref<1x128xi32, #tpu.memory_space<vmem>> -> memref<128xi32, #tpu.memory_space<vmem>>
    %dma_start3A_461 = arith.constant 0 : i32
    %dma_start3A_462 = arith.constant 0 : i32
    %dma_start3A_463 = tpu.memref_slice %arg2[%arg0, %dma_start3A_461, %dma_start3A_462] : memref<2x10000x64xf32, #tpu.memory_space<hbm>> -> memref<1x10000x64xf32, #tpu.memory_space<hbm>>
    %dma_start3A_464 = tpu.memref_squeeze %dma_start3A_463 : memref<1x10000x64xf32, #tpu.memory_space<hbm>> -> memref<10000x64xf32, #tpu.memory_space<hbm>>
    %dma_start3A_465 = arith.constant 0 : i32
    %dma_start3A_466 = arith.constant 0 : i32
    %dma_start3A_467 = tpu.memref_slice %dma_start3A_464[%dma_start3A_465, %dma_start3A_466] : memref<10000x64xf32, #tpu.memory_space<hbm>> -> memref<10000x64xf32, #tpu.memory_space<hbm>>
    %dma_start3A_468 = tpu.memref_slice %arg9[%dma_start3A_453] : memref<6x!tpu.dma_semaphore, #tpu.memory_space<semaphore_mem>> -> memref<1x!tpu.dma_semaphore, #tpu.memory_space<semaphore_mem>>
    %dma_start3A_469 = tpu.memref_squeeze %dma_start3A_468 : memref<1x!tpu.dma_semaphore, #tpu.memory_space<semaphore_mem>> -> memref<!tpu.dma_semaphore, #tpu.memory_space<semaphore_mem>>
    tpu.enqueue_indirect_dma source(%dma_start3A_467 : memref<10000x64xf32, #tpu.memory_space<hbm>>) target(%dma_start3A_457 : memref<128x64xf32, #tpu.memory_space<vmem>>) offsets(%dma_start3A_460 : memref<128xi32, #tpu.memory_space<vmem>>) semaphore(%dma_start3A_469 : memref<!tpu.dma_semaphore, #tpu.memory_space<semaphore_mem>>)
    %dma_wait3A_470 = arith.constant 4 : i32
    %dma_wait3A_471 = arith.constant 4 : i32
    %dma_wait3A_472 = arith.constant 4 : i32
    %dma_wait3A_473 = arith.constant 0 : i32
    %dma_wait3A_474 = arith.constant 0 : i32
    %dma_wait3A_475 = tpu.memref_slice %arg8[%dma_wait3A_471, %dma_wait3A_473, %dma_wait3A_474] : memref<6x128x64xf32, #tpu.memory_space<vmem>> -> memref<1x128x64xf32, #tpu.memory_space<vmem>>
    %dma_wait3A_476 = tpu.memref_squeeze %dma_wait3A_475 : memref<1x128x64xf32, #tpu.memory_space<vmem>> -> memref<128x64xf32, #tpu.memory_space<vmem>>
    %dma_wait3A_477 = arith.constant 0 : i32
    %dma_wait3A_478 = tpu.memref_slice %arg6[%dma_wait3A_470, %dma_wait3A_477] : memref<157x128xi32, #tpu.memory_space<vmem>> -> memref<1x128xi32, #tpu.memory_space<vmem>>
    %dma_wait3A_479 = tpu.memref_squeeze %dma_wait3A_478 : memref<1x128xi32, #tpu.memory_space<vmem>> -> memref<128xi32, #tpu.memory_space<vmem>>
    %dma_wait3A_480 = arith.constant 0 : i32
    %dma_wait3A_481 = arith.constant 0 : i32
    %dma_wait3A_482 = tpu.memref_slice %arg2[%arg0, %dma_wait3A_480, %dma_wait3A_481] : memref<2x10000x64xf32, #tpu.memory_space<hbm>> -> memref<1x10000x64xf32, #tpu.memory_space<hbm>>
    %dma_wait3A_483 = tpu.memref_squeeze %dma_wait3A_482 : memref<1x10000x64xf32, #tpu.memory_space<hbm>> -> memref<10000x64xf32, #tpu.memory_space<hbm>>
    %dma_wait3A_484 = arith.constant 0 : i32
    %dma_wait3A_485 = arith.constant 0 : i32
    %dma_wait3A_486 = tpu.memref_slice %dma_wait3A_483[%dma_wait3A_484, %dma_wait3A_485] : memref<10000x64xf32, #tpu.memory_space<hbm>> -> memref<10000x64xf32, #tpu.memory_space<hbm>>
    %dma_wait3A_487 = tpu.memref_slice %arg9[%dma_wait3A_472] : memref<6x!tpu.dma_semaphore, #tpu.memory_space<semaphore_mem>> -> memref<1x!tpu.dma_semaphore, #tpu.memory_space<semaphore_mem>>
    %dma_wait3A_488 = tpu.memref_squeeze %dma_wait3A_487 : memref<1x!tpu.dma_semaphore, #tpu.memory_space<semaphore_mem>> -> memref<!tpu.dma_semaphore, #tpu.memory_space<semaphore_mem>>
    tpu.wait_indirect_dma semaphore(%dma_wait3A_488 : memref<!tpu.dma_semaphore, #tpu.memory_space<semaphore_mem>>) src(%dma_wait3A_486 : memref<10000x64xf32, #tpu.memory_space<hbm>>) dst(%dma_wait3A_476 : memref<128x64xf32, #tpu.memory_space<vmem>>)
    %dma_start3A_489 = arith.constant 4 : i32
    %dma_start3A_490 = arith.constant 4 : i32
    %dma_start3A_491 = arith.constant 4 : i32
    %dma_start3A_492 = arith.constant 0 : i32
    %dma_start3A_493 = arith.constant 0 : i32
    %dma_start3A_494 = tpu.memref_slice %arg8[%dma_start3A_489, %dma_start3A_492, %dma_start3A_493] : memref<6x128x64xf32, #tpu.memory_space<vmem>> -> memref<1x128x64xf32, #tpu.memory_space<vmem>>
    %dma_start3A_495 = tpu.memref_squeeze %dma_start3A_494 : memref<1x128x64xf32, #tpu.memory_space<vmem>> -> memref<128x64xf32, #tpu.memory_space<vmem>>
    %dma_start3A_496 = arith.constant 0 : i32
    %dma_start3A_497 = tpu.memref_slice %arg7[%dma_start3A_490, %dma_start3A_496] : memref<157x128xi32, #tpu.memory_space<vmem>> -> memref<1x128xi32, #tpu.memory_space<vmem>>
    %dma_start3A_498 = tpu.memref_squeeze %dma_start3A_497 : memref<1x128xi32, #tpu.memory_space<vmem>> -> memref<128xi32, #tpu.memory_space<vmem>>
    %dma_start3A_499 = arith.constant 0 : i32
    %dma_start3A_500 = arith.constant 0 : i32
    %dma_start3A_501 = tpu.memref_slice %arg5[%dma_start3A_499, %dma_start3A_500] : memref<10240x64xf32, #tpu.memory_space<vmem_shared>> -> memref<10240x64xf32, #tpu.memory_space<vmem_shared>>
    %dma_start3A_502 = tpu.memref_slice %arg10[%dma_start3A_491] : memref<6x!tpu.dma_semaphore, #tpu.memory_space<semaphore_mem>> -> memref<1x!tpu.dma_semaphore, #tpu.memory_space<semaphore_mem>>
    %dma_start3A_503 = tpu.memref_squeeze %dma_start3A_502 : memref<1x!tpu.dma_semaphore, #tpu.memory_space<semaphore_mem>> -> memref<!tpu.dma_semaphore, #tpu.memory_space<semaphore_mem>>
    tpu.enqueue_indirect_dma source(%dma_start3A_495 : memref<128x64xf32, #tpu.memory_space<vmem>>) target(%dma_start3A_501 : memref<10240x64xf32, #tpu.memory_space<vmem_shared>>) offsets(%dma_start3A_498 : memref<128xi32, #tpu.memory_space<vmem>>) semaphore(%dma_start3A_503 : memref<!tpu.dma_semaphore, #tpu.memory_space<semaphore_mem>>) {add = true}
    %dma_wait3A_504 = arith.constant 3 : i32
    %dma_wait3A_505 = arith.constant 3 : i32
    %dma_wait3A_506 = arith.constant 3 : i32
    %dma_wait3A_507 = arith.constant 0 : i32
    %dma_wait3A_508 = arith.constant 0 : i32
    %dma_wait3A_509 = tpu.memref_slice %arg8[%dma_wait3A_504, %dma_wait3A_507, %dma_wait3A_508] : memref<6x128x64xf32, #tpu.memory_space<vmem>> -> memref<1x128x64xf32, #tpu.memory_space<vmem>>
    %dma_wait3A_510 = tpu.memref_squeeze %dma_wait3A_509 : memref<1x128x64xf32, #tpu.memory_space<vmem>> -> memref<128x64xf32, #tpu.memory_space<vmem>>
    %dma_wait3A_511 = arith.constant 0 : i32
    %dma_wait3A_512 = tpu.memref_slice %arg7[%dma_wait3A_505, %dma_wait3A_511] : memref<157x128xi32, #tpu.memory_space<vmem>> -> memref<1x128xi32, #tpu.memory_space<vmem>>
    %dma_wait3A_513 = tpu.memref_squeeze %dma_wait3A_512 : memref<1x128xi32, #tpu.memory_space<vmem>> -> memref<128xi32, #tpu.memory_space<vmem>>
    %dma_wait3A_514 = arith.constant 0 : i32
    %dma_wait3A_515 = arith.constant 0 : i32
    %dma_wait3A_516 = tpu.memref_slice %arg5[%dma_wait3A_514, %dma_wait3A_515] : memref<10240x64xf32, #tpu.memory_space<vmem_shared>> -> memref<10240x64xf32, #tpu.memory_space<vmem_shared>>
    %dma_wait3A_517 = tpu.memref_slice %arg10[%dma_wait3A_506] : memref<6x!tpu.dma_semaphore, #tpu.memory_space<semaphore_mem>> -> memref<1x!tpu.dma_semaphore, #tpu.memory_space<semaphore_mem>>
    %dma_wait3A_518 = tpu.memref_squeeze %dma_wait3A_517 : memref<1x!tpu.dma_semaphore, #tpu.memory_space<semaphore_mem>> -> memref<!tpu.dma_semaphore, #tpu.memory_space<semaphore_mem>>
    tpu.wait_indirect_dma semaphore(%dma_wait3A_518 : memref<!tpu.dma_semaphore, #tpu.memory_space<semaphore_mem>>) src(%dma_wait3A_510 : memref<128x64xf32, #tpu.memory_space<vmem>>) dst(%dma_wait3A_516 : memref<10240x64xf32, #tpu.memory_space<vmem_shared>>)
    %dma_start3A_519 = arith.constant 9 : i32
    %dma_start3A_520 = arith.constant 3 : i32
    %dma_start3A_521 = arith.constant 3 : i32
    %dma_start3A_522 = arith.constant 0 : i32
    %dma_start3A_523 = arith.constant 0 : i32
    %dma_start3A_524 = tpu.memref_slice %arg8[%dma_start3A_520, %dma_start3A_522, %dma_start3A_523] : memref<6x128x64xf32, #tpu.memory_space<vmem>> -> memref<1x128x64xf32, #tpu.memory_space<vmem>>
    %dma_start3A_525 = tpu.memref_squeeze %dma_start3A_524 : memref<1x128x64xf32, #tpu.memory_space<vmem>> -> memref<128x64xf32, #tpu.memory_space<vmem>>
    %dma_start3A_526 = arith.constant 0 : i32
    %dma_start3A_527 = tpu.memref_slice %arg6[%dma_start3A_519, %dma_start3A_526] : memref<157x128xi32, #tpu.memory_space<vmem>> -> memref<1x128xi32, #tpu.memory_space<vmem>>
    %dma_start3A_528 = tpu.memref_squeeze %dma_start3A_527 : memref<1x128xi32, #tpu.memory_space<vmem>> -> memref<128xi32, #tpu.memory_space<vmem>>
    %dma_start3A_529 = arith.constant 0 : i32
    %dma_start3A_530 = arith.constant 0 : i32
    %dma_start3A_531 = tpu.memref_slice %arg2[%arg0, %dma_start3A_529, %dma_start3A_530] : memref<2x10000x64xf32, #tpu.memory_space<hbm>> -> memref<1x10000x64xf32, #tpu.memory_space<hbm>>
    %dma_start3A_532 = tpu.memref_squeeze %dma_start3A_531 : memref<1x10000x64xf32, #tpu.memory_space<hbm>> -> memref<10000x64xf32, #tpu.memory_space<hbm>>
    %dma_start3A_533 = arith.constant 0 : i32
    %dma_start3A_534 = arith.constant 0 : i32
    %dma_start3A_535 = tpu.memref_slice %dma_start3A_532[%dma_start3A_533, %dma_start3A_534] : memref<10000x64xf32, #tpu.memory_space<hbm>> -> memref<10000x64xf32, #tpu.memory_space<hbm>>
    %dma_start3A_536 = tpu.memref_slice %arg9[%dma_start3A_521] : memref<6x!tpu.dma_semaphore, #tpu.memory_space<semaphore_mem>> -> memref<1x!tpu.dma_semaphore, #tpu.memory_space<semaphore_mem>>
    %dma_start3A_537 = tpu.memref_squeeze %dma_start3A_536 : memref<1x!tpu.dma_semaphore, #tpu.memory_space<semaphore_mem>> -> memref<!tpu.dma_semaphore, #tpu.memory_space<semaphore_mem>>
    tpu.enqueue_indirect_dma source(%dma_start3A_535 : memref<10000x64xf32, #tpu.memory_space<hbm>>) target(%dma_start3A_525 : memref<128x64xf32, #tpu.memory_space<vmem>>) offsets(%dma_start3A_528 : memref<128xi32, #tpu.memory_space<vmem>>) semaphore(%dma_start3A_537 : memref<!tpu.dma_semaphore, #tpu.memory_space<semaphore_mem>>)
    %dma_wait3A_538 = arith.constant 5 : i32
    %dma_wait3A_539 = arith.constant 5 : i32
    %dma_wait3A_540 = arith.constant 5 : i32
    %dma_wait3A_541 = arith.constant 0 : i32
    %dma_wait3A_542 = arith.constant 0 : i32
    %dma_wait3A_543 = tpu.memref_slice %arg8[%dma_wait3A_539, %dma_wait3A_541, %dma_wait3A_542] : memref<6x128x64xf32, #tpu.memory_space<vmem>> -> memref<1x128x64xf32, #tpu.memory_space<vmem>>
    %dma_wait3A_544 = tpu.memref_squeeze %dma_wait3A_543 : memref<1x128x64xf32, #tpu.memory_space<vmem>> -> memref<128x64xf32, #tpu.memory_space<vmem>>
    %dma_wait3A_545 = arith.constant 0 : i32
    %dma_wait3A_546 = tpu.memref_slice %arg6[%dma_wait3A_538, %dma_wait3A_545] : memref<157x128xi32, #tpu.memory_space<vmem>> -> memref<1x128xi32, #tpu.memory_space<vmem>>
    %dma_wait3A_547 = tpu.memref_squeeze %dma_wait3A_546 : memref<1x128xi32, #tpu.memory_space<vmem>> -> memref<128xi32, #tpu.memory_space<vmem>>
    %dma_wait3A_548 = arith.constant 0 : i32
    %dma_wait3A_549 = arith.constant 0 : i32
    %dma_wait3A_550 = tpu.memref_slice %arg2[%arg0, %dma_wait3A_548, %dma_wait3A_549] : memref<2x10000x64xf32, #tpu.memory_space<hbm>> -> memref<1x10000x64xf32, #tpu.memory_space<hbm>>
    %dma_wait3A_551 = tpu.memref_squeeze %dma_wait3A_550 : memref<1x10000x64xf32, #tpu.memory_space<hbm>> -> memref<10000x64xf32, #tpu.memory_space<hbm>>
    %dma_wait3A_552 = arith.constant 0 : i32
    %dma_wait3A_553 = arith.constant 0 : i32
    %dma_wait3A_554 = tpu.memref_slice %dma_wait3A_551[%dma_wait3A_552, %dma_wait3A_553] : memref<10000x64xf32, #tpu.memory_space<hbm>> -> memref<10000x64xf32, #tpu.memory_space<hbm>>
    %dma_wait3A_555 = tpu.memref_slice %arg9[%dma_wait3A_540] : memref<6x!tpu.dma_semaphore, #tpu.memory_space<semaphore_mem>> -> memref<1x!tpu.dma_semaphore, #tpu.memory_space<semaphore_mem>>
    %dma_wait3A_556 = tpu.memref_squeeze %dma_wait3A_555 : memref<1x!tpu.dma_semaphore, #tpu.memory_space<semaphore_mem>> -> memref<!tpu.dma_semaphore, #tpu.memory_space<semaphore_mem>>
    tpu.wait_indirect_dma semaphore(%dma_wait3A_556 : memref<!tpu.dma_semaphore, #tpu.memory_space<semaphore_mem>>) src(%dma_wait3A_554 : memref<10000x64xf32, #tpu.memory_space<hbm>>) dst(%dma_wait3A_544 : memref<128x64xf32, #tpu.memory_space<vmem>>)
    %dma_start3A_557 = arith.constant 5 : i32
    %dma_start3A_558 = arith.constant 5 : i32
    %dma_start3A_559 = arith.constant 5 : i32
    %dma_start3A_560 = arith.constant 0 : i32
    %dma_start3A_561 = arith.constant 0 : i32
    %dma_start3A_562 = tpu.memref_slice %arg8[%dma_start3A_557, %dma_start3A_560, %dma_start3A_561] : memref<6x128x64xf32, #tpu.memory_space<vmem>> -> memref<1x128x64xf32, #tpu.memory_space<vmem>>
    %dma_start3A_563 = tpu.memref_squeeze %dma_start3A_562 : memref<1x128x64xf32, #tpu.memory_space<vmem>> -> memref<128x64xf32, #tpu.memory_space<vmem>>
    %dma_start3A_564 = arith.constant 0 : i32
    %dma_start3A_565 = tpu.memref_slice %arg7[%dma_start3A_558, %dma_start3A_564] : memref<157x128xi32, #tpu.memory_space<vmem>> -> memref<1x128xi32, #tpu.memory_space<vmem>>
    %dma_start3A_566 = tpu.memref_squeeze %dma_start3A_565 : memref<1x128xi32, #tpu.memory_space<vmem>> -> memref<128xi32, #tpu.memory_space<vmem>>
    %dma_start3A_567 = arith.constant 0 : i32
    %dma_start3A_568 = arith.constant 0 : i32
    %dma_start3A_569 = tpu.memref_slice %arg5[%dma_start3A_567, %dma_start3A_568] : memref<10240x64xf32, #tpu.memory_space<vmem_shared>> -> memref<10240x64xf32, #tpu.memory_space<vmem_shared>>
    %dma_start3A_570 = tpu.memref_slice %arg10[%dma_start3A_559] : memref<6x!tpu.dma_semaphore, #tpu.memory_space<semaphore_mem>> -> memref<1x!tpu.dma_semaphore, #tpu.memory_space<semaphore_mem>>
    %dma_start3A_571 = tpu.memref_squeeze %dma_start3A_570 : memref<1x!tpu.dma_semaphore, #tpu.memory_space<semaphore_mem>> -> memref<!tpu.dma_semaphore, #tpu.memory_space<semaphore_mem>>
    tpu.enqueue_indirect_dma source(%dma_start3A_563 : memref<128x64xf32, #tpu.memory_space<vmem>>) target(%dma_start3A_569 : memref<10240x64xf32, #tpu.memory_space<vmem_shared>>) offsets(%dma_start3A_566 : memref<128xi32, #tpu.memory_space<vmem>>) semaphore(%dma_start3A_571 : memref<!tpu.dma_semaphore, #tpu.memory_space<semaphore_mem>>) {add = true}
    %scan3A_572 = arith.constant 0 : i32
    %scan3A_573 = arith.constant 1 : i32
    %scan3A_574 = arith.constant 24 : i32
    %scan3A_575 = arith.addi %scan3A_573, %scan3A_574 : i32
    %scan3A_576 = arith.constant 1 : i32
    %scan3A_577 = scf.for %scan3A_960 = %scan3A_573 to %scan3A_575 step %scan3A_576 iter_args(%scan3A_961 = %scan3A_572) -> (i32)  : i32 {
      %mul3A_962 = arith.constant 6 : i32
      %mul3A_963 = arith.muli %mul3A_962, %scan3A_960 : i32
      %add3A_964 = arith.constant 0 : i32
      %add3A_965 = arith.addi %mul3A_963, %add3A_964 : i32
      %add3A_966 = arith.constant 4 : i32
      %add3A_967 = arith.addi %add3A_965, %add3A_966 : i32
      %jit3A_968 = arith.constant 6 : i32
      %eq3A_969 = arith.constant 0 : i32
      %eq3A_970 = arith.cmpi eq, %jit3A_968, %eq3A_969 : i32
      %jit3A_971 = arith.constant 1 : i32
      %select_n3A_972 = arith.select %eq3A_970, %jit3A_971, %jit3A_968 : i32
      %rem3A_973 = arith.remsi %add3A_967, %select_n3A_972 : i32
      %ne3A_974 = arith.constant 0 : i32
      %ne3A_975 = arith.cmpi ne, %rem3A_973, %ne3A_974 : i32
      %lt3A_976 = arith.constant 0 : i32
      %lt3A_977 = arith.cmpi slt, %rem3A_973, %lt3A_976 : i32
      %lt3A_978 = arith.constant 0 : i32
      %lt3A_979 = arith.cmpi slt, %select_n3A_972, %lt3A_978 : i32
      %ne3A_980 = arith.xori %lt3A_977, %lt3A_979 : i1
      %and3A_981 = arith.andi %ne3A_980, %ne3A_975 : i1
      %add3A_982 = arith.addi %rem3A_973, %select_n3A_972 : i32
      %select_n3A_983 = arith.select %and3A_981, %add3A_982, %rem3A_973 : i32
      %sub3A_984 = arith.constant 2 : i32
      %sub3A_985 = arith.subi %add3A_965, %sub3A_984 : i32
      %dma_wait3A_986 = arith.constant 0 : i32
      %dma_wait3A_987 = arith.constant 0 : i32
      %dma_wait3A_988 = tpu.memref_slice %arg8[%select_n3A_983, %dma_wait3A_986, %dma_wait3A_987] : memref<6x128x64xf32, #tpu.memory_space<vmem>> -> memref<1x128x64xf32, #tpu.memory_space<vmem>>
      %dma_wait3A_989 = tpu.memref_squeeze %dma_wait3A_988 : memref<1x128x64xf32, #tpu.memory_space<vmem>> -> memref<128x64xf32, #tpu.memory_space<vmem>>
      %dma_wait3A_990 = arith.constant 0 : i32
      %dma_wait3A_991 = tpu.memref_slice %arg7[%sub3A_985, %dma_wait3A_990] : memref<157x128xi32, #tpu.memory_space<vmem>> -> memref<1x128xi32, #tpu.memory_space<vmem>>
      %dma_wait3A_992 = tpu.memref_squeeze %dma_wait3A_991 : memref<1x128xi32, #tpu.memory_space<vmem>> -> memref<128xi32, #tpu.memory_space<vmem>>
      %dma_wait3A_993 = arith.constant 0 : i32
      %dma_wait3A_994 = arith.constant 0 : i32
      %dma_wait3A_995 = tpu.memref_slice %arg5[%dma_wait3A_993, %dma_wait3A_994] : memref<10240x64xf32, #tpu.memory_space<vmem_shared>> -> memref<10240x64xf32, #tpu.memory_space<vmem_shared>>
      %dma_wait3A_996 = tpu.memref_slice %arg10[%select_n3A_983] : memref<6x!tpu.dma_semaphore, #tpu.memory_space<semaphore_mem>> -> memref<1x!tpu.dma_semaphore, #tpu.memory_space<semaphore_mem>>
      %dma_wait3A_997 = tpu.memref_squeeze %dma_wait3A_996 : memref<1x!tpu.dma_semaphore, #tpu.memory_space<semaphore_mem>> -> memref<!tpu.dma_semaphore, #tpu.memory_space<semaphore_mem>>
      tpu.wait_indirect_dma semaphore(%dma_wait3A_997 : memref<!tpu.dma_semaphore, #tpu.memory_space<semaphore_mem>>) src(%dma_wait3A_989 : memref<128x64xf32, #tpu.memory_space<vmem>>) dst(%dma_wait3A_995 : memref<10240x64xf32, #tpu.memory_space<vmem_shared>>)
      %add3A_998 = arith.constant 4 : i32
      %add3A_999 = arith.addi %add3A_965, %add3A_998 : i32
      %dma_start3A_1000 = arith.constant 0 : i32
      %dma_start3A_1001 = arith.constant 0 : i32
      %dma_start3A_1002 = tpu.memref_slice %arg8[%select_n3A_983, %dma_start3A_1000, %dma_start3A_1001] : memref<6x128x64xf32, #tpu.memory_space<vmem>> -> memref<1x128x64xf32, #tpu.memory_space<vmem>>
      %dma_start3A_1003 = tpu.memref_squeeze %dma_start3A_1002 : memref<1x128x64xf32, #tpu.memory_space<vmem>> -> memref<128x64xf32, #tpu.memory_space<vmem>>
      %dma_start3A_1004 = arith.constant 0 : i32
      %dma_start3A_1005 = tpu.memref_slice %arg6[%add3A_999, %dma_start3A_1004] : memref<157x128xi32, #tpu.memory_space<vmem>> -> memref<1x128xi32, #tpu.memory_space<vmem>>
      %dma_start3A_1006 = tpu.memref_squeeze %dma_start3A_1005 : memref<1x128xi32, #tpu.memory_space<vmem>> -> memref<128xi32, #tpu.memory_space<vmem>>
      %dma_start3A_1007 = arith.constant 0 : i32
      %dma_start3A_1008 = arith.constant 0 : i32
      %dma_start3A_1009 = tpu.memref_slice %arg2[%arg0, %dma_start3A_1007, %dma_start3A_1008] : memref<2x10000x64xf32, #tpu.memory_space<hbm>> -> memref<1x10000x64xf32, #tpu.memory_space<hbm>>
      %dma_start3A_1010 = tpu.memref_squeeze %dma_start3A_1009 : memref<1x10000x64xf32, #tpu.memory_space<hbm>> -> memref<10000x64xf32, #tpu.memory_space<hbm>>
      %dma_start3A_1011 = arith.constant 0 : i32
      %dma_start3A_1012 = arith.constant 0 : i32
      %dma_start3A_1013 = tpu.memref_slice %dma_start3A_1010[%dma_start3A_1011, %dma_start3A_1012] : memref<10000x64xf32, #tpu.memory_space<hbm>> -> memref<10000x64xf32, #tpu.memory_space<hbm>>
      %dma_start3A_1014 = tpu.memref_slice %arg9[%select_n3A_983] : memref<6x!tpu.dma_semaphore, #tpu.memory_space<semaphore_mem>> -> memref<1x!tpu.dma_semaphore, #tpu.memory_space<semaphore_mem>>
      %dma_start3A_1015 = tpu.memref_squeeze %dma_start3A_1014 : memref<1x!tpu.dma_semaphore, #tpu.memory_space<semaphore_mem>> -> memref<!tpu.dma_semaphore, #tpu.memory_space<semaphore_mem>>
      tpu.enqueue_indirect_dma source(%dma_start3A_1013 : memref<10000x64xf32, #tpu.memory_space<hbm>>) target(%dma_start3A_1003 : memref<128x64xf32, #tpu.memory_space<vmem>>) offsets(%dma_start3A_1006 : memref<128xi32, #tpu.memory_space<vmem>>) semaphore(%dma_start3A_1015 : memref<!tpu.dma_semaphore, #tpu.memory_space<semaphore_mem>>)
      %jit3A_1016 = arith.constant 6 : i32
      %eq3A_1017 = arith.constant 0 : i32
      %eq3A_1018 = arith.cmpi eq, %jit3A_1016, %eq3A_1017 : i32
      %jit3A_1019 = arith.constant 1 : i32
      %select_n3A_1020 = arith.select %eq3A_1018, %jit3A_1019, %jit3A_1016 : i32
      %rem3A_1021 = arith.remsi %add3A_965, %select_n3A_1020 : i32
      %ne3A_1022 = arith.constant 0 : i32
      %ne3A_1023 = arith.cmpi ne, %rem3A_1021, %ne3A_1022 : i32
      %lt3A_1024 = arith.constant 0 : i32
      %lt3A_1025 = arith.cmpi slt, %rem3A_1021, %lt3A_1024 : i32
      %lt3A_1026 = arith.constant 0 : i32
      %lt3A_1027 = arith.cmpi slt, %select_n3A_1020, %lt3A_1026 : i32
      %ne3A_1028 = arith.xori %lt3A_1025, %lt3A_1027 : i1
      %and3A_1029 = arith.andi %ne3A_1028, %ne3A_1023 : i1
      %add3A_1030 = arith.addi %rem3A_1021, %select_n3A_1020 : i32
      %select_n3A_1031 = arith.select %and3A_1029, %add3A_1030, %rem3A_1021 : i32
      %dma_wait3A_1032 = arith.constant 0 : i32
      %dma_wait3A_1033 = arith.constant 0 : i32
      %dma_wait3A_1034 = tpu.memref_slice %arg8[%select_n3A_1031, %dma_wait3A_1032, %dma_wait3A_1033] : memref<6x128x64xf32, #tpu.memory_space<vmem>> -> memref<1x128x64xf32, #tpu.memory_space<vmem>>
      %dma_wait3A_1035 = tpu.memref_squeeze %dma_wait3A_1034 : memref<1x128x64xf32, #tpu.memory_space<vmem>> -> memref<128x64xf32, #tpu.memory_space<vmem>>
      %dma_wait3A_1036 = arith.constant 0 : i32
      %dma_wait3A_1037 = tpu.memref_slice %arg6[%add3A_965, %dma_wait3A_1036] : memref<157x128xi32, #tpu.memory_space<vmem>> -> memref<1x128xi32, #tpu.memory_space<vmem>>
      %dma_wait3A_1038 = tpu.memref_squeeze %dma_wait3A_1037 : memref<1x128xi32, #tpu.memory_space<vmem>> -> memref<128xi32, #tpu.memory_space<vmem>>
      %dma_wait3A_1039 = arith.constant 0 : i32
      %dma_wait3A_1040 = arith.constant 0 : i32
      %dma_wait3A_1041 = tpu.memref_slice %arg2[%arg0, %dma_wait3A_1039, %dma_wait3A_1040] : memref<2x10000x64xf32, #tpu.memory_space<hbm>> -> memref<1x10000x64xf32, #tpu.memory_space<hbm>>
      %dma_wait3A_1042 = tpu.memref_squeeze %dma_wait3A_1041 : memref<1x10000x64xf32, #tpu.memory_space<hbm>> -> memref<10000x64xf32, #tpu.memory_space<hbm>>
      %dma_wait3A_1043 = arith.constant 0 : i32
      %dma_wait3A_1044 = arith.constant 0 : i32
      %dma_wait3A_1045 = tpu.memref_slice %dma_wait3A_1042[%dma_wait3A_1043, %dma_wait3A_1044] : memref<10000x64xf32, #tpu.memory_space<hbm>> -> memref<10000x64xf32, #tpu.memory_space<hbm>>
      %dma_wait3A_1046 = tpu.memref_slice %arg9[%select_n3A_1031] : memref<6x!tpu.dma_semaphore, #tpu.memory_space<semaphore_mem>> -> memref<1x!tpu.dma_semaphore, #tpu.memory_space<semaphore_mem>>
      %dma_wait3A_1047 = tpu.memref_squeeze %dma_wait3A_1046 : memref<1x!tpu.dma_semaphore, #tpu.memory_space<semaphore_mem>> -> memref<!tpu.dma_semaphore, #tpu.memory_space<semaphore_mem>>
      tpu.wait_indirect_dma semaphore(%dma_wait3A_1047 : memref<!tpu.dma_semaphore, #tpu.memory_space<semaphore_mem>>) src(%dma_wait3A_1045 : memref<10000x64xf32, #tpu.memory_space<hbm>>) dst(%dma_wait3A_1035 : memref<128x64xf32, #tpu.memory_space<vmem>>)
      %jit3A_1048 = arith.constant 6 : i32
      %eq3A_1049 = arith.constant 0 : i32
      %eq3A_1050 = arith.cmpi eq, %jit3A_1048, %eq3A_1049 : i32
      %jit3A_1051 = arith.constant 1 : i32
      %select_n3A_1052 = arith.select %eq3A_1050, %jit3A_1051, %jit3A_1048 : i32
      %rem3A_1053 = arith.remsi %add3A_965, %select_n3A_1052 : i32
      %ne3A_1054 = arith.constant 0 : i32
      %ne3A_1055 = arith.cmpi ne, %rem3A_1053, %ne3A_1054 : i32
      %lt3A_1056 = arith.constant 0 : i32
      %lt3A_1057 = arith.cmpi slt, %rem3A_1053, %lt3A_1056 : i32
      %lt3A_1058 = arith.constant 0 : i32
      %lt3A_1059 = arith.cmpi slt, %select_n3A_1052, %lt3A_1058 : i32
      %ne3A_1060 = arith.xori %lt3A_1057, %lt3A_1059 : i1
      %and3A_1061 = arith.andi %ne3A_1060, %ne3A_1055 : i1
      %add3A_1062 = arith.addi %rem3A_1053, %select_n3A_1052 : i32
      %select_n3A_1063 = arith.select %and3A_1061, %add3A_1062, %rem3A_1053 : i32
      %dma_start3A_1064 = arith.constant 0 : i32
      %dma_start3A_1065 = arith.constant 0 : i32
      %dma_start3A_1066 = tpu.memref_slice %arg8[%select_n3A_1063, %dma_start3A_1064, %dma_start3A_1065] : memref<6x128x64xf32, #tpu.memory_space<vmem>> -> memref<1x128x64xf32, #tpu.memory_space<vmem>>
      %dma_start3A_1067 = tpu.memref_squeeze %dma_start3A_1066 : memref<1x128x64xf32, #tpu.memory_space<vmem>> -> memref<128x64xf32, #tpu.memory_space<vmem>>
      %dma_start3A_1068 = arith.constant 0 : i32
      %dma_start3A_1069 = tpu.memref_slice %arg7[%add3A_965, %dma_start3A_1068] : memref<157x128xi32, #tpu.memory_space<vmem>> -> memref<1x128xi32, #tpu.memory_space<vmem>>
      %dma_start3A_1070 = tpu.memref_squeeze %dma_start3A_1069 : memref<1x128xi32, #tpu.memory_space<vmem>> -> memref<128xi32, #tpu.memory_space<vmem>>
      %dma_start3A_1071 = arith.constant 0 : i32
      %dma_start3A_1072 = arith.constant 0 : i32
      %dma_start3A_1073 = tpu.memref_slice %arg5[%dma_start3A_1071, %dma_start3A_1072] : memref<10240x64xf32, #tpu.memory_space<vmem_shared>> -> memref<10240x64xf32, #tpu.memory_space<vmem_shared>>
      %dma_start3A_1074 = tpu.memref_slice %arg10[%select_n3A_1063] : memref<6x!tpu.dma_semaphore, #tpu.memory_space<semaphore_mem>> -> memref<1x!tpu.dma_semaphore, #tpu.memory_space<semaphore_mem>>
      %dma_start3A_1075 = tpu.memref_squeeze %dma_start3A_1074 : memref<1x!tpu.dma_semaphore, #tpu.memory_space<semaphore_mem>> -> memref<!tpu.dma_semaphore, #tpu.memory_space<semaphore_mem>>
      tpu.enqueue_indirect_dma source(%dma_start3A_1067 : memref<128x64xf32, #tpu.memory_space<vmem>>) target(%dma_start3A_1073 : memref<10240x64xf32, #tpu.memory_space<vmem_shared>>) offsets(%dma_start3A_1070 : memref<128xi32, #tpu.memory_space<vmem>>) semaphore(%dma_start3A_1075 : memref<!tpu.dma_semaphore, #tpu.memory_space<semaphore_mem>>) {add = true}
      %add3A_1076 = arith.constant 1 : i32
      %add3A_1077 = arith.addi %mul3A_963, %add3A_1076 : i32
      %add3A_1078 = arith.constant 4 : i32
      %add3A_1079 = arith.addi %add3A_1077, %add3A_1078 : i32
      %jit3A_1080 = arith.constant 6 : i32
      %eq3A_1081 = arith.constant 0 : i32
      %eq3A_1082 = arith.cmpi eq, %jit3A_1080, %eq3A_1081 : i32
      %jit3A_1083 = arith.constant 1 : i32
      %select_n3A_1084 = arith.select %eq3A_1082, %jit3A_1083, %jit3A_1080 : i32
      %rem3A_1085 = arith.remsi %add3A_1079, %select_n3A_1084 : i32
      %ne3A_1086 = arith.constant 0 : i32
      %ne3A_1087 = arith.cmpi ne, %rem3A_1085, %ne3A_1086 : i32
      %lt3A_1088 = arith.constant 0 : i32
      %lt3A_1089 = arith.cmpi slt, %rem3A_1085, %lt3A_1088 : i32
      %lt3A_1090 = arith.constant 0 : i32
      %lt3A_1091 = arith.cmpi slt, %select_n3A_1084, %lt3A_1090 : i32
      %ne3A_1092 = arith.xori %lt3A_1089, %lt3A_1091 : i1
      %and3A_1093 = arith.andi %ne3A_1092, %ne3A_1087 : i1
      %add3A_1094 = arith.addi %rem3A_1085, %select_n3A_1084 : i32
      %select_n3A_1095 = arith.select %and3A_1093, %add3A_1094, %rem3A_1085 : i32
      %sub3A_1096 = arith.constant 2 : i32
      %sub3A_1097 = arith.subi %add3A_1077, %sub3A_1096 : i32
      %dma_wait3A_1098 = arith.constant 0 : i32
      %dma_wait3A_1099 = arith.constant 0 : i32
      %dma_wait3A_1100 = tpu.memref_slice %arg8[%select_n3A_1095, %dma_wait3A_1098, %dma_wait3A_1099] : memref<6x128x64xf32, #tpu.memory_space<vmem>> -> memref<1x128x64xf32, #tpu.memory_space<vmem>>
      %dma_wait3A_1101 = tpu.memref_squeeze %dma_wait3A_1100 : memref<1x128x64xf32, #tpu.memory_space<vmem>> -> memref<128x64xf32, #tpu.memory_space<vmem>>
      %dma_wait3A_1102 = arith.constant 0 : i32
      %dma_wait3A_1103 = tpu.memref_slice %arg7[%sub3A_1097, %dma_wait3A_1102] : memref<157x128xi32, #tpu.memory_space<vmem>> -> memref<1x128xi32, #tpu.memory_space<vmem>>
      %dma_wait3A_1104 = tpu.memref_squeeze %dma_wait3A_1103 : memref<1x128xi32, #tpu.memory_space<vmem>> -> memref<128xi32, #tpu.memory_space<vmem>>
      %dma_wait3A_1105 = arith.constant 0 : i32
      %dma_wait3A_1106 = arith.constant 0 : i32
      %dma_wait3A_1107 = tpu.memref_slice %arg5[%dma_wait3A_1105, %dma_wait3A_1106] : memref<10240x64xf32, #tpu.memory_space<vmem_shared>> -> memref<10240x64xf32, #tpu.memory_space<vmem_shared>>
      %dma_wait3A_1108 = tpu.memref_slice %arg10[%select_n3A_1095] : memref<6x!tpu.dma_semaphore, #tpu.memory_space<semaphore_mem>> -> memref<1x!tpu.dma_semaphore, #tpu.memory_space<semaphore_mem>>
      %dma_wait3A_1109 = tpu.memref_squeeze %dma_wait3A_1108 : memref<1x!tpu.dma_semaphore, #tpu.memory_space<semaphore_mem>> -> memref<!tpu.dma_semaphore, #tpu.memory_space<semaphore_mem>>
      tpu.wait_indirect_dma semaphore(%dma_wait3A_1109 : memref<!tpu.dma_semaphore, #tpu.memory_space<semaphore_mem>>) src(%dma_wait3A_1101 : memref<128x64xf32, #tpu.memory_space<vmem>>) dst(%dma_wait3A_1107 : memref<10240x64xf32, #tpu.memory_space<vmem_shared>>)
      %add3A_1110 = arith.constant 4 : i32
      %add3A_1111 = arith.addi %add3A_1077, %add3A_1110 : i32
      %dma_start3A_1112 = arith.constant 0 : i32
      %dma_start3A_1113 = arith.constant 0 : i32
      %dma_start3A_1114 = tpu.memref_slice %arg8[%select_n3A_1095, %dma_start3A_1112, %dma_start3A_1113] : memref<6x128x64xf32, #tpu.memory_space<vmem>> -> memref<1x128x64xf32, #tpu.memory_space<vmem>>
      %dma_start3A_1115 = tpu.memref_squeeze %dma_start3A_1114 : memref<1x128x64xf32, #tpu.memory_space<vmem>> -> memref<128x64xf32, #tpu.memory_space<vmem>>
      %dma_start3A_1116 = arith.constant 0 : i32
      %dma_start3A_1117 = tpu.memref_slice %arg6[%add3A_1111, %dma_start3A_1116] : memref<157x128xi32, #tpu.memory_space<vmem>> -> memref<1x128xi32, #tpu.memory_space<vmem>>
      %dma_start3A_1118 = tpu.memref_squeeze %dma_start3A_1117 : memref<1x128xi32, #tpu.memory_space<vmem>> -> memref<128xi32, #tpu.memory_space<vmem>>
      %dma_start3A_1119 = arith.constant 0 : i32
      %dma_start3A_1120 = arith.constant 0 : i32
      %dma_start3A_1121 = tpu.memref_slice %arg2[%arg0, %dma_start3A_1119, %dma_start3A_1120] : memref<2x10000x64xf32, #tpu.memory_space<hbm>> -> memref<1x10000x64xf32, #tpu.memory_space<hbm>>
      %dma_start3A_1122 = tpu.memref_squeeze %dma_start3A_1121 : memref<1x10000x64xf32, #tpu.memory_space<hbm>> -> memref<10000x64xf32, #tpu.memory_space<hbm>>
      %dma_start3A_1123 = arith.constant 0 : i32
      %dma_start3A_1124 = arith.constant 0 : i32
      %dma_start3A_1125 = tpu.memref_slice %dma_start3A_1122[%dma_start3A_1123, %dma_start3A_1124] : memref<10000x64xf32, #tpu.memory_space<hbm>> -> memref<10000x64xf32, #tpu.memory_space<hbm>>
      %dma_start3A_1126 = tpu.memref_slice %arg9[%select_n3A_1095] : memref<6x!tpu.dma_semaphore, #tpu.memory_space<semaphore_mem>> -> memref<1x!tpu.dma_semaphore, #tpu.memory_space<semaphore_mem>>
      %dma_start3A_1127 = tpu.memref_squeeze %dma_start3A_1126 : memref<1x!tpu.dma_semaphore, #tpu.memory_space<semaphore_mem>> -> memref<!tpu.dma_semaphore, #tpu.memory_space<semaphore_mem>>
      tpu.enqueue_indirect_dma source(%dma_start3A_1125 : memref<10000x64xf32, #tpu.memory_space<hbm>>) target(%dma_start3A_1115 : memref<128x64xf32, #tpu.memory_space<vmem>>) offsets(%dma_start3A_1118 : memref<128xi32, #tpu.memory_space<vmem>>) semaphore(%dma_start3A_1127 : memref<!tpu.dma_semaphore, #tpu.memory_space<semaphore_mem>>)
      %jit3A_1128 = arith.constant 6 : i32
      %eq3A_1129 = arith.constant 0 : i32
      %eq3A_1130 = arith.cmpi eq, %jit3A_1128, %eq3A_1129 : i32
      %jit3A_1131 = arith.constant 1 : i32
      %select_n3A_1132 = arith.select %eq3A_1130, %jit3A_1131, %jit3A_1128 : i32
      %rem3A_1133 = arith.remsi %add3A_1077, %select_n3A_1132 : i32
      %ne3A_1134 = arith.constant 0 : i32
      %ne3A_1135 = arith.cmpi ne, %rem3A_1133, %ne3A_1134 : i32
      %lt3A_1136 = arith.constant 0 : i32
      %lt3A_1137 = arith.cmpi slt, %rem3A_1133, %lt3A_1136 : i32
      %lt3A_1138 = arith.constant 0 : i32
      %lt3A_1139 = arith.cmpi slt, %select_n3A_1132, %lt3A_1138 : i32
      %ne3A_1140 = arith.xori %lt3A_1137, %lt3A_1139 : i1
      %and3A_1141 = arith.andi %ne3A_1140, %ne3A_1135 : i1
      %add3A_1142 = arith.addi %rem3A_1133, %select_n3A_1132 : i32
      %select_n3A_1143 = arith.select %and3A_1141, %add3A_1142, %rem3A_1133 : i32
      %dma_wait3A_1144 = arith.constant 0 : i32
      %dma_wait3A_1145 = arith.constant 0 : i32
      %dma_wait3A_1146 = tpu.memref_slice %arg8[%select_n3A_1143, %dma_wait3A_1144, %dma_wait3A_1145] : memref<6x128x64xf32, #tpu.memory_space<vmem>> -> memref<1x128x64xf32, #tpu.memory_space<vmem>>
      %dma_wait3A_1147 = tpu.memref_squeeze %dma_wait3A_1146 : memref<1x128x64xf32, #tpu.memory_space<vmem>> -> memref<128x64xf32, #tpu.memory_space<vmem>>
      %dma_wait3A_1148 = arith.constant 0 : i32
      %dma_wait3A_1149 = tpu.memref_slice %arg6[%add3A_1077, %dma_wait3A_1148] : memref<157x128xi32, #tpu.memory_space<vmem>> -> memref<1x128xi32, #tpu.memory_space<vmem>>
      %dma_wait3A_1150 = tpu.memref_squeeze %dma_wait3A_1149 : memref<1x128xi32, #tpu.memory_space<vmem>> -> memref<128xi32, #tpu.memory_space<vmem>>
      %dma_wait3A_1151 = arith.constant 0 : i32
      %dma_wait3A_1152 = arith.constant 0 : i32
      %dma_wait3A_1153 = tpu.memref_slice %arg2[%arg0, %dma_wait3A_1151, %dma_wait3A_1152] : memref<2x10000x64xf32, #tpu.memory_space<hbm>> -> memref<1x10000x64xf32, #tpu.memory_space<hbm>>
      %dma_wait3A_1154 = tpu.memref_squeeze %dma_wait3A_1153 : memref<1x10000x64xf32, #tpu.memory_space<hbm>> -> memref<10000x64xf32, #tpu.memory_space<hbm>>
      %dma_wait3A_1155 = arith.constant 0 : i32
      %dma_wait3A_1156 = arith.constant 0 : i32
      %dma_wait3A_1157 = tpu.memref_slice %dma_wait3A_1154[%dma_wait3A_1155, %dma_wait3A_1156] : memref<10000x64xf32, #tpu.memory_space<hbm>> -> memref<10000x64xf32, #tpu.memory_space<hbm>>
      %dma_wait3A_1158 = tpu.memref_slice %arg9[%select_n3A_1143] : memref<6x!tpu.dma_semaphore, #tpu.memory_space<semaphore_mem>> -> memref<1x!tpu.dma_semaphore, #tpu.memory_space<semaphore_mem>>
      %dma_wait3A_1159 = tpu.memref_squeeze %dma_wait3A_1158 : memref<1x!tpu.dma_semaphore, #tpu.memory_space<semaphore_mem>> -> memref<!tpu.dma_semaphore, #tpu.memory_space<semaphore_mem>>
      tpu.wait_indirect_dma semaphore(%dma_wait3A_1159 : memref<!tpu.dma_semaphore, #tpu.memory_space<semaphore_mem>>) src(%dma_wait3A_1157 : memref<10000x64xf32, #tpu.memory_space<hbm>>) dst(%dma_wait3A_1147 : memref<128x64xf32, #tpu.memory_space<vmem>>)
      %jit3A_1160 = arith.constant 6 : i32
      %eq3A_1161 = arith.constant 0 : i32
      %eq3A_1162 = arith.cmpi eq, %jit3A_1160, %eq3A_1161 : i32
      %jit3A_1163 = arith.constant 1 : i32
      %select_n3A_1164 = arith.select %eq3A_1162, %jit3A_1163, %jit3A_1160 : i32
      %rem3A_1165 = arith.remsi %add3A_1077, %select_n3A_1164 : i32
      %ne3A_1166 = arith.constant 0 : i32
      %ne3A_1167 = arith.cmpi ne, %rem3A_1165, %ne3A_1166 : i32
      %lt3A_1168 = arith.constant 0 : i32
      %lt3A_1169 = arith.cmpi slt, %rem3A_1165, %lt3A_1168 : i32
      %lt3A_1170 = arith.constant 0 : i32
      %lt3A_1171 = arith.cmpi slt, %select_n3A_1164, %lt3A_1170 : i32
      %ne3A_1172 = arith.xori %lt3A_1169, %lt3A_1171 : i1
      %and3A_1173 = arith.andi %ne3A_1172, %ne3A_1167 : i1
      %add3A_1174 = arith.addi %rem3A_1165, %select_n3A_1164 : i32
      %select_n3A_1175 = arith.select %and3A_1173, %add3A_1174, %rem3A_1165 : i32
      %dma_start3A_1176 = arith.constant 0 : i32
      %dma_start3A_1177 = arith.constant 0 : i32
      %dma_start3A_1178 = tpu.memref_slice %arg8[%select_n3A_1175, %dma_start3A_1176, %dma_start3A_1177] : memref<6x128x64xf32, #tpu.memory_space<vmem>> -> memref<1x128x64xf32, #tpu.memory_space<vmem>>
      %dma_start3A_1179 = tpu.memref_squeeze %dma_start3A_1178 : memref<1x128x64xf32, #tpu.memory_space<vmem>> -> memref<128x64xf32, #tpu.memory_space<vmem>>
      %dma_start3A_1180 = arith.constant 0 : i32
      %dma_start3A_1181 = tpu.memref_slice %arg7[%add3A_1077, %dma_start3A_1180] : memref<157x128xi32, #tpu.memory_space<vmem>> -> memref<1x128xi32, #tpu.memory_space<vmem>>
      %dma_start3A_1182 = tpu.memref_squeeze %dma_start3A_1181 : memref<1x128xi32, #tpu.memory_space<vmem>> -> memref<128xi32, #tpu.memory_space<vmem>>
      %dma_start3A_1183 = arith.constant 0 : i32
      %dma_start3A_1184 = arith.constant 0 : i32
      %dma_start3A_1185 = tpu.memref_slice %arg5[%dma_start3A_1183, %dma_start3A_1184] : memref<10240x64xf32, #tpu.memory_space<vmem_shared>> -> memref<10240x64xf32, #tpu.memory_space<vmem_shared>>
      %dma_start3A_1186 = tpu.memref_slice %arg10[%select_n3A_1175] : memref<6x!tpu.dma_semaphore, #tpu.memory_space<semaphore_mem>> -> memref<1x!tpu.dma_semaphore, #tpu.memory_space<semaphore_mem>>
      %dma_start3A_1187 = tpu.memref_squeeze %dma_start3A_1186 : memref<1x!tpu.dma_semaphore, #tpu.memory_space<semaphore_mem>> -> memref<!tpu.dma_semaphore, #tpu.memory_space<semaphore_mem>>
      tpu.enqueue_indirect_dma source(%dma_start3A_1179 : memref<128x64xf32, #tpu.memory_space<vmem>>) target(%dma_start3A_1185 : memref<10240x64xf32, #tpu.memory_space<vmem_shared>>) offsets(%dma_start3A_1182 : memref<128xi32, #tpu.memory_space<vmem>>) semaphore(%dma_start3A_1187 : memref<!tpu.dma_semaphore, #tpu.memory_space<semaphore_mem>>) {add = true}
      %add3A_1188 = arith.constant 2 : i32
      %add3A_1189 = arith.addi %mul3A_963, %add3A_1188 : i32
      %add3A_1190 = arith.constant 4 : i32
      %add3A_1191 = arith.addi %add3A_1189, %add3A_1190 : i32
      %jit3A_1192 = arith.constant 6 : i32
      %eq3A_1193 = arith.constant 0 : i32
      %eq3A_1194 = arith.cmpi eq, %jit3A_1192, %eq3A_1193 : i32
      %jit3A_1195 = arith.constant 1 : i32
      %select_n3A_1196 = arith.select %eq3A_1194, %jit3A_1195, %jit3A_1192 : i32
      %rem3A_1197 = arith.remsi %add3A_1191, %select_n3A_1196 : i32
      %ne3A_1198 = arith.constant 0 : i32
      %ne3A_1199 = arith.cmpi ne, %rem3A_1197, %ne3A_1198 : i32
      %lt3A_1200 = arith.constant 0 : i32
      %lt3A_1201 = arith.cmpi slt, %rem3A_1197, %lt3A_1200 : i32
      %lt3A_1202 = arith.constant 0 : i32
      %lt3A_1203 = arith.cmpi slt, %select_n3A_1196, %lt3A_1202 : i32
      %ne3A_1204 = arith.xori %lt3A_1201, %lt3A_1203 : i1
      %and3A_1205 = arith.andi %ne3A_1204, %ne3A_1199 : i1
      %add3A_1206 = arith.addi %rem3A_1197, %select_n3A_1196 : i32
      %select_n3A_1207 = arith.select %and3A_1205, %add3A_1206, %rem3A_1197 : i32
      %sub3A_1208 = arith.constant 2 : i32
      %sub3A_1209 = arith.subi %add3A_1189, %sub3A_1208 : i32
      %dma_wait3A_1210 = arith.constant 0 : i32
      %dma_wait3A_1211 = arith.constant 0 : i32
      %dma_wait3A_1212 = tpu.memref_slice %arg8[%select_n3A_1207, %dma_wait3A_1210, %dma_wait3A_1211] : memref<6x128x64xf32, #tpu.memory_space<vmem>> -> memref<1x128x64xf32, #tpu.memory_space<vmem>>
      %dma_wait3A_1213 = tpu.memref_squeeze %dma_wait3A_1212 : memref<1x128x64xf32, #tpu.memory_space<vmem>> -> memref<128x64xf32, #tpu.memory_space<vmem>>
      %dma_wait3A_1214 = arith.constant 0 : i32
      %dma_wait3A_1215 = tpu.memref_slice %arg7[%sub3A_1209, %dma_wait3A_1214] : memref<157x128xi32, #tpu.memory_space<vmem>> -> memref<1x128xi32, #tpu.memory_space<vmem>>
      %dma_wait3A_1216 = tpu.memref_squeeze %dma_wait3A_1215 : memref<1x128xi32, #tpu.memory_space<vmem>> -> memref<128xi32, #tpu.memory_space<vmem>>
      %dma_wait3A_1217 = arith.constant 0 : i32
      %dma_wait3A_1218 = arith.constant 0 : i32
      %dma_wait3A_1219 = tpu.memref_slice %arg5[%dma_wait3A_1217, %dma_wait3A_1218] : memref<10240x64xf32, #tpu.memory_space<vmem_shared>> -> memref<10240x64xf32, #tpu.memory_space<vmem_shared>>
      %dma_wait3A_1220 = tpu.memref_slice %arg10[%select_n3A_1207] : memref<6x!tpu.dma_semaphore, #tpu.memory_space<semaphore_mem>> -> memref<1x!tpu.dma_semaphore, #tpu.memory_space<semaphore_mem>>
      %dma_wait3A_1221 = tpu.memref_squeeze %dma_wait3A_1220 : memref<1x!tpu.dma_semaphore, #tpu.memory_space<semaphore_mem>> -> memref<!tpu.dma_semaphore, #tpu.memory_space<semaphore_mem>>
      tpu.wait_indirect_dma semaphore(%dma_wait3A_1221 : memref<!tpu.dma_semaphore, #tpu.memory_space<semaphore_mem>>) src(%dma_wait3A_1213 : memref<128x64xf32, #tpu.memory_space<vmem>>) dst(%dma_wait3A_1219 : memref<10240x64xf32, #tpu.memory_space<vmem_shared>>)
      %add3A_1222 = arith.constant 4 : i32
      %add3A_1223 = arith.addi %add3A_1189, %add3A_1222 : i32
      %dma_start3A_1224 = arith.constant 0 : i32
      %dma_start3A_1225 = arith.constant 0 : i32
      %dma_start3A_1226 = tpu.memref_slice %arg8[%select_n3A_1207, %dma_start3A_1224, %dma_start3A_1225] : memref<6x128x64xf32, #tpu.memory_space<vmem>> -> memref<1x128x64xf32, #tpu.memory_space<vmem>>
      %dma_start3A_1227 = tpu.memref_squeeze %dma_start3A_1226 : memref<1x128x64xf32, #tpu.memory_space<vmem>> -> memref<128x64xf32, #tpu.memory_space<vmem>>
      %dma_start3A_1228 = arith.constant 0 : i32
      %dma_start3A_1229 = tpu.memref_slice %arg6[%add3A_1223, %dma_start3A_1228] : memref<157x128xi32, #tpu.memory_space<vmem>> -> memref<1x128xi32, #tpu.memory_space<vmem>>
      %dma_start3A_1230 = tpu.memref_squeeze %dma_start3A_1229 : memref<1x128xi32, #tpu.memory_space<vmem>> -> memref<128xi32, #tpu.memory_space<vmem>>
      %dma_start3A_1231 = arith.constant 0 : i32
      %dma_start3A_1232 = arith.constant 0 : i32
      %dma_start3A_1233 = tpu.memref_slice %arg2[%arg0, %dma_start3A_1231, %dma_start3A_1232] : memref<2x10000x64xf32, #tpu.memory_space<hbm>> -> memref<1x10000x64xf32, #tpu.memory_space<hbm>>
      %dma_start3A_1234 = tpu.memref_squeeze %dma_start3A_1233 : memref<1x10000x64xf32, #tpu.memory_space<hbm>> -> memref<10000x64xf32, #tpu.memory_space<hbm>>
      %dma_start3A_1235 = arith.constant 0 : i32
      %dma_start3A_1236 = arith.constant 0 : i32
      %dma_start3A_1237 = tpu.memref_slice %dma_start3A_1234[%dma_start3A_1235, %dma_start3A_1236] : memref<10000x64xf32, #tpu.memory_space<hbm>> -> memref<10000x64xf32, #tpu.memory_space<hbm>>
      %dma_start3A_1238 = tpu.memref_slice %arg9[%select_n3A_1207] : memref<6x!tpu.dma_semaphore, #tpu.memory_space<semaphore_mem>> -> memref<1x!tpu.dma_semaphore, #tpu.memory_space<semaphore_mem>>
      %dma_start3A_1239 = tpu.memref_squeeze %dma_start3A_1238 : memref<1x!tpu.dma_semaphore, #tpu.memory_space<semaphore_mem>> -> memref<!tpu.dma_semaphore, #tpu.memory_space<semaphore_mem>>
      tpu.enqueue_indirect_dma source(%dma_start3A_1237 : memref<10000x64xf32, #tpu.memory_space<hbm>>) target(%dma_start3A_1227 : memref<128x64xf32, #tpu.memory_space<vmem>>) offsets(%dma_start3A_1230 : memref<128xi32, #tpu.memory_space<vmem>>) semaphore(%dma_start3A_1239 : memref<!tpu.dma_semaphore, #tpu.memory_space<semaphore_mem>>)
      %jit3A_1240 = arith.constant 6 : i32
      %eq3A_1241 = arith.constant 0 : i32
      %eq3A_1242 = arith.cmpi eq, %jit3A_1240, %eq3A_1241 : i32
      %jit3A_1243 = arith.constant 1 : i32
      %select_n3A_1244 = arith.select %eq3A_1242, %jit3A_1243, %jit3A_1240 : i32
      %rem3A_1245 = arith.remsi %add3A_1189, %select_n3A_1244 : i32
      %ne3A_1246 = arith.constant 0 : i32
      %ne3A_1247 = arith.cmpi ne, %rem3A_1245, %ne3A_1246 : i32
      %lt3A_1248 = arith.constant 0 : i32
      %lt3A_1249 = arith.cmpi slt, %rem3A_1245, %lt3A_1248 : i32
      %lt3A_1250 = arith.constant 0 : i32
      %lt3A_1251 = arith.cmpi slt, %select_n3A_1244, %lt3A_1250 : i32
      %ne3A_1252 = arith.xori %lt3A_1249, %lt3A_1251 : i1
      %and3A_1253 = arith.andi %ne3A_1252, %ne3A_1247 : i1
      %add3A_1254 = arith.addi %rem3A_1245, %select_n3A_1244 : i32
      %select_n3A_1255 = arith.select %and3A_1253, %add3A_1254, %rem3A_1245 : i32
      %dma_wait3A_1256 = arith.constant 0 : i32
      %dma_wait3A_1257 = arith.constant 0 : i32
      %dma_wait3A_1258 = tpu.memref_slice %arg8[%select_n3A_1255, %dma_wait3A_1256, %dma_wait3A_1257] : memref<6x128x64xf32, #tpu.memory_space<vmem>> -> memref<1x128x64xf32, #tpu.memory_space<vmem>>
      %dma_wait3A_1259 = tpu.memref_squeeze %dma_wait3A_1258 : memref<1x128x64xf32, #tpu.memory_space<vmem>> -> memref<128x64xf32, #tpu.memory_space<vmem>>
      %dma_wait3A_1260 = arith.constant 0 : i32
      %dma_wait3A_1261 = tpu.memref_slice %arg6[%add3A_1189, %dma_wait3A_1260] : memref<157x128xi32, #tpu.memory_space<vmem>> -> memref<1x128xi32, #tpu.memory_space<vmem>>
      %dma_wait3A_1262 = tpu.memref_squeeze %dma_wait3A_1261 : memref<1x128xi32, #tpu.memory_space<vmem>> -> memref<128xi32, #tpu.memory_space<vmem>>
      %dma_wait3A_1263 = arith.constant 0 : i32
      %dma_wait3A_1264 = arith.constant 0 : i32
      %dma_wait3A_1265 = tpu.memref_slice %arg2[%arg0, %dma_wait3A_1263, %dma_wait3A_1264] : memref<2x10000x64xf32, #tpu.memory_space<hbm>> -> memref<1x10000x64xf32, #tpu.memory_space<hbm>>
      %dma_wait3A_1266 = tpu.memref_squeeze %dma_wait3A_1265 : memref<1x10000x64xf32, #tpu.memory_space<hbm>> -> memref<10000x64xf32, #tpu.memory_space<hbm>>
      %dma_wait3A_1267 = arith.constant 0 : i32
      %dma_wait3A_1268 = arith.constant 0 : i32
      %dma_wait3A_1269 = tpu.memref_slice %dma_wait3A_1266[%dma_wait3A_1267, %dma_wait3A_1268] : memref<10000x64xf32, #tpu.memory_space<hbm>> -> memref<10000x64xf32, #tpu.memory_space<hbm>>
      %dma_wait3A_1270 = tpu.memref_slice %arg9[%select_n3A_1255] : memref<6x!tpu.dma_semaphore, #tpu.memory_space<semaphore_mem>> -> memref<1x!tpu.dma_semaphore, #tpu.memory_space<semaphore_mem>>
      %dma_wait3A_1271 = tpu.memref_squeeze %dma_wait3A_1270 : memref<1x!tpu.dma_semaphore, #tpu.memory_space<semaphore_mem>> -> memref<!tpu.dma_semaphore, #tpu.memory_space<semaphore_mem>>
      tpu.wait_indirect_dma semaphore(%dma_wait3A_1271 : memref<!tpu.dma_semaphore, #tpu.memory_space<semaphore_mem>>) src(%dma_wait3A_1269 : memref<10000x64xf32, #tpu.memory_space<hbm>>) dst(%dma_wait3A_1259 : memref<128x64xf32, #tpu.memory_space<vmem>>)
      %jit3A_1272 = arith.constant 6 : i32
      %eq3A_1273 = arith.constant 0 : i32
      %eq3A_1274 = arith.cmpi eq, %jit3A_1272, %eq3A_1273 : i32
      %jit3A_1275 = arith.constant 1 : i32
      %select_n3A_1276 = arith.select %eq3A_1274, %jit3A_1275, %jit3A_1272 : i32
      %rem3A_1277 = arith.remsi %add3A_1189, %select_n3A_1276 : i32
      %ne3A_1278 = arith.constant 0 : i32
      %ne3A_1279 = arith.cmpi ne, %rem3A_1277, %ne3A_1278 : i32
      %lt3A_1280 = arith.constant 0 : i32
      %lt3A_1281 = arith.cmpi slt, %rem3A_1277, %lt3A_1280 : i32
      %lt3A_1282 = arith.constant 0 : i32
      %lt3A_1283 = arith.cmpi slt, %select_n3A_1276, %lt3A_1282 : i32
      %ne3A_1284 = arith.xori %lt3A_1281, %lt3A_1283 : i1
      %and3A_1285 = arith.andi %ne3A_1284, %ne3A_1279 : i1
      %add3A_1286 = arith.addi %rem3A_1277, %select_n3A_1276 : i32
      %select_n3A_1287 = arith.select %and3A_1285, %add3A_1286, %rem3A_1277 : i32
      %dma_start3A_1288 = arith.constant 0 : i32
      %dma_start3A_1289 = arith.constant 0 : i32
      %dma_start3A_1290 = tpu.memref_slice %arg8[%select_n3A_1287, %dma_start3A_1288, %dma_start3A_1289] : memref<6x128x64xf32, #tpu.memory_space<vmem>> -> memref<1x128x64xf32, #tpu.memory_space<vmem>>
      %dma_start3A_1291 = tpu.memref_squeeze %dma_start3A_1290 : memref<1x128x64xf32, #tpu.memory_space<vmem>> -> memref<128x64xf32, #tpu.memory_space<vmem>>
      %dma_start3A_1292 = arith.constant 0 : i32
      %dma_start3A_1293 = tpu.memref_slice %arg7[%add3A_1189, %dma_start3A_1292] : memref<157x128xi32, #tpu.memory_space<vmem>> -> memref<1x128xi32, #tpu.memory_space<vmem>>
      %dma_start3A_1294 = tpu.memref_squeeze %dma_start3A_1293 : memref<1x128xi32, #tpu.memory_space<vmem>> -> memref<128xi32, #tpu.memory_space<vmem>>
      %dma_start3A_1295 = arith.constant 0 : i32
      %dma_start3A_1296 = arith.constant 0 : i32
      %dma_start3A_1297 = tpu.memref_slice %arg5[%dma_start3A_1295, %dma_start3A_1296] : memref<10240x64xf32, #tpu.memory_space<vmem_shared>> -> memref<10240x64xf32, #tpu.memory_space<vmem_shared>>
      %dma_start3A_1298 = tpu.memref_slice %arg10[%select_n3A_1287] : memref<6x!tpu.dma_semaphore, #tpu.memory_space<semaphore_mem>> -> memref<1x!tpu.dma_semaphore, #tpu.memory_space<semaphore_mem>>
      %dma_start3A_1299 = tpu.memref_squeeze %dma_start3A_1298 : memref<1x!tpu.dma_semaphore, #tpu.memory_space<semaphore_mem>> -> memref<!tpu.dma_semaphore, #tpu.memory_space<semaphore_mem>>
      tpu.enqueue_indirect_dma source(%dma_start3A_1291 : memref<128x64xf32, #tpu.memory_space<vmem>>) target(%dma_start3A_1297 : memref<10240x64xf32, #tpu.memory_space<vmem_shared>>) offsets(%dma_start3A_1294 : memref<128xi32, #tpu.memory_space<vmem>>) semaphore(%dma_start3A_1299 : memref<!tpu.dma_semaphore, #tpu.memory_space<semaphore_mem>>) {add = true}
      %add3A_1300 = arith.constant 3 : i32
      %add3A_1301 = arith.addi %mul3A_963, %add3A_1300 : i32
      %add3A_1302 = arith.constant 4 : i32
      %add3A_1303 = arith.addi %add3A_1301, %add3A_1302 : i32
      %jit3A_1304 = arith.constant 6 : i32
      %eq3A_1305 = arith.constant 0 : i32
      %eq3A_1306 = arith.cmpi eq, %jit3A_1304, %eq3A_1305 : i32
      %jit3A_1307 = arith.constant 1 : i32
      %select_n3A_1308 = arith.select %eq3A_1306, %jit3A_1307, %jit3A_1304 : i32
      %rem3A_1309 = arith.remsi %add3A_1303, %select_n3A_1308 : i32
      %ne3A_1310 = arith.constant 0 : i32
      %ne3A_1311 = arith.cmpi ne, %rem3A_1309, %ne3A_1310 : i32
      %lt3A_1312 = arith.constant 0 : i32
      %lt3A_1313 = arith.cmpi slt, %rem3A_1309, %lt3A_1312 : i32
      %lt3A_1314 = arith.constant 0 : i32
      %lt3A_1315 = arith.cmpi slt, %select_n3A_1308, %lt3A_1314 : i32
      %ne3A_1316 = arith.xori %lt3A_1313, %lt3A_1315 : i1
      %and3A_1317 = arith.andi %ne3A_1316, %ne3A_1311 : i1
      %add3A_1318 = arith.addi %rem3A_1309, %select_n3A_1308 : i32
      %select_n3A_1319 = arith.select %and3A_1317, %add3A_1318, %rem3A_1309 : i32
      %sub3A_1320 = arith.constant 2 : i32
      %sub3A_1321 = arith.subi %add3A_1301, %sub3A_1320 : i32
      %dma_wait3A_1322 = arith.constant 0 : i32
      %dma_wait3A_1323 = arith.constant 0 : i32
      %dma_wait3A_1324 = tpu.memref_slice %arg8[%select_n3A_1319, %dma_wait3A_1322, %dma_wait3A_1323] : memref<6x128x64xf32, #tpu.memory_space<vmem>> -> memref<1x128x64xf32, #tpu.memory_space<vmem>>
      %dma_wait3A_1325 = tpu.memref_squeeze %dma_wait3A_1324 : memref<1x128x64xf32, #tpu.memory_space<vmem>> -> memref<128x64xf32, #tpu.memory_space<vmem>>
      %dma_wait3A_1326 = arith.constant 0 : i32
      %dma_wait3A_1327 = tpu.memref_slice %arg7[%sub3A_1321, %dma_wait3A_1326] : memref<157x128xi32, #tpu.memory_space<vmem>> -> memref<1x128xi32, #tpu.memory_space<vmem>>
      %dma_wait3A_1328 = tpu.memref_squeeze %dma_wait3A_1327 : memref<1x128xi32, #tpu.memory_space<vmem>> -> memref<128xi32, #tpu.memory_space<vmem>>
      %dma_wait3A_1329 = arith.constant 0 : i32
      %dma_wait3A_1330 = arith.constant 0 : i32
      %dma_wait3A_1331 = tpu.memref_slice %arg5[%dma_wait3A_1329, %dma_wait3A_1330] : memref<10240x64xf32, #tpu.memory_space<vmem_shared>> -> memref<10240x64xf32, #tpu.memory_space<vmem_shared>>
      %dma_wait3A_1332 = tpu.memref_slice %arg10[%select_n3A_1319] : memref<6x!tpu.dma_semaphore, #tpu.memory_space<semaphore_mem>> -> memref<1x!tpu.dma_semaphore, #tpu.memory_space<semaphore_mem>>
      %dma_wait3A_1333 = tpu.memref_squeeze %dma_wait3A_1332 : memref<1x!tpu.dma_semaphore, #tpu.memory_space<semaphore_mem>> -> memref<!tpu.dma_semaphore, #tpu.memory_space<semaphore_mem>>
      tpu.wait_indirect_dma semaphore(%dma_wait3A_1333 : memref<!tpu.dma_semaphore, #tpu.memory_space<semaphore_mem>>) src(%dma_wait3A_1325 : memref<128x64xf32, #tpu.memory_space<vmem>>) dst(%dma_wait3A_1331 : memref<10240x64xf32, #tpu.memory_space<vmem_shared>>)
      %add3A_1334 = arith.constant 4 : i32
      %add3A_1335 = arith.addi %add3A_1301, %add3A_1334 : i32
      %dma_start3A_1336 = arith.constant 0 : i32
      %dma_start3A_1337 = arith.constant 0 : i32
      %dma_start3A_1338 = tpu.memref_slice %arg8[%select_n3A_1319, %dma_start3A_1336, %dma_start3A_1337] : memref<6x128x64xf32, #tpu.memory_space<vmem>> -> memref<1x128x64xf32, #tpu.memory_space<vmem>>
      %dma_start3A_1339 = tpu.memref_squeeze %dma_start3A_1338 : memref<1x128x64xf32, #tpu.memory_space<vmem>> -> memref<128x64xf32, #tpu.memory_space<vmem>>
      %dma_start3A_1340 = arith.constant 0 : i32
      %dma_start3A_1341 = tpu.memref_slice %arg6[%add3A_1335, %dma_start3A_1340] : memref<157x128xi32, #tpu.memory_space<vmem>> -> memref<1x128xi32, #tpu.memory_space<vmem>>
      %dma_start3A_1342 = tpu.memref_squeeze %dma_start3A_1341 : memref<1x128xi32, #tpu.memory_space<vmem>> -> memref<128xi32, #tpu.memory_space<vmem>>
      %dma_start3A_1343 = arith.constant 0 : i32
      %dma_start3A_1344 = arith.constant 0 : i32
      %dma_start3A_1345 = tpu.memref_slice %arg2[%arg0, %dma_start3A_1343, %dma_start3A_1344] : memref<2x10000x64xf32, #tpu.memory_space<hbm>> -> memref<1x10000x64xf32, #tpu.memory_space<hbm>>
      %dma_start3A_1346 = tpu.memref_squeeze %dma_start3A_1345 : memref<1x10000x64xf32, #tpu.memory_space<hbm>> -> memref<10000x64xf32, #tpu.memory_space<hbm>>
      %dma_start3A_1347 = arith.constant 0 : i32
      %dma_start3A_1348 = arith.constant 0 : i32
      %dma_start3A_1349 = tpu.memref_slice %dma_start3A_1346[%dma_start3A_1347, %dma_start3A_1348] : memref<10000x64xf32, #tpu.memory_space<hbm>> -> memref<10000x64xf32, #tpu.memory_space<hbm>>
      %dma_start3A_1350 = tpu.memref_slice %arg9[%select_n3A_1319] : memref<6x!tpu.dma_semaphore, #tpu.memory_space<semaphore_mem>> -> memref<1x!tpu.dma_semaphore, #tpu.memory_space<semaphore_mem>>
      %dma_start3A_1351 = tpu.memref_squeeze %dma_start3A_1350 : memref<1x!tpu.dma_semaphore, #tpu.memory_space<semaphore_mem>> -> memref<!tpu.dma_semaphore, #tpu.memory_space<semaphore_mem>>
      tpu.enqueue_indirect_dma source(%dma_start3A_1349 : memref<10000x64xf32, #tpu.memory_space<hbm>>) target(%dma_start3A_1339 : memref<128x64xf32, #tpu.memory_space<vmem>>) offsets(%dma_start3A_1342 : memref<128xi32, #tpu.memory_space<vmem>>) semaphore(%dma_start3A_1351 : memref<!tpu.dma_semaphore, #tpu.memory_space<semaphore_mem>>)
      %jit3A_1352 = arith.constant 6 : i32
      %eq3A_1353 = arith.constant 0 : i32
      %eq3A_1354 = arith.cmpi eq, %jit3A_1352, %eq3A_1353 : i32
      %jit3A_1355 = arith.constant 1 : i32
      %select_n3A_1356 = arith.select %eq3A_1354, %jit3A_1355, %jit3A_1352 : i32
      %rem3A_1357 = arith.remsi %add3A_1301, %select_n3A_1356 : i32
      %ne3A_1358 = arith.constant 0 : i32
      %ne3A_1359 = arith.cmpi ne, %rem3A_1357, %ne3A_1358 : i32
      %lt3A_1360 = arith.constant 0 : i32
      %lt3A_1361 = arith.cmpi slt, %rem3A_1357, %lt3A_1360 : i32
      %lt3A_1362 = arith.constant 0 : i32
      %lt3A_1363 = arith.cmpi slt, %select_n3A_1356, %lt3A_1362 : i32
      %ne3A_1364 = arith.xori %lt3A_1361, %lt3A_1363 : i1
      %and3A_1365 = arith.andi %ne3A_1364, %ne3A_1359 : i1
      %add3A_1366 = arith.addi %rem3A_1357, %select_n3A_1356 : i32
      %select_n3A_1367 = arith.select %and3A_1365, %add3A_1366, %rem3A_1357 : i32
      %dma_wait3A_1368 = arith.constant 0 : i32
      %dma_wait3A_1369 = arith.constant 0 : i32
      %dma_wait3A_1370 = tpu.memref_slice %arg8[%select_n3A_1367, %dma_wait3A_1368, %dma_wait3A_1369] : memref<6x128x64xf32, #tpu.memory_space<vmem>> -> memref<1x128x64xf32, #tpu.memory_space<vmem>>
      %dma_wait3A_1371 = tpu.memref_squeeze %dma_wait3A_1370 : memref<1x128x64xf32, #tpu.memory_space<vmem>> -> memref<128x64xf32, #tpu.memory_space<vmem>>
      %dma_wait3A_1372 = arith.constant 0 : i32
      %dma_wait3A_1373 = tpu.memref_slice %arg6[%add3A_1301, %dma_wait3A_1372] : memref<157x128xi32, #tpu.memory_space<vmem>> -> memref<1x128xi32, #tpu.memory_space<vmem>>
      %dma_wait3A_1374 = tpu.memref_squeeze %dma_wait3A_1373 : memref<1x128xi32, #tpu.memory_space<vmem>> -> memref<128xi32, #tpu.memory_space<vmem>>
      %dma_wait3A_1375 = arith.constant 0 : i32
      %dma_wait3A_1376 = arith.constant 0 : i32
      %dma_wait3A_1377 = tpu.memref_slice %arg2[%arg0, %dma_wait3A_1375, %dma_wait3A_1376] : memref<2x10000x64xf32, #tpu.memory_space<hbm>> -> memref<1x10000x64xf32, #tpu.memory_space<hbm>>
      %dma_wait3A_1378 = tpu.memref_squeeze %dma_wait3A_1377 : memref<1x10000x64xf32, #tpu.memory_space<hbm>> -> memref<10000x64xf32, #tpu.memory_space<hbm>>
      %dma_wait3A_1379 = arith.constant 0 : i32
      %dma_wait3A_1380 = arith.constant 0 : i32
      %dma_wait3A_1381 = tpu.memref_slice %dma_wait3A_1378[%dma_wait3A_1379, %dma_wait3A_1380] : memref<10000x64xf32, #tpu.memory_space<hbm>> -> memref<10000x64xf32, #tpu.memory_space<hbm>>
      %dma_wait3A_1382 = tpu.memref_slice %arg9[%select_n3A_1367] : memref<6x!tpu.dma_semaphore, #tpu.memory_space<semaphore_mem>> -> memref<1x!tpu.dma_semaphore, #tpu.memory_space<semaphore_mem>>
      %dma_wait3A_1383 = tpu.memref_squeeze %dma_wait3A_1382 : memref<1x!tpu.dma_semaphore, #tpu.memory_space<semaphore_mem>> -> memref<!tpu.dma_semaphore, #tpu.memory_space<semaphore_mem>>
      tpu.wait_indirect_dma semaphore(%dma_wait3A_1383 : memref<!tpu.dma_semaphore, #tpu.memory_space<semaphore_mem>>) src(%dma_wait3A_1381 : memref<10000x64xf32, #tpu.memory_space<hbm>>) dst(%dma_wait3A_1371 : memref<128x64xf32, #tpu.memory_space<vmem>>)
      %jit3A_1384 = arith.constant 6 : i32
      %eq3A_1385 = arith.constant 0 : i32
      %eq3A_1386 = arith.cmpi eq, %jit3A_1384, %eq3A_1385 : i32
      %jit3A_1387 = arith.constant 1 : i32
      %select_n3A_1388 = arith.select %eq3A_1386, %jit3A_1387, %jit3A_1384 : i32
      %rem3A_1389 = arith.remsi %add3A_1301, %select_n3A_1388 : i32
      %ne3A_1390 = arith.constant 0 : i32
      %ne3A_1391 = arith.cmpi ne, %rem3A_1389, %ne3A_1390 : i32
      %lt3A_1392 = arith.constant 0 : i32
      %lt3A_1393 = arith.cmpi slt, %rem3A_1389, %lt3A_1392 : i32
      %lt3A_1394 = arith.constant 0 : i32
      %lt3A_1395 = arith.cmpi slt, %select_n3A_1388, %lt3A_1394 : i32
      %ne3A_1396 = arith.xori %lt3A_1393, %lt3A_1395 : i1
      %and3A_1397 = arith.andi %ne3A_1396, %ne3A_1391 : i1
      %add3A_1398 = arith.addi %rem3A_1389, %select_n3A_1388 : i32
      %select_n3A_1399 = arith.select %and3A_1397, %add3A_1398, %rem3A_1389 : i32
      %dma_start3A_1400 = arith.constant 0 : i32
      %dma_start3A_1401 = arith.constant 0 : i32
      %dma_start3A_1402 = tpu.memref_slice %arg8[%select_n3A_1399, %dma_start3A_1400, %dma_start3A_1401] : memref<6x128x64xf32, #tpu.memory_space<vmem>> -> memref<1x128x64xf32, #tpu.memory_space<vmem>>
      %dma_start3A_1403 = tpu.memref_squeeze %dma_start3A_1402 : memref<1x128x64xf32, #tpu.memory_space<vmem>> -> memref<128x64xf32, #tpu.memory_space<vmem>>
      %dma_start3A_1404 = arith.constant 0 : i32
      %dma_start3A_1405 = tpu.memref_slice %arg7[%add3A_1301, %dma_start3A_1404] : memref<157x128xi32, #tpu.memory_space<vmem>> -> memref<1x128xi32, #tpu.memory_space<vmem>>
      %dma_start3A_1406 = tpu.memref_squeeze %dma_start3A_1405 : memref<1x128xi32, #tpu.memory_space<vmem>> -> memref<128xi32, #tpu.memory_space<vmem>>
      %dma_start3A_1407 = arith.constant 0 : i32
      %dma_start3A_1408 = arith.constant 0 : i32
      %dma_start3A_1409 = tpu.memref_slice %arg5[%dma_start3A_1407, %dma_start3A_1408] : memref<10240x64xf32, #tpu.memory_space<vmem_shared>> -> memref<10240x64xf32, #tpu.memory_space<vmem_shared>>
      %dma_start3A_1410 = tpu.memref_slice %arg10[%select_n3A_1399] : memref<6x!tpu.dma_semaphore, #tpu.memory_space<semaphore_mem>> -> memref<1x!tpu.dma_semaphore, #tpu.memory_space<semaphore_mem>>
      %dma_start3A_1411 = tpu.memref_squeeze %dma_start3A_1410 : memref<1x!tpu.dma_semaphore, #tpu.memory_space<semaphore_mem>> -> memref<!tpu.dma_semaphore, #tpu.memory_space<semaphore_mem>>
      tpu.enqueue_indirect_dma source(%dma_start3A_1403 : memref<128x64xf32, #tpu.memory_space<vmem>>) target(%dma_start3A_1409 : memref<10240x64xf32, #tpu.memory_space<vmem_shared>>) offsets(%dma_start3A_1406 : memref<128xi32, #tpu.memory_space<vmem>>) semaphore(%dma_start3A_1411 : memref<!tpu.dma_semaphore, #tpu.memory_space<semaphore_mem>>) {add = true}
      %add3A_1412 = arith.constant 4 : i32
      %add3A_1413 = arith.addi %mul3A_963, %add3A_1412 : i32
      %add3A_1414 = arith.constant 4 : i32
      %add3A_1415 = arith.addi %add3A_1413, %add3A_1414 : i32
      %jit3A_1416 = arith.constant 6 : i32
      %eq3A_1417 = arith.constant 0 : i32
      %eq3A_1418 = arith.cmpi eq, %jit3A_1416, %eq3A_1417 : i32
      %jit3A_1419 = arith.constant 1 : i32
      %select_n3A_1420 = arith.select %eq3A_1418, %jit3A_1419, %jit3A_1416 : i32
      %rem3A_1421 = arith.remsi %add3A_1415, %select_n3A_1420 : i32
      %ne3A_1422 = arith.constant 0 : i32
      %ne3A_1423 = arith.cmpi ne, %rem3A_1421, %ne3A_1422 : i32
      %lt3A_1424 = arith.constant 0 : i32
      %lt3A_1425 = arith.cmpi slt, %rem3A_1421, %lt3A_1424 : i32
      %lt3A_1426 = arith.constant 0 : i32
      %lt3A_1427 = arith.cmpi slt, %select_n3A_1420, %lt3A_1426 : i32
      %ne3A_1428 = arith.xori %lt3A_1425, %lt3A_1427 : i1
      %and3A_1429 = arith.andi %ne3A_1428, %ne3A_1423 : i1
      %add3A_1430 = arith.addi %rem3A_1421, %select_n3A_1420 : i32
      %select_n3A_1431 = arith.select %and3A_1429, %add3A_1430, %rem3A_1421 : i32
      %sub3A_1432 = arith.constant 2 : i32
      %sub3A_1433 = arith.subi %add3A_1413, %sub3A_1432 : i32
      %dma_wait3A_1434 = arith.constant 0 : i32
      %dma_wait3A_1435 = arith.constant 0 : i32
      %dma_wait3A_1436 = tpu.memref_slice %arg8[%select_n3A_1431, %dma_wait3A_1434, %dma_wait3A_1435] : memref<6x128x64xf32, #tpu.memory_space<vmem>> -> memref<1x128x64xf32, #tpu.memory_space<vmem>>
      %dma_wait3A_1437 = tpu.memref_squeeze %dma_wait3A_1436 : memref<1x128x64xf32, #tpu.memory_space<vmem>> -> memref<128x64xf32, #tpu.memory_space<vmem>>
      %dma_wait3A_1438 = arith.constant 0 : i32
      %dma_wait3A_1439 = tpu.memref_slice %arg7[%sub3A_1433, %dma_wait3A_1438] : memref<157x128xi32, #tpu.memory_space<vmem>> -> memref<1x128xi32, #tpu.memory_space<vmem>>
      %dma_wait3A_1440 = tpu.memref_squeeze %dma_wait3A_1439 : memref<1x128xi32, #tpu.memory_space<vmem>> -> memref<128xi32, #tpu.memory_space<vmem>>
      %dma_wait3A_1441 = arith.constant 0 : i32
      %dma_wait3A_1442 = arith.constant 0 : i32
      %dma_wait3A_1443 = tpu.memref_slice %arg5[%dma_wait3A_1441, %dma_wait3A_1442] : memref<10240x64xf32, #tpu.memory_space<vmem_shared>> -> memref<10240x64xf32, #tpu.memory_space<vmem_shared>>
      %dma_wait3A_1444 = tpu.memref_slice %arg10[%select_n3A_1431] : memref<6x!tpu.dma_semaphore, #tpu.memory_space<semaphore_mem>> -> memref<1x!tpu.dma_semaphore, #tpu.memory_space<semaphore_mem>>
      %dma_wait3A_1445 = tpu.memref_squeeze %dma_wait3A_1444 : memref<1x!tpu.dma_semaphore, #tpu.memory_space<semaphore_mem>> -> memref<!tpu.dma_semaphore, #tpu.memory_space<semaphore_mem>>
      tpu.wait_indirect_dma semaphore(%dma_wait3A_1445 : memref<!tpu.dma_semaphore, #tpu.memory_space<semaphore_mem>>) src(%dma_wait3A_1437 : memref<128x64xf32, #tpu.memory_space<vmem>>) dst(%dma_wait3A_1443 : memref<10240x64xf32, #tpu.memory_space<vmem_shared>>)
      %add3A_1446 = arith.constant 4 : i32
      %add3A_1447 = arith.addi %add3A_1413, %add3A_1446 : i32
      %dma_start3A_1448 = arith.constant 0 : i32
      %dma_start3A_1449 = arith.constant 0 : i32
      %dma_start3A_1450 = tpu.memref_slice %arg8[%select_n3A_1431, %dma_start3A_1448, %dma_start3A_1449] : memref<6x128x64xf32, #tpu.memory_space<vmem>> -> memref<1x128x64xf32, #tpu.memory_space<vmem>>
      %dma_start3A_1451 = tpu.memref_squeeze %dma_start3A_1450 : memref<1x128x64xf32, #tpu.memory_space<vmem>> -> memref<128x64xf32, #tpu.memory_space<vmem>>
      %dma_start3A_1452 = arith.constant 0 : i32
      %dma_start3A_1453 = tpu.memref_slice %arg6[%add3A_1447, %dma_start3A_1452] : memref<157x128xi32, #tpu.memory_space<vmem>> -> memref<1x128xi32, #tpu.memory_space<vmem>>
      %dma_start3A_1454 = tpu.memref_squeeze %dma_start3A_1453 : memref<1x128xi32, #tpu.memory_space<vmem>> -> memref<128xi32, #tpu.memory_space<vmem>>
      %dma_start3A_1455 = arith.constant 0 : i32
      %dma_start3A_1456 = arith.constant 0 : i32
      %dma_start3A_1457 = tpu.memref_slice %arg2[%arg0, %dma_start3A_1455, %dma_start3A_1456] : memref<2x10000x64xf32, #tpu.memory_space<hbm>> -> memref<1x10000x64xf32, #tpu.memory_space<hbm>>
      %dma_start3A_1458 = tpu.memref_squeeze %dma_start3A_1457 : memref<1x10000x64xf32, #tpu.memory_space<hbm>> -> memref<10000x64xf32, #tpu.memory_space<hbm>>
      %dma_start3A_1459 = arith.constant 0 : i32
      %dma_start3A_1460 = arith.constant 0 : i32
      %dma_start3A_1461 = tpu.memref_slice %dma_start3A_1458[%dma_start3A_1459, %dma_start3A_1460] : memref<10000x64xf32, #tpu.memory_space<hbm>> -> memref<10000x64xf32, #tpu.memory_space<hbm>>
      %dma_start3A_1462 = tpu.memref_slice %arg9[%select_n3A_1431] : memref<6x!tpu.dma_semaphore, #tpu.memory_space<semaphore_mem>> -> memref<1x!tpu.dma_semaphore, #tpu.memory_space<semaphore_mem>>
      %dma_start3A_1463 = tpu.memref_squeeze %dma_start3A_1462 : memref<1x!tpu.dma_semaphore, #tpu.memory_space<semaphore_mem>> -> memref<!tpu.dma_semaphore, #tpu.memory_space<semaphore_mem>>
      tpu.enqueue_indirect_dma source(%dma_start3A_1461 : memref<10000x64xf32, #tpu.memory_space<hbm>>) target(%dma_start3A_1451 : memref<128x64xf32, #tpu.memory_space<vmem>>) offsets(%dma_start3A_1454 : memref<128xi32, #tpu.memory_space<vmem>>) semaphore(%dma_start3A_1463 : memref<!tpu.dma_semaphore, #tpu.memory_space<semaphore_mem>>)
      %jit3A_1464 = arith.constant 6 : i32
      %eq3A_1465 = arith.constant 0 : i32
      %eq3A_1466 = arith.cmpi eq, %jit3A_1464, %eq3A_1465 : i32
      %jit3A_1467 = arith.constant 1 : i32
      %select_n3A_1468 = arith.select %eq3A_1466, %jit3A_1467, %jit3A_1464 : i32
      %rem3A_1469 = arith.remsi %add3A_1413, %select_n3A_1468 : i32
      %ne3A_1470 = arith.constant 0 : i32
      %ne3A_1471 = arith.cmpi ne, %rem3A_1469, %ne3A_1470 : i32
      %lt3A_1472 = arith.constant 0 : i32
      %lt3A_1473 = arith.cmpi slt, %rem3A_1469, %lt3A_1472 : i32
      %lt3A_1474 = arith.constant 0 : i32
      %lt3A_1475 = arith.cmpi slt, %select_n3A_1468, %lt3A_1474 : i32
      %ne3A_1476 = arith.xori %lt3A_1473, %lt3A_1475 : i1
      %and3A_1477 = arith.andi %ne3A_1476, %ne3A_1471 : i1
      %add3A_1478 = arith.addi %rem3A_1469, %select_n3A_1468 : i32
      %select_n3A_1479 = arith.select %and3A_1477, %add3A_1478, %rem3A_1469 : i32
      %dma_wait3A_1480 = arith.constant 0 : i32
      %dma_wait3A_1481 = arith.constant 0 : i32
      %dma_wait3A_1482 = tpu.memref_slice %arg8[%select_n3A_1479, %dma_wait3A_1480, %dma_wait3A_1481] : memref<6x128x64xf32, #tpu.memory_space<vmem>> -> memref<1x128x64xf32, #tpu.memory_space<vmem>>
      %dma_wait3A_1483 = tpu.memref_squeeze %dma_wait3A_1482 : memref<1x128x64xf32, #tpu.memory_space<vmem>> -> memref<128x64xf32, #tpu.memory_space<vmem>>
      %dma_wait3A_1484 = arith.constant 0 : i32
      %dma_wait3A_1485 = tpu.memref_slice %arg6[%add3A_1413, %dma_wait3A_1484] : memref<157x128xi32, #tpu.memory_space<vmem>> -> memref<1x128xi32, #tpu.memory_space<vmem>>
      %dma_wait3A_1486 = tpu.memref_squeeze %dma_wait3A_1485 : memref<1x128xi32, #tpu.memory_space<vmem>> -> memref<128xi32, #tpu.memory_space<vmem>>
      %dma_wait3A_1487 = arith.constant 0 : i32
      %dma_wait3A_1488 = arith.constant 0 : i32
      %dma_wait3A_1489 = tpu.memref_slice %arg2[%arg0, %dma_wait3A_1487, %dma_wait3A_1488] : memref<2x10000x64xf32, #tpu.memory_space<hbm>> -> memref<1x10000x64xf32, #tpu.memory_space<hbm>>
      %dma_wait3A_1490 = tpu.memref_squeeze %dma_wait3A_1489 : memref<1x10000x64xf32, #tpu.memory_space<hbm>> -> memref<10000x64xf32, #tpu.memory_space<hbm>>
      %dma_wait3A_1491 = arith.constant 0 : i32
      %dma_wait3A_1492 = arith.constant 0 : i32
      %dma_wait3A_1493 = tpu.memref_slice %dma_wait3A_1490[%dma_wait3A_1491, %dma_wait3A_1492] : memref<10000x64xf32, #tpu.memory_space<hbm>> -> memref<10000x64xf32, #tpu.memory_space<hbm>>
      %dma_wait3A_1494 = tpu.memref_slice %arg9[%select_n3A_1479] : memref<6x!tpu.dma_semaphore, #tpu.memory_space<semaphore_mem>> -> memref<1x!tpu.dma_semaphore, #tpu.memory_space<semaphore_mem>>
      %dma_wait3A_1495 = tpu.memref_squeeze %dma_wait3A_1494 : memref<1x!tpu.dma_semaphore, #tpu.memory_space<semaphore_mem>> -> memref<!tpu.dma_semaphore, #tpu.memory_space<semaphore_mem>>
      tpu.wait_indirect_dma semaphore(%dma_wait3A_1495 : memref<!tpu.dma_semaphore, #tpu.memory_space<semaphore_mem>>) src(%dma_wait3A_1493 : memref<10000x64xf32, #tpu.memory_space<hbm>>) dst(%dma_wait3A_1483 : memref<128x64xf32, #tpu.memory_space<vmem>>)
      %jit3A_1496 = arith.constant 6 : i32
      %eq3A_1497 = arith.constant 0 : i32
      %eq3A_1498 = arith.cmpi eq, %jit3A_1496, %eq3A_1497 : i32
      %jit3A_1499 = arith.constant 1 : i32
      %select_n3A_1500 = arith.select %eq3A_1498, %jit3A_1499, %jit3A_1496 : i32
      %rem3A_1501 = arith.remsi %add3A_1413, %select_n3A_1500 : i32
      %ne3A_1502 = arith.constant 0 : i32
      %ne3A_1503 = arith.cmpi ne, %rem3A_1501, %ne3A_1502 : i32
      %lt3A_1504 = arith.constant 0 : i32
      %lt3A_1505 = arith.cmpi slt, %rem3A_1501, %lt3A_1504 : i32
      %lt3A_1506 = arith.constant 0 : i32
      %lt3A_1507 = arith.cmpi slt, %select_n3A_1500, %lt3A_1506 : i32
      %ne3A_1508 = arith.xori %lt3A_1505, %lt3A_1507 : i1
      %and3A_1509 = arith.andi %ne3A_1508, %ne3A_1503 : i1
      %add3A_1510 = arith.addi %rem3A_1501, %select_n3A_1500 : i32
      %select_n3A_1511 = arith.select %and3A_1509, %add3A_1510, %rem3A_1501 : i32
      %dma_start3A_1512 = arith.constant 0 : i32
      %dma_start3A_1513 = arith.constant 0 : i32
      %dma_start3A_1514 = tpu.memref_slice %arg8[%select_n3A_1511, %dma_start3A_1512, %dma_start3A_1513] : memref<6x128x64xf32, #tpu.memory_space<vmem>> -> memref<1x128x64xf32, #tpu.memory_space<vmem>>
      %dma_start3A_1515 = tpu.memref_squeeze %dma_start3A_1514 : memref<1x128x64xf32, #tpu.memory_space<vmem>> -> memref<128x64xf32, #tpu.memory_space<vmem>>
      %dma_start3A_1516 = arith.constant 0 : i32
      %dma_start3A_1517 = tpu.memref_slice %arg7[%add3A_1413, %dma_start3A_1516] : memref<157x128xi32, #tpu.memory_space<vmem>> -> memref<1x128xi32, #tpu.memory_space<vmem>>
      %dma_start3A_1518 = tpu.memref_squeeze %dma_start3A_1517 : memref<1x128xi32, #tpu.memory_space<vmem>> -> memref<128xi32, #tpu.memory_space<vmem>>
      %dma_start3A_1519 = arith.constant 0 : i32
      %dma_start3A_1520 = arith.constant 0 : i32
      %dma_start3A_1521 = tpu.memref_slice %arg5[%dma_start3A_1519, %dma_start3A_1520] : memref<10240x64xf32, #tpu.memory_space<vmem_shared>> -> memref<10240x64xf32, #tpu.memory_space<vmem_shared>>
      %dma_start3A_1522 = tpu.memref_slice %arg10[%select_n3A_1511] : memref<6x!tpu.dma_semaphore, #tpu.memory_space<semaphore_mem>> -> memref<1x!tpu.dma_semaphore, #tpu.memory_space<semaphore_mem>>
      %dma_start3A_1523 = tpu.memref_squeeze %dma_start3A_1522 : memref<1x!tpu.dma_semaphore, #tpu.memory_space<semaphore_mem>> -> memref<!tpu.dma_semaphore, #tpu.memory_space<semaphore_mem>>
      tpu.enqueue_indirect_dma source(%dma_start3A_1515 : memref<128x64xf32, #tpu.memory_space<vmem>>) target(%dma_start3A_1521 : memref<10240x64xf32, #tpu.memory_space<vmem_shared>>) offsets(%dma_start3A_1518 : memref<128xi32, #tpu.memory_space<vmem>>) semaphore(%dma_start3A_1523 : memref<!tpu.dma_semaphore, #tpu.memory_space<semaphore_mem>>) {add = true}
      %add3A_1524 = arith.constant 5 : i32
      %add3A_1525 = arith.addi %mul3A_963, %add3A_1524 : i32
      %add3A_1526 = arith.constant 4 : i32
      %add3A_1527 = arith.addi %add3A_1525, %add3A_1526 : i32
      %jit3A_1528 = arith.constant 6 : i32
      %eq3A_1529 = arith.constant 0 : i32
      %eq3A_1530 = arith.cmpi eq, %jit3A_1528, %eq3A_1529 : i32
      %jit3A_1531 = arith.constant 1 : i32
      %select_n3A_1532 = arith.select %eq3A_1530, %jit3A_1531, %jit3A_1528 : i32
      %rem3A_1533 = arith.remsi %add3A_1527, %select_n3A_1532 : i32
      %ne3A_1534 = arith.constant 0 : i32
      %ne3A_1535 = arith.cmpi ne, %rem3A_1533, %ne3A_1534 : i32
      %lt3A_1536 = arith.constant 0 : i32
      %lt3A_1537 = arith.cmpi slt, %rem3A_1533, %lt3A_1536 : i32
      %lt3A_1538 = arith.constant 0 : i32
      %lt3A_1539 = arith.cmpi slt, %select_n3A_1532, %lt3A_1538 : i32
      %ne3A_1540 = arith.xori %lt3A_1537, %lt3A_1539 : i1
      %and3A_1541 = arith.andi %ne3A_1540, %ne3A_1535 : i1
      %add3A_1542 = arith.addi %rem3A_1533, %select_n3A_1532 : i32
      %select_n3A_1543 = arith.select %and3A_1541, %add3A_1542, %rem3A_1533 : i32
      %sub3A_1544 = arith.constant 2 : i32
      %sub3A_1545 = arith.subi %add3A_1525, %sub3A_1544 : i32
      %dma_wait3A_1546 = arith.constant 0 : i32
      %dma_wait3A_1547 = arith.constant 0 : i32
      %dma_wait3A_1548 = tpu.memref_slice %arg8[%select_n3A_1543, %dma_wait3A_1546, %dma_wait3A_1547] : memref<6x128x64xf32, #tpu.memory_space<vmem>> -> memref<1x128x64xf32, #tpu.memory_space<vmem>>
      %dma_wait3A_1549 = tpu.memref_squeeze %dma_wait3A_1548 : memref<1x128x64xf32, #tpu.memory_space<vmem>> -> memref<128x64xf32, #tpu.memory_space<vmem>>
      %dma_wait3A_1550 = arith.constant 0 : i32
      %dma_wait3A_1551 = tpu.memref_slice %arg7[%sub3A_1545, %dma_wait3A_1550] : memref<157x128xi32, #tpu.memory_space<vmem>> -> memref<1x128xi32, #tpu.memory_space<vmem>>
      %dma_wait3A_1552 = tpu.memref_squeeze %dma_wait3A_1551 : memref<1x128xi32, #tpu.memory_space<vmem>> -> memref<128xi32, #tpu.memory_space<vmem>>
      %dma_wait3A_1553 = arith.constant 0 : i32
      %dma_wait3A_1554 = arith.constant 0 : i32
      %dma_wait3A_1555 = tpu.memref_slice %arg5[%dma_wait3A_1553, %dma_wait3A_1554] : memref<10240x64xf32, #tpu.memory_space<vmem_shared>> -> memref<10240x64xf32, #tpu.memory_space<vmem_shared>>
      %dma_wait3A_1556 = tpu.memref_slice %arg10[%select_n3A_1543] : memref<6x!tpu.dma_semaphore, #tpu.memory_space<semaphore_mem>> -> memref<1x!tpu.dma_semaphore, #tpu.memory_space<semaphore_mem>>
      %dma_wait3A_1557 = tpu.memref_squeeze %dma_wait3A_1556 : memref<1x!tpu.dma_semaphore, #tpu.memory_space<semaphore_mem>> -> memref<!tpu.dma_semaphore, #tpu.memory_space<semaphore_mem>>
      tpu.wait_indirect_dma semaphore(%dma_wait3A_1557 : memref<!tpu.dma_semaphore, #tpu.memory_space<semaphore_mem>>) src(%dma_wait3A_1549 : memref<128x64xf32, #tpu.memory_space<vmem>>) dst(%dma_wait3A_1555 : memref<10240x64xf32, #tpu.memory_space<vmem_shared>>)
      %add3A_1558 = arith.constant 4 : i32
      %add3A_1559 = arith.addi %add3A_1525, %add3A_1558 : i32
      %dma_start3A_1560 = arith.constant 0 : i32
      %dma_start3A_1561 = arith.constant 0 : i32
      %dma_start3A_1562 = tpu.memref_slice %arg8[%select_n3A_1543, %dma_start3A_1560, %dma_start3A_1561] : memref<6x128x64xf32, #tpu.memory_space<vmem>> -> memref<1x128x64xf32, #tpu.memory_space<vmem>>
      %dma_start3A_1563 = tpu.memref_squeeze %dma_start3A_1562 : memref<1x128x64xf32, #tpu.memory_space<vmem>> -> memref<128x64xf32, #tpu.memory_space<vmem>>
      %dma_start3A_1564 = arith.constant 0 : i32
      %dma_start3A_1565 = tpu.memref_slice %arg6[%add3A_1559, %dma_start3A_1564] : memref<157x128xi32, #tpu.memory_space<vmem>> -> memref<1x128xi32, #tpu.memory_space<vmem>>
      %dma_start3A_1566 = tpu.memref_squeeze %dma_start3A_1565 : memref<1x128xi32, #tpu.memory_space<vmem>> -> memref<128xi32, #tpu.memory_space<vmem>>
      %dma_start3A_1567 = arith.constant 0 : i32
      %dma_start3A_1568 = arith.constant 0 : i32
      %dma_start3A_1569 = tpu.memref_slice %arg2[%arg0, %dma_start3A_1567, %dma_start3A_1568] : memref<2x10000x64xf32, #tpu.memory_space<hbm>> -> memref<1x10000x64xf32, #tpu.memory_space<hbm>>
      %dma_start3A_1570 = tpu.memref_squeeze %dma_start3A_1569 : memref<1x10000x64xf32, #tpu.memory_space<hbm>> -> memref<10000x64xf32, #tpu.memory_space<hbm>>
      %dma_start3A_1571 = arith.constant 0 : i32
      %dma_start3A_1572 = arith.constant 0 : i32
      %dma_start3A_1573 = tpu.memref_slice %dma_start3A_1570[%dma_start3A_1571, %dma_start3A_1572] : memref<10000x64xf32, #tpu.memory_space<hbm>> -> memref<10000x64xf32, #tpu.memory_space<hbm>>
      %dma_start3A_1574 = tpu.memref_slice %arg9[%select_n3A_1543] : memref<6x!tpu.dma_semaphore, #tpu.memory_space<semaphore_mem>> -> memref<1x!tpu.dma_semaphore, #tpu.memory_space<semaphore_mem>>
      %dma_start3A_1575 = tpu.memref_squeeze %dma_start3A_1574 : memref<1x!tpu.dma_semaphore, #tpu.memory_space<semaphore_mem>> -> memref<!tpu.dma_semaphore, #tpu.memory_space<semaphore_mem>>
      tpu.enqueue_indirect_dma source(%dma_start3A_1573 : memref<10000x64xf32, #tpu.memory_space<hbm>>) target(%dma_start3A_1563 : memref<128x64xf32, #tpu.memory_space<vmem>>) offsets(%dma_start3A_1566 : memref<128xi32, #tpu.memory_space<vmem>>) semaphore(%dma_start3A_1575 : memref<!tpu.dma_semaphore, #tpu.memory_space<semaphore_mem>>)
      %jit3A_1576 = arith.constant 6 : i32
      %eq3A_1577 = arith.constant 0 : i32
      %eq3A_1578 = arith.cmpi eq, %jit3A_1576, %eq3A_1577 : i32
      %jit3A_1579 = arith.constant 1 : i32
      %select_n3A_1580 = arith.select %eq3A_1578, %jit3A_1579, %jit3A_1576 : i32
      %rem3A_1581 = arith.remsi %add3A_1525, %select_n3A_1580 : i32
      %ne3A_1582 = arith.constant 0 : i32
      %ne3A_1583 = arith.cmpi ne, %rem3A_1581, %ne3A_1582 : i32
      %lt3A_1584 = arith.constant 0 : i32
      %lt3A_1585 = arith.cmpi slt, %rem3A_1581, %lt3A_1584 : i32
      %lt3A_1586 = arith.constant 0 : i32
      %lt3A_1587 = arith.cmpi slt, %select_n3A_1580, %lt3A_1586 : i32
      %ne3A_1588 = arith.xori %lt3A_1585, %lt3A_1587 : i1
      %and3A_1589 = arith.andi %ne3A_1588, %ne3A_1583 : i1
      %add3A_1590 = arith.addi %rem3A_1581, %select_n3A_1580 : i32
      %select_n3A_1591 = arith.select %and3A_1589, %add3A_1590, %rem3A_1581 : i32
      %dma_wait3A_1592 = arith.constant 0 : i32
      %dma_wait3A_1593 = arith.constant 0 : i32
      %dma_wait3A_1594 = tpu.memref_slice %arg8[%select_n3A_1591, %dma_wait3A_1592, %dma_wait3A_1593] : memref<6x128x64xf32, #tpu.memory_space<vmem>> -> memref<1x128x64xf32, #tpu.memory_space<vmem>>
      %dma_wait3A_1595 = tpu.memref_squeeze %dma_wait3A_1594 : memref<1x128x64xf32, #tpu.memory_space<vmem>> -> memref<128x64xf32, #tpu.memory_space<vmem>>
      %dma_wait3A_1596 = arith.constant 0 : i32
      %dma_wait3A_1597 = tpu.memref_slice %arg6[%add3A_1525, %dma_wait3A_1596] : memref<157x128xi32, #tpu.memory_space<vmem>> -> memref<1x128xi32, #tpu.memory_space<vmem>>
      %dma_wait3A_1598 = tpu.memref_squeeze %dma_wait3A_1597 : memref<1x128xi32, #tpu.memory_space<vmem>> -> memref<128xi32, #tpu.memory_space<vmem>>
      %dma_wait3A_1599 = arith.constant 0 : i32
      %dma_wait3A_1600 = arith.constant 0 : i32
      %dma_wait3A_1601 = tpu.memref_slice %arg2[%arg0, %dma_wait3A_1599, %dma_wait3A_1600] : memref<2x10000x64xf32, #tpu.memory_space<hbm>> -> memref<1x10000x64xf32, #tpu.memory_space<hbm>>
      %dma_wait3A_1602 = tpu.memref_squeeze %dma_wait3A_1601 : memref<1x10000x64xf32, #tpu.memory_space<hbm>> -> memref<10000x64xf32, #tpu.memory_space<hbm>>
      %dma_wait3A_1603 = arith.constant 0 : i32
      %dma_wait3A_1604 = arith.constant 0 : i32
      %dma_wait3A_1605 = tpu.memref_slice %dma_wait3A_1602[%dma_wait3A_1603, %dma_wait3A_1604] : memref<10000x64xf32, #tpu.memory_space<hbm>> -> memref<10000x64xf32, #tpu.memory_space<hbm>>
      %dma_wait3A_1606 = tpu.memref_slice %arg9[%select_n3A_1591] : memref<6x!tpu.dma_semaphore, #tpu.memory_space<semaphore_mem>> -> memref<1x!tpu.dma_semaphore, #tpu.memory_space<semaphore_mem>>
      %dma_wait3A_1607 = tpu.memref_squeeze %dma_wait3A_1606 : memref<1x!tpu.dma_semaphore, #tpu.memory_space<semaphore_mem>> -> memref<!tpu.dma_semaphore, #tpu.memory_space<semaphore_mem>>
      tpu.wait_indirect_dma semaphore(%dma_wait3A_1607 : memref<!tpu.dma_semaphore, #tpu.memory_space<semaphore_mem>>) src(%dma_wait3A_1605 : memref<10000x64xf32, #tpu.memory_space<hbm>>) dst(%dma_wait3A_1595 : memref<128x64xf32, #tpu.memory_space<vmem>>)
      %jit3A_1608 = arith.constant 6 : i32
      %eq3A_1609 = arith.constant 0 : i32
      %eq3A_1610 = arith.cmpi eq, %jit3A_1608, %eq3A_1609 : i32
      %jit3A_1611 = arith.constant 1 : i32
      %select_n3A_1612 = arith.select %eq3A_1610, %jit3A_1611, %jit3A_1608 : i32
      %rem3A_1613 = arith.remsi %add3A_1525, %select_n3A_1612 : i32
      %ne3A_1614 = arith.constant 0 : i32
      %ne3A_1615 = arith.cmpi ne, %rem3A_1613, %ne3A_1614 : i32
      %lt3A_1616 = arith.constant 0 : i32
      %lt3A_1617 = arith.cmpi slt, %rem3A_1613, %lt3A_1616 : i32
      %lt3A_1618 = arith.constant 0 : i32
      %lt3A_1619 = arith.cmpi slt, %select_n3A_1612, %lt3A_1618 : i32
      %ne3A_1620 = arith.xori %lt3A_1617, %lt3A_1619 : i1
      %and3A_1621 = arith.andi %ne3A_1620, %ne3A_1615 : i1
      %add3A_1622 = arith.addi %rem3A_1613, %select_n3A_1612 : i32
      %select_n3A_1623 = arith.select %and3A_1621, %add3A_1622, %rem3A_1613 : i32
      %dma_start3A_1624 = arith.constant 0 : i32
      %dma_start3A_1625 = arith.constant 0 : i32
      %dma_start3A_1626 = tpu.memref_slice %arg8[%select_n3A_1623, %dma_start3A_1624, %dma_start3A_1625] : memref<6x128x64xf32, #tpu.memory_space<vmem>> -> memref<1x128x64xf32, #tpu.memory_space<vmem>>
      %dma_start3A_1627 = tpu.memref_squeeze %dma_start3A_1626 : memref<1x128x64xf32, #tpu.memory_space<vmem>> -> memref<128x64xf32, #tpu.memory_space<vmem>>
      %dma_start3A_1628 = arith.constant 0 : i32
      %dma_start3A_1629 = tpu.memref_slice %arg7[%add3A_1525, %dma_start3A_1628] : memref<157x128xi32, #tpu.memory_space<vmem>> -> memref<1x128xi32, #tpu.memory_space<vmem>>
      %dma_start3A_1630 = tpu.memref_squeeze %dma_start3A_1629 : memref<1x128xi32, #tpu.memory_space<vmem>> -> memref<128xi32, #tpu.memory_space<vmem>>
      %dma_start3A_1631 = arith.constant 0 : i32
      %dma_start3A_1632 = arith.constant 0 : i32
      %dma_start3A_1633 = tpu.memref_slice %arg5[%dma_start3A_1631, %dma_start3A_1632] : memref<10240x64xf32, #tpu.memory_space<vmem_shared>> -> memref<10240x64xf32, #tpu.memory_space<vmem_shared>>
      %dma_start3A_1634 = tpu.memref_slice %arg10[%select_n3A_1623] : memref<6x!tpu.dma_semaphore, #tpu.memory_space<semaphore_mem>> -> memref<1x!tpu.dma_semaphore, #tpu.memory_space<semaphore_mem>>
      %dma_start3A_1635 = tpu.memref_squeeze %dma_start3A_1634 : memref<1x!tpu.dma_semaphore, #tpu.memory_space<semaphore_mem>> -> memref<!tpu.dma_semaphore, #tpu.memory_space<semaphore_mem>>
      tpu.enqueue_indirect_dma source(%dma_start3A_1627 : memref<128x64xf32, #tpu.memory_space<vmem>>) target(%dma_start3A_1633 : memref<10240x64xf32, #tpu.memory_space<vmem_shared>>) offsets(%dma_start3A_1630 : memref<128xi32, #tpu.memory_space<vmem>>) semaphore(%dma_start3A_1635 : memref<!tpu.dma_semaphore, #tpu.memory_space<semaphore_mem>>) {add = true}
      %scan3A_1636 = arith.constant 0 : i32
      scf.yield %scan3A_1636 : i32
    }
    %scan3A_578 = arith.constant 24 : i32
    %dma_wait3A_579 = arith.constant 4 : i32
    %dma_wait3A_580 = arith.constant 148 : i32
    %dma_wait3A_581 = arith.constant 4 : i32
    %dma_wait3A_582 = arith.constant 0 : i32
    %dma_wait3A_583 = arith.constant 0 : i32
    %dma_wait3A_584 = tpu.memref_slice %arg8[%dma_wait3A_579, %dma_wait3A_582, %dma_wait3A_583] : memref<6x128x64xf32, #tpu.memory_space<vmem>> -> memref<1x128x64xf32, #tpu.memory_space<vmem>>
    %dma_wait3A_585 = tpu.memref_squeeze %dma_wait3A_584 : memref<1x128x64xf32, #tpu.memory_space<vmem>> -> memref<128x64xf32, #tpu.memory_space<vmem>>
    %dma_wait3A_586 = arith.constant 0 : i32
    %dma_wait3A_587 = tpu.memref_slice %arg7[%dma_wait3A_580, %dma_wait3A_586] : memref<157x128xi32, #tpu.memory_space<vmem>> -> memref<1x128xi32, #tpu.memory_space<vmem>>
    %dma_wait3A_588 = tpu.memref_squeeze %dma_wait3A_587 : memref<1x128xi32, #tpu.memory_space<vmem>> -> memref<128xi32, #tpu.memory_space<vmem>>
    %dma_wait3A_589 = arith.constant 0 : i32
    %dma_wait3A_590 = arith.constant 0 : i32
    %dma_wait3A_591 = tpu.memref_slice %arg5[%dma_wait3A_589, %dma_wait3A_590] : memref<10240x64xf32, #tpu.memory_space<vmem_shared>> -> memref<10240x64xf32, #tpu.memory_space<vmem_shared>>
    %dma_wait3A_592 = tpu.memref_slice %arg10[%dma_wait3A_581] : memref<6x!tpu.dma_semaphore, #tpu.memory_space<semaphore_mem>> -> memref<1x!tpu.dma_semaphore, #tpu.memory_space<semaphore_mem>>
    %dma_wait3A_593 = tpu.memref_squeeze %dma_wait3A_592 : memref<1x!tpu.dma_semaphore, #tpu.memory_space<semaphore_mem>> -> memref<!tpu.dma_semaphore, #tpu.memory_space<semaphore_mem>>
    tpu.wait_indirect_dma semaphore(%dma_wait3A_593 : memref<!tpu.dma_semaphore, #tpu.memory_space<semaphore_mem>>) src(%dma_wait3A_585 : memref<128x64xf32, #tpu.memory_space<vmem>>) dst(%dma_wait3A_591 : memref<10240x64xf32, #tpu.memory_space<vmem_shared>>)
    %dma_start3A_594 = arith.constant 154 : i32
    %dma_start3A_595 = arith.constant 4 : i32
    %dma_start3A_596 = arith.constant 4 : i32
    %dma_start3A_597 = arith.constant 0 : i32
    %dma_start3A_598 = arith.constant 0 : i32
    %dma_start3A_599 = tpu.memref_slice %arg8[%dma_start3A_595, %dma_start3A_597, %dma_start3A_598] : memref<6x128x64xf32, #tpu.memory_space<vmem>> -> memref<1x128x64xf32, #tpu.memory_space<vmem>>
    %dma_start3A_600 = tpu.memref_squeeze %dma_start3A_599 : memref<1x128x64xf32, #tpu.memory_space<vmem>> -> memref<128x64xf32, #tpu.memory_space<vmem>>
    %dma_start3A_601 = arith.constant 0 : i32
    %dma_start3A_602 = tpu.memref_slice %arg6[%dma_start3A_594, %dma_start3A_601] : memref<157x128xi32, #tpu.memory_space<vmem>> -> memref<1x128xi32, #tpu.memory_space<vmem>>
    %dma_start3A_603 = tpu.memref_squeeze %dma_start3A_602 : memref<1x128xi32, #tpu.memory_space<vmem>> -> memref<128xi32, #tpu.memory_space<vmem>>
    %dma_start3A_604 = arith.constant 0 : i32
    %dma_start3A_605 = arith.constant 0 : i32
    %dma_start3A_606 = tpu.memref_slice %arg2[%arg0, %dma_start3A_604, %dma_start3A_605] : memref<2x10000x64xf32, #tpu.memory_space<hbm>> -> memref<1x10000x64xf32, #tpu.memory_space<hbm>>
    %dma_start3A_607 = tpu.memref_squeeze %dma_start3A_606 : memref<1x10000x64xf32, #tpu.memory_space<hbm>> -> memref<10000x64xf32, #tpu.memory_space<hbm>>
    %dma_start3A_608 = arith.constant 0 : i32
    %dma_start3A_609 = arith.constant 0 : i32
    %dma_start3A_610 = tpu.memref_slice %dma_start3A_607[%dma_start3A_608, %dma_start3A_609] : memref<10000x64xf32, #tpu.memory_space<hbm>> -> memref<10000x64xf32, #tpu.memory_space<hbm>>
    %dma_start3A_611 = tpu.memref_slice %arg9[%dma_start3A_596] : memref<6x!tpu.dma_semaphore, #tpu.memory_space<semaphore_mem>> -> memref<1x!tpu.dma_semaphore, #tpu.memory_space<semaphore_mem>>
    %dma_start3A_612 = tpu.memref_squeeze %dma_start3A_611 : memref<1x!tpu.dma_semaphore, #tpu.memory_space<semaphore_mem>> -> memref<!tpu.dma_semaphore, #tpu.memory_space<semaphore_mem>>
    tpu.enqueue_indirect_dma source(%dma_start3A_610 : memref<10000x64xf32, #tpu.memory_space<hbm>>) target(%dma_start3A_600 : memref<128x64xf32, #tpu.memory_space<vmem>>) offsets(%dma_start3A_603 : memref<128xi32, #tpu.memory_space<vmem>>) semaphore(%dma_start3A_612 : memref<!tpu.dma_semaphore, #tpu.memory_space<semaphore_mem>>)
    %dma_wait3A_613 = arith.constant 150 : i32
    %dma_wait3A_614 = arith.constant 0 : i32
    %dma_wait3A_615 = arith.constant 0 : i32
    %dma_wait3A_616 = arith.constant 0 : i32
    %dma_wait3A_617 = arith.constant 0 : i32
    %dma_wait3A_618 = tpu.memref_slice %arg8[%dma_wait3A_614, %dma_wait3A_616, %dma_wait3A_617] : memref<6x128x64xf32, #tpu.memory_space<vmem>> -> memref<1x128x64xf32, #tpu.memory_space<vmem>>
    %dma_wait3A_619 = tpu.memref_squeeze %dma_wait3A_618 : memref<1x128x64xf32, #tpu.memory_space<vmem>> -> memref<128x64xf32, #tpu.memory_space<vmem>>
    %dma_wait3A_620 = arith.constant 0 : i32
    %dma_wait3A_621 = tpu.memref_slice %arg6[%dma_wait3A_613, %dma_wait3A_620] : memref<157x128xi32, #tpu.memory_space<vmem>> -> memref<1x128xi32, #tpu.memory_space<vmem>>
    %dma_wait3A_622 = tpu.memref_squeeze %dma_wait3A_621 : memref<1x128xi32, #tpu.memory_space<vmem>> -> memref<128xi32, #tpu.memory_space<vmem>>
    %dma_wait3A_623 = arith.constant 0 : i32
    %dma_wait3A_624 = arith.constant 0 : i32
    %dma_wait3A_625 = tpu.memref_slice %arg2[%arg0, %dma_wait3A_623, %dma_wait3A_624] : memref<2x10000x64xf32, #tpu.memory_space<hbm>> -> memref<1x10000x64xf32, #tpu.memory_space<hbm>>
    %dma_wait3A_626 = tpu.memref_squeeze %dma_wait3A_625 : memref<1x10000x64xf32, #tpu.memory_space<hbm>> -> memref<10000x64xf32, #tpu.memory_space<hbm>>
    %dma_wait3A_627 = arith.constant 0 : i32
    %dma_wait3A_628 = arith.constant 0 : i32
    %dma_wait3A_629 = tpu.memref_slice %dma_wait3A_626[%dma_wait3A_627, %dma_wait3A_628] : memref<10000x64xf32, #tpu.memory_space<hbm>> -> memref<10000x64xf32, #tpu.memory_space<hbm>>
    %dma_wait3A_630 = tpu.memref_slice %arg9[%dma_wait3A_615] : memref<6x!tpu.dma_semaphore, #tpu.memory_space<semaphore_mem>> -> memref<1x!tpu.dma_semaphore, #tpu.memory_space<semaphore_mem>>
    %dma_wait3A_631 = tpu.memref_squeeze %dma_wait3A_630 : memref<1x!tpu.dma_semaphore, #tpu.memory_space<semaphore_mem>> -> memref<!tpu.dma_semaphore, #tpu.memory_space<semaphore_mem>>
    tpu.wait_indirect_dma semaphore(%dma_wait3A_631 : memref<!tpu.dma_semaphore, #tpu.memory_space<semaphore_mem>>) src(%dma_wait3A_629 : memref<10000x64xf32, #tpu.memory_space<hbm>>) dst(%dma_wait3A_619 : memref<128x64xf32, #tpu.memory_space<vmem>>)
    %dma_start3A_632 = arith.constant 0 : i32
    %dma_start3A_633 = arith.constant 150 : i32
    %dma_start3A_634 = arith.constant 0 : i32
    %dma_start3A_635 = arith.constant 0 : i32
    %dma_start3A_636 = arith.constant 0 : i32
    %dma_start3A_637 = tpu.memref_slice %arg8[%dma_start3A_632, %dma_start3A_635, %dma_start3A_636] : memref<6x128x64xf32, #tpu.memory_space<vmem>> -> memref<1x128x64xf32, #tpu.memory_space<vmem>>
    %dma_start3A_638 = tpu.memref_squeeze %dma_start3A_637 : memref<1x128x64xf32, #tpu.memory_space<vmem>> -> memref<128x64xf32, #tpu.memory_space<vmem>>
    %dma_start3A_639 = arith.constant 0 : i32
    %dma_start3A_640 = tpu.memref_slice %arg7[%dma_start3A_633, %dma_start3A_639] : memref<157x128xi32, #tpu.memory_space<vmem>> -> memref<1x128xi32, #tpu.memory_space<vmem>>
    %dma_start3A_641 = tpu.memref_squeeze %dma_start3A_640 : memref<1x128xi32, #tpu.memory_space<vmem>> -> memref<128xi32, #tpu.memory_space<vmem>>
    %dma_start3A_642 = arith.constant 0 : i32
    %dma_start3A_643 = arith.constant 0 : i32
    %dma_start3A_644 = tpu.memref_slice %arg5[%dma_start3A_642, %dma_start3A_643] : memref<10240x64xf32, #tpu.memory_space<vmem_shared>> -> memref<10240x64xf32, #tpu.memory_space<vmem_shared>>
    %dma_start3A_645 = tpu.memref_slice %arg10[%dma_start3A_634] : memref<6x!tpu.dma_semaphore, #tpu.memory_space<semaphore_mem>> -> memref<1x!tpu.dma_semaphore, #tpu.memory_space<semaphore_mem>>
    %dma_start3A_646 = tpu.memref_squeeze %dma_start3A_645 : memref<1x!tpu.dma_semaphore, #tpu.memory_space<semaphore_mem>> -> memref<!tpu.dma_semaphore, #tpu.memory_space<semaphore_mem>>
    tpu.enqueue_indirect_dma source(%dma_start3A_638 : memref<128x64xf32, #tpu.memory_space<vmem>>) target(%dma_start3A_644 : memref<10240x64xf32, #tpu.memory_space<vmem_shared>>) offsets(%dma_start3A_641 : memref<128xi32, #tpu.memory_space<vmem>>) semaphore(%dma_start3A_646 : memref<!tpu.dma_semaphore, #tpu.memory_space<semaphore_mem>>) {add = true}
    %dma_wait3A_647 = arith.constant 5 : i32
    %dma_wait3A_648 = arith.constant 149 : i32
    %dma_wait3A_649 = arith.constant 5 : i32
    %dma_wait3A_650 = arith.constant 0 : i32
    %dma_wait3A_651 = arith.constant 0 : i32
    %dma_wait3A_652 = tpu.memref_slice %arg8[%dma_wait3A_647, %dma_wait3A_650, %dma_wait3A_651] : memref<6x128x64xf32, #tpu.memory_space<vmem>> -> memref<1x128x64xf32, #tpu.memory_space<vmem>>
    %dma_wait3A_653 = tpu.memref_squeeze %dma_wait3A_652 : memref<1x128x64xf32, #tpu.memory_space<vmem>> -> memref<128x64xf32, #tpu.memory_space<vmem>>
    %dma_wait3A_654 = arith.constant 0 : i32
    %dma_wait3A_655 = tpu.memref_slice %arg7[%dma_wait3A_648, %dma_wait3A_654] : memref<157x128xi32, #tpu.memory_space<vmem>> -> memref<1x128xi32, #tpu.memory_space<vmem>>
    %dma_wait3A_656 = tpu.memref_squeeze %dma_wait3A_655 : memref<1x128xi32, #tpu.memory_space<vmem>> -> memref<128xi32, #tpu.memory_space<vmem>>
    %dma_wait3A_657 = arith.constant 0 : i32
    %dma_wait3A_658 = arith.constant 0 : i32
    %dma_wait3A_659 = tpu.memref_slice %arg5[%dma_wait3A_657, %dma_wait3A_658] : memref<10240x64xf32, #tpu.memory_space<vmem_shared>> -> memref<10240x64xf32, #tpu.memory_space<vmem_shared>>
    %dma_wait3A_660 = tpu.memref_slice %arg10[%dma_wait3A_649] : memref<6x!tpu.dma_semaphore, #tpu.memory_space<semaphore_mem>> -> memref<1x!tpu.dma_semaphore, #tpu.memory_space<semaphore_mem>>
    %dma_wait3A_661 = tpu.memref_squeeze %dma_wait3A_660 : memref<1x!tpu.dma_semaphore, #tpu.memory_space<semaphore_mem>> -> memref<!tpu.dma_semaphore, #tpu.memory_space<semaphore_mem>>
    tpu.wait_indirect_dma semaphore(%dma_wait3A_661 : memref<!tpu.dma_semaphore, #tpu.memory_space<semaphore_mem>>) src(%dma_wait3A_653 : memref<128x64xf32, #tpu.memory_space<vmem>>) dst(%dma_wait3A_659 : memref<10240x64xf32, #tpu.memory_space<vmem_shared>>)
    %dma_start3A_662 = arith.constant 155 : i32
    %dma_start3A_663 = arith.constant 5 : i32
    %dma_start3A_664 = arith.constant 5 : i32
    %dma_start3A_665 = arith.constant 0 : i32
    %dma_start3A_666 = arith.constant 0 : i32
    %dma_start3A_667 = tpu.memref_slice %arg8[%dma_start3A_663, %dma_start3A_665, %dma_start3A_666] : memref<6x128x64xf32, #tpu.memory_space<vmem>> -> memref<1x128x64xf32, #tpu.memory_space<vmem>>
    %dma_start3A_668 = tpu.memref_squeeze %dma_start3A_667 : memref<1x128x64xf32, #tpu.memory_space<vmem>> -> memref<128x64xf32, #tpu.memory_space<vmem>>
    %dma_start3A_669 = arith.constant 0 : i32
    %dma_start3A_670 = tpu.memref_slice %arg6[%dma_start3A_662, %dma_start3A_669] : memref<157x128xi32, #tpu.memory_space<vmem>> -> memref<1x128xi32, #tpu.memory_space<vmem>>
    %dma_start3A_671 = tpu.memref_squeeze %dma_start3A_670 : memref<1x128xi32, #tpu.memory_space<vmem>> -> memref<128xi32, #tpu.memory_space<vmem>>
    %dma_start3A_672 = arith.constant 0 : i32
    %dma_start3A_673 = arith.constant 0 : i32
    %dma_start3A_674 = tpu.memref_slice %arg2[%arg0, %dma_start3A_672, %dma_start3A_673] : memref<2x10000x64xf32, #tpu.memory_space<hbm>> -> memref<1x10000x64xf32, #tpu.memory_space<hbm>>
    %dma_start3A_675 = tpu.memref_squeeze %dma_start3A_674 : memref<1x10000x64xf32, #tpu.memory_space<hbm>> -> memref<10000x64xf32, #tpu.memory_space<hbm>>
    %dma_start3A_676 = arith.constant 0 : i32
    %dma_start3A_677 = arith.constant 0 : i32
    %dma_start3A_678 = tpu.memref_slice %dma_start3A_675[%dma_start3A_676, %dma_start3A_677] : memref<10000x64xf32, #tpu.memory_space<hbm>> -> memref<10000x64xf32, #tpu.memory_space<hbm>>
    %dma_start3A_679 = tpu.memref_slice %arg9[%dma_start3A_664] : memref<6x!tpu.dma_semaphore, #tpu.memory_space<semaphore_mem>> -> memref<1x!tpu.dma_semaphore, #tpu.memory_space<semaphore_mem>>
    %dma_start3A_680 = tpu.memref_squeeze %dma_start3A_679 : memref<1x!tpu.dma_semaphore, #tpu.memory_space<semaphore_mem>> -> memref<!tpu.dma_semaphore, #tpu.memory_space<semaphore_mem>>
    tpu.enqueue_indirect_dma source(%dma_start3A_678 : memref<10000x64xf32, #tpu.memory_space<hbm>>) target(%dma_start3A_668 : memref<128x64xf32, #tpu.memory_space<vmem>>) offsets(%dma_start3A_671 : memref<128xi32, #tpu.memory_space<vmem>>) semaphore(%dma_start3A_680 : memref<!tpu.dma_semaphore, #tpu.memory_space<semaphore_mem>>)
    %dma_wait3A_681 = arith.constant 151 : i32
    %dma_wait3A_682 = arith.constant 1 : i32
    %dma_wait3A_683 = arith.constant 1 : i32
    %dma_wait3A_684 = arith.constant 0 : i32
    %dma_wait3A_685 = arith.constant 0 : i32
    %dma_wait3A_686 = tpu.memref_slice %arg8[%dma_wait3A_682, %dma_wait3A_684, %dma_wait3A_685] : memref<6x128x64xf32, #tpu.memory_space<vmem>> -> memref<1x128x64xf32, #tpu.memory_space<vmem>>
    %dma_wait3A_687 = tpu.memref_squeeze %dma_wait3A_686 : memref<1x128x64xf32, #tpu.memory_space<vmem>> -> memref<128x64xf32, #tpu.memory_space<vmem>>
    %dma_wait3A_688 = arith.constant 0 : i32
    %dma_wait3A_689 = tpu.memref_slice %arg6[%dma_wait3A_681, %dma_wait3A_688] : memref<157x128xi32, #tpu.memory_space<vmem>> -> memref<1x128xi32, #tpu.memory_space<vmem>>
    %dma_wait3A_690 = tpu.memref_squeeze %dma_wait3A_689 : memref<1x128xi32, #tpu.memory_space<vmem>> -> memref<128xi32, #tpu.memory_space<vmem>>
    %dma_wait3A_691 = arith.constant 0 : i32
    %dma_wait3A_692 = arith.constant 0 : i32
    %dma_wait3A_693 = tpu.memref_slice %arg2[%arg0, %dma_wait3A_691, %dma_wait3A_692] : memref<2x10000x64xf32, #tpu.memory_space<hbm>> -> memref<1x10000x64xf32, #tpu.memory_space<hbm>>
    %dma_wait3A_694 = tpu.memref_squeeze %dma_wait3A_693 : memref<1x10000x64xf32, #tpu.memory_space<hbm>> -> memref<10000x64xf32, #tpu.memory_space<hbm>>
    %dma_wait3A_695 = arith.constant 0 : i32
    %dma_wait3A_696 = arith.constant 0 : i32
    %dma_wait3A_697 = tpu.memref_slice %dma_wait3A_694[%dma_wait3A_695, %dma_wait3A_696] : memref<10000x64xf32, #tpu.memory_space<hbm>> -> memref<10000x64xf32, #tpu.memory_space<hbm>>
    %dma_wait3A_698 = tpu.memref_slice %arg9[%dma_wait3A_683] : memref<6x!tpu.dma_semaphore, #tpu.memory_space<semaphore_mem>> -> memref<1x!tpu.dma_semaphore, #tpu.memory_space<semaphore_mem>>
    %dma_wait3A_699 = tpu.memref_squeeze %dma_wait3A_698 : memref<1x!tpu.dma_semaphore, #tpu.memory_space<semaphore_mem>> -> memref<!tpu.dma_semaphore, #tpu.memory_space<semaphore_mem>>
    tpu.wait_indirect_dma semaphore(%dma_wait3A_699 : memref<!tpu.dma_semaphore, #tpu.memory_space<semaphore_mem>>) src(%dma_wait3A_697 : memref<10000x64xf32, #tpu.memory_space<hbm>>) dst(%dma_wait3A_687 : memref<128x64xf32, #tpu.memory_space<vmem>>)
    %dma_start3A_700 = arith.constant 1 : i32
    %dma_start3A_701 = arith.constant 151 : i32
    %dma_start3A_702 = arith.constant 1 : i32
    %dma_start3A_703 = arith.constant 0 : i32
    %dma_start3A_704 = arith.constant 0 : i32
    %dma_start3A_705 = tpu.memref_slice %arg8[%dma_start3A_700, %dma_start3A_703, %dma_start3A_704] : memref<6x128x64xf32, #tpu.memory_space<vmem>> -> memref<1x128x64xf32, #tpu.memory_space<vmem>>
    %dma_start3A_706 = tpu.memref_squeeze %dma_start3A_705 : memref<1x128x64xf32, #tpu.memory_space<vmem>> -> memref<128x64xf32, #tpu.memory_space<vmem>>
    %dma_start3A_707 = arith.constant 0 : i32
    %dma_start3A_708 = tpu.memref_slice %arg7[%dma_start3A_701, %dma_start3A_707] : memref<157x128xi32, #tpu.memory_space<vmem>> -> memref<1x128xi32, #tpu.memory_space<vmem>>
    %dma_start3A_709 = tpu.memref_squeeze %dma_start3A_708 : memref<1x128xi32, #tpu.memory_space<vmem>> -> memref<128xi32, #tpu.memory_space<vmem>>
    %dma_start3A_710 = arith.constant 0 : i32
    %dma_start3A_711 = arith.constant 0 : i32
    %dma_start3A_712 = tpu.memref_slice %arg5[%dma_start3A_710, %dma_start3A_711] : memref<10240x64xf32, #tpu.memory_space<vmem_shared>> -> memref<10240x64xf32, #tpu.memory_space<vmem_shared>>
    %dma_start3A_713 = tpu.memref_slice %arg10[%dma_start3A_702] : memref<6x!tpu.dma_semaphore, #tpu.memory_space<semaphore_mem>> -> memref<1x!tpu.dma_semaphore, #tpu.memory_space<semaphore_mem>>
    %dma_start3A_714 = tpu.memref_squeeze %dma_start3A_713 : memref<1x!tpu.dma_semaphore, #tpu.memory_space<semaphore_mem>> -> memref<!tpu.dma_semaphore, #tpu.memory_space<semaphore_mem>>
    tpu.enqueue_indirect_dma source(%dma_start3A_706 : memref<128x64xf32, #tpu.memory_space<vmem>>) target(%dma_start3A_712 : memref<10240x64xf32, #tpu.memory_space<vmem_shared>>) offsets(%dma_start3A_709 : memref<128xi32, #tpu.memory_space<vmem>>) semaphore(%dma_start3A_714 : memref<!tpu.dma_semaphore, #tpu.memory_space<semaphore_mem>>) {add = true}
    %dma_wait3A_715 = arith.constant 0 : i32
    %dma_wait3A_716 = arith.constant 150 : i32
    %dma_wait3A_717 = arith.constant 0 : i32
    %dma_wait3A_718 = arith.constant 0 : i32
    %dma_wait3A_719 = arith.constant 0 : i32
    %dma_wait3A_720 = tpu.memref_slice %arg8[%dma_wait3A_715, %dma_wait3A_718, %dma_wait3A_719] : memref<6x128x64xf32, #tpu.memory_space<vmem>> -> memref<1x128x64xf32, #tpu.memory_space<vmem>>
    %dma_wait3A_721 = tpu.memref_squeeze %dma_wait3A_720 : memref<1x128x64xf32, #tpu.memory_space<vmem>> -> memref<128x64xf32, #tpu.memory_space<vmem>>
    %dma_wait3A_722 = arith.constant 0 : i32
    %dma_wait3A_723 = tpu.memref_slice %arg7[%dma_wait3A_716, %dma_wait3A_722] : memref<157x128xi32, #tpu.memory_space<vmem>> -> memref<1x128xi32, #tpu.memory_space<vmem>>
    %dma_wait3A_724 = tpu.memref_squeeze %dma_wait3A_723 : memref<1x128xi32, #tpu.memory_space<vmem>> -> memref<128xi32, #tpu.memory_space<vmem>>
    %dma_wait3A_725 = arith.constant 0 : i32
    %dma_wait3A_726 = arith.constant 0 : i32
    %dma_wait3A_727 = tpu.memref_slice %arg5[%dma_wait3A_725, %dma_wait3A_726] : memref<10240x64xf32, #tpu.memory_space<vmem_shared>> -> memref<10240x64xf32, #tpu.memory_space<vmem_shared>>
    %dma_wait3A_728 = tpu.memref_slice %arg10[%dma_wait3A_717] : memref<6x!tpu.dma_semaphore, #tpu.memory_space<semaphore_mem>> -> memref<1x!tpu.dma_semaphore, #tpu.memory_space<semaphore_mem>>
    %dma_wait3A_729 = tpu.memref_squeeze %dma_wait3A_728 : memref<1x!tpu.dma_semaphore, #tpu.memory_space<semaphore_mem>> -> memref<!tpu.dma_semaphore, #tpu.memory_space<semaphore_mem>>
    tpu.wait_indirect_dma semaphore(%dma_wait3A_729 : memref<!tpu.dma_semaphore, #tpu.memory_space<semaphore_mem>>) src(%dma_wait3A_721 : memref<128x64xf32, #tpu.memory_space<vmem>>) dst(%dma_wait3A_727 : memref<10240x64xf32, #tpu.memory_space<vmem_shared>>)
    %eq3A = arith.constant 157 : i32
    %eq3A_730 = arith.cmpi eq, %sub3A_44, %eq3A : i32
    %convert_element_type3A = arith.extui %eq3A_730 : i1 to i32
    %cond3A = arith.constant 0 : i32
    %cond3A_731 = arith.cmpi ne, %convert_element_type3A, %cond3A : i32
    scf.if %cond3A_731 {
      %dma_start3A_960 = arith.constant 156 : i32
      %dma_start3A_961 = arith.constant 0 : i32
      %dma_start3A_962 = arith.constant 0 : i32
      %dma_start3A_963 = arith.constant 0 : i32
      %dma_start3A_964 = arith.constant 0 : i32
      %dma_start3A_965 = tpu.memref_slice %arg8[%dma_start3A_961, %dma_start3A_963, %dma_start3A_964] : memref<6x128x64xf32, #tpu.memory_space<vmem>> -> memref<1x128x64xf32, #tpu.memory_space<vmem>>
      %dma_start3A_966 = tpu.memref_squeeze %dma_start3A_965 : memref<1x128x64xf32, #tpu.memory_space<vmem>> -> memref<128x64xf32, #tpu.memory_space<vmem>>
      %dma_start3A_967 = arith.constant 0 : i32
      %dma_start3A_968 = tpu.memref_slice %arg6[%dma_start3A_960, %dma_start3A_967] : memref<157x128xi32, #tpu.memory_space<vmem>> -> memref<1x128xi32, #tpu.memory_space<vmem>>
      %dma_start3A_969 = tpu.memref_squeeze %dma_start3A_968 : memref<1x128xi32, #tpu.memory_space<vmem>> -> memref<128xi32, #tpu.memory_space<vmem>>
      %dma_start3A_970 = arith.constant 0 : i32
      %dma_start3A_971 = arith.constant 0 : i32
      %dma_start3A_972 = tpu.memref_slice %arg2[%arg0, %dma_start3A_970, %dma_start3A_971] : memref<2x10000x64xf32, #tpu.memory_space<hbm>> -> memref<1x10000x64xf32, #tpu.memory_space<hbm>>
      %dma_start3A_973 = tpu.memref_squeeze %dma_start3A_972 : memref<1x10000x64xf32, #tpu.memory_space<hbm>> -> memref<10000x64xf32, #tpu.memory_space<hbm>>
      %dma_start3A_974 = arith.constant 0 : i32
      %dma_start3A_975 = arith.constant 0 : i32
      %dma_start3A_976 = tpu.memref_slice %dma_start3A_973[%dma_start3A_974, %dma_start3A_975] : memref<10000x64xf32, #tpu.memory_space<hbm>> -> memref<10000x64xf32, #tpu.memory_space<hbm>>
      %dma_start3A_977 = tpu.memref_slice %arg9[%dma_start3A_962] : memref<6x!tpu.dma_semaphore, #tpu.memory_space<semaphore_mem>> -> memref<1x!tpu.dma_semaphore, #tpu.memory_space<semaphore_mem>>
      %dma_start3A_978 = tpu.memref_squeeze %dma_start3A_977 : memref<1x!tpu.dma_semaphore, #tpu.memory_space<semaphore_mem>> -> memref<!tpu.dma_semaphore, #tpu.memory_space<semaphore_mem>>
      tpu.enqueue_indirect_dma source(%dma_start3A_976 : memref<10000x64xf32, #tpu.memory_space<hbm>>) target(%dma_start3A_966 : memref<128x64xf32, #tpu.memory_space<vmem>>) offsets(%dma_start3A_969 : memref<128xi32, #tpu.memory_space<vmem>>) semaphore(%dma_start3A_978 : memref<!tpu.dma_semaphore, #tpu.memory_space<semaphore_mem>>)
    } else {
    }
    %dma_wait3A_732 = arith.constant 152 : i32
    %dma_wait3A_733 = arith.constant 2 : i32
    %dma_wait3A_734 = arith.constant 2 : i32
    %dma_wait3A_735 = arith.constant 0 : i32
    %dma_wait3A_736 = arith.constant 0 : i32
    %dma_wait3A_737 = tpu.memref_slice %arg8[%dma_wait3A_733, %dma_wait3A_735, %dma_wait3A_736] : memref<6x128x64xf32, #tpu.memory_space<vmem>> -> memref<1x128x64xf32, #tpu.memory_space<vmem>>
    %dma_wait3A_738 = tpu.memref_squeeze %dma_wait3A_737 : memref<1x128x64xf32, #tpu.memory_space<vmem>> -> memref<128x64xf32, #tpu.memory_space<vmem>>
    %dma_wait3A_739 = arith.constant 0 : i32
    %dma_wait3A_740 = tpu.memref_slice %arg6[%dma_wait3A_732, %dma_wait3A_739] : memref<157x128xi32, #tpu.memory_space<vmem>> -> memref<1x128xi32, #tpu.memory_space<vmem>>
    %dma_wait3A_741 = tpu.memref_squeeze %dma_wait3A_740 : memref<1x128xi32, #tpu.memory_space<vmem>> -> memref<128xi32, #tpu.memory_space<vmem>>
    %dma_wait3A_742 = arith.constant 0 : i32
    %dma_wait3A_743 = arith.constant 0 : i32
    %dma_wait3A_744 = tpu.memref_slice %arg2[%arg0, %dma_wait3A_742, %dma_wait3A_743] : memref<2x10000x64xf32, #tpu.memory_space<hbm>> -> memref<1x10000x64xf32, #tpu.memory_space<hbm>>
    %dma_wait3A_745 = tpu.memref_squeeze %dma_wait3A_744 : memref<1x10000x64xf32, #tpu.memory_space<hbm>> -> memref<10000x64xf32, #tpu.memory_space<hbm>>
    %dma_wait3A_746 = arith.constant 0 : i32
    %dma_wait3A_747 = arith.constant 0 : i32
    %dma_wait3A_748 = tpu.memref_slice %dma_wait3A_745[%dma_wait3A_746, %dma_wait3A_747] : memref<10000x64xf32, #tpu.memory_space<hbm>> -> memref<10000x64xf32, #tpu.memory_space<hbm>>
    %dma_wait3A_749 = tpu.memref_slice %arg9[%dma_wait3A_734] : memref<6x!tpu.dma_semaphore, #tpu.memory_space<semaphore_mem>> -> memref<1x!tpu.dma_semaphore, #tpu.memory_space<semaphore_mem>>
    %dma_wait3A_750 = tpu.memref_squeeze %dma_wait3A_749 : memref<1x!tpu.dma_semaphore, #tpu.memory_space<semaphore_mem>> -> memref<!tpu.dma_semaphore, #tpu.memory_space<semaphore_mem>>
    tpu.wait_indirect_dma semaphore(%dma_wait3A_750 : memref<!tpu.dma_semaphore, #tpu.memory_space<semaphore_mem>>) src(%dma_wait3A_748 : memref<10000x64xf32, #tpu.memory_space<hbm>>) dst(%dma_wait3A_738 : memref<128x64xf32, #tpu.memory_space<vmem>>)
    %dma_start3A_751 = arith.constant 2 : i32
    %dma_start3A_752 = arith.constant 152 : i32
    %dma_start3A_753 = arith.constant 2 : i32
    %dma_start3A_754 = arith.constant 0 : i32
    %dma_start3A_755 = arith.constant 0 : i32
    %dma_start3A_756 = tpu.memref_slice %arg8[%dma_start3A_751, %dma_start3A_754, %dma_start3A_755] : memref<6x128x64xf32, #tpu.memory_space<vmem>> -> memref<1x128x64xf32, #tpu.memory_space<vmem>>
    %dma_start3A_757 = tpu.memref_squeeze %dma_start3A_756 : memref<1x128x64xf32, #tpu.memory_space<vmem>> -> memref<128x64xf32, #tpu.memory_space<vmem>>
    %dma_start3A_758 = arith.constant 0 : i32
    %dma_start3A_759 = tpu.memref_slice %arg7[%dma_start3A_752, %dma_start3A_758] : memref<157x128xi32, #tpu.memory_space<vmem>> -> memref<1x128xi32, #tpu.memory_space<vmem>>
    %dma_start3A_760 = tpu.memref_squeeze %dma_start3A_759 : memref<1x128xi32, #tpu.memory_space<vmem>> -> memref<128xi32, #tpu.memory_space<vmem>>
    %dma_start3A_761 = arith.constant 0 : i32
    %dma_start3A_762 = arith.constant 0 : i32
    %dma_start3A_763 = tpu.memref_slice %arg5[%dma_start3A_761, %dma_start3A_762] : memref<10240x64xf32, #tpu.memory_space<vmem_shared>> -> memref<10240x64xf32, #tpu.memory_space<vmem_shared>>
    %dma_start3A_764 = tpu.memref_slice %arg10[%dma_start3A_753] : memref<6x!tpu.dma_semaphore, #tpu.memory_space<semaphore_mem>> -> memref<1x!tpu.dma_semaphore, #tpu.memory_space<semaphore_mem>>
    %dma_start3A_765 = tpu.memref_squeeze %dma_start3A_764 : memref<1x!tpu.dma_semaphore, #tpu.memory_space<semaphore_mem>> -> memref<!tpu.dma_semaphore, #tpu.memory_space<semaphore_mem>>
    tpu.enqueue_indirect_dma source(%dma_start3A_757 : memref<128x64xf32, #tpu.memory_space<vmem>>) target(%dma_start3A_763 : memref<10240x64xf32, #tpu.memory_space<vmem_shared>>) offsets(%dma_start3A_760 : memref<128xi32, #tpu.memory_space<vmem>>) semaphore(%dma_start3A_765 : memref<!tpu.dma_semaphore, #tpu.memory_space<semaphore_mem>>) {add = true}
    %dma_wait3A_766 = arith.constant 1 : i32
    %dma_wait3A_767 = arith.constant 151 : i32
    %dma_wait3A_768 = arith.constant 1 : i32
    %dma_wait3A_769 = arith.constant 0 : i32
    %dma_wait3A_770 = arith.constant 0 : i32
    %dma_wait3A_771 = tpu.memref_slice %arg8[%dma_wait3A_766, %dma_wait3A_769, %dma_wait3A_770] : memref<6x128x64xf32, #tpu.memory_space<vmem>> -> memref<1x128x64xf32, #tpu.memory_space<vmem>>
    %dma_wait3A_772 = tpu.memref_squeeze %dma_wait3A_771 : memref<1x128x64xf32, #tpu.memory_space<vmem>> -> memref<128x64xf32, #tpu.memory_space<vmem>>
    %dma_wait3A_773 = arith.constant 0 : i32
    %dma_wait3A_774 = tpu.memref_slice %arg7[%dma_wait3A_767, %dma_wait3A_773] : memref<157x128xi32, #tpu.memory_space<vmem>> -> memref<1x128xi32, #tpu.memory_space<vmem>>
    %dma_wait3A_775 = tpu.memref_squeeze %dma_wait3A_774 : memref<1x128xi32, #tpu.memory_space<vmem>> -> memref<128xi32, #tpu.memory_space<vmem>>
    %dma_wait3A_776 = arith.constant 0 : i32
    %dma_wait3A_777 = arith.constant 0 : i32
    %dma_wait3A_778 = tpu.memref_slice %arg5[%dma_wait3A_776, %dma_wait3A_777] : memref<10240x64xf32, #tpu.memory_space<vmem_shared>> -> memref<10240x64xf32, #tpu.memory_space<vmem_shared>>
    %dma_wait3A_779 = tpu.memref_slice %arg10[%dma_wait3A_768] : memref<6x!tpu.dma_semaphore, #tpu.memory_space<semaphore_mem>> -> memref<1x!tpu.dma_semaphore, #tpu.memory_space<semaphore_mem>>
    %dma_wait3A_780 = tpu.memref_squeeze %dma_wait3A_779 : memref<1x!tpu.dma_semaphore, #tpu.memory_space<semaphore_mem>> -> memref<!tpu.dma_semaphore, #tpu.memory_space<semaphore_mem>>
    tpu.wait_indirect_dma semaphore(%dma_wait3A_780 : memref<!tpu.dma_semaphore, #tpu.memory_space<semaphore_mem>>) src(%dma_wait3A_772 : memref<128x64xf32, #tpu.memory_space<vmem>>) dst(%dma_wait3A_778 : memref<10240x64xf32, #tpu.memory_space<vmem_shared>>)
    %dma_wait3A_781 = arith.constant 153 : i32
    %dma_wait3A_782 = arith.constant 3 : i32
    %dma_wait3A_783 = arith.constant 3 : i32
    %dma_wait3A_784 = arith.constant 0 : i32
    %dma_wait3A_785 = arith.constant 0 : i32
    %dma_wait3A_786 = tpu.memref_slice %arg8[%dma_wait3A_782, %dma_wait3A_784, %dma_wait3A_785] : memref<6x128x64xf32, #tpu.memory_space<vmem>> -> memref<1x128x64xf32, #tpu.memory_space<vmem>>
    %dma_wait3A_787 = tpu.memref_squeeze %dma_wait3A_786 : memref<1x128x64xf32, #tpu.memory_space<vmem>> -> memref<128x64xf32, #tpu.memory_space<vmem>>
    %dma_wait3A_788 = arith.constant 0 : i32
    %dma_wait3A_789 = tpu.memref_slice %arg6[%dma_wait3A_781, %dma_wait3A_788] : memref<157x128xi32, #tpu.memory_space<vmem>> -> memref<1x128xi32, #tpu.memory_space<vmem>>
    %dma_wait3A_790 = tpu.memref_squeeze %dma_wait3A_789 : memref<1x128xi32, #tpu.memory_space<vmem>> -> memref<128xi32, #tpu.memory_space<vmem>>
    %dma_wait3A_791 = arith.constant 0 : i32
    %dma_wait3A_792 = arith.constant 0 : i32
    %dma_wait3A_793 = tpu.memref_slice %arg2[%arg0, %dma_wait3A_791, %dma_wait3A_792] : memref<2x10000x64xf32, #tpu.memory_space<hbm>> -> memref<1x10000x64xf32, #tpu.memory_space<hbm>>
    %dma_wait3A_794 = tpu.memref_squeeze %dma_wait3A_793 : memref<1x10000x64xf32, #tpu.memory_space<hbm>> -> memref<10000x64xf32, #tpu.memory_space<hbm>>
    %dma_wait3A_795 = arith.constant 0 : i32
    %dma_wait3A_796 = arith.constant 0 : i32
    %dma_wait3A_797 = tpu.memref_slice %dma_wait3A_794[%dma_wait3A_795, %dma_wait3A_796] : memref<10000x64xf32, #tpu.memory_space<hbm>> -> memref<10000x64xf32, #tpu.memory_space<hbm>>
    %dma_wait3A_798 = tpu.memref_slice %arg9[%dma_wait3A_783] : memref<6x!tpu.dma_semaphore, #tpu.memory_space<semaphore_mem>> -> memref<1x!tpu.dma_semaphore, #tpu.memory_space<semaphore_mem>>
    %dma_wait3A_799 = tpu.memref_squeeze %dma_wait3A_798 : memref<1x!tpu.dma_semaphore, #tpu.memory_space<semaphore_mem>> -> memref<!tpu.dma_semaphore, #tpu.memory_space<semaphore_mem>>
    tpu.wait_indirect_dma semaphore(%dma_wait3A_799 : memref<!tpu.dma_semaphore, #tpu.memory_space<semaphore_mem>>) src(%dma_wait3A_797 : memref<10000x64xf32, #tpu.memory_space<hbm>>) dst(%dma_wait3A_787 : memref<128x64xf32, #tpu.memory_space<vmem>>)
    %dma_start3A_800 = arith.constant 3 : i32
    %dma_start3A_801 = arith.constant 153 : i32
    %dma_start3A_802 = arith.constant 3 : i32
    %dma_start3A_803 = arith.constant 0 : i32
    %dma_start3A_804 = arith.constant 0 : i32
    %dma_start3A_805 = tpu.memref_slice %arg8[%dma_start3A_800, %dma_start3A_803, %dma_start3A_804] : memref<6x128x64xf32, #tpu.memory_space<vmem>> -> memref<1x128x64xf32, #tpu.memory_space<vmem>>
    %dma_start3A_806 = tpu.memref_squeeze %dma_start3A_805 : memref<1x128x64xf32, #tpu.memory_space<vmem>> -> memref<128x64xf32, #tpu.memory_space<vmem>>
    %dma_start3A_807 = arith.constant 0 : i32
    %dma_start3A_808 = tpu.memref_slice %arg7[%dma_start3A_801, %dma_start3A_807] : memref<157x128xi32, #tpu.memory_space<vmem>> -> memref<1x128xi32, #tpu.memory_space<vmem>>
    %dma_start3A_809 = tpu.memref_squeeze %dma_start3A_808 : memref<1x128xi32, #tpu.memory_space<vmem>> -> memref<128xi32, #tpu.memory_space<vmem>>
    %dma_start3A_810 = arith.constant 0 : i32
    %dma_start3A_811 = arith.constant 0 : i32
    %dma_start3A_812 = tpu.memref_slice %arg5[%dma_start3A_810, %dma_start3A_811] : memref<10240x64xf32, #tpu.memory_space<vmem_shared>> -> memref<10240x64xf32, #tpu.memory_space<vmem_shared>>
    %dma_start3A_813 = tpu.memref_slice %arg10[%dma_start3A_802] : memref<6x!tpu.dma_semaphore, #tpu.memory_space<semaphore_mem>> -> memref<1x!tpu.dma_semaphore, #tpu.memory_space<semaphore_mem>>
    %dma_start3A_814 = tpu.memref_squeeze %dma_start3A_813 : memref<1x!tpu.dma_semaphore, #tpu.memory_space<semaphore_mem>> -> memref<!tpu.dma_semaphore, #tpu.memory_space<semaphore_mem>>
    tpu.enqueue_indirect_dma source(%dma_start3A_806 : memref<128x64xf32, #tpu.memory_space<vmem>>) target(%dma_start3A_812 : memref<10240x64xf32, #tpu.memory_space<vmem_shared>>) offsets(%dma_start3A_809 : memref<128xi32, #tpu.memory_space<vmem>>) semaphore(%dma_start3A_814 : memref<!tpu.dma_semaphore, #tpu.memory_space<semaphore_mem>>) {add = true}
    %dma_wait3A_815 = arith.constant 2 : i32
    %dma_wait3A_816 = arith.constant 152 : i32
    %dma_wait3A_817 = arith.constant 2 : i32
    %dma_wait3A_818 = arith.constant 0 : i32
    %dma_wait3A_819 = arith.constant 0 : i32
    %dma_wait3A_820 = tpu.memref_slice %arg8[%dma_wait3A_815, %dma_wait3A_818, %dma_wait3A_819] : memref<6x128x64xf32, #tpu.memory_space<vmem>> -> memref<1x128x64xf32, #tpu.memory_space<vmem>>
    %dma_wait3A_821 = tpu.memref_squeeze %dma_wait3A_820 : memref<1x128x64xf32, #tpu.memory_space<vmem>> -> memref<128x64xf32, #tpu.memory_space<vmem>>
    %dma_wait3A_822 = arith.constant 0 : i32
    %dma_wait3A_823 = tpu.memref_slice %arg7[%dma_wait3A_816, %dma_wait3A_822] : memref<157x128xi32, #tpu.memory_space<vmem>> -> memref<1x128xi32, #tpu.memory_space<vmem>>
    %dma_wait3A_824 = tpu.memref_squeeze %dma_wait3A_823 : memref<1x128xi32, #tpu.memory_space<vmem>> -> memref<128xi32, #tpu.memory_space<vmem>>
    %dma_wait3A_825 = arith.constant 0 : i32
    %dma_wait3A_826 = arith.constant 0 : i32
    %dma_wait3A_827 = tpu.memref_slice %arg5[%dma_wait3A_825, %dma_wait3A_826] : memref<10240x64xf32, #tpu.memory_space<vmem_shared>> -> memref<10240x64xf32, #tpu.memory_space<vmem_shared>>
    %dma_wait3A_828 = tpu.memref_slice %arg10[%dma_wait3A_817] : memref<6x!tpu.dma_semaphore, #tpu.memory_space<semaphore_mem>> -> memref<1x!tpu.dma_semaphore, #tpu.memory_space<semaphore_mem>>
    %dma_wait3A_829 = tpu.memref_squeeze %dma_wait3A_828 : memref<1x!tpu.dma_semaphore, #tpu.memory_space<semaphore_mem>> -> memref<!tpu.dma_semaphore, #tpu.memory_space<semaphore_mem>>
    tpu.wait_indirect_dma semaphore(%dma_wait3A_829 : memref<!tpu.dma_semaphore, #tpu.memory_space<semaphore_mem>>) src(%dma_wait3A_821 : memref<128x64xf32, #tpu.memory_space<vmem>>) dst(%dma_wait3A_827 : memref<10240x64xf32, #tpu.memory_space<vmem_shared>>)
    %dma_wait3A_830 = arith.constant 154 : i32
    %dma_wait3A_831 = arith.constant 4 : i32
    %dma_wait3A_832 = arith.constant 4 : i32
    %dma_wait3A_833 = arith.constant 0 : i32
    %dma_wait3A_834 = arith.constant 0 : i32
    %dma_wait3A_835 = tpu.memref_slice %arg8[%dma_wait3A_831, %dma_wait3A_833, %dma_wait3A_834] : memref<6x128x64xf32, #tpu.memory_space<vmem>> -> memref<1x128x64xf32, #tpu.memory_space<vmem>>
    %dma_wait3A_836 = tpu.memref_squeeze %dma_wait3A_835 : memref<1x128x64xf32, #tpu.memory_space<vmem>> -> memref<128x64xf32, #tpu.memory_space<vmem>>
    %dma_wait3A_837 = arith.constant 0 : i32
    %dma_wait3A_838 = tpu.memref_slice %arg6[%dma_wait3A_830, %dma_wait3A_837] : memref<157x128xi32, #tpu.memory_space<vmem>> -> memref<1x128xi32, #tpu.memory_space<vmem>>
    %dma_wait3A_839 = tpu.memref_squeeze %dma_wait3A_838 : memref<1x128xi32, #tpu.memory_space<vmem>> -> memref<128xi32, #tpu.memory_space<vmem>>
    %dma_wait3A_840 = arith.constant 0 : i32
    %dma_wait3A_841 = arith.constant 0 : i32
    %dma_wait3A_842 = tpu.memref_slice %arg2[%arg0, %dma_wait3A_840, %dma_wait3A_841] : memref<2x10000x64xf32, #tpu.memory_space<hbm>> -> memref<1x10000x64xf32, #tpu.memory_space<hbm>>
    %dma_wait3A_843 = tpu.memref_squeeze %dma_wait3A_842 : memref<1x10000x64xf32, #tpu.memory_space<hbm>> -> memref<10000x64xf32, #tpu.memory_space<hbm>>
    %dma_wait3A_844 = arith.constant 0 : i32
    %dma_wait3A_845 = arith.constant 0 : i32
    %dma_wait3A_846 = tpu.memref_slice %dma_wait3A_843[%dma_wait3A_844, %dma_wait3A_845] : memref<10000x64xf32, #tpu.memory_space<hbm>> -> memref<10000x64xf32, #tpu.memory_space<hbm>>
    %dma_wait3A_847 = tpu.memref_slice %arg9[%dma_wait3A_832] : memref<6x!tpu.dma_semaphore, #tpu.memory_space<semaphore_mem>> -> memref<1x!tpu.dma_semaphore, #tpu.memory_space<semaphore_mem>>
    %dma_wait3A_848 = tpu.memref_squeeze %dma_wait3A_847 : memref<1x!tpu.dma_semaphore, #tpu.memory_space<semaphore_mem>> -> memref<!tpu.dma_semaphore, #tpu.memory_space<semaphore_mem>>
    tpu.wait_indirect_dma semaphore(%dma_wait3A_848 : memref<!tpu.dma_semaphore, #tpu.memory_space<semaphore_mem>>) src(%dma_wait3A_846 : memref<10000x64xf32, #tpu.memory_space<hbm>>) dst(%dma_wait3A_836 : memref<128x64xf32, #tpu.memory_space<vmem>>)
    %dma_start3A_849 = arith.constant 4 : i32
    %dma_start3A_850 = arith.constant 154 : i32
    %dma_start3A_851 = arith.constant 4 : i32
    %dma_start3A_852 = arith.constant 0 : i32
    %dma_start3A_853 = arith.constant 0 : i32
    %dma_start3A_854 = tpu.memref_slice %arg8[%dma_start3A_849, %dma_start3A_852, %dma_start3A_853] : memref<6x128x64xf32, #tpu.memory_space<vmem>> -> memref<1x128x64xf32, #tpu.memory_space<vmem>>
    %dma_start3A_855 = tpu.memref_squeeze %dma_start3A_854 : memref<1x128x64xf32, #tpu.memory_space<vmem>> -> memref<128x64xf32, #tpu.memory_space<vmem>>
    %dma_start3A_856 = arith.constant 0 : i32
    %dma_start3A_857 = tpu.memref_slice %arg7[%dma_start3A_850, %dma_start3A_856] : memref<157x128xi32, #tpu.memory_space<vmem>> -> memref<1x128xi32, #tpu.memory_space<vmem>>
    %dma_start3A_858 = tpu.memref_squeeze %dma_start3A_857 : memref<1x128xi32, #tpu.memory_space<vmem>> -> memref<128xi32, #tpu.memory_space<vmem>>
    %dma_start3A_859 = arith.constant 0 : i32
    %dma_start3A_860 = arith.constant 0 : i32
    %dma_start3A_861 = tpu.memref_slice %arg5[%dma_start3A_859, %dma_start3A_860] : memref<10240x64xf32, #tpu.memory_space<vmem_shared>> -> memref<10240x64xf32, #tpu.memory_space<vmem_shared>>
    %dma_start3A_862 = tpu.memref_slice %arg10[%dma_start3A_851] : memref<6x!tpu.dma_semaphore, #tpu.memory_space<semaphore_mem>> -> memref<1x!tpu.dma_semaphore, #tpu.memory_space<semaphore_mem>>
    %dma_start3A_863 = tpu.memref_squeeze %dma_start3A_862 : memref<1x!tpu.dma_semaphore, #tpu.memory_space<semaphore_mem>> -> memref<!tpu.dma_semaphore, #tpu.memory_space<semaphore_mem>>
    tpu.enqueue_indirect_dma source(%dma_start3A_855 : memref<128x64xf32, #tpu.memory_space<vmem>>) target(%dma_start3A_861 : memref<10240x64xf32, #tpu.memory_space<vmem_shared>>) offsets(%dma_start3A_858 : memref<128xi32, #tpu.memory_space<vmem>>) semaphore(%dma_start3A_863 : memref<!tpu.dma_semaphore, #tpu.memory_space<semaphore_mem>>) {add = true}
    %dma_wait3A_864 = arith.constant 3 : i32
    %dma_wait3A_865 = arith.constant 153 : i32
    %dma_wait3A_866 = arith.constant 3 : i32
    %dma_wait3A_867 = arith.constant 0 : i32
    %dma_wait3A_868 = arith.constant 0 : i32
    %dma_wait3A_869 = tpu.memref_slice %arg8[%dma_wait3A_864, %dma_wait3A_867, %dma_wait3A_868] : memref<6x128x64xf32, #tpu.memory_space<vmem>> -> memref<1x128x64xf32, #tpu.memory_space<vmem>>
    %dma_wait3A_870 = tpu.memref_squeeze %dma_wait3A_869 : memref<1x128x64xf32, #tpu.memory_space<vmem>> -> memref<128x64xf32, #tpu.memory_space<vmem>>
    %dma_wait3A_871 = arith.constant 0 : i32
    %dma_wait3A_872 = tpu.memref_slice %arg7[%dma_wait3A_865, %dma_wait3A_871] : memref<157x128xi32, #tpu.memory_space<vmem>> -> memref<1x128xi32, #tpu.memory_space<vmem>>
    %dma_wait3A_873 = tpu.memref_squeeze %dma_wait3A_872 : memref<1x128xi32, #tpu.memory_space<vmem>> -> memref<128xi32, #tpu.memory_space<vmem>>
    %dma_wait3A_874 = arith.constant 0 : i32
    %dma_wait3A_875 = arith.constant 0 : i32
    %dma_wait3A_876 = tpu.memref_slice %arg5[%dma_wait3A_874, %dma_wait3A_875] : memref<10240x64xf32, #tpu.memory_space<vmem_shared>> -> memref<10240x64xf32, #tpu.memory_space<vmem_shared>>
    %dma_wait3A_877 = tpu.memref_slice %arg10[%dma_wait3A_866] : memref<6x!tpu.dma_semaphore, #tpu.memory_space<semaphore_mem>> -> memref<1x!tpu.dma_semaphore, #tpu.memory_space<semaphore_mem>>
    %dma_wait3A_878 = tpu.memref_squeeze %dma_wait3A_877 : memref<1x!tpu.dma_semaphore, #tpu.memory_space<semaphore_mem>> -> memref<!tpu.dma_semaphore, #tpu.memory_space<semaphore_mem>>
    tpu.wait_indirect_dma semaphore(%dma_wait3A_878 : memref<!tpu.dma_semaphore, #tpu.memory_space<semaphore_mem>>) src(%dma_wait3A_870 : memref<128x64xf32, #tpu.memory_space<vmem>>) dst(%dma_wait3A_876 : memref<10240x64xf32, #tpu.memory_space<vmem_shared>>)
    %dma_wait3A_879 = arith.constant 155 : i32
    %dma_wait3A_880 = arith.constant 5 : i32
    %dma_wait3A_881 = arith.constant 5 : i32
    %dma_wait3A_882 = arith.constant 0 : i32
    %dma_wait3A_883 = arith.constant 0 : i32
    %dma_wait3A_884 = tpu.memref_slice %arg8[%dma_wait3A_880, %dma_wait3A_882, %dma_wait3A_883] : memref<6x128x64xf32, #tpu.memory_space<vmem>> -> memref<1x128x64xf32, #tpu.memory_space<vmem>>
    %dma_wait3A_885 = tpu.memref_squeeze %dma_wait3A_884 : memref<1x128x64xf32, #tpu.memory_space<vmem>> -> memref<128x64xf32, #tpu.memory_space<vmem>>
    %dma_wait3A_886 = arith.constant 0 : i32
    %dma_wait3A_887 = tpu.memref_slice %arg6[%dma_wait3A_879, %dma_wait3A_886] : memref<157x128xi32, #tpu.memory_space<vmem>> -> memref<1x128xi32, #tpu.memory_space<vmem>>
    %dma_wait3A_888 = tpu.memref_squeeze %dma_wait3A_887 : memref<1x128xi32, #tpu.memory_space<vmem>> -> memref<128xi32, #tpu.memory_space<vmem>>
    %dma_wait3A_889 = arith.constant 0 : i32
    %dma_wait3A_890 = arith.constant 0 : i32
    %dma_wait3A_891 = tpu.memref_slice %arg2[%arg0, %dma_wait3A_889, %dma_wait3A_890] : memref<2x10000x64xf32, #tpu.memory_space<hbm>> -> memref<1x10000x64xf32, #tpu.memory_space<hbm>>
    %dma_wait3A_892 = tpu.memref_squeeze %dma_wait3A_891 : memref<1x10000x64xf32, #tpu.memory_space<hbm>> -> memref<10000x64xf32, #tpu.memory_space<hbm>>
    %dma_wait3A_893 = arith.constant 0 : i32
    %dma_wait3A_894 = arith.constant 0 : i32
    %dma_wait3A_895 = tpu.memref_slice %dma_wait3A_892[%dma_wait3A_893, %dma_wait3A_894] : memref<10000x64xf32, #tpu.memory_space<hbm>> -> memref<10000x64xf32, #tpu.memory_space<hbm>>
    %dma_wait3A_896 = tpu.memref_slice %arg9[%dma_wait3A_881] : memref<6x!tpu.dma_semaphore, #tpu.memory_space<semaphore_mem>> -> memref<1x!tpu.dma_semaphore, #tpu.memory_space<semaphore_mem>>
    %dma_wait3A_897 = tpu.memref_squeeze %dma_wait3A_896 : memref<1x!tpu.dma_semaphore, #tpu.memory_space<semaphore_mem>> -> memref<!tpu.dma_semaphore, #tpu.memory_space<semaphore_mem>>
    tpu.wait_indirect_dma semaphore(%dma_wait3A_897 : memref<!tpu.dma_semaphore, #tpu.memory_space<semaphore_mem>>) src(%dma_wait3A_895 : memref<10000x64xf32, #tpu.memory_space<hbm>>) dst(%dma_wait3A_885 : memref<128x64xf32, #tpu.memory_space<vmem>>)
    %dma_start3A_898 = arith.constant 5 : i32
    %dma_start3A_899 = arith.constant 155 : i32
    %dma_start3A_900 = arith.constant 5 : i32
    %dma_start3A_901 = arith.constant 0 : i32
    %dma_start3A_902 = arith.constant 0 : i32
    %dma_start3A_903 = tpu.memref_slice %arg8[%dma_start3A_898, %dma_start3A_901, %dma_start3A_902] : memref<6x128x64xf32, #tpu.memory_space<vmem>> -> memref<1x128x64xf32, #tpu.memory_space<vmem>>
    %dma_start3A_904 = tpu.memref_squeeze %dma_start3A_903 : memref<1x128x64xf32, #tpu.memory_space<vmem>> -> memref<128x64xf32, #tpu.memory_space<vmem>>
    %dma_start3A_905 = arith.constant 0 : i32
    %dma_start3A_906 = tpu.memref_slice %arg7[%dma_start3A_899, %dma_start3A_905] : memref<157x128xi32, #tpu.memory_space<vmem>> -> memref<1x128xi32, #tpu.memory_space<vmem>>
    %dma_start3A_907 = tpu.memref_squeeze %dma_start3A_906 : memref<1x128xi32, #tpu.memory_space<vmem>> -> memref<128xi32, #tpu.memory_space<vmem>>
    %dma_start3A_908 = arith.constant 0 : i32
    %dma_start3A_909 = arith.constant 0 : i32
    %dma_start3A_910 = tpu.memref_slice %arg5[%dma_start3A_908, %dma_start3A_909] : memref<10240x64xf32, #tpu.memory_space<vmem_shared>> -> memref<10240x64xf32, #tpu.memory_space<vmem_shared>>
    %dma_start3A_911 = tpu.memref_slice %arg10[%dma_start3A_900] : memref<6x!tpu.dma_semaphore, #tpu.memory_space<semaphore_mem>> -> memref<1x!tpu.dma_semaphore, #tpu.memory_space<semaphore_mem>>
    %dma_start3A_912 = tpu.memref_squeeze %dma_start3A_911 : memref<1x!tpu.dma_semaphore, #tpu.memory_space<semaphore_mem>> -> memref<!tpu.dma_semaphore, #tpu.memory_space<semaphore_mem>>
    tpu.enqueue_indirect_dma source(%dma_start3A_904 : memref<128x64xf32, #tpu.memory_space<vmem>>) target(%dma_start3A_910 : memref<10240x64xf32, #tpu.memory_space<vmem_shared>>) offsets(%dma_start3A_907 : memref<128xi32, #tpu.memory_space<vmem>>) semaphore(%dma_start3A_912 : memref<!tpu.dma_semaphore, #tpu.memory_space<semaphore_mem>>) {add = true}
    %dma_wait3A_913 = arith.constant 4 : i32
    %dma_wait3A_914 = arith.constant 154 : i32
    %dma_wait3A_915 = arith.constant 4 : i32
    %dma_wait3A_916 = arith.constant 0 : i32
    %dma_wait3A_917 = arith.constant 0 : i32
    %dma_wait3A_918 = tpu.memref_slice %arg8[%dma_wait3A_913, %dma_wait3A_916, %dma_wait3A_917] : memref<6x128x64xf32, #tpu.memory_space<vmem>> -> memref<1x128x64xf32, #tpu.memory_space<vmem>>
    %dma_wait3A_919 = tpu.memref_squeeze %dma_wait3A_918 : memref<1x128x64xf32, #tpu.memory_space<vmem>> -> memref<128x64xf32, #tpu.memory_space<vmem>>
    %dma_wait3A_920 = arith.constant 0 : i32
    %dma_wait3A_921 = tpu.memref_slice %arg7[%dma_wait3A_914, %dma_wait3A_920] : memref<157x128xi32, #tpu.memory_space<vmem>> -> memref<1x128xi32, #tpu.memory_space<vmem>>
    %dma_wait3A_922 = tpu.memref_squeeze %dma_wait3A_921 : memref<1x128xi32, #tpu.memory_space<vmem>> -> memref<128xi32, #tpu.memory_space<vmem>>
    %dma_wait3A_923 = arith.constant 0 : i32
    %dma_wait3A_924 = arith.constant 0 : i32
    %dma_wait3A_925 = tpu.memref_slice %arg5[%dma_wait3A_923, %dma_wait3A_924] : memref<10240x64xf32, #tpu.memory_space<vmem_shared>> -> memref<10240x64xf32, #tpu.memory_space<vmem_shared>>
    %dma_wait3A_926 = tpu.memref_slice %arg10[%dma_wait3A_915] : memref<6x!tpu.dma_semaphore, #tpu.memory_space<semaphore_mem>> -> memref<1x!tpu.dma_semaphore, #tpu.memory_space<semaphore_mem>>
    %dma_wait3A_927 = tpu.memref_squeeze %dma_wait3A_926 : memref<1x!tpu.dma_semaphore, #tpu.memory_space<semaphore_mem>> -> memref<!tpu.dma_semaphore, #tpu.memory_space<semaphore_mem>>
    tpu.wait_indirect_dma semaphore(%dma_wait3A_927 : memref<!tpu.dma_semaphore, #tpu.memory_space<semaphore_mem>>) src(%dma_wait3A_919 : memref<128x64xf32, #tpu.memory_space<vmem>>) dst(%dma_wait3A_925 : memref<10240x64xf32, #tpu.memory_space<vmem_shared>>)
    %dma_wait3A_928 = arith.constant 5 : i32
    %dma_wait3A_929 = arith.constant 155 : i32
    %dma_wait3A_930 = arith.constant 5 : i32
    %dma_wait3A_931 = arith.constant 0 : i32
    %dma_wait3A_932 = arith.constant 0 : i32
    %dma_wait3A_933 = tpu.memref_slice %arg8[%dma_wait3A_928, %dma_wait3A_931, %dma_wait3A_932] : memref<6x128x64xf32, #tpu.memory_space<vmem>> -> memref<1x128x64xf32, #tpu.memory_space<vmem>>
    %dma_wait3A_934 = tpu.memref_squeeze %dma_wait3A_933 : memref<1x128x64xf32, #tpu.memory_space<vmem>> -> memref<128x64xf32, #tpu.memory_space<vmem>>
    %dma_wait3A_935 = arith.constant 0 : i32
    %dma_wait3A_936 = tpu.memref_slice %arg7[%dma_wait3A_929, %dma_wait3A_935] : memref<157x128xi32, #tpu.memory_space<vmem>> -> memref<1x128xi32, #tpu.memory_space<vmem>>
    %dma_wait3A_937 = tpu.memref_squeeze %dma_wait3A_936 : memref<1x128xi32, #tpu.memory_space<vmem>> -> memref<128xi32, #tpu.memory_space<vmem>>
    %dma_wait3A_938 = arith.constant 0 : i32
    %dma_wait3A_939 = arith.constant 0 : i32
    %dma_wait3A_940 = tpu.memref_slice %arg5[%dma_wait3A_938, %dma_wait3A_939] : memref<10240x64xf32, #tpu.memory_space<vmem_shared>> -> memref<10240x64xf32, #tpu.memory_space<vmem_shared>>
    %dma_wait3A_941 = tpu.memref_slice %arg10[%dma_wait3A_930] : memref<6x!tpu.dma_semaphore, #tpu.memory_space<semaphore_mem>> -> memref<1x!tpu.dma_semaphore, #tpu.memory_space<semaphore_mem>>
    %dma_wait3A_942 = tpu.memref_squeeze %dma_wait3A_941 : memref<1x!tpu.dma_semaphore, #tpu.memory_space<semaphore_mem>> -> memref<!tpu.dma_semaphore, #tpu.memory_space<semaphore_mem>>
    tpu.wait_indirect_dma semaphore(%dma_wait3A_942 : memref<!tpu.dma_semaphore, #tpu.memory_space<semaphore_mem>>) src(%dma_wait3A_934 : memref<128x64xf32, #tpu.memory_space<vmem>>) dst(%dma_wait3A_940 : memref<10240x64xf32, #tpu.memory_space<vmem_shared>>)
    %eq3A_943 = arith.constant 157 : i32
    %eq3A_944 = arith.cmpi eq, %sub3A_44, %eq3A_943 : i32
    %convert_element_type3A_945 = arith.extui %eq3A_944 : i1 to i32
    %cond3A_946 = arith.constant 0 : i32
    %cond3A_947 = arith.cmpi ne, %convert_element_type3A_945, %cond3A_946 : i32
    scf.if %cond3A_947 {
      %dma_wait3A_960 = arith.constant 156 : i32
      %dma_wait3A_961 = arith.constant 0 : i32
      %dma_wait3A_962 = arith.constant 0 : i32
      %dma_wait3A_963 = arith.constant 0 : i32
      %dma_wait3A_964 = arith.constant 0 : i32
      %dma_wait3A_965 = tpu.memref_slice %arg8[%dma_wait3A_961, %dma_wait3A_963, %dma_wait3A_964] : memref<6x128x64xf32, #tpu.memory_space<vmem>> -> memref<1x128x64xf32, #tpu.memory_space<vmem>>
      %dma_wait3A_966 = tpu.memref_squeeze %dma_wait3A_965 : memref<1x128x64xf32, #tpu.memory_space<vmem>> -> memref<128x64xf32, #tpu.memory_space<vmem>>
      %dma_wait3A_967 = arith.constant 0 : i32
      %dma_wait3A_968 = tpu.memref_slice %arg6[%dma_wait3A_960, %dma_wait3A_967] : memref<157x128xi32, #tpu.memory_space<vmem>> -> memref<1x128xi32, #tpu.memory_space<vmem>>
      %dma_wait3A_969 = tpu.memref_squeeze %dma_wait3A_968 : memref<1x128xi32, #tpu.memory_space<vmem>> -> memref<128xi32, #tpu.memory_space<vmem>>
      %dma_wait3A_970 = arith.constant 0 : i32
      %dma_wait3A_971 = arith.constant 0 : i32
      %dma_wait3A_972 = tpu.memref_slice %arg2[%arg0, %dma_wait3A_970, %dma_wait3A_971] : memref<2x10000x64xf32, #tpu.memory_space<hbm>> -> memref<1x10000x64xf32, #tpu.memory_space<hbm>>
      %dma_wait3A_973 = tpu.memref_squeeze %dma_wait3A_972 : memref<1x10000x64xf32, #tpu.memory_space<hbm>> -> memref<10000x64xf32, #tpu.memory_space<hbm>>
      %dma_wait3A_974 = arith.constant 0 : i32
      %dma_wait3A_975 = arith.constant 0 : i32
      %dma_wait3A_976 = tpu.memref_slice %dma_wait3A_973[%dma_wait3A_974, %dma_wait3A_975] : memref<10000x64xf32, #tpu.memory_space<hbm>> -> memref<10000x64xf32, #tpu.memory_space<hbm>>
      %dma_wait3A_977 = tpu.memref_slice %arg9[%dma_wait3A_962] : memref<6x!tpu.dma_semaphore, #tpu.memory_space<semaphore_mem>> -> memref<1x!tpu.dma_semaphore, #tpu.memory_space<semaphore_mem>>
      %dma_wait3A_978 = tpu.memref_squeeze %dma_wait3A_977 : memref<1x!tpu.dma_semaphore, #tpu.memory_space<semaphore_mem>> -> memref<!tpu.dma_semaphore, #tpu.memory_space<semaphore_mem>>
      tpu.wait_indirect_dma semaphore(%dma_wait3A_978 : memref<!tpu.dma_semaphore, #tpu.memory_space<semaphore_mem>>) src(%dma_wait3A_976 : memref<10000x64xf32, #tpu.memory_space<hbm>>) dst(%dma_wait3A_966 : memref<128x64xf32, #tpu.memory_space<vmem>>)
      %dma_start3A_979 = arith.constant 0 : i32
      %dma_start3A_980 = arith.constant 156 : i32
      %dma_start3A_981 = arith.constant 0 : i32
      %dma_start3A_982 = arith.constant 0 : i32
      %dma_start3A_983 = arith.constant 0 : i32
      %dma_start3A_984 = tpu.memref_slice %arg8[%dma_start3A_979, %dma_start3A_982, %dma_start3A_983] : memref<6x128x64xf32, #tpu.memory_space<vmem>> -> memref<1x128x64xf32, #tpu.memory_space<vmem>>
      %dma_start3A_985 = tpu.memref_squeeze %dma_start3A_984 : memref<1x128x64xf32, #tpu.memory_space<vmem>> -> memref<128x64xf32, #tpu.memory_space<vmem>>
      %dma_start3A_986 = arith.constant 0 : i32
      %dma_start3A_987 = tpu.memref_slice %arg7[%dma_start3A_980, %dma_start3A_986] : memref<157x128xi32, #tpu.memory_space<vmem>> -> memref<1x128xi32, #tpu.memory_space<vmem>>
      %dma_start3A_988 = tpu.memref_squeeze %dma_start3A_987 : memref<1x128xi32, #tpu.memory_space<vmem>> -> memref<128xi32, #tpu.memory_space<vmem>>
      %dma_start3A_989 = arith.constant 0 : i32
      %dma_start3A_990 = arith.constant 0 : i32
      %dma_start3A_991 = tpu.memref_slice %arg5[%dma_start3A_989, %dma_start3A_990] : memref<10240x64xf32, #tpu.memory_space<vmem_shared>> -> memref<10240x64xf32, #tpu.memory_space<vmem_shared>>
      %dma_start3A_992 = tpu.memref_slice %arg10[%dma_start3A_981] : memref<6x!tpu.dma_semaphore, #tpu.memory_space<semaphore_mem>> -> memref<1x!tpu.dma_semaphore, #tpu.memory_space<semaphore_mem>>
      %dma_start3A_993 = tpu.memref_squeeze %dma_start3A_992 : memref<1x!tpu.dma_semaphore, #tpu.memory_space<semaphore_mem>> -> memref<!tpu.dma_semaphore, #tpu.memory_space<semaphore_mem>>
      tpu.enqueue_indirect_dma source(%dma_start3A_985 : memref<128x64xf32, #tpu.memory_space<vmem>>) target(%dma_start3A_991 : memref<10240x64xf32, #tpu.memory_space<vmem_shared>>) offsets(%dma_start3A_988 : memref<128xi32, #tpu.memory_space<vmem>>) semaphore(%dma_start3A_993 : memref<!tpu.dma_semaphore, #tpu.memory_space<semaphore_mem>>) {add = true}
      %dma_wait3A_994 = arith.constant 0 : i32
      %dma_wait3A_995 = arith.constant 156 : i32
      %dma_wait3A_996 = arith.constant 0 : i32
      %dma_wait3A_997 = arith.constant 0 : i32
      %dma_wait3A_998 = arith.constant 0 : i32
      %dma_wait3A_999 = tpu.memref_slice %arg8[%dma_wait3A_994, %dma_wait3A_997, %dma_wait3A_998] : memref<6x128x64xf32, #tpu.memory_space<vmem>> -> memref<1x128x64xf32, #tpu.memory_space<vmem>>
      %dma_wait3A_1000 = tpu.memref_squeeze %dma_wait3A_999 : memref<1x128x64xf32, #tpu.memory_space<vmem>> -> memref<128x64xf32, #tpu.memory_space<vmem>>
      %dma_wait3A_1001 = arith.constant 0 : i32
      %dma_wait3A_1002 = tpu.memref_slice %arg7[%dma_wait3A_995, %dma_wait3A_1001] : memref<157x128xi32, #tpu.memory_space<vmem>> -> memref<1x128xi32, #tpu.memory_space<vmem>>
      %dma_wait3A_1003 = tpu.memref_squeeze %dma_wait3A_1002 : memref<1x128xi32, #tpu.memory_space<vmem>> -> memref<128xi32, #tpu.memory_space<vmem>>
      %dma_wait3A_1004 = arith.constant 0 : i32
      %dma_wait3A_1005 = arith.constant 0 : i32
      %dma_wait3A_1006 = tpu.memref_slice %arg5[%dma_wait3A_1004, %dma_wait3A_1005] : memref<10240x64xf32, #tpu.memory_space<vmem_shared>> -> memref<10240x64xf32, #tpu.memory_space<vmem_shared>>
      %dma_wait3A_1007 = tpu.memref_slice %arg10[%dma_wait3A_996] : memref<6x!tpu.dma_semaphore, #tpu.memory_space<semaphore_mem>> -> memref<1x!tpu.dma_semaphore, #tpu.memory_space<semaphore_mem>>
      %dma_wait3A_1008 = tpu.memref_squeeze %dma_wait3A_1007 : memref<1x!tpu.dma_semaphore, #tpu.memory_space<semaphore_mem>> -> memref<!tpu.dma_semaphore, #tpu.memory_space<semaphore_mem>>
      tpu.wait_indirect_dma semaphore(%dma_wait3A_1008 : memref<!tpu.dma_semaphore, #tpu.memory_space<semaphore_mem>>) src(%dma_wait3A_1000 : memref<128x64xf32, #tpu.memory_space<vmem>>) dst(%dma_wait3A_1006 : memref<10240x64xf32, #tpu.memory_space<vmem_shared>>)
    } else {
    }
    %barrier3A_948 = arith.constant 0 : index
    tpu.barrier barrier_id(%barrier3A_948)
    %mul3A_949 = arith.constant 640 : i32
    %mul3A_950 = arith.muli %arg1, %mul3A_949 : i32
    %lt3A = arith.constant 15 : i32
    %lt3A_951 = arith.cmpi slt, %arg1, %lt3A : i32
    %convert_element_type3A_952 = arith.extui %lt3A_951 : i1 to i32
    %cond3A_953 = arith.constant 0 : i32
    %cond3A_954 = arith.cmpi ne, %convert_element_type3A_952, %cond3A_953 : i32
    scf.if %cond3A_954 {
      %mul3A_960 = arith.constant 64 : i32
      %mul3A_961 = arith.muli %arg0, %mul3A_960 : i32
      "tpu.region"() ({
        %run_scoped3A_962 = tpu.sem_alloc : memref<!tpu.dma_semaphore, #tpu.memory_space<semaphore_mem>>
        %dma_start3A_963 = tpu.memref_slice %arg4[%mul3A_950, %mul3A_961] : memref<10000x128xf32, #tpu.memory_space<hbm>> -> memref<640x64xf32, #tpu.memory_space<hbm>>
        %dma_start3A_964 = arith.constant 0 : i32
        %dma_start3A_965 = tpu.memref_slice %arg5[%mul3A_950, %dma_start3A_964] : memref<10240x64xf32, #tpu.memory_space<vmem_shared>> -> memref<640x64xf32, #tpu.memory_space<vmem_shared>>
        tpu.enqueue_dma source(%dma_start3A_965 : memref<640x64xf32, #tpu.memory_space<vmem_shared>>) target(%dma_start3A_963 : memref<640x64xf32, #tpu.memory_space<hbm>>) target_semaphore(%run_scoped3A_962 : memref<!tpu.dma_semaphore, #tpu.memory_space<semaphore_mem>>)
        %dma_wait3A_966 = tpu.memref_slice %arg4[%mul3A_950, %mul3A_961] : memref<10000x128xf32, #tpu.memory_space<hbm>> -> memref<640x64xf32, #tpu.memory_space<hbm>>
        %dma_wait3A_967 = arith.constant 0 : i32
        %dma_wait3A_968 = tpu.memref_slice %arg5[%mul3A_950, %dma_wait3A_967] : memref<10240x64xf32, #tpu.memory_space<vmem_shared>> -> memref<640x64xf32, #tpu.memory_space<vmem_shared>>
        tpu.wait_dma2 semaphore(%run_scoped3A_962 : memref<!tpu.dma_semaphore, #tpu.memory_space<semaphore_mem>>) src(%dma_wait3A_968 : memref<640x64xf32, #tpu.memory_space<vmem_shared>>) dst(%dma_wait3A_966 : memref<640x64xf32, #tpu.memory_space<hbm>>)
        tpu.yield
      }) : () -> ()
    } else {
    }
    %eq3A_955 = arith.constant 15 : i32
    %eq3A_956 = arith.cmpi eq, %arg1, %eq3A_955 : i32
    %convert_element_type3A_957 = arith.extui %eq3A_956 : i1 to i32
    %cond3A_958 = arith.constant 0 : i32
    %cond3A_959 = arith.cmpi ne, %convert_element_type3A_957, %cond3A_958 : i32
    scf.if %cond3A_959 {
      %mul3A_960 = arith.constant 64 : i32
      %mul3A_961 = arith.muli %arg0, %mul3A_960 : i32
      "tpu.region"() ({
        %run_scoped3A_962 = tpu.sem_alloc : memref<!tpu.dma_semaphore, #tpu.memory_space<semaphore_mem>>
        %dma_start3A_963 = tpu.memref_slice %arg4[%mul3A_950, %mul3A_961] : memref<10000x128xf32, #tpu.memory_space<hbm>> -> memref<400x64xf32, #tpu.memory_space<hbm>>
        %dma_start3A_964 = arith.constant 0 : i32
        %dma_start3A_965 = tpu.memref_slice %arg5[%mul3A_950, %dma_start3A_964] : memref<10240x64xf32, #tpu.memory_space<vmem_shared>> -> memref<400x64xf32, #tpu.memory_space<vmem_shared>>
        tpu.enqueue_dma source(%dma_start3A_965 : memref<400x64xf32, #tpu.memory_space<vmem_shared>>) target(%dma_start3A_963 : memref<400x64xf32, #tpu.memory_space<hbm>>) target_semaphore(%run_scoped3A_962 : memref<!tpu.dma_semaphore, #tpu.memory_space<semaphore_mem>>)
        %dma_wait3A_966 = tpu.memref_slice %arg4[%mul3A_950, %mul3A_961] : memref<10000x128xf32, #tpu.memory_space<hbm>> -> memref<400x64xf32, #tpu.memory_space<hbm>>
        %dma_wait3A_967 = arith.constant 0 : i32
        %dma_wait3A_968 = tpu.memref_slice %arg5[%mul3A_950, %dma_wait3A_967] : memref<10240x64xf32, #tpu.memory_space<vmem_shared>> -> memref<400x64xf32, #tpu.memory_space<vmem_shared>>
        tpu.wait_dma2 semaphore(%run_scoped3A_962 : memref<!tpu.dma_semaphore, #tpu.memory_space<semaphore_mem>>) src(%dma_wait3A_968 : memref<400x64xf32, #tpu.memory_space<vmem_shared>>) dst(%dma_wait3A_966 : memref<400x64xf32, #tpu.memory_space<hbm>>)
        tpu.yield
      }) : () -> ()
    } else {
    }
    return
  }
}

module attributes {stable_mosaic.version = 14 : i64} {
  func.func @_mm_bias_split_kernel(%arg0: i32, %arg1: memref<2000x128xf32, #tpu.memory_space<vmem>>, %arg2: memref<128x128xf32, #tpu.memory_space<vmem>>, %arg3: memref<1x128xf32, #tpu.memory_space<vmem>>, %arg4: memref<2x2000x64xf32, #tpu.memory_space<vmem>>) attributes {dimension_semantics = [#tpu.dimension_semantics<arbitrary>], iteration_bounds = array<i64: 5>, scalar_prefetch = 0 : i64, scratch_operands = 0 : i64, tpu.core_type = #tpu.core_type<tc>, window_params = [{transform_indices = @transform_0, window_bounds = array<i64: 2000, 128>}, {pipeline_mode = #tpu.pipeline_mode<synchronous>, transform_indices = @transform_1, window_bounds = array<i64: 128, 128>}, {pipeline_mode = #tpu.pipeline_mode<synchronous>, transform_indices = @transform_2, window_bounds = array<i64: 1, 128>}, {transform_indices = @transform_3, window_bounds = array<i64: 2, 2000, 64>}]} {
    %get3A = arith.constant 0 : index
    %get3A_0 = arith.constant 0 : index
    %get3A_1 = vector.load %arg1[%get3A, %get3A_0] : memref<2000x128xf32, #tpu.memory_space<vmem>>, vector<2000x128xf32>
    %get3A_2 = arith.constant 0 : index
    %get3A_3 = arith.constant 0 : index
    %get3A_4 = vector.load %arg2[%get3A_2, %get3A_3] : memref<128x128xf32, #tpu.memory_space<vmem>>, vector<128x128xf32>
    %dot_general3A = arith.constant dense<0.000000e+00> : vector<2000x128xf32>
    %dot_general3A_5 = tpu.matmul %get3A_1, %get3A_4, %dot_general3A {dimension_numbers = #tpu.dot_dimension_numbers<[1], [0], [0], [1], [0, 0, 1, 1], [], []>, transpose_lhs_hint = false} : vector<2000x128xf32>, vector<128x128xf32>, vector<2000x128xf32> -> vector<2000x128xf32>
    %get3A_6 = arith.constant 0 : index
    %get3A_7 = arith.constant 0 : index
    %get3A_8 = vector.load %arg3[%get3A_6, %get3A_7] : memref<1x128xf32, #tpu.memory_space<vmem>>, vector<1x128xf32>
    %add3A = vector.broadcast %get3A_8 : vector<1x128xf32> to vector<2000x128xf32>
    %add3A_9 = arith.addf %dot_general3A_5, %add3A : vector<2000x128xf32>
    %slice3A = vector.extract_strided_slice %add3A_9 {offsets = [0, 0], sizes = [2000, 64], strides = [1, 1]} : vector<2000x128xf32> to vector<2000x64xf32>
    %swap3A = arith.constant 0 : index
    %swap3A_10 = arith.constant 0 : index
    %swap3A_11 = arith.constant 0 : index
    %swap3A_12 = vector.load %arg4[%swap3A, %swap3A_10, %swap3A_11] : memref<2x2000x64xf32, #tpu.memory_space<vmem>>, vector<1x2000x64xf32>
    %swap3A_13 = vector.shape_cast %swap3A_12 : vector<1x2000x64xf32> to vector<2000x64xf32>
    %swap3A_14 = vector.shape_cast %slice3A : vector<2000x64xf32> to vector<1x2000x64xf32>
    tpu.vector_store %arg4[%swap3A, %swap3A_10, %swap3A_11], %swap3A_14 {strides = array<i32>} : memref<2x2000x64xf32, #tpu.memory_space<vmem>>, vector<1x2000x64xf32>,
    %slice3A_15 = vector.extract_strided_slice %add3A_9 {offsets = [0, 64], sizes = [2000, 64], strides = [1, 1]} : vector<2000x128xf32> to vector<2000x64xf32>
    %swap3A_16 = arith.constant 1 : index
    %swap3A_17 = arith.constant 0 : index
    %swap3A_18 = arith.constant 0 : index
    %swap3A_19 = vector.load %arg4[%swap3A_16, %swap3A_17, %swap3A_18] : memref<2x2000x64xf32, #tpu.memory_space<vmem>>, vector<1x2000x64xf32>
    %swap3A_20 = vector.shape_cast %swap3A_19 : vector<1x2000x64xf32> to vector<2000x64xf32>
    %swap3A_21 = vector.shape_cast %slice3A_15 : vector<2000x64xf32> to vector<1x2000x64xf32>
    tpu.vector_store %arg4[%swap3A_16, %swap3A_17, %swap3A_18], %swap3A_21 {strides = array<i32>} : memref<2x2000x64xf32, #tpu.memory_space<vmem>>, vector<1x2000x64xf32>,
    return
  }
  func.func @transform_0(%arg0: i32) -> (i32, i32) {
    %c0_i32 = arith.constant 0 : i32
    %c0_i32_0 = arith.constant 0 : i32
    return %arg0, %c0_i32 : i32, i32
  }
  func.func @transform_1(%arg0: i32) -> (i32, i32) {
    %c0_i32 = arith.constant 0 : i32
    %c0_i32_0 = arith.constant 0 : i32
    %c0_i32_1 = arith.constant 0 : i32
    return %c0_i32, %c0_i32_0 : i32, i32
  }
  func.func @transform_2(%arg0: i32) -> (i32, i32) {
    %c0_i32 = arith.constant 0 : i32
    %c0_i32_0 = arith.constant 0 : i32
    %c0_i32_1 = arith.constant 0 : i32
    return %c0_i32, %c0_i32_0 : i32, i32
  }
  func.func @transform_3(%arg0: i32) -> (i32, i32, i32) {
    %c0_i32 = arith.constant 0 : i32
    %c0_i32_0 = arith.constant 0 : i32
    %c0_i32_1 = arith.constant 0 : i32
    return %c0_i32, %arg0, %c0_i32_0 : i32, i32, i32
  }
}

module attributes {stable_mosaic.version = 14 : i64} {
  func.func @_mm_bias_split_kernel(%arg0: i32, %arg1: memref<2000x128xf32, #tpu.memory_space<vmem>>, %arg2: memref<128x64xf32, #tpu.memory_space<vmem>>, %arg3: memref<1x64xf32, #tpu.memory_space<vmem>>, %arg4: memref<2x2000x32xf32, #tpu.memory_space<vmem>>) attributes {dimension_semantics = [#tpu.dimension_semantics<arbitrary>], iteration_bounds = array<i64: 5>, scalar_prefetch = 0 : i64, scratch_operands = 0 : i64, tpu.core_type = #tpu.core_type<tc>, window_params = [{transform_indices = @transform_0, window_bounds = array<i64: 2000, 128>}, {pipeline_mode = #tpu.pipeline_mode<synchronous>, transform_indices = @transform_1, window_bounds = array<i64: 128, 64>}, {pipeline_mode = #tpu.pipeline_mode<synchronous>, transform_indices = @transform_2, window_bounds = array<i64: 1, 64>}, {transform_indices = @transform_3, window_bounds = array<i64: 2, 2000, 32>}]} {
    %get3A = arith.constant 0 : index
    %get3A_0 = arith.constant 0 : index
    %get3A_1 = vector.load %arg1[%get3A, %get3A_0] : memref<2000x128xf32, #tpu.memory_space<vmem>>, vector<2000x128xf32>
    %get3A_2 = arith.constant 0 : index
    %get3A_3 = arith.constant 0 : index
    %get3A_4 = vector.load %arg2[%get3A_2, %get3A_3] : memref<128x64xf32, #tpu.memory_space<vmem>>, vector<128x64xf32>
    %dot_general3A = arith.constant dense<0.000000e+00> : vector<2000x64xf32>
    %dot_general3A_5 = tpu.matmul %get3A_1, %get3A_4, %dot_general3A {dimension_numbers = #tpu.dot_dimension_numbers<[1], [0], [0], [1], [0, 0, 1, 1], [], []>, transpose_lhs_hint = false} : vector<2000x128xf32>, vector<128x64xf32>, vector<2000x64xf32> -> vector<2000x64xf32>
    %get3A_6 = arith.constant 0 : index
    %get3A_7 = arith.constant 0 : index
    %get3A_8 = vector.load %arg3[%get3A_6, %get3A_7] : memref<1x64xf32, #tpu.memory_space<vmem>>, vector<1x64xf32>
    %add3A = vector.broadcast %get3A_8 : vector<1x64xf32> to vector<2000x64xf32>
    %add3A_9 = arith.addf %dot_general3A_5, %add3A : vector<2000x64xf32>
    %slice3A = vector.extract_strided_slice %add3A_9 {offsets = [0, 0], sizes = [2000, 32], strides = [1, 1]} : vector<2000x64xf32> to vector<2000x32xf32>
    %swap3A = arith.constant 0 : index
    %swap3A_10 = arith.constant 0 : index
    %swap3A_11 = arith.constant 0 : index
    %swap3A_12 = vector.load %arg4[%swap3A, %swap3A_10, %swap3A_11] : memref<2x2000x32xf32, #tpu.memory_space<vmem>>, vector<1x2000x32xf32>
    %swap3A_13 = vector.shape_cast %swap3A_12 : vector<1x2000x32xf32> to vector<2000x32xf32>
    %swap3A_14 = vector.shape_cast %slice3A : vector<2000x32xf32> to vector<1x2000x32xf32>
    tpu.vector_store %arg4[%swap3A, %swap3A_10, %swap3A_11], %swap3A_14 {strides = array<i32>} : memref<2x2000x32xf32, #tpu.memory_space<vmem>>, vector<1x2000x32xf32>,
    %slice3A_15 = vector.extract_strided_slice %add3A_9 {offsets = [0, 32], sizes = [2000, 32], strides = [1, 1]} : vector<2000x64xf32> to vector<2000x32xf32>
    %swap3A_16 = arith.constant 1 : index
    %swap3A_17 = arith.constant 0 : index
    %swap3A_18 = arith.constant 0 : index
    %swap3A_19 = vector.load %arg4[%swap3A_16, %swap3A_17, %swap3A_18] : memref<2x2000x32xf32, #tpu.memory_space<vmem>>, vector<1x2000x32xf32>
    %swap3A_20 = vector.shape_cast %swap3A_19 : vector<1x2000x32xf32> to vector<2000x32xf32>
    %swap3A_21 = vector.shape_cast %slice3A_15 : vector<2000x32xf32> to vector<1x2000x32xf32>
    tpu.vector_store %arg4[%swap3A_16, %swap3A_17, %swap3A_18], %swap3A_21 {strides = array<i32>} : memref<2x2000x32xf32, #tpu.memory_space<vmem>>, vector<1x2000x32xf32>,
    return
  }
  func.func @transform_0(%arg0: i32) -> (i32, i32) {
    %c0_i32 = arith.constant 0 : i32
    %c0_i32_0 = arith.constant 0 : i32
    return %arg0, %c0_i32 : i32, i32
  }
  func.func @transform_1(%arg0: i32) -> (i32, i32) {
    %c0_i32 = arith.constant 0 : i32
    %c0_i32_0 = arith.constant 0 : i32
    %c0_i32_1 = arith.constant 0 : i32
    return %c0_i32, %c0_i32_0 : i32, i32
  }
  func.func @transform_2(%arg0: i32) -> (i32, i32) {
    %c0_i32 = arith.constant 0 : i32
    %c0_i32_0 = arith.constant 0 : i32
    %c0_i32_1 = arith.constant 0 : i32
    return %c0_i32, %c0_i32_0 : i32, i32
  }
  func.func @transform_3(%arg0: i32) -> (i32, i32, i32) {
    %c0_i32 = arith.constant 0 : i32
    %c0_i32_0 = arith.constant 0 : i32
    %c0_i32_1 = arith.constant 0 : i32
    return %c0_i32, %arg0, %c0_i32_0 : i32, i32, i32
  }
}

</mosaic_0001>

<sc_bundles>
// kernel: kernel.6.cloned.1.call-start
scs
__scs_entry_jumppad:
0x0: {  	(pc) =	sbr.rel $0x88, $3  }
0x1: {  	(tag) =	ssettag $0x0;
	lr =	simm.s32 $0x1  }
0x2: {  	[smem:$0x3F9B] =	sst lr;
	_ =	strace $0xD0000000  }
0x3: {  	_ = 	snop  }
0x4: {  	_ = 	snop  }
0x5: {  	_ = 	snop  }
0x6: {  	_ = 	snop  }
0x7: {  	_ = 	snop  }
__scs_overlays_trampoline_lowered:
0x8: {  	[smem:$0x3FAA] =	sst s0  }
0x9: {  	[smem:$0x3FAB] =	sst s1  }
0xa: {  	[smem:$0x3FAC] =	sst s2  }
0xb: {  	[smem:$0x3FAD] =	sst s3  }
0xc: {  	[smem:$0x3FAE] =	sst s4  }
0xd: {  	[smem:$0x3FAF] =	sst s5  }
0xe: {  	[smem:$0x3FB0] =	sst s6  }
0xf: {  	[smem:$0x3FB1] =	sst s7  }
0x10: {  	[smem:$0x3FB2] =	sst s8  }
0x11: {  	[smem:$0x3FB3] =	sst s9;
	s0 =	simm.s32 @!p0 $0x0  }
0x12: {  	s1 =	sld [smem:$0x3F99];
	s0 =	simm.s32 @p0 $0x1  }
0x13: {  	[smem:$0x3FB4] =	sst s0;
	s0 =	simm.s32 @!p1 $0x0  }
0x14: {  	s2 =	sld [smem:$0x3F98];
	s0 =	simm.s32 @p1 $0x1  }
0x15: {  	[smem:$0x3FB5] =	sst s0;
	s0 =	simm.s32 @!p2 $0x0  }
0x16: {  	s3 =	sld [smem:$0x3FDB];
	s0 =	simm.s32 @p2 $0x1  }
0x17: {  	s4 =	simm.s32 $0x1BF5;
	[smem:$0x3FB7] =	sst s0  }
0x18: {  	s0 =	sld [smem:$0x3F9A];
	_ =	swait.ge [sflag:s4], $0x0  }
0x19: {  	s7 =	sld [smem:$0x3F9B]  }
0x1a: {  	s8 =	sadd.s32 $0xFFFFE003, lr  }
0x1b: {  	s9 =	sadd.s32 $0xFFFFFEF7, lr;
	s5 =	simm.s32 $0xFFFFFFFF;
	p2 =	slt.u32 s8, $0xFFFFF086  }
0x1c: {  	p1 =	slt.u32 s9, $0xF7A;
	s5 =	simm.s32 @!p2 $0x0  }
0x1d: {  	s5 =	simm.s32 @p1 $0x1;
	p0 =	seq.s32 s7, s2  }
0x1e: {  	s7 =	smul.u32 @!p0 $0xF7A, s2;
	p2 =	seq.s32 @!p0 s5, $0x0  }
0x1f: {  	s9 =	smul.u32 $0xF7A, s1;
	s8 =	simm.s32 @!p0 $0x1BF5;
	p2 =	por !p2, p0  }
0x20: {  	[sflag:s8] =	ssyncset.s32 @!p0 $0xFFFFF086;
	s6 =	sadd.s32 @!p0 s3, s7;
	s7 =	simm.s32 @!p0 $0x108  }
0x21: {  	s3 =	sadd.s32 s3, s9;
	s6 =	sadd.s32 @!p0 $0x88, s6;
	s7 =	simm.s32 @p2 $0x1082  }
0x22: {  	[simem:s7], [sflag:s8] =	dma.local @!p0 [hbm:s6], $0xF7A  }
0x23: {  	s9 =	sor.u32 $0xD0000000, s2;
	s6 =	simm.s32 $0x108;
	_ =	swait.ge @!p0 [sflag:s8], $0x0  }
0x24: {  	s3 =	sadd.s32 $0x88, s3;
	s6 =	simm.s32 @!p1 $0x1082;
	[sflag:s4] =	ssyncset.s32 $0xFFFFF086  }
0x25: {  	[simem:s6], [sflag:s4] =	dma.local [hbm:s3], $0xF7A  }
0x26: {  	[smem:$0x3F9B] =	sst s1;
	(tag) =	ssettag s2;
	_ =	strace s9  }
0x27: {  	s1 =	sld [smem:$0x3FAB]  }
0x28: {  	s2 =	sld [smem:$0x3FAC]  }
0x29: {  	s4 =	sld [smem:$0x3FAE]  }
0x2a: {  	p0 =	seq.s32 s5, $0x0;
	s5 =	sld [smem:$0x3FAF]  }
0x2b: {  	s6 =	sld [smem:$0x3FB0]  }
0x2c: {  	s7 =	sld [smem:$0x3FB1]  }
0x2d: {  	s3 =	simm.s32 $0x108;
	s8 =	sld [smem:$0x3FB2]  }
0x2e: {  	s3 =	simm.s32 @!p0 $0x1082;
	s9 =	sld [smem:$0x3FB3]  }
0x2f: {  	lr =	sadd.s32 s0, s3;
	s0 =	sld [smem:$0x3FAA]  }
0x30: {  	s3 =	sld [smem:$0x3FAD]  }
0x31: {  	[smem:$0x3FB6] =	sst s10  }
0x32: {  	s10 =	sld [smem:$0x3FB4];
	_ =	sdelay $0x3  }
0x33: {  	p0 =	seq.s32 s10, $0x1;
	s10 =	sld [smem:$0x3FB6];
	_ =	sdelay $0x3  }
0x34: {  	[smem:$0x3FB6] =	sst s10  }
0x35: {  	s10 =	sld [smem:$0x3FB5];
	_ =	sdelay $0x3  }
0x36: {  	p1 =	seq.s32 s10, $0x1;
	s10 =	sld [smem:$0x3FB6];
	_ =	sdelay $0x3  }
0x37: {  	[smem:$0x3FB6] =	sst s10  }
0x38: {  	s10 =	sld [smem:$0x3FB7]  }
0x39: {  	_ = 	snop;
	(pc) =	sbr.ind lr, $3  }
0x3a: {  	_ = 	snop  }
0x3b: {  	_ = 	snop  }
0x3c: {  	p2 =	seq.s32 s10, $0x1;
	s10 =	sld [smem:$0x3FB6]  }
0x3d: {  	_ =	shalt  }
0x3e: {  	_ =	shalt  }
0x3f: {  	_ =	shalt  }
0x40: {  	_ =	shalt  }
0x41: {  	_ =	shalt  }
0x42: {  	_ =	shalt  }
0x43: {  	_ =	shalt  }
0x44: {  	_ =	shalt  }
0x45: {  	_ =	shalt  }
0x46: {  	_ =	shalt  }
0x47: {  	_ =	shalt  }
0x48: {  	_ =	shalt  }
0x49: {  	_ =	shalt  }
0x4a: {  	_ =	shalt  }
0x4b: {  	_ =	shalt  }
0x4c: {  	_ =	shalt  }
0x4d: {  	_ =	shalt  }
0x4e: {  	_ =	shalt  }
0x4f: {  	_ =	shalt  }
0x50: {  	_ =	shalt  }
0x51: {  	_ =	shalt  }
0x52: {  	_ =	shalt  }
0x53: {  	_ =	shalt  }
0x54: {  	_ =	shalt  }
0x55: {  	_ =	shalt  }
0x56: {  	_ =	shalt  }
0x57: {  	_ =	shalt  }
0x58: {  	_ =	shalt  }
0x59: {  	_ =	shalt  }
0x5a: {  	_ =	shalt  }
0x5b: {  	_ =	shalt  }
0x5c: {  	_ =	shalt  }
0x5d: {  	_ =	shalt  }
0x5e: {  	_ =	shalt  }
0x5f: {  	_ =	shalt  }
0x60: {  	_ =	shalt  }
0x61: {  	_ =	shalt  }
0x62: {  	_ =	shalt  }
0x63: {  	_ =	shalt  }
0x64: {  	_ =	shalt  }
0x65: {  	_ =	shalt  }
0x66: {  	_ =	shalt  }
0x67: {  	_ =	shalt  }
0x68: {  	_ =	shalt  }
0x69: {  	_ =	shalt  }
0x6a: {  	_ =	shalt  }
0x6b: {  	_ =	shalt  }
0x6c: {  	_ =	shalt  }
0x6d: {  	_ =	shalt  }
0x6e: {  	_ =	shalt  }
0x6f: {  	_ =	shalt  }
0x70: {  	_ =	shalt  }
0x71: {  	_ =	shalt  }
0x72: {  	_ =	shalt  }
0x73: {  	_ =	shalt  }
0x74: {  	_ =	shalt  }
0x75: {  	_ =	shalt  }
0x76: {  	_ =	shalt  }
0x77: {  	_ =	shalt  }
0x78: {  	_ =	shalt  }
0x79: {  	_ =	shalt  }
0x7a: {  	_ =	shalt  }
0x7b: {  	_ =	shalt  }
0x7c: {  	_ =	shalt  }
0x7d: {  	_ =	shalt  }
0x7e: {  	_ =	shalt  }
0x7f: {  	_ =	shalt  }
0x80: {  	_ =	shalt  }
0x81: {  	_ =	shalt  }
0x82: {  	_ =	shalt  }
0x83: {  	_ =	shalt  }
0x84: {  	_ =	shalt  }
0x85: {  	_ =	shalt  }
0x86: {  	_ =	shalt  }
0x87: {  	_ =	shalt  }
.Lfunc_end0:
.L_simem_size_0:
called_computation_lowered:
.L_overlay_start_0:
0x88: {  	s2 =	sld [smem:$0x3FD9]  }
0x89: {  	s3 =	sld [smem:$0x3FFE];
	_ =	sdelay $0x1  }
0x8a: {  	s1 =	srdreg.scid  }
0x8b: {  	s0 =	sand.u32 $0x1, s1  }
0x8c: {  	s17 =	sshll.u32 s0, $0xA;
	s2 =	sadd.s32 s3, s2  }
0x8d: {  	s2 =	sadd.s32 s2, s17  }
0x8e: {  	[smem:$0x3FC2] =	sst s2  }
0x8f: {  	_ = 	snop  }
0x90: {  	s2 =	sld [smem:$0x3FD0];
	(tm) =	ssettm $0x1  }
0x91: {  	s18 =	sld [smem:$0x3FFB];
	_ =	sdelay $0x3  }
0x92: {  	_ =	strace s18  }
0x93: {  	s3 =	sld [smem:$0x3FFC];
	_ =	sdelay $0x3  }
0x94: {  	_ =	strace s3  }
0x95: {  	s3 =	sld [smem:$0x3FFD];
	_ =	sdelay $0x3  }
0x96: {  	_ =	strace s3  }
0x97: {  	_ =	strace $0x8FFFFFFF  }
0x98: {  	s19 =	sld [smem:$0x3FDB];
	_ =	sdelay $0x1  }
0x99: {  	s4 =	simm.s32 $_scs_section_size  }
0x9a: {  	s5 =	simm.s32 $_size__tile_overlayer_lowered;
	s6 =	simm.s32 $_tile_overlayer_lowered  }
0x9b: {  	s22 =	simm.s32 $0x1BFF;
	s21 =	sshll.u32 s6, $0x1;
	s3 =	sadd.s32 s4, s19  }
0x9c: {  	s7 =	simm.s32 $0x0;
	s20 =	sshll.u32 s5, $0x1;
	s5 =	sadd.s32 s21, s3  }
0x9d: {  	[timem:s7], [sflag:s22] =	dma.local [hbm:s5], s20  }
0x9e: {  	_ =	swait.ge [sflag:s22], s20  }
0x9f: {  	s4 =	ssub.s32 $0x0, s20;
	[sflag:s22] =	ssyncset.done $0x0  }
0xa0: {  	[sflag:s22] =	ssyncadd.s32 s4;
	_ =	sdelay $0x1  }
0xa1: {  	s23 =	simm.s32 $0x1B8B  }
0xa2: {  	_ =	swait.ge [sflag:s23], $0x1  }
0xa3: {  	[sflag:s23] =	ssyncset.done $0x0  }
0xa4: {  	s25 =	simm.s32 $0x1B8E;
	s24 =	sld [smem:$0x3FFE];
	[sflag:s23] =	ssyncadd.s32 $0xFFFFFFFF  }
0xa5: {  	s26 =	simm.s32 $execute0_lowered;
	[smem:$0x3FD2] =	sst s25  }
0xa6: {  	s5 =	sshll.u32 s26, $0x1;
	_ =	strace $0x80000046;
	[dreg:$0x1] =	wrdreg $0xFFFFFFFF  }
0xa7: {  	s28 =	simm.s32 $_size_execute0_lowered;
	s3 =	sadd.s32 s3, s5;
	[dreg:$0x0] =	wrdreg $0x0  }
0xa8: {  	s5 =	sshll.u32 s28, $0x1;
	[dreg:$0x2] =	wrdreg s3  }
0xa9: {  	[dreg:$0x3] =	wrdreg s5  }
0xaa: {  	[dreg:$0x4] =	wrdreg $0xC0  }
0xab: {  	_ =	task [dreg:s7], $0x5FFFF  }
0xac: {  	[dreg:$0x1] =	wrdreg $0xFFFFFFFF  }
0xad: {  	[dreg:$0x0] =	wrdreg $0x60  }
0xae: {  	[dreg:$0x2] =	wrdreg s24  }
0xaf: {  	[dreg:$0x3] =	wrdreg s2  }
0xb0: {  	[dreg:$0x4] =	wrdreg $0x0  }
0xb1: {  	[dreg:$0x5] =	wrdreg $0x9  }
0xb2: {  	_ =	task.clear_ibuf [dreg:s7], $0x6FFFF;
	_ =	strace $0x90000046  }
0xb3: {  	s29 =	simm.s32 $0x9;
	_ =	strace $0x80000048  }
0xb4: {  	_ =	swait.ge [sflag:s29], $0x1  }
0xb5: {  	[sflag:s29] =	ssyncadd.s32 $0xFFFFFFFF  }
0xb6: {  	_ =	strace $0x90000048  }
0xb7: {  	_ =	sfence  }
0xb8: {  	s30 =	sld [smem:$0x0];
	_ =	sdelay $0x2  }
0xb9: {  	s31 =	sshll.u32 s1, $0xD;
	s1 =	sshrl.u32 s1, $0x2  }
0xba: {  	s3 =	sand.u32 $0x4000, s31;
	s1 =	sadd.s32 s1, s30  }
0xbb: {  	s0 =	sor.u32 s3, s0;
	s1 =	sshll.u32 s1, $0x11  }
0xbc: {  	s0 =	sor.u32 s1, s0  }
0xbd: {  	s0 =	sadd.s32 $0x8F2B, s0  }
0xbe: {  	[sflag:s0] =	ssyncadd.remote.s32 $0x1  }
0xbf: {  	_ =	sfence.sel $0xFFFF  }
0xc0: {  	[dreg:$0x0] =	wrdreg $0xFFFFFFFF;
	(pc) =	sbr.abs _section_cstart, $3  }
0xc1: {  	[dreg:$0x1] =	wrdreg $0xFFFFFFFF  }
0xc2: {  	_ =	task.clear_ibuf [dreg:s7], $0x2FFFF;
	_ =	strace $0x9FFFFFFF  }
0xc3: {  	(tm) =	ssettm $0x7FFFFFFF  }
tec
execute0_lowered:
.L_overlay_start_1:
0x0: {  	(tag) =	ssettag $0x1  }
0x1: {  	s0 =	rddreg [dreg:$0x0]  }
0x2: {  	s2 =	rddreg [dreg:$0x1]  }
0x3: {  	s1 =	rddreg [dreg:$0x2];
	s4 =	simm.s32 $0x0;
	s3 =	srdreg.scid  }
0x4: {  	s11 =	stileid.u32;
	s17 =	simm.s32 $0xD;
	s28 =	simm.s32 $0xE  }
0x5: {  	s30 =	simm.s32 $0x1BD00;
	s31 =	simm.s32 $0x1;
	s7 =	smul.u32 $0x9C4, s11  }
0x6: {  	s29 =	simm.s32 $0x8;
	[smem:$0x7FF] =	sst s4;
	s9 =	smul.u32 $0x28000, s11  }
0x7: {  	s3 =	sand.u32 $0x1, s3;
	s19 =	smul.u32 $0x14000, s11;
	p1 =	seq.s32 s11, $0xF  }
0x8: {  	s12 =	smul.u32 $0x13880, s3;
	s5 =	ssub.s32 $0x2, s3;
	_ =	strace $0x80000047  }
0x9: {  	s22 =	sshll.u32 s3, $0x6;
	s3 =	sshll.u32 s3, $0x3;
	s6 =	sshrl.u32 s5, $0x1  }
0xa: {  	s13 =	sadd.s32 $0x9C4, s7;
	s14 =	sand.u32 $0xFFF0, s7;
	s7 =	sshrl.u32 s7, $0x4  }
0xb: {  	s18 =	sshrl.u32 s9, $0x2;
	s9 =	simm.s32 $0xB;
	s8 =	sadd.s32 s12, s0  }
0xc: {  	s0 =	sadd.s32 $0x28600, s0;
	s5 =	ssub.s32 s5, s6;
	s10 =	sshrl.u32 s13, $0x4  }
0xd: {  	s15 =	sadd.s32 s2, s14;
	s13 =	simm.s32 $0xEE80;
	s2 =	simm.s32 $0x5  }
0xe: {  	s16 =	ssub.s32 s10, s7;
	[dreg:$0x4] =	wrdreg s15;
	s4 =	sadd.s32 $0x9C40, s15  }
0xf: {  	s6 =	sadd.s32 $0x1400, s8;
	s7 =	sadd.s32 s18, s1;
	s8 =	sor.u32 s22, s19  }
0x10: {  	s3 =	sadd.s32 s3, s0;
	s26 =	smax.u32 s5, $0x1;
	s18 =	simm.s32 $0x80  }
0x11: {  	s19 =	simm.s32 $0x13D00;
	s22 =	simm.s32 $0x4;
	s5 =	simm.s32 $0xA  }
0x12: {  	s10 =	simm.s32 $0xC;
	s15 =	simm.s32 $0x0;
	[dreg:$0x5] =	wrdreg s4  }
0x13: {  	s20 =	sadd.s32 $0x2000, s7;
	s21 =	sadd.s32 $0x4000, s7;
	[dreg:$0xc] =	wrdreg s26  }
0x14: {  	s23 =	sadd.s32 $0x6000, s7;
	s24 =	sadd.s32 $0x8000, s7;
	[dreg:$0x6] =	wrdreg s20  }
0x15: {  	s8 =	sshrl.u32 s8, $0x3;
	s25 =	sadd.s32 $0x25800, s3;
	[dreg:$0x7] =	wrdreg s21  }
0x16: {  	p0 =	sne.s32 s16, $0x9D;
	s26 =	simm.s32 $0x1DD00;
	[dreg:$0x8] =	wrdreg s23  }
0x17: {  	s3 =	simm.s32 $0x9;
	[dreg:$0x9] =	wrdreg s24;
	s0 =	sadd.s32 s0, s8  }
0x18: {  	[dreg:$0xb] =	wrdreg s25;
	s21 =	simm.s32 $0x15D00;
	s23 =	simm.s32 $0x17D00  }
0x19: {  	s25 =	simm.s32 $0x19D00;
	s20 =	simm.s32 $0x2;
	s24 =	simm.s32 $0x7  }
0x1a: {  	v0 =	vimm.f32 $0.0e+00;
	s8 =	simm.s32 $0x6;
	[dreg:$0xa] =	wrdreg s0;
	s0 =	simm.s32 $0x3  }
.LBB2_1:
0x1b: {  	s4 =	simm.s32 $0x0;
	s11 =	rddreg [dreg:$0x4];
	s12 =	simm.s32 $0xA000  }
0x1c: {  	[tilespmem:s12], [sflag:$0xD] =	stream.linear.gather [hbm4b:s11+s4], $0x4E80, $0x38;
	[tilespmem:$0x1FD00] =	vst v63  }
0x1d: {  	s16 =	rddreg [dreg:$0x5]  }
0x1e: {  	[tilespmem:s13], [sflag:$0xD] =	stream.linear.gather [hbm4b:s16+s4], $0x4E80, $0x38;
	[tilespmem:$0x1FD00] =	vst v63  }
0x1f: {  	_ =	swait.ge [sflag:s17], $0x4E80  }
0x20: {  	[sflag:s17] =	ssyncset.done $0x0  }
0x21: {  	[sflag:s17] =	ssyncadd.s32 $0xFFFFB180  }
0x22: {  	_ =	swait.ge [sflag:s17], $0x4E80  }
0x23: {  	[sflag:s17] =	ssyncset.done $0x0  }
0x24: {  	[sflag:s17] =	ssyncadd.s32 $0xFFFFB180  }
0x25: {  	[tilespmem:s19], [sflag:$0x1] =	stream.indirect.gather [hbm4b:s6+s18], $0x40, s12, s18, $0xb8;
	[tilespmem:$0x1FD00] =	vst v63  }
0x26: {  	s12 =	simm.s32 $0xA080  }
0x27: {  	[tilespmem:s21], [sflag:$0x2] =	stream.indirect.gather [hbm4b:s6+s18], $0x40, s12, s18, $0xb8;
	[tilespmem:$0x1FD00] =	vst v63  }
0x28: {  	s14 =	simm.s32 $0xA100  }
0x29: {  	[tilespmem:s23], [sflag:$0x3] =	stream.indirect.gather [hbm4b:s6+s18], $0x40, s14, s18, $0xb8;
	[tilespmem:$0x1FD00] =	vst v63  }
0x2a: {  	s16 =	simm.s32 $0xA180  }
0x2b: {  	[tilespmem:s25], [sflag:$0x4] =	stream.indirect.gather [hbm4b:s6+s18], $0x40, s16, s18, $0xb8;
	[tilespmem:$0x1FD00] =	vst v63  }
0x2c: {  	s11 =	simm.s32 $0x0;
	s16 =	simm.s32 $0x100  }
.LBB2_2:
0x2d: {  	p2 =	sne.s32 s16, $0x7F00;
	[tilespmem:s11+$0x1DD30] =	vst v0;
	s4 =	smov.u32 s16;
	s16 =	sadd.s32 $0x100, s16  }
.Ltmp0:
0x2e: {  	[tilespmem:s11+$0x1DD20] =	vst v0;
	(pc) =	sbr.rel @p2 .LBB2_2-.Ltmp0, $3  }
0x2f: {  	[tilespmem:s11+$0x1DD00] =	vst v0  }
0x30: {  	[tilespmem:s11+$0x1DD10] =	vst v0;
	_ =	sdelay $0x1  }
0x31: {  	s11 =	sshra.s32 s4, $0x2  }
0x32: {  	[tilespmem:s11+$0x1DD30] =	vst v0  }
0x33: {  	[tilespmem:s11+$0x1DD20] =	vst v0  }
0x34: {  	[tilespmem:s11+$0x1DD00] =	vst v0  }
0x35: {  	[tilespmem:s11+$0x1DD10] =	vst v0  }
0x36: {  	[spmem:s7] =	stream.linear.scatter [tilespmem:s26], [sflag:$0xE], $0x2000, $0x38;
	[tilespmem:$0x1FD00] =	vst v63  }
0x37: {  	_ =	swait.ge [sflag:s28], $0x2000  }
0x38: {  	[sflag:s28] =	ssyncset.done $0x0  }
0x39: {  	s4 =	rddreg [dreg:$0x6];
	[sflag:s28] =	ssyncadd.s32 $0xFFFFE000  }
0x3a: {  	[spmem:s4] =	stream.linear.scatter [tilespmem:s26], [sflag:$0xE], $0x2000, $0x38;
	[tilespmem:$0x1FD00] =	vst v63  }
0x3b: {  	_ =	swait.ge [sflag:s28], $0x2000  }
0x3c: {  	[sflag:s28] =	ssyncset.done $0x0  }
0x3d: {  	s16 =	rddreg [dreg:$0x7];
	[sflag:s28] =	ssyncadd.s32 $0xFFFFE000  }
0x3e: {  	[spmem:s16] =	stream.linear.scatter [tilespmem:s26], [sflag:$0xE], $0x2000, $0x38;
	[tilespmem:$0x1FD00] =	vst v63  }
0x3f: {  	_ =	swait.ge [sflag:s28], $0x2000  }
0x40: {  	[sflag:s28] =	ssyncset.done $0x0  }
0x41: {  	s11 =	rddreg [dreg:$0x8];
	[sflag:s28] =	ssyncadd.s32 $0xFFFFE000  }
0x42: {  	[spmem:s11] =	stream.linear.scatter [tilespmem:s26], [sflag:$0xE], $0x2000, $0x38;
	[tilespmem:$0x1FD00] =	vst v63  }
0x43: {  	_ =	swait.ge [sflag:s28], $0x2000  }
0x44: {  	[sflag:s28] =	ssyncset.done $0x0  }
0x45: {  	s12 =	rddreg [dreg:$0x9];
	[sflag:s28] =	ssyncadd.s32 $0xFFFFE000  }
0x46: {  	[spmem:s12] =	stream.linear.scatter [tilespmem:s26], [sflag:$0xE], $0x2000, $0x38;
	[tilespmem:$0x1FD00] =	vst v63  }
0x47: {  	_ =	swait.ge [sflag:s28], $0x2000  }
0x48: {  	[sflag:s28] =	ssyncset.done $0x0  }
0x49: {  	[sflag:s28] =	ssyncadd.s32 $0xFFFFE000  }
0x4a: {  	s14 =	simm.s32 $0xA200;
	[bflag:$0x0] =	sbarrier.arrive $0xFFFF  }
0x4b: {  	[tilespmem:s30], [sflag:$0x5] =	stream.indirect.gather [hbm4b:s6+s18], $0x40, s14, s18, $0xb8;
	[tilespmem:$0x1FD00] =	vst v63  }
0x4c: {  	_ =	swait.ge [sflag:s31], $0x2000  }
0x4d: {  	[sflag:s31] =	ssyncset.done $0x0  }
0x4e: {  	[sflag:s31] =	ssyncadd.s32 $0xFFFFE000  }
0x4f: {  	[spmem:s1] =	stream.indirect.scatter.add.f32 [tilespmem:s19], [sflag:$0x7], $0x40, s13, s18, $0xb8;
	[tilespmem:$0x1FD00] =	vst v63  }
0x50: {  	s16 =	simm.s32 $0xA280  }
0x51: {  	[tilespmem:s26], [sflag:$0x6] =	stream.indirect.gather [hbm4b:s6+s18], $0x40, s16, s18, $0xb8;
	[tilespmem:$0x1FD00] =	vst v63  }
0x52: {  	_ =	swait.ge [sflag:s20], $0x2000  }
0x53: {  	[sflag:s20] =	ssyncset.done $0x0  }
0x54: {  	s11 =	simm.s32 $0xEF00;
	[sflag:s20] =	ssyncadd.s32 $0xFFFFE000  }
0x55: {  	[spmem:s1] =	stream.indirect.scatter.add.f32 [tilespmem:s21], [sflag:$0x8], $0x40, s11, s18, $0xb8;
	[tilespmem:$0x1FD00] =	vst v63  }
0x56: {  	_ =	swait.ge [sflag:s24], $0x2000  }
0x57: {  	[sflag:s24] =	ssyncset.done $0x0  }
0x58: {  	s12 =	simm.s32 $0xA300;
	[sflag:s24] =	ssyncadd.s32 $0xFFFFE000  }
0x59: {  	[tilespmem:s19], [sflag:$0x1] =	stream.indirect.gather [hbm4b:s6+s18], $0x40, s12, s18, $0xb8;
	[tilespmem:$0x1FD00] =	vst v63  }
0x5a: {  	_ =	swait.ge [sflag:s0], $0x2000  }
0x5b: {  	[sflag:s0] =	ssyncset.done $0x0  }
0x5c: {  	s13 =	simm.s32 $0xEF80;
	[sflag:s0] =	ssyncadd.s32 $0xFFFFE000  }
0x5d: {  	[spmem:s1] =	stream.indirect.scatter.add.f32 [tilespmem:s23], [sflag:$0x9], $0x40, s13, s18, $0xb8;
	[tilespmem:$0x1FD00] =	vst v63  }
0x5e: {  	_ =	swait.ge [sflag:s29], $0x2000  }
0x5f: {  	[sflag:s29] =	ssyncset.done $0x0  }
0x60: {  	s14 =	simm.s32 $0xA380;
	[sflag:s29] =	ssyncadd.s32 $0xFFFFE000  }
0x61: {  	[tilespmem:s21], [sflag:$0x2] =	stream.indirect.gather [hbm4b:s6+s18], $0x40, s14, s18, $0xb8;
	[tilespmem:$0x1FD00] =	vst v63  }
0x62: {  	_ =	swait.ge [sflag:s22], $0x2000  }
0x63: {  	[sflag:s22] =	ssyncset.done $0x0  }
0x64: {  	s16 =	simm.s32 $0xF000;
	[sflag:s22] =	ssyncadd.s32 $0xFFFFE000  }
0x65: {  	[spmem:s1] =	stream.indirect.scatter.add.f32 [tilespmem:s25], [sflag:$0xA], $0x40, s16, s18, $0xb8;
	[tilespmem:$0x1FD00] =	vst v63  }
0x66: {  	_ =	swait.ge [sflag:s3], $0x2000  }
0x67: {  	[sflag:s3] =	ssyncset.done $0x0  }
0x68: {  	s11 =	simm.s32 $0xA400;
	[sflag:s3] =	ssyncadd.s32 $0xFFFFE000  }
0x69: {  	[tilespmem:s23], [sflag:$0x3] =	stream.indirect.gather [hbm4b:s6+s18], $0x40, s11, s18, $0xb8;
	[tilespmem:$0x1FD00] =	vst v63  }
0x6a: {  	_ =	swait.ge [sflag:s2], $0x2000  }
0x6b: {  	[sflag:s2] =	ssyncset.done $0x0  }
0x6c: {  	s12 =	simm.s32 $0xF080;
	[sflag:s2] =	ssyncadd.s32 $0xFFFFE000  }
0x6d: {  	[spmem:s1] =	stream.indirect.scatter.add.f32 [tilespmem:s30], [sflag:$0xB], $0x40, s12, s18, $0xb8;
	[tilespmem:$0x1FD00] =	vst v63  }
0x6e: {  	_ =	swait.ge [sflag:s5], $0x2000  }
0x6f: {  	[sflag:s5] =	ssyncset.done $0x0  }
0x70: {  	s13 =	simm.s32 $0xA480;
	[sflag:s5] =	ssyncadd.s32 $0xFFFFE000  }
0x71: {  	[tilespmem:s25], [sflag:$0x4] =	stream.indirect.gather [hbm4b:s6+s18], $0x40, s13, s18, $0xb8;
	[tilespmem:$0x1FD00] =	vst v63  }
0x72: {  	_ =	swait.ge [sflag:s8], $0x2000  }
0x73: {  	[sflag:s8] =	ssyncset.done $0x0  }
0x74: {  	s14 =	simm.s32 $0xF100;
	[sflag:s8] =	ssyncadd.s32 $0xFFFFE000  }
0x75: {  	[spmem:s1] =	stream.indirect.scatter.add.f32 [tilespmem:s26], [sflag:$0xC], $0x40, s14, s18, $0xb8;
	[tilespmem:$0x1FD00] =	vst v63  }
0x76: {  	_ =	swait.ge [sflag:s9], $0x2000  }
0x77: {  	[sflag:s9] =	ssyncset.done $0x0  }
0x78: {  	s16 =	simm.s32 $0xA500;
	[sflag:s9] =	ssyncadd.s32 $0xFFFFE000  }
0x79: {  	[tilespmem:s30], [sflag:$0x5] =	stream.indirect.gather [hbm4b:s6+s18], $0x40, s16, s18, $0xb8;
	[tilespmem:$0x1FD00] =	vst v63  }
0x7a: {  	_ =	swait.ge [sflag:s31], $0x2000  }
0x7b: {  	[sflag:s31] =	ssyncset.done $0x0  }
0x7c: {  	s11 =	simm.s32 $0xF180;
	[sflag:s31] =	ssyncadd.s32 $0xFFFFE000  }
0x7d: {  	[spmem:s1] =	stream.indirect.scatter.add.f32 [tilespmem:s19], [sflag:$0x7], $0x40, s11, s18, $0xb8;
	[tilespmem:$0x1FD00] =	vst v63  }
0x7e: {  	_ =	swait.ge [sflag:s10], $0x2000  }
0x7f: {  	[sflag:s10] =	ssyncset.done $0x0  }
0x80: {  	s12 =	simm.s32 $0xA580;
	[sflag:s10] =	ssyncadd.s32 $0xFFFFE000  }
0x81: {  	[tilespmem:s26], [sflag:$0x6] =	stream.indirect.gather [hbm4b:s6+s18], $0x40, s12, s18, $0xb8;
	[tilespmem:$0x1FD00] =	vst v63  }
0x82: {  	_ =	swait.ge [sflag:s20], $0x2000  }
0x83: {  	[sflag:s20] =	ssyncset.done $0x0  }
0x84: {  	s13 =	simm.s32 $0xF200;
	[sflag:s20] =	ssyncadd.s32 $0xFFFFE000  }
0x85: {  	[spmem:s1] =	stream.indirect.scatter.add.f32 [tilespmem:s21], [sflag:$0x8], $0x40, s13, s18, $0xb8;
	[tilespmem:$0x1FD00] =	vst v63  }
0x86: {  	_ =	swait.ge [sflag:s24], $0x2000  }
0x87: {  	[sflag:s24] =	ssyncset.done $0x0  }
0x88: {  	s14 =	simm.s32 $0xA600;
	[sflag:s24] =	ssyncadd.s32 $0xFFFFE000  }
0x89: {  	[tilespmem:s19], [sflag:$0x1] =	stream.indirect.gather [hbm4b:s6+s18], $0x40, s14, s18, $0xb8;
	[tilespmem:$0x1FD00] =	vst v63  }
0x8a: {  	_ =	swait.ge [sflag:s0], $0x2000  }
0x8b: {  	[sflag:s0] =	ssyncset.done $0x0  }
0x8c: {  	s16 =	simm.s32 $0xF280;
	[sflag:s0] =	ssyncadd.s32 $0xFFFFE000  }
0x8d: {  	[spmem:s1] =	stream.indirect.scatter.add.f32 [tilespmem:s23], [sflag:$0x9], $0x40, s16, s18, $0xb8;
	[tilespmem:$0x1FD00] =	vst v63  }
0x8e: {  	_ =	swait.ge [sflag:s29], $0x2000  }
0x8f: {  	[sflag:s29] =	ssyncset.done $0x0  }
0x90: {  	s11 =	simm.s32 $0xA680;
	[sflag:s29] =	ssyncadd.s32 $0xFFFFE000  }
0x91: {  	[tilespmem:s21], [sflag:$0x2] =	stream.indirect.gather [hbm4b:s6+s18], $0x40, s11, s18, $0xb8;
	[tilespmem:$0x1FD00] =	vst v63  }
0x92: {  	_ =	swait.ge [sflag:s22], $0x2000  }
0x93: {  	[sflag:s22] =	ssyncset.done $0x0  }
0x94: {  	s12 =	simm.s32 $0xF300;
	[sflag:s22] =	ssyncadd.s32 $0xFFFFE000  }
0x95: {  	[spmem:s1] =	stream.indirect.scatter.add.f32 [tilespmem:s25], [sflag:$0xA], $0x40, s12, s18, $0xb8;
	[tilespmem:$0x1FD00] =	vst v63  }
0x96: {  	_ =	swait.ge [sflag:s3], $0x2000  }
0x97: {  	[sflag:s3] =	ssyncset.done $0x0  }
0x98: {  	s13 =	simm.s32 $0xA700;
	[sflag:s3] =	ssyncadd.s32 $0xFFFFE000  }
0x99: {  	[tilespmem:s23], [sflag:$0x3] =	stream.indirect.gather [hbm4b:s6+s18], $0x40, s13, s18, $0xb8;
	[tilespmem:$0x1FD00] =	vst v63  }
0x9a: {  	_ =	swait.ge [sflag:s2], $0x2000  }
0x9b: {  	[sflag:s2] =	ssyncset.done $0x0  }
0x9c: {  	s14 =	simm.s32 $0xF380;
	[sflag:s2] =	ssyncadd.s32 $0xFFFFE000  }
0x9d: {  	[spmem:s1] =	stream.indirect.scatter.add.f32 [tilespmem:s30], [sflag:$0xB], $0x40, s14, s18, $0xb8;
	[tilespmem:$0x1FD00] =	vst v63  }
0x9e: {  	_ =	swait.ge [sflag:s5], $0x2000  }
0x9f: {  	[sflag:s5] =	ssyncset.done $0x0  }
0xa0: {  	s16 =	simm.s32 $0xA780;
	[sflag:s5] =	ssyncadd.s32 $0xFFFFE000  }
0xa1: {  	[tilespmem:s25], [sflag:$0x4] =	stream.indirect.gather [hbm4b:s6+s18], $0x40, s16, s18, $0xb8;
	[tilespmem:$0x1FD00] =	vst v63  }
0xa2: {  	_ =	swait.ge [sflag:s8], $0x2000  }
0xa3: {  	[sflag:s8] =	ssyncset.done $0x0  }
0xa4: {  	s11 =	simm.s32 $0xC00;
	s16 =	simm.s32 $0xF400;
	[sflag:s8] =	ssyncadd.s32 $0xFFFFE000  }
.LBB2_4:
0xa5: {  	[spmem:s1] =	stream.indirect.scatter.add.f32 [tilespmem:s26], [sflag:$0xC], $0x40, s16, s18, $0xb8;
	[tilespmem:$0x1FD00] =	vst v63  }
0xa6: {  	s4 =	smov.u32 s11  }
0xa7: {  	p2 =	sne.s32 s11, $0x11400;
	s11 =	sadd.s32 $0xC00, s11;
	_ =	swait.ge [sflag:s9], $0x2000  }
0xa8: {  	s16 =	sshra.s32 s4, $0x2;
	[sflag:s9] =	ssyncset.done $0x0  }
0xa9: {  	s4 =	sadd.s32 $0xA500, s16;
	[sflag:s9] =	ssyncadd.s32 $0xFFFFE000  }
0xaa: {  	[tilespmem:s30], [sflag:$0x5] =	stream.indirect.gather [hbm4b:s6+s18], $0x40, s4, s18, $0xb8;
	[tilespmem:$0x1FD00] =	vst v63  }
0xab: {  	_ =	swait.ge [sflag:s31], $0x2000  }
0xac: {  	[sflag:s31] =	ssyncset.done $0x0  }
0xad: {  	s4 =	sadd.s32 $0xF180, s16;
	[sflag:s31] =	ssyncadd.s32 $0xFFFFE000  }
0xae: {  	[spmem:s1] =	stream.indirect.scatter.add.f32 [tilespmem:s19], [sflag:$0x7], $0x40, s4, s18, $0xb8;
	[tilespmem:$0x1FD00] =	vst v63  }
0xaf: {  	_ =	swait.ge [sflag:s10], $0x2000  }
0xb0: {  	[sflag:s10] =	ssyncset.done $0x0  }
0xb1: {  	s4 =	sadd.s32 $0xA580, s16;
	[sflag:s10] =	ssyncadd.s32 $0xFFFFE000  }
0xb2: {  	[tilespmem:s26], [sflag:$0x6] =	stream.indirect.gather [hbm4b:s6+s18], $0x40, s4, s18, $0xb8;
	[tilespmem:$0x1FD00] =	vst v63  }
0xb3: {  	_ =	swait.ge [sflag:s20], $0x2000  }
0xb4: {  	[sflag:s20] =	ssyncset.done $0x0  }
0xb5: {  	s4 =	sadd.s32 $0xF200, s16;
	[sflag:s20] =	ssyncadd.s32 $0xFFFFE000  }
0xb6: {  	[spmem:s1] =	stream.indirect.scatter.add.f32 [tilespmem:s21], [sflag:$0x8], $0x40, s4, s18, $0xb8;
	[tilespmem:$0x1FD00] =	vst v63  }
0xb7: {  	_ =	swait.ge [sflag:s24], $0x2000  }
0xb8: {  	[sflag:s24] =	ssyncset.done $0x0  }
0xb9: {  	s4 =	sadd.s32 $0xA600, s16;
	[sflag:s24] =	ssyncadd.s32 $0xFFFFE000  }
0xba: {  	[tilespmem:s19], [sflag:$0x1] =	stream.indirect.gather [hbm4b:s6+s18], $0x40, s4, s18, $0xb8;
	[tilespmem:$0x1FD00] =	vst v63  }
0xbb: {  	_ =	swait.ge [sflag:s0], $0x2000  }
0xbc: {  	[sflag:s0] =	ssyncset.done $0x0  }
0xbd: {  	s4 =	sadd.s32 $0xF280, s16;
	[sflag:s0] =	ssyncadd.s32 $0xFFFFE000  }
0xbe: {  	[spmem:s1] =	stream.indirect.scatter.add.f32 [tilespmem:s23], [sflag:$0x9], $0x40, s4, s18, $0xb8;
	[tilespmem:$0x1FD00] =	vst v63  }
0xbf: {  	_ =	swait.ge [sflag:s29], $0x2000  }
0xc0: {  	[sflag:s29] =	ssyncset.done $0x0  }
0xc1: {  	s4 =	sadd.s32 $0xA680, s16;
	[sflag:s29] =	ssyncadd.s32 $0xFFFFE000  }
0xc2: {  	[tilespmem:s21], [sflag:$0x2] =	stream.indirect.gather [hbm4b:s6+s18], $0x40, s4, s18, $0xb8;
	[tilespmem:$0x1FD00] =	vst v63  }
0xc3: {  	_ =	swait.ge [sflag:s22], $0x2000  }
0xc4: {  	[sflag:s22] =	ssyncset.done $0x0  }
0xc5: {  	s4 =	sadd.s32 $0xF300, s16;
	[sflag:s22] =	ssyncadd.s32 $0xFFFFE000  }
0xc6: {  	[spmem:s1] =	stream.indirect.scatter.add.f32 [tilespmem:s25], [sflag:$0xA], $0x40, s4, s18, $0xb8;
	[tilespmem:$0x1FD00] =	vst v63  }
0xc7: {  	_ =	swait.ge [sflag:s3], $0x2000  }
0xc8: {  	[sflag:s3] =	ssyncset.done $0x0  }
0xc9: {  	s4 =	sadd.s32 $0xA700, s16;
	[sflag:s3] =	ssyncadd.s32 $0xFFFFE000  }
0xca: {  	[tilespmem:s23], [sflag:$0x3] =	stream.indirect.gather [hbm4b:s6+s18], $0x40, s4, s18, $0xb8;
	[tilespmem:$0x1FD00] =	vst v63  }
0xcb: {  	_ =	swait.ge [sflag:s2], $0x2000  }
0xcc: {  	[sflag:s2] =	ssyncset.done $0x0  }
0xcd: {  	s4 =	sadd.s32 $0xF380, s16;
	[sflag:s2] =	ssyncadd.s32 $0xFFFFE000  }
0xce: {  	[spmem:s1] =	stream.indirect.scatter.add.f32 [tilespmem:s30], [sflag:$0xB], $0x40, s4, s18, $0xb8;
	[tilespmem:$0x1FD00] =	vst v63  }
0xcf: {  	_ =	swait.ge [sflag:s5], $0x2000  }
0xd0: {  	[sflag:s5] =	ssyncset.done $0x0  }
.Ltmp1:
0xd1: {  	s4 =	sadd.s32 $0xA780, s16;
	[sflag:s5] =	ssyncadd.s32 $0xFFFFE000;
	(pc) =	sbr.rel @p2 .LBB2_4-.Ltmp1, $4  }
0xd2: {  	[tilespmem:s25], [sflag:$0x4] =	stream.indirect.gather [hbm4b:s6+s18], $0x40, s4, s18, $0xb8;
	[tilespmem:$0x1FD00] =	vst v63  }
0xd3: {  	_ =	swait.ge [sflag:s8], $0x2000  }
0xd4: {  	[sflag:s8] =	ssyncset.done $0x0  }
0xd5: {  	s16 =	sadd.s32 $0xF400, s16;
	[sflag:s8] =	ssyncadd.s32 $0xFFFFE000  }
0xd6: {  	[spmem:s1] =	stream.indirect.scatter.add.f32 [tilespmem:s26], [sflag:$0xC], $0x40, s16, s18, $0xb8;
	[tilespmem:$0x1FD00] =	vst v63  }
0xd7: {  	_ =	swait.ge [sflag:s9], $0x2000  }
0xd8: {  	[sflag:s9] =	ssyncset.done $0x0  }
0xd9: {  	s4 =	simm.s32 $0xED00;
	[sflag:s9] =	ssyncadd.s32 $0xFFFFE000  }
0xda: {  	[tilespmem:s30], [sflag:$0x5] =	stream.indirect.gather [hbm4b:s6+s18], $0x40, s4, s18, $0xb8;
	[tilespmem:$0x1FD00] =	vst v63  }
0xdb: {  	_ =	swait.ge [sflag:s31], $0x2000  }
0xdc: {  	[sflag:s31] =	ssyncset.done $0x0  }
0xdd: {  	s11 =	simm.s32 $0x13980;
	[sflag:s31] =	ssyncadd.s32 $0xFFFFE000  }
0xde: {  	[spmem:s1] =	stream.indirect.scatter.add.f32 [tilespmem:s19], [sflag:$0x7], $0x40, s11, s18, $0xb8;
	[tilespmem:$0x1FD00] =	vst v63  }
0xdf: {  	_ =	swait.ge [sflag:s10], $0x2000  }
0xe0: {  	[sflag:s10] =	ssyncset.done $0x0  }
0xe1: {  	s12 =	simm.s32 $0xED80;
	[sflag:s10] =	ssyncadd.s32 $0xFFFFE000  }
0xe2: {  	[tilespmem:s26], [sflag:$0x6] =	stream.indirect.gather [hbm4b:s6+s18], $0x40, s12, s18, $0xb8;
	[tilespmem:$0x1FD00] =	vst v63  }
0xe3: {  	_ =	swait.ge [sflag:s20], $0x2000  }
0xe4: {  	[sflag:s20] =	ssyncset.done $0x0  }
0xe5: {  	s13 =	simm.s32 $0x13A00;
	[sflag:s20] =	ssyncadd.s32 $0xFFFFE000  }
0xe6: {  	[spmem:s1] =	stream.indirect.scatter.add.f32 [tilespmem:s21], [sflag:$0x8], $0x40, s13, s18, $0xb8;
	[tilespmem:$0x1FD00] =	vst v63  }
0xe7: {  	_ =	swait.ge [sflag:s24], $0x2000  }
0xe8: {  	s16 =	simm.s32 @!p0 $0x13D00;
	[sflag:s24] =	ssyncset.done $0x0  }
0xe9: {  	s4 =	simm.s32 @!p0 $0x80;
	s11 =	simm.s32 @!p0 $0xEE00;
	[sflag:s24] =	ssyncadd.s32 $0xFFFFE000  }
0xea: {  	[tilespmem:s16], [sflag:$0x1] =	stream.indirect.gather @!p0 [hbm4b:s6+s4], $0x40, s11, s4, $0xb8;
	[tilespmem:$0x1FD00] =	vst v63  }
0xeb: {  	_ =	swait.ge [sflag:s0], $0x2000  }
0xec: {  	[sflag:s0] =	ssyncset.done $0x0  }
0xed: {  	s14 =	simm.s32 $0x13A80;
	[sflag:s0] =	ssyncadd.s32 $0xFFFFE000  }
0xee: {  	[spmem:s1] =	stream.indirect.scatter.add.f32 [tilespmem:s23], [sflag:$0x9], $0x40, s14, s18, $0xb8;
	[tilespmem:$0x1FD00] =	vst v63  }
0xef: {  	_ =	swait.ge [sflag:s29], $0x2000  }
0xf0: {  	[sflag:s29] =	ssyncset.done $0x0  }
0xf1: {  	[sflag:s29] =	ssyncadd.s32 $0xFFFFE000  }
0xf2: {  	_ =	swait.ge [sflag:s22], $0x2000  }
0xf3: {  	[sflag:s22] =	ssyncset.done $0x0  }
0xf4: {  	s12 =	simm.s32 $0x13B00;
	[sflag:s22] =	ssyncadd.s32 $0xFFFFE000  }
0xf5: {  	[spmem:s1] =	stream.indirect.scatter.add.f32 [tilespmem:s25], [sflag:$0xA], $0x40, s12, s18, $0xb8;
	[tilespmem:$0x1FD00] =	vst v63  }
0xf6: {  	_ =	swait.ge [sflag:s3], $0x2000  }
0xf7: {  	[sflag:s3] =	ssyncset.done $0x0  }
0xf8: {  	[sflag:s3] =	ssyncadd.s32 $0xFFFFE000  }
0xf9: {  	_ =	swait.ge [sflag:s2], $0x2000  }
0xfa: {  	[sflag:s2] =	ssyncset.done $0x0  }
0xfb: {  	s13 =	simm.s32 $0x13B80;
	[sflag:s2] =	ssyncadd.s32 $0xFFFFE000  }
0xfc: {  	[spmem:s1] =	stream.indirect.scatter.add.f32 [tilespmem:s30], [sflag:$0xB], $0x40, s13, s18, $0xb8;
	[tilespmem:$0x1FD00] =	vst v63  }
0xfd: {  	_ =	swait.ge [sflag:s5], $0x2000  }
0xfe: {  	[sflag:s5] =	ssyncset.done $0x0  }
0xff: {  	[sflag:s5] =	ssyncadd.s32 $0xFFFFE000  }
0x100: {  	_ =	swait.ge [sflag:s8], $0x2000  }
0x101: {  	[sflag:s8] =	ssyncset.done $0x0  }
0x102: {  	s14 =	simm.s32 $0x13C00;
	[sflag:s8] =	ssyncadd.s32 $0xFFFFE000  }
0x103: {  	[spmem:s1] =	stream.indirect.scatter.add.f32 [tilespmem:s26], [sflag:$0xC], $0x40, s14, s18, $0xb8;
	[tilespmem:$0x1FD00] =	vst v63  }
0x104: {  	_ =	swait.ge [sflag:s9], $0x2000  }
0x105: {  	[sflag:s9] =	ssyncset.done $0x0  }
0x106: {  	[sflag:s9] =	ssyncadd.s32 $0xFFFFE000  }
0x107: {  	_ =	swait.ge [sflag:s10], $0x2000  }
0x108: {  	[sflag:s10] =	ssyncset.done $0x0  }
0x109: {  	s11 =	simm.s32 @!p0 $0x1;
	[sflag:s10] =	ssyncadd.s32 $0xFFFFE000  }
0x10a: {  	_ =	swait.ge @!p0 [sflag:s11], $0x2000  }
0x10b: {  	[sflag:s11] =	ssyncset.done @!p0 $0x0  }
0x10c: {  	[sflag:s11] =	ssyncadd.s32 @!p0 $0xFFFFE000;
	s11 =	simm.s32 @!p0 $0x13C80  }
0x10d: {  	[spmem:s1] =	stream.indirect.scatter.add.f32 @!p0 [tilespmem:s16], [sflag:$0x7], $0x40, s11, s4, $0xb8;
	[tilespmem:$0x1FD00] =	vst v63  }
0x10e: {  	s4 =	simm.s32 @!p0 $0x7  }
0x10f: {  	_ =	swait.ge @!p0 [sflag:s4], $0x2000  }
0x110: {  	[sflag:s4] =	ssyncset.done @!p0 $0x0  }
0x111: {  	s12 =	simm.s32 @p1 $0x8;
	[sflag:s4] =	ssyncadd.s32 @!p0 $0xFFFFE000  }
0x112: {  	s13 =	simm.s32 @p1 $0x1FCE;
	s11 =	simm.s32 @p1 $0x1;
	[bflag:$0x0] =	sbarrier.arrive $0xFFFF  }
0x113: {  	s16 =	simm.s32 @p1 $0x10;
	s4 =	sshrl.u32 @p1 s7, $0x3;
	s14 =	rddreg [dreg:$0xb]  }
0x114: {  	[hbm:s14@s16], [sflag:s13] =	dma.strided @p1 [spmem:s4@s12], $0xC80, s11, $0x8   }
0x115: {  	s4 =	simm.s32 @p1 $0xE;
	s11 =	stileid.u32;
	s12 =	simm.s32 @!p1 $0x1  }
0x116: {  	s13 =	simm.s32 @!p1 $0x10;
	s16 =	simm.s32 @!p1 $0x8;
	_ =	swait.ge @p1 [sflag:s4], $0xC80  }
0x117: {  	s11 =	sshll.u32 @!p1 s11, $0x6;
	[sflag:s4] =	ssyncset.done @p1 $0x0;
	s14 =	rddreg [dreg:$0xa]  }
0x118: {  	[sflag:s4] =	ssyncadd.s32 @p1 $0xFFFFF380;
	s4 =	sor.u32 @!p1 $0x1C0E, s11;
	s11 =	sshrl.u32 @!p1 s7, $0x3  }
0x119: {  	[hbm:s14@s13], [sflag:s4] =	dma.strided @!p1 [spmem:s11@s16], $0x1400, s12, $0x8   }
0x11a: {  	s4 =	simm.s32 @!p1 $0xE  }
0x11b: {  	_ =	swait.ge @!p1 [sflag:s4], $0x1400  }
0x11c: {  	s15 =	sadd.s32 $0x1, s15;
	s16 =	rddreg [dreg:$0xc]  }
0x11d: {  	p2 =	sne.s32 s15, s16  }
.Ltmp2:
0x11e: {  	_ = 	snop;
	(pc) =	sbr.rel @p2 .LBB2_1-.Ltmp2, $3  }
0x11f: {  	_ =	sdelay $0x1  }
0x120: {  	[sflag:s4] =	ssyncset.done @!p1 $0x0  }
0x121: {  	s13 =	simm.s32 $0xEE80;
	[sflag:s4] =	ssyncadd.s32 @!p1 $0xFFFFEC00  }
0x122: {  	_ =	sfence.sel $0x180000  }
0x123: {  	[bflag:$0x0] =	sbarrier.arrive $0xFFFF  }
0x124: {  	_ =	strace $0x90000047  }
0x125: {  	s0 =	stileid.u32;
	[bflag:$0x2] =	sbarrier.arrive $0xFFFF  }
0x126: {  	p0 =	sne.s32 s0, $0x0;
	s0 =	rddreg [dreg:$0x3]  }
0x127: {  	s0 =	sadd.s32 @!p0 $0x100000, s0  }
0x128: {  	[sflag:s0] =	ssyncadd.tile.s32 @!p0 $0x1;
	_ =	shalt  }
.Lfunc_end2:
_tile_overlayer_lowered:
.L_overlay_start_2:
0x129: {  	(tag) =	ssettag $0x2  }
0x12a: {  	s0 =	rddreg [dreg:$0x0];
	s2 =	stileid.u32  }
0x12b: {  	s1 =	rddreg [dreg:$0x1];
	p0 =	sne.s32 s2, $0x0  }
0x12c: {  	s3 =	rddreg [dreg:$0x2];
	[bflag:$0x3] =	sbarrier.arrive $0xFFFF;
	s2 =	simm.s32 @!p0 $0x1C0E  }
0x12d: {  	[timem:s3], [sflag:s2] =	dma.local @!p0 [hbm:s0], s1  }
0x12e: {  	s0 =	simm.s32 @!p0 $0xE  }
0x12f: {  	_ =	swait.ge @!p0 [sflag:s0], s1  }
0x130: {  	s1 =	ssub.s32 @!p0 $0x0, s1;
	[sflag:s0] =	ssyncset.done @!p0 $0x0  }
0x131: {  	[sflag:s0] =	ssyncadd.s32 @!p0 s1  }
0x132: {  	[bflag:$0x3] =	sbarrier.arrive $0xFFFF  }
0x133: {  	_ =	shalt  }

// kernel: kernel.9.cloned.1.call-start
scs
__scs_entry_jumppad:
0x0: {  	(pc) =	sbr.rel $0x88, $3  }
0x1: {  	(tag) =	ssettag $0x0;
	lr =	simm.s32 $0x1  }
0x2: {  	[smem:$0x3F9B] =	sst lr;
	_ =	strace $0xD0000000  }
0x3: {  	_ = 	snop  }
0x4: {  	_ = 	snop  }
0x5: {  	_ = 	snop  }
0x6: {  	_ = 	snop  }
0x7: {  	_ = 	snop  }
__scs_overlays_trampoline_lowered:
0x8: {  	[smem:$0x3FAA] =	sst s0  }
0x9: {  	[smem:$0x3FAB] =	sst s1  }
0xa: {  	[smem:$0x3FAC] =	sst s2  }
0xb: {  	[smem:$0x3FAD] =	sst s3  }
0xc: {  	[smem:$0x3FAE] =	sst s4  }
0xd: {  	[smem:$0x3FAF] =	sst s5  }
0xe: {  	[smem:$0x3FB0] =	sst s6  }
0xf: {  	[smem:$0x3FB1] =	sst s7  }
0x10: {  	[smem:$0x3FB2] =	sst s8  }
0x11: {  	[smem:$0x3FB3] =	sst s9;
	s0 =	simm.s32 @!p0 $0x0  }
0x12: {  	s1 =	sld [smem:$0x3F99];
	s0 =	simm.s32 @p0 $0x1  }
0x13: {  	[smem:$0x3FB4] =	sst s0;
	s0 =	simm.s32 @!p1 $0x0  }
0x14: {  	s2 =	sld [smem:$0x3F98];
	s0 =	simm.s32 @p1 $0x1  }
0x15: {  	[smem:$0x3FB5] =	sst s0;
	s0 =	simm.s32 @!p2 $0x0  }
0x16: {  	s3 =	sld [smem:$0x3FDB];
	s0 =	simm.s32 @p2 $0x1  }
0x17: {  	s4 =	simm.s32 $0x1BF5;
	[smem:$0x3FB7] =	sst s0  }
0x18: {  	s0 =	sld [smem:$0x3F9A];
	_ =	swait.ge [sflag:s4], $0x0  }
0x19: {  	s7 =	sld [smem:$0x3F9B]  }
0x1a: {  	s8 =	sadd.s32 $0xFFFFE003, lr  }
0x1b: {  	s9 =	sadd.s32 $0xFFFFFEF7, lr;
	s5 =	simm.s32 $0xFFFFFFFF;
	p2 =	slt.u32 s8, $0xFFFFF086  }
0x1c: {  	p1 =	slt.u32 s9, $0xF7A;
	s5 =	simm.s32 @!p2 $0x0  }
0x1d: {  	s5 =	simm.s32 @p1 $0x1;
	p0 =	seq.s32 s7, s2  }
0x1e: {  	s7 =	smul.u32 @!p0 $0xF7A, s2;
	p2 =	seq.s32 @!p0 s5, $0x0  }
0x1f: {  	s9 =	smul.u32 $0xF7A, s1;
	s8 =	simm.s32 @!p0 $0x1BF5;
	p2 =	por !p2, p0  }
0x20: {  	[sflag:s8] =	ssyncset.s32 @!p0 $0xFFFFF086;
	s6 =	sadd.s32 @!p0 s3, s7;
	s7 =	simm.s32 @!p0 $0x108  }
0x21: {  	s3 =	sadd.s32 s3, s9;
	s6 =	sadd.s32 @!p0 $0x88, s6;
	s7 =	simm.s32 @p2 $0x1082  }
0x22: {  	[simem:s7], [sflag:s8] =	dma.local @!p0 [hbm:s6], $0xF7A  }
0x23: {  	s9 =	sor.u32 $0xD0000000, s2;
	s6 =	simm.s32 $0x108;
	_ =	swait.ge @!p0 [sflag:s8], $0x0  }
0x24: {  	s3 =	sadd.s32 $0x88, s3;
	s6 =	simm.s32 @!p1 $0x1082;
	[sflag:s4] =	ssyncset.s32 $0xFFFFF086  }
0x25: {  	[simem:s6], [sflag:s4] =	dma.local [hbm:s3], $0xF7A  }
0x26: {  	[smem:$0x3F9B] =	sst s1;
	(tag) =	ssettag s2;
	_ =	strace s9  }
0x27: {  	s1 =	sld [smem:$0x3FAB]  }
0x28: {  	s2 =	sld [smem:$0x3FAC]  }
0x29: {  	s4 =	sld [smem:$0x3FAE]  }
0x2a: {  	p0 =	seq.s32 s5, $0x0;
	s5 =	sld [smem:$0x3FAF]  }
0x2b: {  	s6 =	sld [smem:$0x3FB0]  }
0x2c: {  	s7 =	sld [smem:$0x3FB1]  }
0x2d: {  	s3 =	simm.s32 $0x108;
	s8 =	sld [smem:$0x3FB2]  }
0x2e: {  	s3 =	simm.s32 @!p0 $0x1082;
	s9 =	sld [smem:$0x3FB3]  }
0x2f: {  	lr =	sadd.s32 s0, s3;
	s0 =	sld [smem:$0x3FAA]  }
0x30: {  	s3 =	sld [smem:$0x3FAD]  }
0x31: {  	[smem:$0x3FB6] =	sst s10  }
0x32: {  	s10 =	sld [smem:$0x3FB4];
	_ =	sdelay $0x3  }
0x33: {  	p0 =	seq.s32 s10, $0x1;
	s10 =	sld [smem:$0x3FB6];
	_ =	sdelay $0x3  }
0x34: {  	[smem:$0x3FB6] =	sst s10  }
0x35: {  	s10 =	sld [smem:$0x3FB5];
	_ =	sdelay $0x3  }
0x36: {  	p1 =	seq.s32 s10, $0x1;
	s10 =	sld [smem:$0x3FB6];
	_ =	sdelay $0x3  }
0x37: {  	[smem:$0x3FB6] =	sst s10  }
0x38: {  	s10 =	sld [smem:$0x3FB7]  }
0x39: {  	_ = 	snop;
	(pc) =	sbr.ind lr, $3  }
0x3a: {  	_ = 	snop  }
0x3b: {  	_ = 	snop  }
0x3c: {  	p2 =	seq.s32 s10, $0x1;
	s10 =	sld [smem:$0x3FB6]  }
0x3d: {  	_ =	shalt  }
0x3e: {  	_ =	shalt  }
0x3f: {  	_ =	shalt  }
0x40: {  	_ =	shalt  }
0x41: {  	_ =	shalt  }
0x42: {  	_ =	shalt  }
0x43: {  	_ =	shalt  }
0x44: {  	_ =	shalt  }
0x45: {  	_ =	shalt  }
0x46: {  	_ =	shalt  }
0x47: {  	_ =	shalt  }
0x48: {  	_ =	shalt  }
0x49: {  	_ =	shalt  }
0x4a: {  	_ =	shalt  }
0x4b: {  	_ =	shalt  }
0x4c: {  	_ =	shalt  }
0x4d: {  	_ =	shalt  }
0x4e: {  	_ =	shalt  }
0x4f: {  	_ =	shalt  }
0x50: {  	_ =	shalt  }
0x51: {  	_ =	shalt  }
0x52: {  	_ =	shalt  }
0x53: {  	_ =	shalt  }
0x54: {  	_ =	shalt  }
0x55: {  	_ =	shalt  }
0x56: {  	_ =	shalt  }
0x57: {  	_ =	shalt  }
0x58: {  	_ =	shalt  }
0x59: {  	_ =	shalt  }
0x5a: {  	_ =	shalt  }
0x5b: {  	_ =	shalt  }
0x5c: {  	_ =	shalt  }
0x5d: {  	_ =	shalt  }
0x5e: {  	_ =	shalt  }
0x5f: {  	_ =	shalt  }
0x60: {  	_ =	shalt  }
0x61: {  	_ =	shalt  }
0x62: {  	_ =	shalt  }
0x63: {  	_ =	shalt  }
0x64: {  	_ =	shalt  }
0x65: {  	_ =	shalt  }
0x66: {  	_ =	shalt  }
0x67: {  	_ =	shalt  }
0x68: {  	_ =	shalt  }
0x69: {  	_ =	shalt  }
0x6a: {  	_ =	shalt  }
0x6b: {  	_ =	shalt  }
0x6c: {  	_ =	shalt  }
0x6d: {  	_ =	shalt  }
0x6e: {  	_ =	shalt  }
0x6f: {  	_ =	shalt  }
0x70: {  	_ =	shalt  }
0x71: {  	_ =	shalt  }
0x72: {  	_ =	shalt  }
0x73: {  	_ =	shalt  }
0x74: {  	_ =	shalt  }
0x75: {  	_ =	shalt  }
0x76: {  	_ =	shalt  }
0x77: {  	_ =	shalt  }
0x78: {  	_ =	shalt  }
0x79: {  	_ =	shalt  }
0x7a: {  	_ =	shalt  }
0x7b: {  	_ =	shalt  }
0x7c: {  	_ =	shalt  }
0x7d: {  	_ =	shalt  }
0x7e: {  	_ =	shalt  }
0x7f: {  	_ =	shalt  }
0x80: {  	_ =	shalt  }
0x81: {  	_ =	shalt  }
0x82: {  	_ =	shalt  }
0x83: {  	_ =	shalt  }
0x84: {  	_ =	shalt  }
0x85: {  	_ =	shalt  }
0x86: {  	_ =	shalt  }
0x87: {  	_ =	shalt  }
.Lfunc_end0:
.L_simem_size_0:
called_computation.1_lowered:
.L_overlay_start_0:
0x88: {  	s2 =	sld [smem:$0x3FD9]  }
0x89: {  	s3 =	sld [smem:$0x3FFE];
	_ =	sdelay $0x1  }
0x8a: {  	s1 =	srdreg.scid  }
0x8b: {  	s0 =	sand.u32 $0x1, s1  }
0x8c: {  	s17 =	sshll.u32 s0, $0xA;
	s2 =	sadd.s32 s3, s2  }
0x8d: {  	s2 =	sadd.s32 s2, s17  }
0x8e: {  	[smem:$0x3FC2] =	sst s2  }
0x8f: {  	_ = 	snop  }
0x90: {  	s2 =	sld [smem:$0x3FD0];
	(tm) =	ssettm $0x1  }
0x91: {  	s18 =	sld [smem:$0x3FFB];
	_ =	sdelay $0x3  }
0x92: {  	_ =	strace s18  }
0x93: {  	s3 =	sld [smem:$0x3FFC];
	_ =	sdelay $0x3  }
0x94: {  	_ =	strace s3  }
0x95: {  	s3 =	sld [smem:$0x3FFD];
	_ =	sdelay $0x3  }
0x96: {  	_ =	strace s3  }
0x97: {  	_ =	strace $0x8FFFFFFF  }
0x98: {  	s19 =	sld [smem:$0x3FDB];
	_ =	sdelay $0x1  }
0x99: {  	s4 =	simm.s32 $_scs_section_size  }
0x9a: {  	s5 =	simm.s32 $_size__tile_overlayer_lowered;
	s6 =	simm.s32 $_tile_overlayer_lowered  }
0x9b: {  	s22 =	simm.s32 $0x1BFF;
	s21 =	sshll.u32 s6, $0x1;
	s3 =	sadd.s32 s4, s19  }
0x9c: {  	s7 =	simm.s32 $0x0;
	s20 =	sshll.u32 s5, $0x1;
	s5 =	sadd.s32 s21, s3  }
0x9d: {  	[timem:s7], [sflag:s22] =	dma.local [hbm:s5], s20  }
0x9e: {  	_ =	swait.ge [sflag:s22], s20  }
0x9f: {  	s4 =	ssub.s32 $0x0, s20;
	[sflag:s22] =	ssyncset.done $0x0  }
0xa0: {  	[sflag:s22] =	ssyncadd.s32 s4;
	_ =	sdelay $0x1  }
0xa1: {  	s23 =	simm.s32 $0x1B8B  }
0xa2: {  	_ =	swait.ge [sflag:s23], $0x1  }
0xa3: {  	[sflag:s23] =	ssyncset.done $0x0  }
0xa4: {  	s25 =	simm.s32 $0x1B8E;
	s24 =	sld [smem:$0x3FFE];
	[sflag:s23] =	ssyncadd.s32 $0xFFFFFFFF  }
0xa5: {  	s26 =	simm.s32 $execute0_lowered;
	[smem:$0x3FD2] =	sst s25  }
0xa6: {  	s5 =	sshll.u32 s26, $0x1;
	_ =	strace $0x80000049;
	[dreg:$0x1] =	wrdreg $0xFFFFFFFF  }
0xa7: {  	s28 =	simm.s32 $_size_execute0_lowered;
	s3 =	sadd.s32 s3, s5;
	[dreg:$0x0] =	wrdreg $0x0  }
0xa8: {  	s5 =	sshll.u32 s28, $0x1;
	[dreg:$0x2] =	wrdreg s3  }
0xa9: {  	[dreg:$0x3] =	wrdreg s5  }
0xaa: {  	[dreg:$0x4] =	wrdreg $0xC0  }
0xab: {  	_ =	task [dreg:s7], $0x5FFFF  }
0xac: {  	[dreg:$0x1] =	wrdreg $0xFFFFFFFF  }
0xad: {  	[dreg:$0x0] =	wrdreg $0x60  }
0xae: {  	[dreg:$0x2] =	wrdreg s24  }
0xaf: {  	[dreg:$0x3] =	wrdreg s2  }
0xb0: {  	[dreg:$0x4] =	wrdreg $0x0  }
0xb1: {  	[dreg:$0x5] =	wrdreg $0x9  }
0xb2: {  	_ =	task.clear_ibuf [dreg:s7], $0x6FFFF;
	_ =	strace $0x90000049  }
0xb3: {  	s29 =	simm.s32 $0x9;
	_ =	strace $0x8000004B  }
0xb4: {  	_ =	swait.ge [sflag:s29], $0x1  }
0xb5: {  	[sflag:s29] =	ssyncadd.s32 $0xFFFFFFFF  }
0xb6: {  	_ =	strace $0x9000004B  }
0xb7: {  	_ =	sfence  }
0xb8: {  	s30 =	sld [smem:$0x0];
	_ =	sdelay $0x2  }
0xb9: {  	s31 =	sshll.u32 s1, $0xD;
	s1 =	sshrl.u32 s1, $0x2  }
0xba: {  	s3 =	sand.u32 $0x4000, s31;
	s1 =	sadd.s32 s1, s30  }
0xbb: {  	s0 =	sor.u32 s3, s0;
	s1 =	sshll.u32 s1, $0x11  }
0xbc: {  	s0 =	sor.u32 s1, s0  }
0xbd: {  	s0 =	sadd.s32 $0x8F2B, s0  }
0xbe: {  	[sflag:s0] =	ssyncadd.remote.s32 $0x1  }
0xbf: {  	_ =	sfence.sel $0xFFFF  }
0xc0: {  	[dreg:$0x0] =	wrdreg $0xFFFFFFFF;
	(pc) =	sbr.abs _section_cstart, $3  }
0xc1: {  	[dreg:$0x1] =	wrdreg $0xFFFFFFFF  }
0xc2: {  	_ =	task.clear_ibuf [dreg:s7], $0x2FFFF;
	_ =	strace $0x9FFFFFFF  }
0xc3: {  	(tm) =	ssettm $0x7FFFFFFF  }
tec
execute0_lowered:
.L_overlay_start_1:
0x0: {  	(tag) =	ssettag $0x1  }
0x1: {  	s0 =	rddreg [dreg:$0x0]  }
0x2: {  	s2 =	rddreg [dreg:$0x1]  }
0x3: {  	s1 =	rddreg [dreg:$0x2];
	s4 =	simm.s32 $0x0;
	s3 =	srdreg.scid  }
0x4: {  	s11 =	stileid.u32;
	s17 =	simm.s32 $0xD;
	s28 =	simm.s32 $0xE  }
0x5: {  	s30 =	simm.s32 $0x12D00;
	s31 =	simm.s32 $0x1;
	s7 =	smul.u32 $0x9C4, s11  }
0x6: {  	s29 =	simm.s32 $0x8;
	[smem:$0x7FF] =	sst s4;
	s9 =	smul.u32 $0x14000, s11  }
0x7: {  	s3 =	sand.u32 $0x1, s3;
	s19 =	smul.u32 $0xA000, s11;
	p1 =	seq.s32 s11, $0xF  }
0x8: {  	s12 =	smul.u32 $0x9C40, s3;
	s5 =	ssub.s32 $0x2, s3;
	_ =	strace $0x8000004A  }
0x9: {  	s22 =	sshll.u32 s3, $0x5;
	s3 =	sshll.u32 s3, $0x2;
	s6 =	sshrl.u32 s5, $0x1  }
0xa: {  	s13 =	sadd.s32 $0x9C4, s7;
	s14 =	sand.u32 $0xFFF0, s7;
	s7 =	sshrl.u32 s7, $0x4  }
0xb: {  	s18 =	sshrl.u32 s9, $0x2;
	s9 =	simm.s32 $0xB;
	s8 =	sadd.s32 s12, s0  }
0xc: {  	s0 =	sadd.s32 $0x14E00, s0;
	s5 =	ssub.s32 s5, s6;
	s10 =	sshrl.u32 s13, $0x4  }
0xd: {  	s15 =	sadd.s32 s2, s14;
	s13 =	simm.s32 $0x9E80;
	s2 =	simm.s32 $0x5  }
0xe: {  	s16 =	ssub.s32 s10, s7;
	[dreg:$0x4] =	wrdreg s15;
	s4 =	sadd.s32 $0x9C40, s15  }
0xf: {  	s6 =	sadd.s32 $0x1400, s8;
	s7 =	sadd.s32 s18, s1;
	s8 =	sor.u32 s22, s19  }
0x10: {  	s3 =	sadd.s32 s3, s0;
	s26 =	smax.u32 s5, $0x1;
	s18 =	simm.s32 $0x80  }
0x11: {  	s19 =	simm.s32 $0xED00;
	s22 =	simm.s32 $0x4;
	s5 =	simm.s32 $0xA  }
0x12: {  	s10 =	simm.s32 $0xC;
	s15 =	simm.s32 $0x0;
	[dreg:$0x5] =	wrdreg s4  }
0x13: {  	s20 =	sadd.s32 $0x1000, s7;
	s21 =	sadd.s32 $0x2000, s7;
	[dreg:$0xc] =	wrdreg s26  }
0x14: {  	s23 =	sadd.s32 $0x3000, s7;
	s24 =	sadd.s32 $0x4000, s7;
	[dreg:$0x6] =	wrdreg s20  }
0x15: {  	s8 =	sshrl.u32 s8, $0x3;
	s25 =	sadd.s32 $0x12C00, s3;
	[dreg:$0x7] =	wrdreg s21  }
0x16: {  	p0 =	sne.s32 s16, $0x9D;
	s26 =	simm.s32 $0x13D00;
	[dreg:$0x8] =	wrdreg s23  }
0x17: {  	s3 =	simm.s32 $0x9;
	[dreg:$0x9] =	wrdreg s24;
	s0 =	sadd.s32 s0, s8  }
0x18: {  	[dreg:$0xb] =	wrdreg s25;
	s21 =	simm.s32 $0xFD00;
	s23 =	simm.s32 $0x10D00  }
0x19: {  	s25 =	simm.s32 $0x11D00;
	s20 =	simm.s32 $0x2;
	s24 =	simm.s32 $0x7  }
0x1a: {  	v0 =	vimm.f32 $0.0e+00;
	s8 =	simm.s32 $0x6;
	[dreg:$0xa] =	wrdreg s0;
	s0 =	simm.s32 $0x3  }
.LBB2_1:
0x1b: {  	s4 =	simm.s32 $0x0;
	s11 =	rddreg [dreg:$0x4];
	s12 =	simm.s32 $0x5000  }
0x1c: {  	[tilespmem:s12], [sflag:$0xD] =	stream.linear.gather [hbm4b:s11+s4], $0x4E80, $0x38;
	[tilespmem:$0x14D00] =	vst v63  }
0x1d: {  	s16 =	rddreg [dreg:$0x5]  }
0x1e: {  	[tilespmem:s13], [sflag:$0xD] =	stream.linear.gather [hbm4b:s16+s4], $0x4E80, $0x38;
	[tilespmem:$0x14D00] =	vst v63  }
0x1f: {  	_ =	swait.ge [sflag:s17], $0x4E80  }
0x20: {  	[sflag:s17] =	ssyncset.done $0x0  }
0x21: {  	[sflag:s17] =	ssyncadd.s32 $0xFFFFB180  }
0x22: {  	_ =	swait.ge [sflag:s17], $0x4E80  }
0x23: {  	[sflag:s17] =	ssyncset.done $0x0  }
0x24: {  	[sflag:s17] =	ssyncadd.s32 $0xFFFFB180  }
0x25: {  	[tilespmem:s19], [sflag:$0x1] =	stream.indirect.gather [hbm4b:s6+s18], $0x20, s12, s18, $0xb8;
	[tilespmem:$0x14D00] =	vst v63  }
0x26: {  	s12 =	simm.s32 $0x5080  }
0x27: {  	[tilespmem:s21], [sflag:$0x2] =	stream.indirect.gather [hbm4b:s6+s18], $0x20, s12, s18, $0xb8;
	[tilespmem:$0x14D00] =	vst v63  }
0x28: {  	s14 =	simm.s32 $0x5100  }
0x29: {  	[tilespmem:s23], [sflag:$0x3] =	stream.indirect.gather [hbm4b:s6+s18], $0x20, s14, s18, $0xb8;
	[tilespmem:$0x14D00] =	vst v63  }
0x2a: {  	s16 =	simm.s32 $0x5180  }
0x2b: {  	[tilespmem:s25], [sflag:$0x4] =	stream.indirect.gather [hbm4b:s6+s18], $0x20, s16, s18, $0xb8;
	[tilespmem:$0x14D00] =	vst v63  }
0x2c: {  	s11 =	simm.s32 $0x80;
	s16 =	simm.s32 $0x0  }
.LBB2_2:
0x2d: {  	p2 =	sne.s32 s11, $0x3F80;
	[tilespmem:s16+$0x13D00] =	vst v0;
	s4 =	smov.u32 s11;
	s11 =	sadd.s32 $0x80, s11  }
.Ltmp0:
0x2e: {  	[tilespmem:s16+$0x13D10] =	vst v0;
	(pc) =	sbr.rel @p2 .LBB2_2-.Ltmp0, $2  }
0x2f: {  	_ =	sdelay $0x2  }
0x30: {  	s16 =	sshra.s32 s4, $0x2  }
0x31: {  	[tilespmem:s16+$0x13D00] =	vst v0  }
0x32: {  	[tilespmem:s16+$0x13D10] =	vst v0  }
0x33: {  	[spmem:s7] =	stream.linear.scatter [tilespmem:s26], [sflag:$0xE], $0x1000, $0x38;
	[tilespmem:$0x14D00] =	vst v63  }
0x34: {  	_ =	swait.ge [sflag:s28], $0x1000  }
0x35: {  	[sflag:s28] =	ssyncset.done $0x0  }
0x36: {  	s4 =	rddreg [dreg:$0x6];
	[sflag:s28] =	ssyncadd.s32 $0xFFFFF000  }
0x37: {  	[spmem:s4] =	stream.linear.scatter [tilespmem:s26], [sflag:$0xE], $0x1000, $0x38;
	[tilespmem:$0x14D00] =	vst v63  }
0x38: {  	_ =	swait.ge [sflag:s28], $0x1000  }
0x39: {  	[sflag:s28] =	ssyncset.done $0x0  }
0x3a: {  	s16 =	rddreg [dreg:$0x7];
	[sflag:s28] =	ssyncadd.s32 $0xFFFFF000  }
0x3b: {  	[spmem:s16] =	stream.linear.scatter [tilespmem:s26], [sflag:$0xE], $0x1000, $0x38;
	[tilespmem:$0x14D00] =	vst v63  }
0x3c: {  	_ =	swait.ge [sflag:s28], $0x1000  }
0x3d: {  	[sflag:s28] =	ssyncset.done $0x0  }
0x3e: {  	s11 =	rddreg [dreg:$0x8];
	[sflag:s28] =	ssyncadd.s32 $0xFFFFF000  }
0x3f: {  	[spmem:s11] =	stream.linear.scatter [tilespmem:s26], [sflag:$0xE], $0x1000, $0x38;
	[tilespmem:$0x14D00] =	vst v63  }
0x40: {  	_ =	swait.ge [sflag:s28], $0x1000  }
0x41: {  	[sflag:s28] =	ssyncset.done $0x0  }
0x42: {  	s12 =	rddreg [dreg:$0x9];
	[sflag:s28] =	ssyncadd.s32 $0xFFFFF000  }
0x43: {  	[spmem:s12] =	stream.linear.scatter [tilespmem:s26], [sflag:$0xE], $0x1000, $0x38;
	[tilespmem:$0x14D00] =	vst v63  }
0x44: {  	_ =	swait.ge [sflag:s28], $0x1000  }
0x45: {  	[sflag:s28] =	ssyncset.done $0x0  }
0x46: {  	[sflag:s28] =	ssyncadd.s32 $0xFFFFF000  }
0x47: {  	s14 =	simm.s32 $0x5200;
	[bflag:$0x0] =	sbarrier.arrive $0xFFFF  }
0x48: {  	[tilespmem:s30], [sflag:$0x5] =	stream.indirect.gather [hbm4b:s6+s18], $0x20, s14, s18, $0xb8;
	[tilespmem:$0x14D00] =	vst v63  }
0x49: {  	_ =	swait.ge [sflag:s31], $0x1000  }
0x4a: {  	[sflag:s31] =	ssyncset.done $0x0  }
0x4b: {  	[sflag:s31] =	ssyncadd.s32 $0xFFFFF000  }
0x4c: {  	[spmem:s1] =	stream.indirect.scatter.add.f32 [tilespmem:s19], [sflag:$0x7], $0x20, s13, s18, $0xb8;
	[tilespmem:$0x14D00] =	vst v63  }
0x4d: {  	s16 =	simm.s32 $0x5280  }
0x4e: {  	[tilespmem:s26], [sflag:$0x6] =	stream.indirect.gather [hbm4b:s6+s18], $0x20, s16, s18, $0xb8;
	[tilespmem:$0x14D00] =	vst v63  }
0x4f: {  	_ =	swait.ge [sflag:s20], $0x1000  }
0x50: {  	[sflag:s20] =	ssyncset.done $0x0  }
0x51: {  	s11 =	simm.s32 $0x9F00;
	[sflag:s20] =	ssyncadd.s32 $0xFFFFF000  }
0x52: {  	[spmem:s1] =	stream.indirect.scatter.add.f32 [tilespmem:s21], [sflag:$0x8], $0x20, s11, s18, $0xb8;
	[tilespmem:$0x14D00] =	vst v63  }
0x53: {  	_ =	swait.ge [sflag:s24], $0x1000  }
0x54: {  	[sflag:s24] =	ssyncset.done $0x0  }
0x55: {  	s12 =	simm.s32 $0x5300;
	[sflag:s24] =	ssyncadd.s32 $0xFFFFF000  }
0x56: {  	[tilespmem:s19], [sflag:$0x1] =	stream.indirect.gather [hbm4b:s6+s18], $0x20, s12, s18, $0xb8;
	[tilespmem:$0x14D00] =	vst v63  }
0x57: {  	_ =	swait.ge [sflag:s0], $0x1000  }
0x58: {  	[sflag:s0] =	ssyncset.done $0x0  }
0x59: {  	s13 =	simm.s32 $0x9F80;
	[sflag:s0] =	ssyncadd.s32 $0xFFFFF000  }
0x5a: {  	[spmem:s1] =	stream.indirect.scatter.add.f32 [tilespmem:s23], [sflag:$0x9], $0x20, s13, s18, $0xb8;
	[tilespmem:$0x14D00] =	vst v63  }
0x5b: {  	_ =	swait.ge [sflag:s29], $0x1000  }
0x5c: {  	[sflag:s29] =	ssyncset.done $0x0  }
0x5d: {  	s14 =	simm.s32 $0x5380;
	[sflag:s29] =	ssyncadd.s32 $0xFFFFF000  }
0x5e: {  	[tilespmem:s21], [sflag:$0x2] =	stream.indirect.gather [hbm4b:s6+s18], $0x20, s14, s18, $0xb8;
	[tilespmem:$0x14D00] =	vst v63  }
0x5f: {  	_ =	swait.ge [sflag:s22], $0x1000  }
0x60: {  	[sflag:s22] =	ssyncset.done $0x0  }
0x61: {  	s16 =	simm.s32 $0xA000;
	[sflag:s22] =	ssyncadd.s32 $0xFFFFF000  }
0x62: {  	[spmem:s1] =	stream.indirect.scatter.add.f32 [tilespmem:s25], [sflag:$0xA], $0x20, s16, s18, $0xb8;
	[tilespmem:$0x14D00] =	vst v63  }
0x63: {  	_ =	swait.ge [sflag:s3], $0x1000  }
0x64: {  	[sflag:s3] =	ssyncset.done $0x0  }
0x65: {  	s11 =	simm.s32 $0x5400;
	[sflag:s3] =	ssyncadd.s32 $0xFFFFF000  }
0x66: {  	[tilespmem:s23], [sflag:$0x3] =	stream.indirect.gather [hbm4b:s6+s18], $0x20, s11, s18, $0xb8;
	[tilespmem:$0x14D00] =	vst v63  }
0x67: {  	_ =	swait.ge [sflag:s2], $0x1000  }
0x68: {  	[sflag:s2] =	ssyncset.done $0x0  }
0x69: {  	s12 =	simm.s32 $0xA080;
	[sflag:s2] =	ssyncadd.s32 $0xFFFFF000  }
0x6a: {  	[spmem:s1] =	stream.indirect.scatter.add.f32 [tilespmem:s30], [sflag:$0xB], $0x20, s12, s18, $0xb8;
	[tilespmem:$0x14D00] =	vst v63  }
0x6b: {  	_ =	swait.ge [sflag:s5], $0x1000  }
0x6c: {  	[sflag:s5] =	ssyncset.done $0x0  }
0x6d: {  	s13 =	simm.s32 $0x5480;
	[sflag:s5] =	ssyncadd.s32 $0xFFFFF000  }
0x6e: {  	[tilespmem:s25], [sflag:$0x4] =	stream.indirect.gather [hbm4b:s6+s18], $0x20, s13, s18, $0xb8;
	[tilespmem:$0x14D00] =	vst v63  }
0x6f: {  	_ =	swait.ge [sflag:s8], $0x1000  }
0x70: {  	[sflag:s8] =	ssyncset.done $0x0  }
0x71: {  	s14 =	simm.s32 $0xA100;
	[sflag:s8] =	ssyncadd.s32 $0xFFFFF000  }
0x72: {  	[spmem:s1] =	stream.indirect.scatter.add.f32 [tilespmem:s26], [sflag:$0xC], $0x20, s14, s18, $0xb8;
	[tilespmem:$0x14D00] =	vst v63  }
0x73: {  	_ =	swait.ge [sflag:s9], $0x1000  }
0x74: {  	[sflag:s9] =	ssyncset.done $0x0  }
0x75: {  	s16 =	simm.s32 $0x5500;
	[sflag:s9] =	ssyncadd.s32 $0xFFFFF000  }
0x76: {  	[tilespmem:s30], [sflag:$0x5] =	stream.indirect.gather [hbm4b:s6+s18], $0x20, s16, s18, $0xb8;
	[tilespmem:$0x14D00] =	vst v63  }
0x77: {  	_ =	swait.ge [sflag:s31], $0x1000  }
0x78: {  	[sflag:s31] =	ssyncset.done $0x0  }
0x79: {  	s11 =	simm.s32 $0xA180;
	[sflag:s31] =	ssyncadd.s32 $0xFFFFF000  }
0x7a: {  	[spmem:s1] =	stream.indirect.scatter.add.f32 [tilespmem:s19], [sflag:$0x7], $0x20, s11, s18, $0xb8;
	[tilespmem:$0x14D00] =	vst v63  }
0x7b: {  	_ =	swait.ge [sflag:s10], $0x1000  }
0x7c: {  	[sflag:s10] =	ssyncset.done $0x0  }
0x7d: {  	s12 =	simm.s32 $0x5580;
	[sflag:s10] =	ssyncadd.s32 $0xFFFFF000  }
0x7e: {  	[tilespmem:s26], [sflag:$0x6] =	stream.indirect.gather [hbm4b:s6+s18], $0x20, s12, s18, $0xb8;
	[tilespmem:$0x14D00] =	vst v63  }
0x7f: {  	_ =	swait.ge [sflag:s20], $0x1000  }
0x80: {  	[sflag:s20] =	ssyncset.done $0x0  }
0x81: {  	s13 =	simm.s32 $0xA200;
	[sflag:s20] =	ssyncadd.s32 $0xFFFFF000  }
0x82: {  	[spmem:s1] =	stream.indirect.scatter.add.f32 [tilespmem:s21], [sflag:$0x8], $0x20, s13, s18, $0xb8;
	[tilespmem:$0x14D00] =	vst v63  }
0x83: {  	_ =	swait.ge [sflag:s24], $0x1000  }
0x84: {  	[sflag:s24] =	ssyncset.done $0x0  }
0x85: {  	s14 =	simm.s32 $0x5600;
	[sflag:s24] =	ssyncadd.s32 $0xFFFFF000  }
0x86: {  	[tilespmem:s19], [sflag:$0x1] =	stream.indirect.gather [hbm4b:s6+s18], $0x20, s14, s18, $0xb8;
	[tilespmem:$0x14D00] =	vst v63  }
0x87: {  	_ =	swait.ge [sflag:s0], $0x1000  }
0x88: {  	[sflag:s0] =	ssyncset.done $0x0  }
0x89: {  	s16 =	simm.s32 $0xA280;
	[sflag:s0] =	ssyncadd.s32 $0xFFFFF000  }
0x8a: {  	[spmem:s1] =	stream.indirect.scatter.add.f32 [tilespmem:s23], [sflag:$0x9], $0x20, s16, s18, $0xb8;
	[tilespmem:$0x14D00] =	vst v63  }
0x8b: {  	_ =	swait.ge [sflag:s29], $0x1000  }
0x8c: {  	[sflag:s29] =	ssyncset.done $0x0  }
0x8d: {  	s11 =	simm.s32 $0x5680;
	[sflag:s29] =	ssyncadd.s32 $0xFFFFF000  }
0x8e: {  	[tilespmem:s21], [sflag:$0x2] =	stream.indirect.gather [hbm4b:s6+s18], $0x20, s11, s18, $0xb8;
	[tilespmem:$0x14D00] =	vst v63  }
0x8f: {  	_ =	swait.ge [sflag:s22], $0x1000  }
0x90: {  	[sflag:s22] =	ssyncset.done $0x0  }
0x91: {  	s12 =	simm.s32 $0xA300;
	[sflag:s22] =	ssyncadd.s32 $0xFFFFF000  }
0x92: {  	[spmem:s1] =	stream.indirect.scatter.add.f32 [tilespmem:s25], [sflag:$0xA], $0x20, s12, s18, $0xb8;
	[tilespmem:$0x14D00] =	vst v63  }
0x93: {  	_ =	swait.ge [sflag:s3], $0x1000  }
0x94: {  	[sflag:s3] =	ssyncset.done $0x0  }
0x95: {  	s13 =	simm.s32 $0x5700;
	[sflag:s3] =	ssyncadd.s32 $0xFFFFF000  }
0x96: {  	[tilespmem:s23], [sflag:$0x3] =	stream.indirect.gather [hbm4b:s6+s18], $0x20, s13, s18, $0xb8;
	[tilespmem:$0x14D00] =	vst v63  }
0x97: {  	_ =	swait.ge [sflag:s2], $0x1000  }
0x98: {  	[sflag:s2] =	ssyncset.done $0x0  }
0x99: {  	s14 =	simm.s32 $0xA380;
	[sflag:s2] =	ssyncadd.s32 $0xFFFFF000  }
0x9a: {  	[spmem:s1] =	stream.indirect.scatter.add.f32 [tilespmem:s30], [sflag:$0xB], $0x20, s14, s18, $0xb8;
	[tilespmem:$0x14D00] =	vst v63  }
0x9b: {  	_ =	swait.ge [sflag:s5], $0x1000  }
0x9c: {  	[sflag:s5] =	ssyncset.done $0x0  }
0x9d: {  	s16 =	simm.s32 $0x5780;
	[sflag:s5] =	ssyncadd.s32 $0xFFFFF000  }
0x9e: {  	[tilespmem:s25], [sflag:$0x4] =	stream.indirect.gather [hbm4b:s6+s18], $0x20, s16, s18, $0xb8;
	[tilespmem:$0x14D00] =	vst v63  }
0x9f: {  	_ =	swait.ge [sflag:s8], $0x1000  }
0xa0: {  	[sflag:s8] =	ssyncset.done $0x0  }
0xa1: {  	s11 =	simm.s32 $0xC00;
	s16 =	simm.s32 $0xA400;
	[sflag:s8] =	ssyncadd.s32 $0xFFFFF000  }
.LBB2_4:
0xa2: {  	[spmem:s1] =	stream.indirect.scatter.add.f32 [tilespmem:s26], [sflag:$0xC], $0x20, s16, s18, $0xb8;
	[tilespmem:$0x14D00] =	vst v63  }
0xa3: {  	s4 =	smov.u32 s11  }
0xa4: {  	p2 =	sne.s32 s11, $0x11400;
	s11 =	sadd.s32 $0xC00, s11;
	_ =	swait.ge [sflag:s9], $0x1000  }
0xa5: {  	s16 =	sshra.s32 s4, $0x2;
	[sflag:s9] =	ssyncset.done $0x0  }
0xa6: {  	s4 =	sadd.s32 $0x5500, s16;
	[sflag:s9] =	ssyncadd.s32 $0xFFFFF000  }
0xa7: {  	[tilespmem:s30], [sflag:$0x5] =	stream.indirect.gather [hbm4b:s6+s18], $0x20, s4, s18, $0xb8;
	[tilespmem:$0x14D00] =	vst v63  }
0xa8: {  	_ =	swait.ge [sflag:s31], $0x1000  }
0xa9: {  	[sflag:s31] =	ssyncset.done $0x0  }
0xaa: {  	s4 =	sadd.s32 $0xA180, s16;
	[sflag:s31] =	ssyncadd.s32 $0xFFFFF000  }
0xab: {  	[spmem:s1] =	stream.indirect.scatter.add.f32 [tilespmem:s19], [sflag:$0x7], $0x20, s4, s18, $0xb8;
	[tilespmem:$0x14D00] =	vst v63  }
0xac: {  	_ =	swait.ge [sflag:s10], $0x1000  }
0xad: {  	[sflag:s10] =	ssyncset.done $0x0  }
0xae: {  	s4 =	sadd.s32 $0x5580, s16;
	[sflag:s10] =	ssyncadd.s32 $0xFFFFF000  }
0xaf: {  	[tilespmem:s26], [sflag:$0x6] =	stream.indirect.gather [hbm4b:s6+s18], $0x20, s4, s18, $0xb8;
	[tilespmem:$0x14D00] =	vst v63  }
0xb0: {  	_ =	swait.ge [sflag:s20], $0x1000  }
0xb1: {  	[sflag:s20] =	ssyncset.done $0x0  }
0xb2: {  	s4 =	sadd.s32 $0xA200, s16;
	[sflag:s20] =	ssyncadd.s32 $0xFFFFF000  }
0xb3: {  	[spmem:s1] =	stream.indirect.scatter.add.f32 [tilespmem:s21], [sflag:$0x8], $0x20, s4, s18, $0xb8;
	[tilespmem:$0x14D00] =	vst v63  }
0xb4: {  	_ =	swait.ge [sflag:s24], $0x1000  }
0xb5: {  	[sflag:s24] =	ssyncset.done $0x0  }
0xb6: {  	s4 =	sadd.s32 $0x5600, s16;
	[sflag:s24] =	ssyncadd.s32 $0xFFFFF000  }
0xb7: {  	[tilespmem:s19], [sflag:$0x1] =	stream.indirect.gather [hbm4b:s6+s18], $0x20, s4, s18, $0xb8;
	[tilespmem:$0x14D00] =	vst v63  }
0xb8: {  	_ =	swait.ge [sflag:s0], $0x1000  }
0xb9: {  	[sflag:s0] =	ssyncset.done $0x0  }
0xba: {  	s4 =	sadd.s32 $0xA280, s16;
	[sflag:s0] =	ssyncadd.s32 $0xFFFFF000  }
0xbb: {  	[spmem:s1] =	stream.indirect.scatter.add.f32 [tilespmem:s23], [sflag:$0x9], $0x20, s4, s18, $0xb8;
	[tilespmem:$0x14D00] =	vst v63  }
0xbc: {  	_ =	swait.ge [sflag:s29], $0x1000  }
0xbd: {  	[sflag:s29] =	ssyncset.done $0x0  }
0xbe: {  	s4 =	sadd.s32 $0x5680, s16;
	[sflag:s29] =	ssyncadd.s32 $0xFFFFF000  }
0xbf: {  	[tilespmem:s21], [sflag:$0x2] =	stream.indirect.gather [hbm4b:s6+s18], $0x20, s4, s18, $0xb8;
	[tilespmem:$0x14D00] =	vst v63  }
0xc0: {  	_ =	swait.ge [sflag:s22], $0x1000  }
0xc1: {  	[sflag:s22] =	ssyncset.done $0x0  }
0xc2: {  	s4 =	sadd.s32 $0xA300, s16;
	[sflag:s22] =	ssyncadd.s32 $0xFFFFF000  }
0xc3: {  	[spmem:s1] =	stream.indirect.scatter.add.f32 [tilespmem:s25], [sflag:$0xA], $0x20, s4, s18, $0xb8;
	[tilespmem:$0x14D00] =	vst v63  }
0xc4: {  	_ =	swait.ge [sflag:s3], $0x1000  }
0xc5: {  	[sflag:s3] =	ssyncset.done $0x0  }
0xc6: {  	s4 =	sadd.s32 $0x5700, s16;
	[sflag:s3] =	ssyncadd.s32 $0xFFFFF000  }
0xc7: {  	[tilespmem:s23], [sflag:$0x3] =	stream.indirect.gather [hbm4b:s6+s18], $0x20, s4, s18, $0xb8;
	[tilespmem:$0x14D00] =	vst v63  }
0xc8: {  	_ =	swait.ge [sflag:s2], $0x1000  }
0xc9: {  	[sflag:s2] =	ssyncset.done $0x0  }
0xca: {  	s4 =	sadd.s32 $0xA380, s16;
	[sflag:s2] =	ssyncadd.s32 $0xFFFFF000  }
0xcb: {  	[spmem:s1] =	stream.indirect.scatter.add.f32 [tilespmem:s30], [sflag:$0xB], $0x20, s4, s18, $0xb8;
	[tilespmem:$0x14D00] =	vst v63  }
0xcc: {  	_ =	swait.ge [sflag:s5], $0x1000  }
0xcd: {  	[sflag:s5] =	ssyncset.done $0x0  }
.Ltmp1:
0xce: {  	s4 =	sadd.s32 $0x5780, s16;
	[sflag:s5] =	ssyncadd.s32 $0xFFFFF000;
	(pc) =	sbr.rel @p2 .LBB2_4-.Ltmp1, $4  }
0xcf: {  	[tilespmem:s25], [sflag:$0x4] =	stream.indirect.gather [hbm4b:s6+s18], $0x20, s4, s18, $0xb8;
	[tilespmem:$0x14D00] =	vst v63  }
0xd0: {  	_ =	swait.ge [sflag:s8], $0x1000  }
0xd1: {  	[sflag:s8] =	ssyncset.done $0x0  }
0xd2: {  	s16 =	sadd.s32 $0xA400, s16;
	[sflag:s8] =	ssyncadd.s32 $0xFFFFF000  }
0xd3: {  	[spmem:s1] =	stream.indirect.scatter.add.f32 [tilespmem:s26], [sflag:$0xC], $0x20, s16, s18, $0xb8;
	[tilespmem:$0x14D00] =	vst v63  }
0xd4: {  	_ =	swait.ge [sflag:s9], $0x1000  }
0xd5: {  	[sflag:s9] =	ssyncset.done $0x0  }
0xd6: {  	s4 =	simm.s32 $0x9D00;
	[sflag:s9] =	ssyncadd.s32 $0xFFFFF000  }
0xd7: {  	[tilespmem:s30], [sflag:$0x5] =	stream.indirect.gather [hbm4b:s6+s18], $0x20, s4, s18, $0xb8;
	[tilespmem:$0x14D00] =	vst v63  }
0xd8: {  	_ =	swait.ge [sflag:s31], $0x1000  }
0xd9: {  	[sflag:s31] =	ssyncset.done $0x0  }
0xda: {  	s11 =	simm.s32 $0xE980;
	[sflag:s31] =	ssyncadd.s32 $0xFFFFF000  }
0xdb: {  	[spmem:s1] =	stream.indirect.scatter.add.f32 [tilespmem:s19], [sflag:$0x7], $0x20, s11, s18, $0xb8;
	[tilespmem:$0x14D00] =	vst v63  }
0xdc: {  	_ =	swait.ge [sflag:s10], $0x1000  }
0xdd: {  	[sflag:s10] =	ssyncset.done $0x0  }
0xde: {  	s12 =	simm.s32 $0x9D80;
	[sflag:s10] =	ssyncadd.s32 $0xFFFFF000  }
0xdf: {  	[tilespmem:s26], [sflag:$0x6] =	stream.indirect.gather [hbm4b:s6+s18], $0x20, s12, s18, $0xb8;
	[tilespmem:$0x14D00] =	vst v63  }
0xe0: {  	_ =	swait.ge [sflag:s20], $0x1000  }
0xe1: {  	[sflag:s20] =	ssyncset.done $0x0  }
0xe2: {  	s13 =	simm.s32 $0xEA00;
	[sflag:s20] =	ssyncadd.s32 $0xFFFFF000  }
0xe3: {  	[spmem:s1] =	stream.indirect.scatter.add.f32 [tilespmem:s21], [sflag:$0x8], $0x20, s13, s18, $0xb8;
	[tilespmem:$0x14D00] =	vst v63  }
0xe4: {  	_ =	swait.ge [sflag:s24], $0x1000  }
0xe5: {  	s16 =	simm.s32 @!p0 $0xED00;
	[sflag:s24] =	ssyncset.done $0x0  }
0xe6: {  	s4 =	simm.s32 @!p0 $0x80;
	s11 =	simm.s32 @!p0 $0x9E00;
	[sflag:s24] =	ssyncadd.s32 $0xFFFFF000  }
0xe7: {  	[tilespmem:s16], [sflag:$0x1] =	stream.indirect.gather @!p0 [hbm4b:s6+s4], $0x20, s11, s4, $0xb8;
	[tilespmem:$0x14D00] =	vst v63  }
0xe8: {  	_ =	swait.ge [sflag:s0], $0x1000  }
0xe9: {  	[sflag:s0] =	ssyncset.done $0x0  }
0xea: {  	s14 =	simm.s32 $0xEA80;
	[sflag:s0] =	ssyncadd.s32 $0xFFFFF000  }
0xeb: {  	[spmem:s1] =	stream.indirect.scatter.add.f32 [tilespmem:s23], [sflag:$0x9], $0x20, s14, s18, $0xb8;
	[tilespmem:$0x14D00] =	vst v63  }
0xec: {  	_ =	swait.ge [sflag:s29], $0x1000  }
0xed: {  	[sflag:s29] =	ssyncset.done $0x0  }
0xee: {  	[sflag:s29] =	ssyncadd.s32 $0xFFFFF000  }
0xef: {  	_ =	swait.ge [sflag:s22], $0x1000  }
0xf0: {  	[sflag:s22] =	ssyncset.done $0x0  }
0xf1: {  	s12 =	simm.s32 $0xEB00;
	[sflag:s22] =	ssyncadd.s32 $0xFFFFF000  }
0xf2: {  	[spmem:s1] =	stream.indirect.scatter.add.f32 [tilespmem:s25], [sflag:$0xA], $0x20, s12, s18, $0xb8;
	[tilespmem:$0x14D00] =	vst v63  }
0xf3: {  	_ =	swait.ge [sflag:s3], $0x1000  }
0xf4: {  	[sflag:s3] =	ssyncset.done $0x0  }
0xf5: {  	[sflag:s3] =	ssyncadd.s32 $0xFFFFF000  }
0xf6: {  	_ =	swait.ge [sflag:s2], $0x1000  }
0xf7: {  	[sflag:s2] =	ssyncset.done $0x0  }
0xf8: {  	s13 =	simm.s32 $0xEB80;
	[sflag:s2] =	ssyncadd.s32 $0xFFFFF000  }
0xf9: {  	[spmem:s1] =	stream.indirect.scatter.add.f32 [tilespmem:s30], [sflag:$0xB], $0x20, s13, s18, $0xb8;
	[tilespmem:$0x14D00] =	vst v63  }
0xfa: {  	_ =	swait.ge [sflag:s5], $0x1000  }
0xfb: {  	[sflag:s5] =	ssyncset.done $0x0  }
0xfc: {  	[sflag:s5] =	ssyncadd.s32 $0xFFFFF000  }
0xfd: {  	_ =	swait.ge [sflag:s8], $0x1000  }
0xfe: {  	[sflag:s8] =	ssyncset.done $0x0  }
0xff: {  	s14 =	simm.s32 $0xEC00;
	[sflag:s8] =	ssyncadd.s32 $0xFFFFF000  }
0x100: {  	[spmem:s1] =	stream.indirect.scatter.add.f32 [tilespmem:s26], [sflag:$0xC], $0x20, s14, s18, $0xb8;
	[tilespmem:$0x14D00] =	vst v63  }
0x101: {  	_ =	swait.ge [sflag:s9], $0x1000  }
0x102: {  	[sflag:s9] =	ssyncset.done $0x0  }
0x103: {  	[sflag:s9] =	ssyncadd.s32 $0xFFFFF000  }
0x104: {  	_ =	swait.ge [sflag:s10], $0x1000  }
0x105: {  	[sflag:s10] =	ssyncset.done $0x0  }
0x106: {  	s11 =	simm.s32 @!p0 $0x1;
	[sflag:s10] =	ssyncadd.s32 $0xFFFFF000  }
0x107: {  	_ =	swait.ge @!p0 [sflag:s11], $0x1000  }
0x108: {  	[sflag:s11] =	ssyncset.done @!p0 $0x0  }
0x109: {  	[sflag:s11] =	ssyncadd.s32 @!p0 $0xFFFFF000;
	s11 =	simm.s32 @!p0 $0xEC80  }
0x10a: {  	[spmem:s1] =	stream.indirect.scatter.add.f32 @!p0 [tilespmem:s16], [sflag:$0x7], $0x20, s11, s4, $0xb8;
	[tilespmem:$0x14D00] =	vst v63  }
0x10b: {  	s4 =	simm.s32 @!p0 $0x7  }
0x10c: {  	_ =	swait.ge @!p0 [sflag:s4], $0x1000  }
0x10d: {  	[sflag:s4] =	ssyncset.done @!p0 $0x0  }
0x10e: {  	s12 =	simm.s32 @p1 $0x4;
	[sflag:s4] =	ssyncadd.s32 @!p0 $0xFFFFF000  }
0x10f: {  	s13 =	simm.s32 @p1 $0x1FCE;
	s11 =	simm.s32 @p1 $0x1;
	[bflag:$0x0] =	sbarrier.arrive $0xFFFF  }
0x110: {  	s16 =	simm.s32 @p1 $0x8;
	s4 =	sshrl.u32 @p1 s7, $0x3;
	s14 =	rddreg [dreg:$0xb]  }
0x111: {  	[hbm:s14@s16], [sflag:s13] =	dma.strided @p1 [spmem:s4@s12], $0x640, s11, $0x4   }
0x112: {  	s4 =	simm.s32 @p1 $0xE;
	s11 =	stileid.u32;
	s12 =	simm.s32 @!p1 $0x1  }
0x113: {  	s13 =	simm.s32 @!p1 $0x8;
	s16 =	simm.s32 @!p1 $0x4;
	_ =	swait.ge @p1 [sflag:s4], $0x640  }
0x114: {  	s11 =	sshll.u32 @!p1 s11, $0x6;
	[sflag:s4] =	ssyncset.done @p1 $0x0;
	s14 =	rddreg [dreg:$0xa]  }
0x115: {  	[sflag:s4] =	ssyncadd.s32 @p1 $0xFFFFF9C0;
	s4 =	sor.u32 @!p1 $0x1C0E, s11;
	s11 =	sshrl.u32 @!p1 s7, $0x3  }
0x116: {  	[hbm:s14@s13], [sflag:s4] =	dma.strided @!p1 [spmem:s11@s16], $0xA00, s12, $0x4   }
0x117: {  	s4 =	simm.s32 @!p1 $0xE  }
0x118: {  	_ =	swait.ge @!p1 [sflag:s4], $0xA00  }
0x119: {  	s15 =	sadd.s32 $0x1, s15;
	s16 =	rddreg [dreg:$0xc]  }
0x11a: {  	p2 =	sne.s32 s15, s16  }
.Ltmp2:
0x11b: {  	_ = 	snop;
	(pc) =	sbr.rel @p2 .LBB2_1-.Ltmp2, $3  }
0x11c: {  	_ =	sdelay $0x1  }
0x11d: {  	[sflag:s4] =	ssyncset.done @!p1 $0x0  }
0x11e: {  	s13 =	simm.s32 $0x9E80;
	[sflag:s4] =	ssyncadd.s32 @!p1 $0xFFFFF600  }
0x11f: {  	_ =	sfence.sel $0x180000  }
0x120: {  	[bflag:$0x0] =	sbarrier.arrive $0xFFFF  }
0x121: {  	_ =	strace $0x9000004A  }
0x122: {  	s0 =	stileid.u32;
	[bflag:$0x2] =	sbarrier.arrive $0xFFFF  }
0x123: {  	p0 =	sne.s32 s0, $0x0;
	s0 =	rddreg [dreg:$0x3]  }
0x124: {  	s0 =	sadd.s32 @!p0 $0x100000, s0  }
0x125: {  	[sflag:s0] =	ssyncadd.tile.s32 @!p0 $0x1;
	_ =	shalt  }
.Lfunc_end2:
_tile_overlayer_lowered:
.L_overlay_start_2:
0x126: {  	(tag) =	ssettag $0x2  }
0x127: {  	s0 =	rddreg [dreg:$0x0];
	s2 =	stileid.u32  }
0x128: {  	s1 =	rddreg [dreg:$0x1];
	p0 =	sne.s32 s2, $0x0  }
0x129: {  	s3 =	rddreg [dreg:$0x2];
	[bflag:$0x3] =	sbarrier.arrive $0xFFFF;
	s2 =	simm.s32 @!p0 $0x1C0E  }
0x12a: {  	[timem:s3], [sflag:s2] =	dma.local @!p0 [hbm:s0], s1  }
0x12b: {  	s0 =	simm.s32 @!p0 $0xE  }
0x12c: {  	_ =	swait.ge @!p0 [sflag:s0], s1  }
0x12d: {  	s1 =	ssub.s32 @!p0 $0x0, s1;
	[sflag:s0] =	ssyncset.done @!p0 $0x0  }
0x12e: {  	[sflag:s0] =	ssyncadd.s32 @!p0 s1  }
0x12f: {  	[bflag:$0x3] =	sbarrier.arrive $0xFFFF  }
0x130: {  	_ =	shalt  }

</sc_bundles>
